<compile_context>
chip_gen: v7x
topology: tpu7x:2x2x1
jax: 0.10.2.dev20260603
libtpu: 0.0.44.dev20260713+nightly
codegen_flags: <defaults>
</compile_context>

<pallas_src>
import functools

import jax
import jax.numpy as jnp
from jax import lax
from jax.experimental import pallas as pl
from jax.experimental.pallas import tpu as pltpu
from jax.experimental.pallas import tpu_sc as plsc

N_NODES = 10000
N_PAD = 10112
E_EDGES = 320000
D = 64
K_STEPS = 10
ALPHA = 0.1

NC = 2
NS = 16
NW = NC * NS
EB = 128
NB = 80
E_PAD = NW * NB * EB
ROWS_PER_TILE = N_PAD // NS

_mesh = plsc.VectorSubcoreMesh(
    core_axis_name="c", subcore_axis_name="s", num_cores=NC, num_subcores=NS)


def _zero_rows(buf, nrows, width):
    z = jnp.zeros((16,), jnp.float32)

    def body(i, _):
        for j in range(width // 16):
            buf[i, pl.ds(j * 16, 16)] = z
        return 0

    lax.fori_loop(0, nrows, body, 0)


def _zero_rows_bf16(buf, nrows, width):
    z = jnp.zeros((32,), jnp.bfloat16)

    def body(i, _):
        for j in range(width // 32):
            buf[i, pl.ds(j * 32, 32)] = z
        return 0

    lax.fori_loop(0, nrows, body, 0)


@functools.partial(
    pl.kernel,
    out_type=jax.ShapeDtypeStruct((NC, N_PAD, 16), jnp.float32),
    mesh=_mesh,
    compiler_params=pltpu.CompilerParams(use_tc_tiling_on_sc=False),
    scratch_types=[
        pltpu.VMEM((NB, EB), jnp.int32),
        pltpu.VMEM((NB, EB), jnp.int32),
        pltpu.VMEM((EB, 16), jnp.float32),
        pltpu.VMEM((EB, 16), jnp.float32),
        pltpu.VMEM((320, 16), jnp.float32),
        pltpu.VMEM_SHARED((N_PAD, 16), jnp.float32),
    ],
)
def _deg_kernel(src_hbm, dst_hbm, es_hbm, ed_hbm, deg_out,
                srcb, dstb, esb, edb, bounce, deg_sp):
    c = lax.axis_index("c")
    s = lax.axis_index("s")
    wid = c * NS + s

    pltpu.sync_copy(src_hbm.at[wid], srcb)
    pltpu.sync_copy(dst_hbm.at[wid], dstb)
    pltpu.sync_copy(es_hbm, esb)
    pltpu.sync_copy(ed_hbm, edb)

    base = s * ROWS_PER_TILE
    _zero_rows(bounce, 320, 16)
    pltpu.sync_copy(bounce, deg_sp.at[pl.ds(base, 320)])
    pltpu.sync_copy(bounce.at[pl.ds(0, 312)], deg_sp.at[pl.ds(base + 320, 312)])
    plsc.subcore_barrier()

    def body(b, _):
        pltpu.sync_copy(esb, deg_sp.at[srcb.at[b]], add=True)
        pltpu.sync_copy(edb, deg_sp.at[dstb.at[b]], add=True)
        return 0

    lax.fori_loop(0, NB, body, 0)
    plsc.subcore_barrier()

    pltpu.sync_copy(deg_sp.at[pl.ds(base, 320)], bounce)
    pltpu.sync_copy(bounce, deg_out.at[c, pl.ds(base, 320)])
    pltpu.sync_copy(deg_sp.at[pl.ds(base + 320, 312)], bounce.at[pl.ds(0, 312)])
    pltpu.sync_copy(bounce.at[pl.ds(0, 312)], deg_out.at[c, pl.ds(base + 320, 312)])


CH = 8
NCH = NB // CH
RING = 4


@functools.partial(
    pl.kernel,
    out_type=jax.ShapeDtypeStruct((NC, N_PAD, D), jnp.bfloat16),
    mesh=_mesh,
    compiler_params=pltpu.CompilerParams(use_tc_tiling_on_sc=False),
    scratch_types=[
        pltpu.VMEM((3, CH, EB), jnp.int32),
        pltpu.VMEM((3, CH, EB), jnp.int32),
        pltpu.VMEM((RING, EB, D), jnp.bfloat16),
        pltpu.VMEM_SHARED((N_PAD, D), jnp.bfloat16),
        pltpu.VMEM_SHARED((N_PAD, D), jnp.bfloat16),
    ] + [pltpu.SemaphoreType.DMA] * 10,
)
def _scatter_kernel(g_hbm, src_hbm, dst_hbm, agg_out,
                    srcc, dstc, rows, g_sp, agg_sp, *sems):
    c = lax.axis_index("c")
    s = lax.axis_index("s")
    wid = c * NS + s
    gsems, ssems, isem_s, isem_d = sems[:4], sems[4:8], sems[8], sems[9]

    base = s * ROWS_PER_TILE
    idx_h = [
        pltpu.async_copy(src_hbm.at[wid, pl.ds(0, CH)], srcc.at[0], gsems[0]),
        pltpu.async_copy(dst_hbm.at[wid, pl.ds(0, CH)], dstc.at[0], gsems[0]),
        pltpu.async_copy(src_hbm.at[wid, pl.ds(CH, CH)], srcc.at[1], isem_s),
        pltpu.async_copy(dst_hbm.at[wid, pl.ds(CH, CH)], dstc.at[1], isem_d),
    ]

    def _chunk(k):
        n = 128 if k < 4 else 120
        return pl.ds(base + 128 * k, n), n

    _zero_rows_bf16(rows.at[0], EB, D)
    zero_h = []
    for k in range(5):
        sl, n = _chunk(k)
        zero_h.append(pltpu.async_copy(
            rows.at[0].at[pl.ds(0, n)], agg_sp.at[sl], ssems[0]))

    gh = []
    for k in range(5):
        sl, _n = _chunk(k)
        gh.append(pltpu.async_copy(g_hbm.at[sl], g_sp.at[sl],
                                   gsems[1 + k % 3]))
    for h in gh:
        h.wait()
    for h in zero_h:
        h.wait()
    idx_h[0].wait()
    idx_h[1].wait()
    plsc.subcore_barrier()

    def _gather(buf, k, slot):
        pltpu.async_copy(g_sp.at[srcc.at[buf, k]], rows.at[slot], gsems[slot])

    def _scatter(buf, k, slot):
        pltpu.async_copy(rows.at[slot], agg_sp.at[dstc.at[buf, k]],
                         ssems[slot], add=True)

    def _wait(sem, slot):
        pltpu.make_async_copy(
            g_hbm.at[pl.ds(0, EB)], rows.at[slot], sem[slot]).wait()

    def _wait_idx():
        pltpu.make_async_copy(
            src_hbm.at[wid, pl.ds(0, CH)], srcc.at[0], isem_s).wait()
        pltpu.make_async_copy(
            dst_hbm.at[wid, pl.ds(0, CH)], dstc.at[0], isem_d).wait()

    for k in range(CH):
        slot = k % RING
        if k >= RING:
            _wait(ssems, slot)
        _gather(0, k, slot)
        if k >= 2:
            _wait(gsems, (k - 2) % RING)
            _scatter(0, k - 2, (k - 2) % RING)

    def body(ch, _):
        buf = ch % 3
        for k in (6, 7):
            _wait(gsems, k % RING)
            _scatter((ch - 1) % 3, k, k % RING)
        _wait_idx()

        @pl.when(ch < NCH - 1)
        def _():
            pltpu.async_copy(
                src_hbm.at[wid, pl.ds((ch + 1) * CH, CH)],
                srcc.at[(ch + 1) % 3], isem_s)
            pltpu.async_copy(
                dst_hbm.at[wid, pl.ds((ch + 1) * CH, CH)],
                dstc.at[(ch + 1) % 3], isem_d)

        for k in range(CH):
            slot = k % RING
            _wait(ssems, slot)
            _gather(buf, k, slot)
            if k >= 2:
                _wait(gsems, (k - 2) % RING)
                _scatter(buf, k - 2, (k - 2) % RING)
        return 0

    lax.fori_loop(1, NCH, body, 0)

    for k in (6, 7):
        _wait(gsems, k % RING)
        _scatter((NCH - 1) % 3, k, k % RING)
    for slot in range(RING):
        _wait(ssems, slot)
    plsc.subcore_barrier()

    wh = []
    for k in range(5):
        sl, _n = _chunk(k)
        wh.append(pltpu.async_copy(agg_sp.at[sl], agg_out.at[c, sl],
                                   ssems[k % 4]))
    for h in wh:
        h.wait()


_TC_R = 2528


def _mlp_body(x_ref, w1_ref, b1_ref, w2_ref, b2_ref, h_ref):
    h1 = jnp.maximum(
        jnp.dot(x_ref[...], w1_ref[...], preferred_element_type=jnp.float32)
        + b1_ref[...], 0.0)
    h_ref[...] = (jnp.dot(h1, w2_ref[...], preferred_element_type=jnp.float32)
                  + b2_ref[...])


def _mlp_call(x_pad, W1, b1, W2, b2):
    grid = N_PAD // _TC_R
    return pl.pallas_call(
        _mlp_body,
        grid=(grid,),
        in_specs=[
            pl.BlockSpec((_TC_R, 128), lambda i: (i, 0)),
            pl.BlockSpec((128, 128), lambda i: (0, 0)),
            pl.BlockSpec((1, 128), lambda i: (0, 0)),
            pl.BlockSpec((128, D), lambda i: (0, 0)),
            pl.BlockSpec((1, D), lambda i: (0, 0)),
        ],
        out_specs=pl.BlockSpec((_TC_R, D), lambda i: (i, 0)),
        out_shape=jax.ShapeDtypeStruct((N_PAD, D), jnp.float32),
    )(x_pad, W1, b1.reshape(1, 128), W2, b2.reshape(1, D))


def _coef_body(h_ref, deg_ref, g0_ref, cb_ref, sinv_ref):
    h = h_ref[...]
    ds = jnp.maximum(deg_ref[0, :, 0] + deg_ref[1, :, 0], 1.0)
    dd = jnp.maximum(deg_ref[0, :, 1] + deg_ref[1, :, 1], 1.0)
    nsrc = lax.rsqrt(ds)
    ndst = lax.rsqrt(dd)
    g0_ref[...] = h * nsrc[:, None]
    cb_ref[...] = jnp.broadcast_to(
        ((1.0 - ALPHA) * nsrc * ndst)[:, None], h.shape)
    sinv_ref[...] = jnp.broadcast_to(jnp.sqrt(ds)[:, None], h.shape)


def _coef_call(h, deg):
    grid = N_PAD // _TC_R
    out = jax.ShapeDtypeStruct((N_PAD, D), jnp.float32)
    return pl.pallas_call(
        _coef_body,
        grid=(grid,),
        in_specs=[
            pl.BlockSpec((_TC_R, D), lambda i: (i, 0)),
            pl.BlockSpec((NC, _TC_R, 16), lambda i: (0, i, 0)),
        ],
        out_specs=[pl.BlockSpec((_TC_R, D), lambda i: (i, 0))] * 3,
        out_shape=[out, out, out],
    )(h, deg)


def _blend_body(agg_ref, c_ref, base_ref, out_ref):
    agg = (agg_ref[0].astype(jnp.float32) + agg_ref[1].astype(jnp.float32))
    out_ref[...] = (c_ref[...] * agg
                    + ALPHA * base_ref[...]).astype(jnp.bfloat16)


def _final_body(agg_ref, c_ref, base_ref, sinv_ref, out_ref):
    agg = (agg_ref[0].astype(jnp.float32) + agg_ref[1].astype(jnp.float32))
    out_ref[...] = (c_ref[...] * agg
                    + ALPHA * base_ref[...]) * sinv_ref[...]


def _final_call(agg, coeff, base, sinv):
    grid = N_PAD // _TC_R
    return pl.pallas_call(
        _final_body,
        grid=(grid,),
        in_specs=[
            pl.BlockSpec((NC, _TC_R, D), lambda i: (0, i, 0)),
            pl.BlockSpec((_TC_R, D), lambda i: (i, 0)),
            pl.BlockSpec((_TC_R, D), lambda i: (i, 0)),
            pl.BlockSpec((_TC_R, D), lambda i: (i, 0)),
        ],
        out_specs=pl.BlockSpec((_TC_R, D), lambda i: (i, 0)),
        out_shape=jax.ShapeDtypeStruct((N_PAD, D), jnp.float32),
    )(agg, coeff, base, sinv)


def _blend_call(agg, coeff, base):
    grid = N_PAD // _TC_R
    return pl.pallas_call(
        _blend_body,
        grid=(grid,),
        in_specs=[
            pl.BlockSpec((NC, _TC_R, D), lambda i: (0, i, 0)),
            pl.BlockSpec((_TC_R, D), lambda i: (i, 0)),
            pl.BlockSpec((_TC_R, D), lambda i: (i, 0)),
        ],
        out_specs=pl.BlockSpec((_TC_R, D), lambda i: (i, 0)),
        out_shape=jax.ShapeDtypeStruct((N_PAD, D), jnp.bfloat16),
    )(agg, coeff, base)


def kernel(x, edge_index, W1, b1, W2, b2):
    src = edge_index[0].astype(jnp.int32)
    dst = edge_index[1].astype(jnp.int32)
    pad = E_PAD - E_EDGES
    src = jnp.concatenate(
        [src, jnp.full((pad,), N_NODES, jnp.int32)]).reshape(NW, NB, EB)
    dst = jnp.concatenate(
        [dst, jnp.full((pad,), N_NODES, jnp.int32)]).reshape(NW, NB, EB)

    x_pad = jnp.pad(x, ((0, N_PAD - N_NODES), (0, 0)))
    col = jnp.arange(16, dtype=jnp.float32)
    e_src = jnp.broadcast_to((col == 0).astype(jnp.float32), (EB, 16))
    e_dst = jnp.broadcast_to((col == 1).astype(jnp.float32), (EB, 16))

    h = _mlp_call(x_pad, W1, b1, W2, b2)
    deg = _deg_kernel(src, dst, e_src, e_dst)
    g0, cb, sinv = _coef_call(h, deg)

    def step(g, _):
        agg = _scatter_kernel(g, src, dst)
        return _blend_call(agg, cb, g0), None

    g, _ = lax.scan(step, g0.astype(jnp.bfloat16), None, length=K_STEPS - 1)
    agg = _scatter_kernel(g, src, dst)
    out = _final_call(agg, cb, g0, sinv)
    return out[:N_NODES]

# --- scband reference (transcript-rebuilt; emitter-appended) ---
"""Pipeline reference for scband-appnp-72078141161932 (READ-ONLY COPY).

The authoritative reference and input builder live on the scoring server;
editing this copy changes nothing except your own understanding.
"""

import jax, jax.numpy as jnp
import numpy as np

N = 10000
E = 320000
D_IN = 128
D_HID = 128
NUM_CLASSES = 64
K = 10
ALPHA = 0.1


def setup_inputs(seed: int = 0) -> dict:
    key = jax.random.key(seed)
    k1, k2, k3, k4 = jax.random.split(key, 4)
    x = jax.random.normal(k1, (N, D_IN), dtype=jnp.float32)
    edge_index = jax.random.randint(k2, (2, E), 0, N).astype(jnp.int64)
    # Learned parameters (torch Linear -> stored as [in, out] for x @ W + b)
    W1 = jax.random.normal(k3, (D_IN, D_HID), dtype=jnp.float32) * (1.0 / np.sqrt(D_IN))
    b1 = jnp.zeros((D_HID,), dtype=jnp.float32)
    W2 = jax.random.normal(k4, (D_HID, NUM_CLASSES), dtype=jnp.float32) * (1.0 / np.sqrt(D_HID))
    b2 = jnp.zeros((NUM_CLASSES,), dtype=jnp.float32)
    return {"x": x, "edge_index": edge_index, "W1": W1, "b1": b1, "W2": W2, "b2": b2}


def reference(x, edge_index, W1, b1, W2, b2):
    # MLP part (dropout=0 -> identity)
    h = jax.nn.relu(x @ W1 + b1)
    h = h @ W2 + b2
    # APPNPConv propagation (DGL semantics, edge_drop=0):
    # symmetric norm: src side out_deg^-1/2, dst side in_deg^-1/2, clamp(min=1)
    src = edge_index[0]
    dst = edge_index[1]
    ones = jnp.ones((src.shape[0],), dtype=h.dtype)
    out_deg = jnp.zeros((N,), dtype=h.dtype).at[src].add(ones)
    in_deg = jnp.zeros((N,), dtype=h.dtype).at[dst].add(ones)
    norm_src = jnp.power(jnp.clip(out_deg, 1.0, None), -0.5)[:, None]
    norm_dst = jnp.power(jnp.clip(in_deg, 1.0, None), -0.5)[:, None]
    h0 = h
    for _ in range(K):
        m = (h * norm_src)[src]                       # gather from src nodes
        agg = jnp.zeros_like(h).at[dst].add(m)        # scatter-add to dst nodes
        h = agg * norm_dst
        h = (1.0 - ALPHA) * h + ALPHA * h0
    return h

if __name__ == "__main__":
    import jax
    _d = setup_inputs()
    print(jax.jit(kernel)(*tuple(_d.values())))

</pallas_src>

<mosaic_0001>
#map = affine_map<(d0, d1) -> (0, 0, 0)>
#map1 = affine_map<(d0, d1) -> (0, 0)>
module attributes {stable_mosaic.version = 14 : i64} {
  func.func @_deg_kernel(%arg0: i32, %arg1: i32, %arg2: memref<32x80x128xi32, #tpu.memory_space<hbm>>, %arg3: memref<32x80x128xi32, #tpu.memory_space<hbm>>, %arg4: memref<128x16xf32, #tpu.memory_space<hbm>>, %arg5: memref<128x16xf32, #tpu.memory_space<hbm>>, %arg6: memref<2x10112x16xf32, #tpu.memory_space<hbm>>, %arg7: memref<80x128xi32, #tpu.memory_space<vmem>>, %arg8: memref<80x128xi32, #tpu.memory_space<vmem>>, %arg9: memref<128x16xf32, #tpu.memory_space<vmem>>, %arg10: memref<128x16xf32, #tpu.memory_space<vmem>>, %arg11: memref<320x16xf32, #tpu.memory_space<vmem>>, %arg12: memref<10112x16xf32, #tpu.memory_space<vmem_shared>>) attributes {dimension_semantics = [#tpu.dimension_semantics<core_parallel>, #tpu.dimension_semantics<subcore_parallel>], iteration_bounds = array<i64: 2, 16>, scalar_prefetch = 0 : i64, scratch_operands = 6 : i64, tpu.core_type = #tpu.core_type<sc_vector_subcore>, window_params = [{transform_indices = #map}, {transform_indices = #map}, {transform_indices = #map1}, {transform_indices = #map1}, {transform_indices = #map}]} {
    %mul3A = arith.constant 16 : i32
    %mul3A_0 = arith.muli %arg0, %mul3A : i32
    %add3A = arith.addi %mul3A_0, %arg1 : i32
    "tpu.region"() ({
      %run_scoped3A = tpu.sem_alloc : memref<!tpu.dma_semaphore, #tpu.memory_space<semaphore_mem>>
      %dma_start3A = arith.constant 0 : i32
      %dma_start3A_24 = arith.constant 0 : i32
      %dma_start3A_25 = tpu.memref_slice %arg2[%add3A, %dma_start3A, %dma_start3A_24] : memref<32x80x128xi32, #tpu.memory_space<hbm>> -> memref<1x80x128xi32, #tpu.memory_space<hbm>>
      %dma_start3A_26 = tpu.memref_squeeze %dma_start3A_25 : memref<1x80x128xi32, #tpu.memory_space<hbm>> -> memref<80x128xi32, #tpu.memory_space<hbm>>
      %dma_start3A_27 = arith.constant 0 : i32
      %dma_start3A_28 = arith.constant 0 : i32
      %dma_start3A_29 = tpu.memref_slice %arg2[%add3A, %dma_start3A_27, %dma_start3A_28] : memref<32x80x128xi32, #tpu.memory_space<hbm>> -> memref<1x80x128xi32, #tpu.memory_space<hbm>>
      %dma_start3A_30 = tpu.memref_squeeze %dma_start3A_29 : memref<1x80x128xi32, #tpu.memory_space<hbm>> -> memref<80x128xi32, #tpu.memory_space<hbm>>
      tpu.enqueue_dma source(%dma_start3A_30 : memref<80x128xi32, #tpu.memory_space<hbm>>) target(%arg7 : memref<80x128xi32, #tpu.memory_space<vmem>>) target_semaphore(%run_scoped3A : memref<!tpu.dma_semaphore, #tpu.memory_space<semaphore_mem>>)
      %dma_wait3A = arith.constant 0 : i32
      %dma_wait3A_31 = arith.constant 0 : i32
      %dma_wait3A_32 = tpu.memref_slice %arg2[%add3A, %dma_wait3A, %dma_wait3A_31] : memref<32x80x128xi32, #tpu.memory_space<hbm>> -> memref<1x80x128xi32, #tpu.memory_space<hbm>>
      %dma_wait3A_33 = tpu.memref_squeeze %dma_wait3A_32 : memref<1x80x128xi32, #tpu.memory_space<hbm>> -> memref<80x128xi32, #tpu.memory_space<hbm>>
      %dma_wait3A_34 = arith.constant 0 : i32
      %dma_wait3A_35 = arith.constant 0 : i32
      %dma_wait3A_36 = tpu.memref_slice %arg2[%add3A, %dma_wait3A_34, %dma_wait3A_35] : memref<32x80x128xi32, #tpu.memory_space<hbm>> -> memref<1x80x128xi32, #tpu.memory_space<hbm>>
      %dma_wait3A_37 = tpu.memref_squeeze %dma_wait3A_36 : memref<1x80x128xi32, #tpu.memory_space<hbm>> -> memref<80x128xi32, #tpu.memory_space<hbm>>
      tpu.wait_dma2 semaphore(%run_scoped3A : memref<!tpu.dma_semaphore, #tpu.memory_space<semaphore_mem>>) src(%dma_wait3A_37 : memref<80x128xi32, #tpu.memory_space<hbm>>) dst(%arg7 : memref<80x128xi32, #tpu.memory_space<vmem>>)
      tpu.yield
    }) : () -> ()
    "tpu.region"() ({
      %run_scoped3A = tpu.sem_alloc : memref<!tpu.dma_semaphore, #tpu.memory_space<semaphore_mem>>
      %dma_start3A = arith.constant 0 : i32
      %dma_start3A_24 = arith.constant 0 : i32
      %dma_start3A_25 = tpu.memref_slice %arg3[%add3A, %dma_start3A, %dma_start3A_24] : memref<32x80x128xi32, #tpu.memory_space<hbm>> -> memref<1x80x128xi32, #tpu.memory_space<hbm>>
      %dma_start3A_26 = tpu.memref_squeeze %dma_start3A_25 : memref<1x80x128xi32, #tpu.memory_space<hbm>> -> memref<80x128xi32, #tpu.memory_space<hbm>>
      %dma_start3A_27 = arith.constant 0 : i32
      %dma_start3A_28 = arith.constant 0 : i32
      %dma_start3A_29 = tpu.memref_slice %arg3[%add3A, %dma_start3A_27, %dma_start3A_28] : memref<32x80x128xi32, #tpu.memory_space<hbm>> -> memref<1x80x128xi32, #tpu.memory_space<hbm>>
      %dma_start3A_30 = tpu.memref_squeeze %dma_start3A_29 : memref<1x80x128xi32, #tpu.memory_space<hbm>> -> memref<80x128xi32, #tpu.memory_space<hbm>>
      tpu.enqueue_dma source(%dma_start3A_30 : memref<80x128xi32, #tpu.memory_space<hbm>>) target(%arg8 : memref<80x128xi32, #tpu.memory_space<vmem>>) target_semaphore(%run_scoped3A : memref<!tpu.dma_semaphore, #tpu.memory_space<semaphore_mem>>)
      %dma_wait3A = arith.constant 0 : i32
      %dma_wait3A_31 = arith.constant 0 : i32
      %dma_wait3A_32 = tpu.memref_slice %arg3[%add3A, %dma_wait3A, %dma_wait3A_31] : memref<32x80x128xi32, #tpu.memory_space<hbm>> -> memref<1x80x128xi32, #tpu.memory_space<hbm>>
      %dma_wait3A_33 = tpu.memref_squeeze %dma_wait3A_32 : memref<1x80x128xi32, #tpu.memory_space<hbm>> -> memref<80x128xi32, #tpu.memory_space<hbm>>
      %dma_wait3A_34 = arith.constant 0 : i32
      %dma_wait3A_35 = arith.constant 0 : i32
      %dma_wait3A_36 = tpu.memref_slice %arg3[%add3A, %dma_wait3A_34, %dma_wait3A_35] : memref<32x80x128xi32, #tpu.memory_space<hbm>> -> memref<1x80x128xi32, #tpu.memory_space<hbm>>
      %dma_wait3A_37 = tpu.memref_squeeze %dma_wait3A_36 : memref<1x80x128xi32, #tpu.memory_space<hbm>> -> memref<80x128xi32, #tpu.memory_space<hbm>>
      tpu.wait_dma2 semaphore(%run_scoped3A : memref<!tpu.dma_semaphore, #tpu.memory_space<semaphore_mem>>) src(%dma_wait3A_37 : memref<80x128xi32, #tpu.memory_space<hbm>>) dst(%arg8 : memref<80x128xi32, #tpu.memory_space<vmem>>)
      tpu.yield
    }) : () -> ()
    "tpu.region"() ({
      %run_scoped3A = tpu.sem_alloc : memref<!tpu.dma_semaphore, #tpu.memory_space<semaphore_mem>>
      tpu.enqueue_dma source(%arg4 : memref<128x16xf32, #tpu.memory_space<hbm>>) target(%arg9 : memref<128x16xf32, #tpu.memory_space<vmem>>) target_semaphore(%run_scoped3A : memref<!tpu.dma_semaphore, #tpu.memory_space<semaphore_mem>>)
      tpu.wait_dma2 semaphore(%run_scoped3A : memref<!tpu.dma_semaphore, #tpu.memory_space<semaphore_mem>>) src(%arg4 : memref<128x16xf32, #tpu.memory_space<hbm>>) dst(%arg9 : memref<128x16xf32, #tpu.memory_space<vmem>>)
      tpu.yield
    }) : () -> ()
    "tpu.region"() ({
      %run_scoped3A = tpu.sem_alloc : memref<!tpu.dma_semaphore, #tpu.memory_space<semaphore_mem>>
      tpu.enqueue_dma source(%arg5 : memref<128x16xf32, #tpu.memory_space<hbm>>) target(%arg10 : memref<128x16xf32, #tpu.memory_space<vmem>>) target_semaphore(%run_scoped3A : memref<!tpu.dma_semaphore, #tpu.memory_space<semaphore_mem>>)
      tpu.wait_dma2 semaphore(%run_scoped3A : memref<!tpu.dma_semaphore, #tpu.memory_space<semaphore_mem>>) src(%arg5 : memref<128x16xf32, #tpu.memory_space<hbm>>) dst(%arg10 : memref<128x16xf32, #tpu.memory_space<vmem>>)
      tpu.yield
    }) : () -> ()
    %mul3A_1 = arith.constant 632 : i32
    %mul3A_2 = arith.muli %arg1, %mul3A_1 : i32
    %broadcast_in_dim3A = arith.constant 0.000000e+00 : f32
    %broadcast_in_dim3A_3 = vector.broadcast %broadcast_in_dim3A : f32 to vector<16xf32>
    %scan3A = arith.constant 0 : i32
    %scan3A_4 = arith.constant 0 : i32
    %scan3A_5 = arith.constant 320 : i32
    %scan3A_6 = arith.addi %scan3A_4, %scan3A_5 : i32
    %scan3A_7 = arith.constant 1 : i32
    %scan3A_8 = scf.for %scan3A_24 = %scan3A_4 to %scan3A_6 step %scan3A_7 iter_args(%scan3A_25 = %scan3A) -> (i32)  : i32 {
      %swap3A = arith.index_cast %scan3A_24 : i32 to index
      %swap3A_26 = arith.constant 0 : index
      %swap3A_27 = tpu.vector_load %arg11[%swap3A, %swap3A_26] {strides = array<i32>} : memref<320x16xf32, #tpu.memory_space<vmem>>, vector<1x16xf32>,
      %swap3A_28 = vector.shape_cast %swap3A_27 : vector<1x16xf32> to vector<16xf32>
      %swap3A_29 = vector.shape_cast %broadcast_in_dim3A_3 : vector<16xf32> to vector<1x16xf32>
      tpu.vector_store %arg11[%swap3A, %swap3A_26], %swap3A_29 {strides = array<i32>} : memref<320x16xf32, #tpu.memory_space<vmem>>, vector<1x16xf32>,
      %scan3A_30 = arith.constant 0 : i32
      scf.yield %scan3A_30 : i32
    }
    %scan3A_9 = arith.constant 320 : i32
    "tpu.region"() ({
      %run_scoped3A = tpu.sem_alloc : memref<!tpu.dma_semaphore, #tpu.memory_space<semaphore_mem>>
      %dma_start3A = arith.constant 0 : i32
      %dma_start3A_24 = tpu.memref_slice %arg12[%mul3A_2, %dma_start3A] : memref<10112x16xf32, #tpu.memory_space<vmem_shared>> -> memref<320x16xf32, #tpu.memory_space<vmem_shared>>
      %dma_start3A_25 = arith.constant 0 : i32
      %dma_start3A_26 = tpu.memref_slice %arg12[%mul3A_2, %dma_start3A_25] : memref<10112x16xf32, #tpu.memory_space<vmem_shared>> -> memref<320x16xf32, #tpu.memory_space<vmem_shared>>
      tpu.enqueue_dma source(%arg11 : memref<320x16xf32, #tpu.memory_space<vmem>>) target(%dma_start3A_26 : memref<320x16xf32, #tpu.memory_space<vmem_shared>>) target_semaphore(%run_scoped3A : memref<!tpu.dma_semaphore, #tpu.memory_space<semaphore_mem>>)
      %dma_wait3A = arith.constant 0 : i32
      %dma_wait3A_27 = tpu.memref_slice %arg12[%mul3A_2, %dma_wait3A] : memref<10112x16xf32, #tpu.memory_space<vmem_shared>> -> memref<320x16xf32, #tpu.memory_space<vmem_shared>>
      %dma_wait3A_28 = arith.constant 0 : i32
      %dma_wait3A_29 = tpu.memref_slice %arg12[%mul3A_2, %dma_wait3A_28] : memref<10112x16xf32, #tpu.memory_space<vmem_shared>> -> memref<320x16xf32, #tpu.memory_space<vmem_shared>>
      tpu.wait_dma2 semaphore(%run_scoped3A : memref<!tpu.dma_semaphore, #tpu.memory_space<semaphore_mem>>) src(%arg11 : memref<320x16xf32, #tpu.memory_space<vmem>>) dst(%dma_wait3A_29 : memref<320x16xf32, #tpu.memory_space<vmem_shared>>)
      tpu.yield
    }) : () -> ()
    %add3A_10 = arith.constant 320 : i32
    %add3A_11 = arith.addi %mul3A_2, %add3A_10 : i32
    "tpu.region"() ({
      %run_scoped3A = tpu.sem_alloc : memref<!tpu.dma_semaphore, #tpu.memory_space<semaphore_mem>>
      %dma_start3A = arith.constant 0 : i32
      %dma_start3A_24 = arith.constant 0 : i32
      %dma_start3A_25 = tpu.memref_slice %arg11[%dma_start3A, %dma_start3A_24] : memref<320x16xf32, #tpu.memory_space<vmem>> -> memref<312x16xf32, #tpu.memory_space<vmem>>
      %dma_start3A_26 = arith.constant 0 : i32
      %dma_start3A_27 = tpu.memref_slice %arg12[%add3A_11, %dma_start3A_26] : memref<10112x16xf32, #tpu.memory_space<vmem_shared>> -> memref<312x16xf32, #tpu.memory_space<vmem_shared>>
      %dma_start3A_28 = arith.constant 0 : i32
      %dma_start3A_29 = tpu.memref_slice %arg12[%add3A_11, %dma_start3A_28] : memref<10112x16xf32, #tpu.memory_space<vmem_shared>> -> memref<312x16xf32, #tpu.memory_space<vmem_shared>>
      %dma_start3A_30 = arith.constant 0 : i32
      %dma_start3A_31 = arith.constant 0 : i32
      %dma_start3A_32 = tpu.memref_slice %arg11[%dma_start3A_30, %dma_start3A_31] : memref<320x16xf32, #tpu.memory_space<vmem>> -> memref<312x16xf32, #tpu.memory_space<vmem>>
      tpu.enqueue_dma source(%dma_start3A_32 : memref<312x16xf32, #tpu.memory_space<vmem>>) target(%dma_start3A_29 : memref<312x16xf32, #tpu.memory_space<vmem_shared>>) target_semaphore(%run_scoped3A : memref<!tpu.dma_semaphore, #tpu.memory_space<semaphore_mem>>)
      %dma_wait3A = arith.constant 0 : i32
      %dma_wait3A_33 = arith.constant 0 : i32
      %dma_wait3A_34 = tpu.memref_slice %arg11[%dma_wait3A, %dma_wait3A_33] : memref<320x16xf32, #tpu.memory_space<vmem>> -> memref<312x16xf32, #tpu.memory_space<vmem>>
      %dma_wait3A_35 = arith.constant 0 : i32
      %dma_wait3A_36 = tpu.memref_slice %arg12[%add3A_11, %dma_wait3A_35] : memref<10112x16xf32, #tpu.memory_space<vmem_shared>> -> memref<312x16xf32, #tpu.memory_space<vmem_shared>>
      %dma_wait3A_37 = arith.constant 0 : i32
      %dma_wait3A_38 = tpu.memref_slice %arg12[%add3A_11, %dma_wait3A_37] : memref<10112x16xf32, #tpu.memory_space<vmem_shared>> -> memref<312x16xf32, #tpu.memory_space<vmem_shared>>
      %dma_wait3A_39 = arith.constant 0 : i32
      %dma_wait3A_40 = arith.constant 0 : i32
      %dma_wait3A_41 = tpu.memref_slice %arg11[%dma_wait3A_39, %dma_wait3A_40] : memref<320x16xf32, #tpu.memory_space<vmem>> -> memref<312x16xf32, #tpu.memory_space<vmem>>
      tpu.wait_dma2 semaphore(%run_scoped3A : memref<!tpu.dma_semaphore, #tpu.memory_space<semaphore_mem>>) src(%dma_wait3A_41 : memref<312x16xf32, #tpu.memory_space<vmem>>) dst(%dma_wait3A_38 : memref<312x16xf32, #tpu.memory_space<vmem_shared>>)
      tpu.yield
    }) : () -> ()
    %barrier3A = arith.constant 0 : index
    tpu.barrier barrier_id(%barrier3A)
    %scan3A_12 = arith.constant 0 : i32
    %scan3A_13 = arith.constant 0 : i32
    %scan3A_14 = arith.constant 80 : i32
    %scan3A_15 = arith.addi %scan3A_13, %scan3A_14 : i32
    %scan3A_16 = arith.constant 1 : i32
    %scan3A_17 = scf.for %scan3A_24 = %scan3A_13 to %scan3A_15 step %scan3A_16 iter_args(%scan3A_25 = %scan3A_12) -> (i32)  : i32 {
      "tpu.region"() ({
        %run_scoped3A = tpu.sem_alloc : memref<!tpu.dma_semaphore, #tpu.memory_space<semaphore_mem>>
        %dma_start3A = arith.constant 0 : i32
        %dma_start3A_27 = tpu.memref_slice %arg7[%scan3A_24, %dma_start3A] : memref<80x128xi32, #tpu.memory_space<vmem>> -> memref<1x128xi32, #tpu.memory_space<vmem>>
        %dma_start3A_28 = tpu.memref_squeeze %dma_start3A_27 : memref<1x128xi32, #tpu.memory_space<vmem>> -> memref<128xi32, #tpu.memory_space<vmem>>
        %dma_start3A_29 = arith.constant 0 : i32
        %dma_start3A_30 = arith.constant 0 : i32
        %dma_start3A_31 = tpu.memref_slice %arg12[%dma_start3A_29, %dma_start3A_30] : memref<10112x16xf32, #tpu.memory_space<vmem_shared>> -> memref<10112x16xf32, #tpu.memory_space<vmem_shared>>
        tpu.enqueue_indirect_dma source(%arg9 : memref<128x16xf32, #tpu.memory_space<vmem>>) target(%dma_start3A_31 : memref<10112x16xf32, #tpu.memory_space<vmem_shared>>) offsets(%dma_start3A_28 : memref<128xi32, #tpu.memory_space<vmem>>) semaphore(%run_scoped3A : memref<!tpu.dma_semaphore, #tpu.memory_space<semaphore_mem>>) {add = true}
        %dma_wait3A = arith.constant 0 : i32
        %dma_wait3A_32 = tpu.memref_slice %arg7[%scan3A_24, %dma_wait3A] : memref<80x128xi32, #tpu.memory_space<vmem>> -> memref<1x128xi32, #tpu.memory_space<vmem>>
        %dma_wait3A_33 = tpu.memref_squeeze %dma_wait3A_32 : memref<1x128xi32, #tpu.memory_space<vmem>> -> memref<128xi32, #tpu.memory_space<vmem>>
        %dma_wait3A_34 = arith.constant 0 : i32
        %dma_wait3A_35 = arith.constant 0 : i32
        %dma_wait3A_36 = tpu.memref_slice %arg12[%dma_wait3A_34, %dma_wait3A_35] : memref<10112x16xf32, #tpu.memory_space<vmem_shared>> -> memref<10112x16xf32, #tpu.memory_space<vmem_shared>>
        tpu.wait_indirect_dma semaphore(%run_scoped3A : memref<!tpu.dma_semaphore, #tpu.memory_space<semaphore_mem>>) src(%arg9 : memref<128x16xf32, #tpu.memory_space<vmem>>) dst(%dma_wait3A_36 : memref<10112x16xf32, #tpu.memory_space<vmem_shared>>)
        tpu.yield
      }) : () -> ()
      "tpu.region"() ({
        %run_scoped3A = tpu.sem_alloc : memref<!tpu.dma_semaphore, #tpu.memory_space<semaphore_mem>>
        %dma_start3A = arith.constant 0 : i32
        %dma_start3A_27 = tpu.memref_slice %arg8[%scan3A_24, %dma_start3A] : memref<80x128xi32, #tpu.memory_space<vmem>> -> memref<1x128xi32, #tpu.memory_space<vmem>>
        %dma_start3A_28 = tpu.memref_squeeze %dma_start3A_27 : memref<1x128xi32, #tpu.memory_space<vmem>> -> memref<128xi32, #tpu.memory_space<vmem>>
        %dma_start3A_29 = arith.constant 0 : i32
        %dma_start3A_30 = arith.constant 0 : i32
        %dma_start3A_31 = tpu.memref_slice %arg12[%dma_start3A_29, %dma_start3A_30] : memref<10112x16xf32, #tpu.memory_space<vmem_shared>> -> memref<10112x16xf32, #tpu.memory_space<vmem_shared>>
        tpu.enqueue_indirect_dma source(%arg10 : memref<128x16xf32, #tpu.memory_space<vmem>>) target(%dma_start3A_31 : memref<10112x16xf32, #tpu.memory_space<vmem_shared>>) offsets(%dma_start3A_28 : memref<128xi32, #tpu.memory_space<vmem>>) semaphore(%run_scoped3A : memref<!tpu.dma_semaphore, #tpu.memory_space<semaphore_mem>>) {add = true}
        %dma_wait3A = arith.constant 0 : i32
        %dma_wait3A_32 = tpu.memref_slice %arg8[%scan3A_24, %dma_wait3A] : memref<80x128xi32, #tpu.memory_space<vmem>> -> memref<1x128xi32, #tpu.memory_space<vmem>>
        %dma_wait3A_33 = tpu.memref_squeeze %dma_wait3A_32 : memref<1x128xi32, #tpu.memory_space<vmem>> -> memref<128xi32, #tpu.memory_space<vmem>>
        %dma_wait3A_34 = arith.constant 0 : i32
        %dma_wait3A_35 = arith.constant 0 : i32
        %dma_wait3A_36 = tpu.memref_slice %arg12[%dma_wait3A_34, %dma_wait3A_35] : memref<10112x16xf32, #tpu.memory_space<vmem_shared>> -> memref<10112x16xf32, #tpu.memory_space<vmem_shared>>
        tpu.wait_indirect_dma semaphore(%run_scoped3A : memref<!tpu.dma_semaphore, #tpu.memory_space<semaphore_mem>>) src(%arg10 : memref<128x16xf32, #tpu.memory_space<vmem>>) dst(%dma_wait3A_36 : memref<10112x16xf32, #tpu.memory_space<vmem_shared>>)
        tpu.yield
      }) : () -> ()
      %scan3A_26 = arith.constant 0 : i32
      scf.yield %scan3A_26 : i32
    }
    %scan3A_18 = arith.constant 80 : i32
    %barrier3A_19 = arith.constant 0 : index
    tpu.barrier barrier_id(%barrier3A_19)
    "tpu.region"() ({
      %run_scoped3A = tpu.sem_alloc : memref<!tpu.dma_semaphore, #tpu.memory_space<semaphore_mem>>
      %dma_start3A = arith.constant 0 : i32
      %dma_start3A_24 = tpu.memref_slice %arg12[%mul3A_2, %dma_start3A] : memref<10112x16xf32, #tpu.memory_space<vmem_shared>> -> memref<320x16xf32, #tpu.memory_space<vmem_shared>>
      %dma_start3A_25 = arith.constant 0 : i32
      %dma_start3A_26 = tpu.memref_slice %arg12[%mul3A_2, %dma_start3A_25] : memref<10112x16xf32, #tpu.memory_space<vmem_shared>> -> memref<320x16xf32, #tpu.memory_space<vmem_shared>>
      tpu.enqueue_dma source(%dma_start3A_26 : memref<320x16xf32, #tpu.memory_space<vmem_shared>>) target(%arg11 : memref<320x16xf32, #tpu.memory_space<vmem>>) target_semaphore(%run_scoped3A : memref<!tpu.dma_semaphore, #tpu.memory_space<semaphore_mem>>)
      %dma_wait3A = arith.constant 0 : i32
      %dma_wait3A_27 = tpu.memref_slice %arg12[%mul3A_2, %dma_wait3A] : memref<10112x16xf32, #tpu.memory_space<vmem_shared>> -> memref<320x16xf32, #tpu.memory_space<vmem_shared>>
      %dma_wait3A_28 = arith.constant 0 : i32
      %dma_wait3A_29 = tpu.memref_slice %arg12[%mul3A_2, %dma_wait3A_28] : memref<10112x16xf32, #tpu.memory_space<vmem_shared>> -> memref<320x16xf32, #tpu.memory_space<vmem_shared>>
      tpu.wait_dma2 semaphore(%run_scoped3A : memref<!tpu.dma_semaphore, #tpu.memory_space<semaphore_mem>>) src(%dma_wait3A_29 : memref<320x16xf32, #tpu.memory_space<vmem_shared>>) dst(%arg11 : memref<320x16xf32, #tpu.memory_space<vmem>>)
      tpu.yield
    }) : () -> ()
    "tpu.region"() ({
      %run_scoped3A = tpu.sem_alloc : memref<!tpu.dma_semaphore, #tpu.memory_space<semaphore_mem>>
      %dma_start3A = arith.constant 0 : i32
      %dma_start3A_24 = tpu.memref_slice %arg6[%arg0, %mul3A_2, %dma_start3A] : memref<2x10112x16xf32, #tpu.memory_space<hbm>> -> memref<1x320x16xf32, #tpu.memory_space<hbm>>
      %dma_start3A_25 = tpu.memref_squeeze %dma_start3A_24 : memref<1x320x16xf32, #tpu.memory_space<hbm>> -> memref<320x16xf32, #tpu.memory_space<hbm>>
      %dma_start3A_26 = arith.constant 0 : i32
      %dma_start3A_27 = tpu.memref_slice %arg6[%arg0, %mul3A_2, %dma_start3A_26] : memref<2x10112x16xf32, #tpu.memory_space<hbm>> -> memref<1x320x16xf32, #tpu.memory_space<hbm>>
      %dma_start3A_28 = tpu.memref_squeeze %dma_start3A_27 : memref<1x320x16xf32, #tpu.memory_space<hbm>> -> memref<320x16xf32, #tpu.memory_space<hbm>>
      tpu.enqueue_dma source(%arg11 : memref<320x16xf32, #tpu.memory_space<vmem>>) target(%dma_start3A_28 : memref<320x16xf32, #tpu.memory_space<hbm>>) target_semaphore(%run_scoped3A : memref<!tpu.dma_semaphore, #tpu.memory_space<semaphore_mem>>)
      %dma_wait3A = arith.constant 0 : i32
      %dma_wait3A_29 = tpu.memref_slice %arg6[%arg0, %mul3A_2, %dma_wait3A] : memref<2x10112x16xf32, #tpu.memory_space<hbm>> -> memref<1x320x16xf32, #tpu.memory_space<hbm>>
      %dma_wait3A_30 = tpu.memref_squeeze %dma_wait3A_29 : memref<1x320x16xf32, #tpu.memory_space<hbm>> -> memref<320x16xf32, #tpu.memory_space<hbm>>
      %dma_wait3A_31 = arith.constant 0 : i32
      %dma_wait3A_32 = tpu.memref_slice %arg6[%arg0, %mul3A_2, %dma_wait3A_31] : memref<2x10112x16xf32, #tpu.memory_space<hbm>> -> memref<1x320x16xf32, #tpu.memory_space<hbm>>
      %dma_wait3A_33 = tpu.memref_squeeze %dma_wait3A_32 : memref<1x320x16xf32, #tpu.memory_space<hbm>> -> memref<320x16xf32, #tpu.memory_space<hbm>>
      tpu.wait_dma2 semaphore(%run_scoped3A : memref<!tpu.dma_semaphore, #tpu.memory_space<semaphore_mem>>) src(%arg11 : memref<320x16xf32, #tpu.memory_space<vmem>>) dst(%dma_wait3A_33 : memref<320x16xf32, #tpu.memory_space<hbm>>)
      tpu.yield
    }) : () -> ()
    %add3A_20 = arith.constant 320 : i32
    %add3A_21 = arith.addi %mul3A_2, %add3A_20 : i32
    "tpu.region"() ({
      %run_scoped3A = tpu.sem_alloc : memref<!tpu.dma_semaphore, #tpu.memory_space<semaphore_mem>>
      %dma_start3A = arith.constant 0 : i32
      %dma_start3A_24 = arith.constant 0 : i32
      %dma_start3A_25 = tpu.memref_slice %arg11[%dma_start3A, %dma_start3A_24] : memref<320x16xf32, #tpu.memory_space<vmem>> -> memref<312x16xf32, #tpu.memory_space<vmem>>
      %dma_start3A_26 = arith.constant 0 : i32
      %dma_start3A_27 = tpu.memref_slice %arg12[%add3A_21, %dma_start3A_26] : memref<10112x16xf32, #tpu.memory_space<vmem_shared>> -> memref<312x16xf32, #tpu.memory_space<vmem_shared>>
      %dma_start3A_28 = arith.constant 0 : i32
      %dma_start3A_29 = arith.constant 0 : i32
      %dma_start3A_30 = tpu.memref_slice %arg11[%dma_start3A_28, %dma_start3A_29] : memref<320x16xf32, #tpu.memory_space<vmem>> -> memref<312x16xf32, #tpu.memory_space<vmem>>
      %dma_start3A_31 = arith.constant 0 : i32
      %dma_start3A_32 = tpu.memref_slice %arg12[%add3A_21, %dma_start3A_31] : memref<10112x16xf32, #tpu.memory_space<vmem_shared>> -> memref<312x16xf32, #tpu.memory_space<vmem_shared>>
      tpu.enqueue_dma source(%dma_start3A_32 : memref<312x16xf32, #tpu.memory_space<vmem_shared>>) target(%dma_start3A_30 : memref<312x16xf32, #tpu.memory_space<vmem>>) target_semaphore(%run_scoped3A : memref<!tpu.dma_semaphore, #tpu.memory_space<semaphore_mem>>)
      %dma_wait3A = arith.constant 0 : i32
      %dma_wait3A_33 = arith.constant 0 : i32
      %dma_wait3A_34 = tpu.memref_slice %arg11[%dma_wait3A, %dma_wait3A_33] : memref<320x16xf32, #tpu.memory_space<vmem>> -> memref<312x16xf32, #tpu.memory_space<vmem>>
      %dma_wait3A_35 = arith.constant 0 : i32
      %dma_wait3A_36 = tpu.memref_slice %arg12[%add3A_21, %dma_wait3A_35] : memref<10112x16xf32, #tpu.memory_space<vmem_shared>> -> memref<312x16xf32, #tpu.memory_space<vmem_shared>>
      %dma_wait3A_37 = arith.constant 0 : i32
      %dma_wait3A_38 = arith.constant 0 : i32
      %dma_wait3A_39 = tpu.memref_slice %arg11[%dma_wait3A_37, %dma_wait3A_38] : memref<320x16xf32, #tpu.memory_space<vmem>> -> memref<312x16xf32, #tpu.memory_space<vmem>>
      %dma_wait3A_40 = arith.constant 0 : i32
      %dma_wait3A_41 = tpu.memref_slice %arg12[%add3A_21, %dma_wait3A_40] : memref<10112x16xf32, #tpu.memory_space<vmem_shared>> -> memref<312x16xf32, #tpu.memory_space<vmem_shared>>
      tpu.wait_dma2 semaphore(%run_scoped3A : memref<!tpu.dma_semaphore, #tpu.memory_space<semaphore_mem>>) src(%dma_wait3A_41 : memref<312x16xf32, #tpu.memory_space<vmem_shared>>) dst(%dma_wait3A_39 : memref<312x16xf32, #tpu.memory_space<vmem>>)
      tpu.yield
    }) : () -> ()
    %add3A_22 = arith.constant 320 : i32
    %add3A_23 = arith.addi %mul3A_2, %add3A_22 : i32
    "tpu.region"() ({
      %run_scoped3A = tpu.sem_alloc : memref<!tpu.dma_semaphore, #tpu.memory_space<semaphore_mem>>
      %dma_start3A = arith.constant 0 : i32
      %dma_start3A_24 = arith.constant 0 : i32
      %dma_start3A_25 = tpu.memref_slice %arg11[%dma_start3A, %dma_start3A_24] : memref<320x16xf32, #tpu.memory_space<vmem>> -> memref<312x16xf32, #tpu.memory_space<vmem>>
      %dma_start3A_26 = arith.constant 0 : i32
      %dma_start3A_27 = tpu.memref_slice %arg6[%arg0, %add3A_23, %dma_start3A_26] : memref<2x10112x16xf32, #tpu.memory_space<hbm>> -> memref<1x312x16xf32, #tpu.memory_space<hbm>>
      %dma_start3A_28 = tpu.memref_squeeze %dma_start3A_27 : memref<1x312x16xf32, #tpu.memory_space<hbm>> -> memref<312x16xf32, #tpu.memory_space<hbm>>
      %dma_start3A_29 = arith.constant 0 : i32
      %dma_start3A_30 = tpu.memref_slice %arg6[%arg0, %add3A_23, %dma_start3A_29] : memref<2x10112x16xf32, #tpu.memory_space<hbm>> -> memref<1x312x16xf32, #tpu.memory_space<hbm>>
      %dma_start3A_31 = tpu.memref_squeeze %dma_start3A_30 : memref<1x312x16xf32, #tpu.memory_space<hbm>> -> memref<312x16xf32, #tpu.memory_space<hbm>>
      %dma_start3A_32 = arith.constant 0 : i32
      %dma_start3A_33 = arith.constant 0 : i32
      %dma_start3A_34 = tpu.memref_slice %arg11[%dma_start3A_32, %dma_start3A_33] : memref<320x16xf32, #tpu.memory_space<vmem>> -> memref<312x16xf32, #tpu.memory_space<vmem>>
      tpu.enqueue_dma source(%dma_start3A_34 : memref<312x16xf32, #tpu.memory_space<vmem>>) target(%dma_start3A_31 : memref<312x16xf32, #tpu.memory_space<hbm>>) target_semaphore(%run_scoped3A : memref<!tpu.dma_semaphore, #tpu.memory_space<semaphore_mem>>)
      %dma_wait3A = arith.constant 0 : i32
      %dma_wait3A_35 = arith.constant 0 : i32
      %dma_wait3A_36 = tpu.memref_slice %arg11[%dma_wait3A, %dma_wait3A_35] : memref<320x16xf32, #tpu.memory_space<vmem>> -> memref<312x16xf32, #tpu.memory_space<vmem>>
      %dma_wait3A_37 = arith.constant 0 : i32
      %dma_wait3A_38 = tpu.memref_slice %arg6[%arg0, %add3A_23, %dma_wait3A_37] : memref<2x10112x16xf32, #tpu.memory_space<hbm>> -> memref<1x312x16xf32, #tpu.memory_space<hbm>>
      %dma_wait3A_39 = tpu.memref_squeeze %dma_wait3A_38 : memref<1x312x16xf32, #tpu.memory_space<hbm>> -> memref<312x16xf32, #tpu.memory_space<hbm>>
      %dma_wait3A_40 = arith.constant 0 : i32
      %dma_wait3A_41 = tpu.memref_slice %arg6[%arg0, %add3A_23, %dma_wait3A_40] : memref<2x10112x16xf32, #tpu.memory_space<hbm>> -> memref<1x312x16xf32, #tpu.memory_space<hbm>>
      %dma_wait3A_42 = tpu.memref_squeeze %dma_wait3A_41 : memref<1x312x16xf32, #tpu.memory_space<hbm>> -> memref<312x16xf32, #tpu.memory_space<hbm>>
      %dma_wait3A_43 = arith.constant 0 : i32
      %dma_wait3A_44 = arith.constant 0 : i32
      %dma_wait3A_45 = tpu.memref_slice %arg11[%dma_wait3A_43, %dma_wait3A_44] : memref<320x16xf32, #tpu.memory_space<vmem>> -> memref<312x16xf32, #tpu.memory_space<vmem>>
      tpu.wait_dma2 semaphore(%run_scoped3A : memref<!tpu.dma_semaphore, #tpu.memory_space<semaphore_mem>>) src(%dma_wait3A_45 : memref<312x16xf32, #tpu.memory_space<vmem>>) dst(%dma_wait3A_42 : memref<312x16xf32, #tpu.memory_space<hbm>>)
      tpu.yield
    }) : () -> ()
    return
  }
}

#map = affine_map<(d0, d1) -> (0, 0)>
#map1 = affine_map<(d0, d1) -> (0, 0, 0)>
module attributes {stable_mosaic.version = 14 : i64} {
  func.func @_scatter_kernel(%arg0: i32, %arg1: i32, %arg2: memref<10112x64xbf16, #tpu.memory_space<hbm>>, %arg3: memref<32x80x128xi32, #tpu.memory_space<hbm>>, %arg4: memref<32x80x128xi32, #tpu.memory_space<hbm>>, %arg5: memref<2x10112x64xbf16, #tpu.memory_space<hbm>>, %arg6: memref<3x8x128xi32, #tpu.memory_space<vmem>>, %arg7: memref<3x8x128xi32, #tpu.memory_space<vmem>>, %arg8: memref<4x128x64xbf16, #tpu.memory_space<vmem>>, %arg9: memref<10112x64xbf16, #tpu.memory_space<vmem_shared>>, %arg10: memref<10112x64xbf16, #tpu.memory_space<vmem_shared>>, %arg11: memref<!tpu.dma_semaphore, #tpu.memory_space<semaphore_mem>>, %arg12: memref<!tpu.dma_semaphore, #tpu.memory_space<semaphore_mem>>, %arg13: memref<!tpu.dma_semaphore, #tpu.memory_space<semaphore_mem>>, %arg14: memref<!tpu.dma_semaphore, #tpu.memory_space<semaphore_mem>>, %arg15: memref<!tpu.dma_semaphore, #tpu.memory_space<semaphore_mem>>, %arg16: memref<!tpu.dma_semaphore, #tpu.memory_space<semaphore_mem>>, %arg17: memref<!tpu.dma_semaphore, #tpu.memory_space<semaphore_mem>>, %arg18: memref<!tpu.dma_semaphore, #tpu.memory_space<semaphore_mem>>, %arg19: memref<!tpu.dma_semaphore, #tpu.memory_space<semaphore_mem>>, %arg20: memref<!tpu.dma_semaphore, #tpu.memory_space<semaphore_mem>>) attributes {dimension_semantics = [#tpu.dimension_semantics<core_parallel>, #tpu.dimension_semantics<subcore_parallel>], iteration_bounds = array<i64: 2, 16>, scalar_prefetch = 0 : i64, scratch_operands = 15 : i64, tpu.core_type = #tpu.core_type<sc_vector_subcore>, window_params = [{transform_indices = #map}, {transform_indices = #map1}, {transform_indices = #map1}, {transform_indices = #map1}]} {
    %mul3A = arith.constant 16 : i32
    %mul3A_0 = arith.muli %arg0, %mul3A : i32
    %add3A = arith.addi %mul3A_0, %arg1 : i32
    %mul3A_1 = arith.constant 632 : i32
    %mul3A_2 = arith.muli %arg1, %mul3A_1 : i32
    %dma_start3A = arith.constant 0 : i32
    %dma_start3A_3 = arith.constant 0 : i32
    %dma_start3A_4 = arith.constant 0 : i32
    %dma_start3A_5 = tpu.memref_slice %arg6[%dma_start3A, %dma_start3A_3, %dma_start3A_4] : memref<3x8x128xi32, #tpu.memory_space<vmem>> -> memref<1x8x128xi32, #tpu.memory_space<vmem>>
    %dma_start3A_6 = tpu.memref_squeeze %dma_start3A_5 : memref<1x8x128xi32, #tpu.memory_space<vmem>> -> memref<8x128xi32, #tpu.memory_space<vmem>>
    %dma_start3A_7 = arith.constant 0 : i32
    %dma_start3A_8 = arith.constant 0 : i32
    %dma_start3A_9 = tpu.memref_slice %arg3[%add3A, %dma_start3A_7, %dma_start3A_8] : memref<32x80x128xi32, #tpu.memory_space<hbm>> -> memref<1x8x128xi32, #tpu.memory_space<hbm>>
    %dma_start3A_10 = tpu.memref_squeeze %dma_start3A_9 : memref<1x8x128xi32, #tpu.memory_space<hbm>> -> memref<8x128xi32, #tpu.memory_space<hbm>>
    %dma_start3A_11 = arith.constant 0 : i32
    %dma_start3A_12 = arith.constant 0 : i32
    %dma_start3A_13 = tpu.memref_slice %arg6[%dma_start3A, %dma_start3A_11, %dma_start3A_12] : memref<3x8x128xi32, #tpu.memory_space<vmem>> -> memref<1x8x128xi32, #tpu.memory_space<vmem>>
    %dma_start3A_14 = tpu.memref_squeeze %dma_start3A_13 : memref<1x8x128xi32, #tpu.memory_space<vmem>> -> memref<8x128xi32, #tpu.memory_space<vmem>>
    %dma_start3A_15 = arith.constant 0 : i32
    %dma_start3A_16 = arith.constant 0 : i32
    %dma_start3A_17 = tpu.memref_slice %arg3[%add3A, %dma_start3A_15, %dma_start3A_16] : memref<32x80x128xi32, #tpu.memory_space<hbm>> -> memref<1x8x128xi32, #tpu.memory_space<hbm>>
    %dma_start3A_18 = tpu.memref_squeeze %dma_start3A_17 : memref<1x8x128xi32, #tpu.memory_space<hbm>> -> memref<8x128xi32, #tpu.memory_space<hbm>>
    tpu.enqueue_dma source(%dma_start3A_18 : memref<8x128xi32, #tpu.memory_space<hbm>>) target(%dma_start3A_14 : memref<8x128xi32, #tpu.memory_space<vmem>>) target_semaphore(%arg11 : memref<!tpu.dma_semaphore, #tpu.memory_space<semaphore_mem>>)
    %dma_start3A_19 = arith.constant 0 : i32
    %dma_start3A_20 = arith.constant 0 : i32
    %dma_start3A_21 = arith.constant 0 : i32
    %dma_start3A_22 = tpu.memref_slice %arg7[%dma_start3A_19, %dma_start3A_20, %dma_start3A_21] : memref<3x8x128xi32, #tpu.memory_space<vmem>> -> memref<1x8x128xi32, #tpu.memory_space<vmem>>
    %dma_start3A_23 = tpu.memref_squeeze %dma_start3A_22 : memref<1x8x128xi32, #tpu.memory_space<vmem>> -> memref<8x128xi32, #tpu.memory_space<vmem>>
    %dma_start3A_24 = arith.constant 0 : i32
    %dma_start3A_25 = arith.constant 0 : i32
    %dma_start3A_26 = tpu.memref_slice %arg4[%add3A, %dma_start3A_24, %dma_start3A_25] : memref<32x80x128xi32, #tpu.memory_space<hbm>> -> memref<1x8x128xi32, #tpu.memory_space<hbm>>
    %dma_start3A_27 = tpu.memref_squeeze %dma_start3A_26 : memref<1x8x128xi32, #tpu.memory_space<hbm>> -> memref<8x128xi32, #tpu.memory_space<hbm>>
    %dma_start3A_28 = arith.constant 0 : i32
    %dma_start3A_29 = arith.constant 0 : i32
    %dma_start3A_30 = tpu.memref_slice %arg7[%dma_start3A_19, %dma_start3A_28, %dma_start3A_29] : memref<3x8x128xi32, #tpu.memory_space<vmem>> -> memref<1x8x128xi32, #tpu.memory_space<vmem>>
    %dma_start3A_31 = tpu.memref_squeeze %dma_start3A_30 : memref<1x8x128xi32, #tpu.memory_space<vmem>> -> memref<8x128xi32, #tpu.memory_space<vmem>>
    %dma_start3A_32 = arith.constant 0 : i32
    %dma_start3A_33 = arith.constant 0 : i32
    %dma_start3A_34 = tpu.memref_slice %arg4[%add3A, %dma_start3A_32, %dma_start3A_33] : memref<32x80x128xi32, #tpu.memory_space<hbm>> -> memref<1x8x128xi32, #tpu.memory_space<hbm>>
    %dma_start3A_35 = tpu.memref_squeeze %dma_start3A_34 : memref<1x8x128xi32, #tpu.memory_space<hbm>> -> memref<8x128xi32, #tpu.memory_space<hbm>>
    tpu.enqueue_dma source(%dma_start3A_35 : memref<8x128xi32, #tpu.memory_space<hbm>>) target(%dma_start3A_31 : memref<8x128xi32, #tpu.memory_space<vmem>>) target_semaphore(%arg11 : memref<!tpu.dma_semaphore, #tpu.memory_space<semaphore_mem>>)
    %dma_start3A_36 = arith.constant 1 : i32
    %dma_start3A_37 = arith.constant 0 : i32
    %dma_start3A_38 = arith.constant 0 : i32
    %dma_start3A_39 = tpu.memref_slice %arg6[%dma_start3A_36, %dma_start3A_37, %dma_start3A_38] : memref<3x8x128xi32, #tpu.memory_space<vmem>> -> memref<1x8x128xi32, #tpu.memory_space<vmem>>
    %dma_start3A_40 = tpu.memref_squeeze %dma_start3A_39 : memref<1x8x128xi32, #tpu.memory_space<vmem>> -> memref<8x128xi32, #tpu.memory_space<vmem>>
    %dma_start3A_41 = arith.constant 8 : i32
    %dma_start3A_42 = arith.constant 0 : i32
    %dma_start3A_43 = tpu.memref_slice %arg3[%add3A, %dma_start3A_41, %dma_start3A_42] : memref<32x80x128xi32, #tpu.memory_space<hbm>> -> memref<1x8x128xi32, #tpu.memory_space<hbm>>
    %dma_start3A_44 = tpu.memref_squeeze %dma_start3A_43 : memref<1x8x128xi32, #tpu.memory_space<hbm>> -> memref<8x128xi32, #tpu.memory_space<hbm>>
    %dma_start3A_45 = arith.constant 0 : i32
    %dma_start3A_46 = arith.constant 0 : i32
    %dma_start3A_47 = tpu.memref_slice %arg6[%dma_start3A_36, %dma_start3A_45, %dma_start3A_46] : memref<3x8x128xi32, #tpu.memory_space<vmem>> -> memref<1x8x128xi32, #tpu.memory_space<vmem>>
    %dma_start3A_48 = tpu.memref_squeeze %dma_start3A_47 : memref<1x8x128xi32, #tpu.memory_space<vmem>> -> memref<8x128xi32, #tpu.memory_space<vmem>>
    %dma_start3A_49 = arith.constant 8 : i32
    %dma_start3A_50 = arith.constant 0 : i32
    %dma_start3A_51 = tpu.memref_slice %arg3[%add3A, %dma_start3A_49, %dma_start3A_50] : memref<32x80x128xi32, #tpu.memory_space<hbm>> -> memref<1x8x128xi32, #tpu.memory_space<hbm>>
    %dma_start3A_52 = tpu.memref_squeeze %dma_start3A_51 : memref<1x8x128xi32, #tpu.memory_space<hbm>> -> memref<8x128xi32, #tpu.memory_space<hbm>>
    tpu.enqueue_dma source(%dma_start3A_52 : memref<8x128xi32, #tpu.memory_space<hbm>>) target(%dma_start3A_48 : memref<8x128xi32, #tpu.memory_space<vmem>>) target_semaphore(%arg19 : memref<!tpu.dma_semaphore, #tpu.memory_space<semaphore_mem>>)
    %dma_start3A_53 = arith.constant 1 : i32
    %dma_start3A_54 = arith.constant 0 : i32
    %dma_start3A_55 = arith.constant 0 : i32
    %dma_start3A_56 = tpu.memref_slice %arg7[%dma_start3A_53, %dma_start3A_54, %dma_start3A_55] : memref<3x8x128xi32, #tpu.memory_space<vmem>> -> memref<1x8x128xi32, #tpu.memory_space<vmem>>
    %dma_start3A_57 = tpu.memref_squeeze %dma_start3A_56 : memref<1x8x128xi32, #tpu.memory_space<vmem>> -> memref<8x128xi32, #tpu.memory_space<vmem>>
    %dma_start3A_58 = arith.constant 8 : i32
    %dma_start3A_59 = arith.constant 0 : i32
    %dma_start3A_60 = tpu.memref_slice %arg4[%add3A, %dma_start3A_58, %dma_start3A_59] : memref<32x80x128xi32, #tpu.memory_space<hbm>> -> memref<1x8x128xi32, #tpu.memory_space<hbm>>
    %dma_start3A_61 = tpu.memref_squeeze %dma_start3A_60 : memref<1x8x128xi32, #tpu.memory_space<hbm>> -> memref<8x128xi32, #tpu.memory_space<hbm>>
    %dma_start3A_62 = arith.constant 0 : i32
    %dma_start3A_63 = arith.constant 0 : i32
    %dma_start3A_64 = tpu.memref_slice %arg7[%dma_start3A_53, %dma_start3A_62, %dma_start3A_63] : memref<3x8x128xi32, #tpu.memory_space<vmem>> -> memref<1x8x128xi32, #tpu.memory_space<vmem>>
    %dma_start3A_65 = tpu.memref_squeeze %dma_start3A_64 : memref<1x8x128xi32, #tpu.memory_space<vmem>> -> memref<8x128xi32, #tpu.memory_space<vmem>>
    %dma_start3A_66 = arith.constant 8 : i32
    %dma_start3A_67 = arith.constant 0 : i32
    %dma_start3A_68 = tpu.memref_slice %arg4[%add3A, %dma_start3A_66, %dma_start3A_67] : memref<32x80x128xi32, #tpu.memory_space<hbm>> -> memref<1x8x128xi32, #tpu.memory_space<hbm>>
    %dma_start3A_69 = tpu.memref_squeeze %dma_start3A_68 : memref<1x8x128xi32, #tpu.memory_space<hbm>> -> memref<8x128xi32, #tpu.memory_space<hbm>>
    tpu.enqueue_dma source(%dma_start3A_69 : memref<8x128xi32, #tpu.memory_space<hbm>>) target(%dma_start3A_65 : memref<8x128xi32, #tpu.memory_space<vmem>>) target_semaphore(%arg20 : memref<!tpu.dma_semaphore, #tpu.memory_space<semaphore_mem>>)
    %broadcast_in_dim3A = arith.constant 0.000000e+00 : bf16
    %broadcast_in_dim3A_70 = vector.broadcast %broadcast_in_dim3A : bf16 to vector<32xbf16>
    %scan3A = arith.constant 0 : i32
    %scan3A_71 = arith.constant 0 : i32
    %scan3A_72 = arith.constant 0 : i32
    %scan3A_73 = arith.constant 128 : i32
    %scan3A_74 = arith.addi %scan3A_72, %scan3A_73 : i32
    %scan3A_75 = arith.constant 1 : i32
    %scan3A_76 = scf.for %scan3A_877 = %scan3A_72 to %scan3A_74 step %scan3A_75 iter_args(%scan3A_878 = %scan3A_71) -> (i32)  : i32 {
      %swap3A = arith.constant 0 : i32
      %swap3A_879 = arith.constant 0 : i32
      %swap3A_880 = tpu.memref_slice %arg8[%scan3A, %swap3A, %swap3A_879] : memref<4x128x64xbf16, #tpu.memory_space<vmem>> -> memref<1x128x64xbf16, #tpu.memory_space<vmem>>
      %swap3A_881 = tpu.memref_squeeze %swap3A_880 : memref<1x128x64xbf16, #tpu.memory_space<vmem>> -> memref<128x64xbf16, #tpu.memory_space<vmem>>
      %swap3A_882 = arith.index_cast %scan3A_877 : i32 to index
      %swap3A_883 = arith.constant 0 : index
      %swap3A_884 = tpu.vector_load %swap3A_881[%swap3A_882, %swap3A_883] {strides = array<i32>} : memref<128x64xbf16, #tpu.memory_space<vmem>>, vector<1x32xbf16>,
      %swap3A_885 = vector.shape_cast %swap3A_884 : vector<1x32xbf16> to vector<32xbf16>
      %swap3A_886 = vector.shape_cast %broadcast_in_dim3A_70 : vector<32xbf16> to vector<1x32xbf16>
      tpu.vector_store %swap3A_881[%swap3A_882, %swap3A_883], %swap3A_886 {strides = array<i32>} : memref<128x64xbf16, #tpu.memory_space<vmem>>, vector<1x32xbf16>,
      %swap3A_887 = arith.constant 0 : i32
      %swap3A_888 = arith.constant 0 : i32
      %swap3A_889 = tpu.memref_slice %arg8[%scan3A, %swap3A_887, %swap3A_888] : memref<4x128x64xbf16, #tpu.memory_space<vmem>> -> memref<1x128x64xbf16, #tpu.memory_space<vmem>>
      %swap3A_890 = tpu.memref_squeeze %swap3A_889 : memref<1x128x64xbf16, #tpu.memory_space<vmem>> -> memref<128x64xbf16, #tpu.memory_space<vmem>>
      %swap3A_891 = arith.index_cast %scan3A_877 : i32 to index
      %swap3A_892 = arith.constant 32 : index
      %swap3A_893 = tpu.vector_load %swap3A_890[%swap3A_891, %swap3A_892] {strides = array<i32>} : memref<128x64xbf16, #tpu.memory_space<vmem>>, vector<1x32xbf16>,
      %swap3A_894 = vector.shape_cast %swap3A_893 : vector<1x32xbf16> to vector<32xbf16>
      %swap3A_895 = vector.shape_cast %broadcast_in_dim3A_70 : vector<32xbf16> to vector<1x32xbf16>
      tpu.vector_store %swap3A_890[%swap3A_891, %swap3A_892], %swap3A_895 {strides = array<i32>} : memref<128x64xbf16, #tpu.memory_space<vmem>>, vector<1x32xbf16>,
      %scan3A_896 = arith.constant 0 : i32
      scf.yield %scan3A_896 : i32
    }
    %scan3A_77 = arith.constant 128 : i32
    %add3A_78 = arith.constant 0 : i32
    %add3A_79 = arith.addi %mul3A_2, %add3A_78 : i32
    %dma_start3A_80 = arith.constant 0 : i32
    %dma_start3A_81 = arith.constant 0 : i32
    %dma_start3A_82 = arith.constant 0 : i32
    %dma_start3A_83 = tpu.memref_slice %arg8[%dma_start3A_80, %dma_start3A_81, %dma_start3A_82] : memref<4x128x64xbf16, #tpu.memory_space<vmem>> -> memref<1x128x64xbf16, #tpu.memory_space<vmem>>
    %dma_start3A_84 = tpu.memref_squeeze %dma_start3A_83 : memref<1x128x64xbf16, #tpu.memory_space<vmem>> -> memref<128x64xbf16, #tpu.memory_space<vmem>>
    %dma_start3A_85 = arith.constant 0 : i32
    %dma_start3A_86 = arith.constant 0 : i32
    %dma_start3A_87 = tpu.memref_slice %dma_start3A_84[%dma_start3A_85, %dma_start3A_86] : memref<128x64xbf16, #tpu.memory_space<vmem>> -> memref<128x64xbf16, #tpu.memory_space<vmem>>
    %dma_start3A_88 = arith.constant 0 : i32
    %dma_start3A_89 = tpu.memref_slice %arg10[%add3A_79, %dma_start3A_88] : memref<10112x64xbf16, #tpu.memory_space<vmem_shared>> -> memref<128x64xbf16, #tpu.memory_space<vmem_shared>>
    %dma_start3A_90 = arith.constant 0 : i32
    %dma_start3A_91 = tpu.memref_slice %arg10[%add3A_79, %dma_start3A_90] : memref<10112x64xbf16, #tpu.memory_space<vmem_shared>> -> memref<128x64xbf16, #tpu.memory_space<vmem_shared>>
    %dma_start3A_92 = arith.constant 0 : i32
    %dma_start3A_93 = arith.constant 0 : i32
    %dma_start3A_94 = tpu.memref_slice %arg8[%dma_start3A_80, %dma_start3A_92, %dma_start3A_93] : memref<4x128x64xbf16, #tpu.memory_space<vmem>> -> memref<1x128x64xbf16, #tpu.memory_space<vmem>>
    %dma_start3A_95 = tpu.memref_squeeze %dma_start3A_94 : memref<1x128x64xbf16, #tpu.memory_space<vmem>> -> memref<128x64xbf16, #tpu.memory_space<vmem>>
    %dma_start3A_96 = arith.constant 0 : i32
    %dma_start3A_97 = arith.constant 0 : i32
    %dma_start3A_98 = tpu.memref_slice %dma_start3A_95[%dma_start3A_96, %dma_start3A_97] : memref<128x64xbf16, #tpu.memory_space<vmem>> -> memref<128x64xbf16, #tpu.memory_space<vmem>>
    tpu.enqueue_dma source(%dma_start3A_98 : memref<128x64xbf16, #tpu.memory_space<vmem>>) target(%dma_start3A_91 : memref<128x64xbf16, #tpu.memory_space<vmem_shared>>) target_semaphore(%arg15 : memref<!tpu.dma_semaphore, #tpu.memory_space<semaphore_mem>>)
    %add3A_99 = arith.constant 128 : i32
    %add3A_100 = arith.addi %mul3A_2, %add3A_99 : i32
    %dma_start3A_101 = arith.constant 0 : i32
    %dma_start3A_102 = arith.constant 0 : i32
    %dma_start3A_103 = arith.constant 0 : i32
    %dma_start3A_104 = tpu.memref_slice %arg8[%dma_start3A_101, %dma_start3A_102, %dma_start3A_103] : memref<4x128x64xbf16, #tpu.memory_space<vmem>> -> memref<1x128x64xbf16, #tpu.memory_space<vmem>>
    %dma_start3A_105 = tpu.memref_squeeze %dma_start3A_104 : memref<1x128x64xbf16, #tpu.memory_space<vmem>> -> memref<128x64xbf16, #tpu.memory_space<vmem>>
    %dma_start3A_106 = arith.constant 0 : i32
    %dma_start3A_107 = arith.constant 0 : i32
    %dma_start3A_108 = tpu.memref_slice %dma_start3A_105[%dma_start3A_106, %dma_start3A_107] : memref<128x64xbf16, #tpu.memory_space<vmem>> -> memref<128x64xbf16, #tpu.memory_space<vmem>>
    %dma_start3A_109 = arith.constant 0 : i32
    %dma_start3A_110 = tpu.memref_slice %arg10[%add3A_100, %dma_start3A_109] : memref<10112x64xbf16, #tpu.memory_space<vmem_shared>> -> memref<128x64xbf16, #tpu.memory_space<vmem_shared>>
    %dma_start3A_111 = arith.constant 0 : i32
    %dma_start3A_112 = tpu.memref_slice %arg10[%add3A_100, %dma_start3A_111] : memref<10112x64xbf16, #tpu.memory_space<vmem_shared>> -> memref<128x64xbf16, #tpu.memory_space<vmem_shared>>
    %dma_start3A_113 = arith.constant 0 : i32
    %dma_start3A_114 = arith.constant 0 : i32
    %dma_start3A_115 = tpu.memref_slice %arg8[%dma_start3A_101, %dma_start3A_113, %dma_start3A_114] : memref<4x128x64xbf16, #tpu.memory_space<vmem>> -> memref<1x128x64xbf16, #tpu.memory_space<vmem>>
    %dma_start3A_116 = tpu.memref_squeeze %dma_start3A_115 : memref<1x128x64xbf16, #tpu.memory_space<vmem>> -> memref<128x64xbf16, #tpu.memory_space<vmem>>
    %dma_start3A_117 = arith.constant 0 : i32
    %dma_start3A_118 = arith.constant 0 : i32
    %dma_start3A_119 = tpu.memref_slice %dma_start3A_116[%dma_start3A_117, %dma_start3A_118] : memref<128x64xbf16, #tpu.memory_space<vmem>> -> memref<128x64xbf16, #tpu.memory_space<vmem>>
    tpu.enqueue_dma source(%dma_start3A_119 : memref<128x64xbf16, #tpu.memory_space<vmem>>) target(%dma_start3A_112 : memref<128x64xbf16, #tpu.memory_space<vmem_shared>>) target_semaphore(%arg15 : memref<!tpu.dma_semaphore, #tpu.memory_space<semaphore_mem>>)
    %add3A_120 = arith.constant 256 : i32
    %add3A_121 = arith.addi %mul3A_2, %add3A_120 : i32
    %dma_start3A_122 = arith.constant 0 : i32
    %dma_start3A_123 = arith.constant 0 : i32
    %dma_start3A_124 = arith.constant 0 : i32
    %dma_start3A_125 = tpu.memref_slice %arg8[%dma_start3A_122, %dma_start3A_123, %dma_start3A_124] : memref<4x128x64xbf16, #tpu.memory_space<vmem>> -> memref<1x128x64xbf16, #tpu.memory_space<vmem>>
    %dma_start3A_126 = tpu.memref_squeeze %dma_start3A_125 : memref<1x128x64xbf16, #tpu.memory_space<vmem>> -> memref<128x64xbf16, #tpu.memory_space<vmem>>
    %dma_start3A_127 = arith.constant 0 : i32
    %dma_start3A_128 = arith.constant 0 : i32
    %dma_start3A_129 = tpu.memref_slice %dma_start3A_126[%dma_start3A_127, %dma_start3A_128] : memref<128x64xbf16, #tpu.memory_space<vmem>> -> memref<128x64xbf16, #tpu.memory_space<vmem>>
    %dma_start3A_130 = arith.constant 0 : i32
    %dma_start3A_131 = tpu.memref_slice %arg10[%add3A_121, %dma_start3A_130] : memref<10112x64xbf16, #tpu.memory_space<vmem_shared>> -> memref<128x64xbf16, #tpu.memory_space<vmem_shared>>
    %dma_start3A_132 = arith.constant 0 : i32
    %dma_start3A_133 = tpu.memref_slice %arg10[%add3A_121, %dma_start3A_132] : memref<10112x64xbf16, #tpu.memory_space<vmem_shared>> -> memref<128x64xbf16, #tpu.memory_space<vmem_shared>>
    %dma_start3A_134 = arith.constant 0 : i32
    %dma_start3A_135 = arith.constant 0 : i32
    %dma_start3A_136 = tpu.memref_slice %arg8[%dma_start3A_122, %dma_start3A_134, %dma_start3A_135] : memref<4x128x64xbf16, #tpu.memory_space<vmem>> -> memref<1x128x64xbf16, #tpu.memory_space<vmem>>
    %dma_start3A_137 = tpu.memref_squeeze %dma_start3A_136 : memref<1x128x64xbf16, #tpu.memory_space<vmem>> -> memref<128x64xbf16, #tpu.memory_space<vmem>>
    %dma_start3A_138 = arith.constant 0 : i32
    %dma_start3A_139 = arith.constant 0 : i32
    %dma_start3A_140 = tpu.memref_slice %dma_start3A_137[%dma_start3A_138, %dma_start3A_139] : memref<128x64xbf16, #tpu.memory_space<vmem>> -> memref<128x64xbf16, #tpu.memory_space<vmem>>
    tpu.enqueue_dma source(%dma_start3A_140 : memref<128x64xbf16, #tpu.memory_space<vmem>>) target(%dma_start3A_133 : memref<128x64xbf16, #tpu.memory_space<vmem_shared>>) target_semaphore(%arg15 : memref<!tpu.dma_semaphore, #tpu.memory_space<semaphore_mem>>)
    %add3A_141 = arith.constant 384 : i32
    %add3A_142 = arith.addi %mul3A_2, %add3A_141 : i32
    %dma_start3A_143 = arith.constant 0 : i32
    %dma_start3A_144 = arith.constant 0 : i32
    %dma_start3A_145 = arith.constant 0 : i32
    %dma_start3A_146 = tpu.memref_slice %arg8[%dma_start3A_143, %dma_start3A_144, %dma_start3A_145] : memref<4x128x64xbf16, #tpu.memory_space<vmem>> -> memref<1x128x64xbf16, #tpu.memory_space<vmem>>
    %dma_start3A_147 = tpu.memref_squeeze %dma_start3A_146 : memref<1x128x64xbf16, #tpu.memory_space<vmem>> -> memref<128x64xbf16, #tpu.memory_space<vmem>>
    %dma_start3A_148 = arith.constant 0 : i32
    %dma_start3A_149 = arith.constant 0 : i32
    %dma_start3A_150 = tpu.memref_slice %dma_start3A_147[%dma_start3A_148, %dma_start3A_149] : memref<128x64xbf16, #tpu.memory_space<vmem>> -> memref<128x64xbf16, #tpu.memory_space<vmem>>
    %dma_start3A_151 = arith.constant 0 : i32
    %dma_start3A_152 = tpu.memref_slice %arg10[%add3A_142, %dma_start3A_151] : memref<10112x64xbf16, #tpu.memory_space<vmem_shared>> -> memref<128x64xbf16, #tpu.memory_space<vmem_shared>>
    %dma_start3A_153 = arith.constant 0 : i32
    %dma_start3A_154 = tpu.memref_slice %arg10[%add3A_142, %dma_start3A_153] : memref<10112x64xbf16, #tpu.memory_space<vmem_shared>> -> memref<128x64xbf16, #tpu.memory_space<vmem_shared>>
    %dma_start3A_155 = arith.constant 0 : i32
    %dma_start3A_156 = arith.constant 0 : i32
    %dma_start3A_157 = tpu.memref_slice %arg8[%dma_start3A_143, %dma_start3A_155, %dma_start3A_156] : memref<4x128x64xbf16, #tpu.memory_space<vmem>> -> memref<1x128x64xbf16, #tpu.memory_space<vmem>>
    %dma_start3A_158 = tpu.memref_squeeze %dma_start3A_157 : memref<1x128x64xbf16, #tpu.memory_space<vmem>> -> memref<128x64xbf16, #tpu.memory_space<vmem>>
    %dma_start3A_159 = arith.constant 0 : i32
    %dma_start3A_160 = arith.constant 0 : i32
    %dma_start3A_161 = tpu.memref_slice %dma_start3A_158[%dma_start3A_159, %dma_start3A_160] : memref<128x64xbf16, #tpu.memory_space<vmem>> -> memref<128x64xbf16, #tpu.memory_space<vmem>>
    tpu.enqueue_dma source(%dma_start3A_161 : memref<128x64xbf16, #tpu.memory_space<vmem>>) target(%dma_start3A_154 : memref<128x64xbf16, #tpu.memory_space<vmem_shared>>) target_semaphore(%arg15 : memref<!tpu.dma_semaphore, #tpu.memory_space<semaphore_mem>>)
    %add3A_162 = arith.constant 512 : i32
    %add3A_163 = arith.addi %mul3A_2, %add3A_162 : i32
    %dma_start3A_164 = arith.constant 0 : i32
    %dma_start3A_165 = arith.constant 0 : i32
    %dma_start3A_166 = arith.constant 0 : i32
    %dma_start3A_167 = tpu.memref_slice %arg8[%dma_start3A_164, %dma_start3A_165, %dma_start3A_166] : memref<4x128x64xbf16, #tpu.memory_space<vmem>> -> memref<1x128x64xbf16, #tpu.memory_space<vmem>>
    %dma_start3A_168 = tpu.memref_squeeze %dma_start3A_167 : memref<1x128x64xbf16, #tpu.memory_space<vmem>> -> memref<128x64xbf16, #tpu.memory_space<vmem>>
    %dma_start3A_169 = arith.constant 0 : i32
    %dma_start3A_170 = arith.constant 0 : i32
    %dma_start3A_171 = tpu.memref_slice %dma_start3A_168[%dma_start3A_169, %dma_start3A_170] : memref<128x64xbf16, #tpu.memory_space<vmem>> -> memref<120x64xbf16, #tpu.memory_space<vmem>>
    %dma_start3A_172 = arith.constant 0 : i32
    %dma_start3A_173 = tpu.memref_slice %arg10[%add3A_163, %dma_start3A_172] : memref<10112x64xbf16, #tpu.memory_space<vmem_shared>> -> memref<120x64xbf16, #tpu.memory_space<vmem_shared>>
    %dma_start3A_174 = arith.constant 0 : i32
    %dma_start3A_175 = tpu.memref_slice %arg10[%add3A_163, %dma_start3A_174] : memref<10112x64xbf16, #tpu.memory_space<vmem_shared>> -> memref<120x64xbf16, #tpu.memory_space<vmem_shared>>
    %dma_start3A_176 = arith.constant 0 : i32
    %dma_start3A_177 = arith.constant 0 : i32
    %dma_start3A_178 = tpu.memref_slice %arg8[%dma_start3A_164, %dma_start3A_176, %dma_start3A_177] : memref<4x128x64xbf16, #tpu.memory_space<vmem>> -> memref<1x128x64xbf16, #tpu.memory_space<vmem>>
    %dma_start3A_179 = tpu.memref_squeeze %dma_start3A_178 : memref<1x128x64xbf16, #tpu.memory_space<vmem>> -> memref<128x64xbf16, #tpu.memory_space<vmem>>
    %dma_start3A_180 = arith.constant 0 : i32
    %dma_start3A_181 = arith.constant 0 : i32
    %dma_start3A_182 = tpu.memref_slice %dma_start3A_179[%dma_start3A_180, %dma_start3A_181] : memref<128x64xbf16, #tpu.memory_space<vmem>> -> memref<120x64xbf16, #tpu.memory_space<vmem>>
    tpu.enqueue_dma source(%dma_start3A_182 : memref<120x64xbf16, #tpu.memory_space<vmem>>) target(%dma_start3A_175 : memref<120x64xbf16, #tpu.memory_space<vmem_shared>>) target_semaphore(%arg15 : memref<!tpu.dma_semaphore, #tpu.memory_space<semaphore_mem>>)
    %add3A_183 = arith.constant 0 : i32
    %add3A_184 = arith.addi %mul3A_2, %add3A_183 : i32
    %dma_start3A_185 = arith.constant 0 : i32
    %dma_start3A_186 = tpu.memref_slice %arg9[%add3A_184, %dma_start3A_185] : memref<10112x64xbf16, #tpu.memory_space<vmem_shared>> -> memref<128x64xbf16, #tpu.memory_space<vmem_shared>>
    %dma_start3A_187 = arith.constant 0 : i32
    %dma_start3A_188 = tpu.memref_slice %arg2[%add3A_184, %dma_start3A_187] : memref<10112x64xbf16, #tpu.memory_space<hbm>> -> memref<128x64xbf16, #tpu.memory_space<hbm>>
    tpu.enqueue_dma source(%dma_start3A_188 : memref<128x64xbf16, #tpu.memory_space<hbm>>) target(%dma_start3A_186 : memref<128x64xbf16, #tpu.memory_space<vmem_shared>>) target_semaphore(%arg12 : memref<!tpu.dma_semaphore, #tpu.memory_space<semaphore_mem>>)
    %add3A_189 = arith.constant 128 : i32
    %add3A_190 = arith.addi %mul3A_2, %add3A_189 : i32
    %dma_start3A_191 = arith.constant 0 : i32
    %dma_start3A_192 = tpu.memref_slice %arg9[%add3A_190, %dma_start3A_191] : memref<10112x64xbf16, #tpu.memory_space<vmem_shared>> -> memref<128x64xbf16, #tpu.memory_space<vmem_shared>>
    %dma_start3A_193 = arith.constant 0 : i32
    %dma_start3A_194 = tpu.memref_slice %arg2[%add3A_190, %dma_start3A_193] : memref<10112x64xbf16, #tpu.memory_space<hbm>> -> memref<128x64xbf16, #tpu.memory_space<hbm>>
    tpu.enqueue_dma source(%dma_start3A_194 : memref<128x64xbf16, #tpu.memory_space<hbm>>) target(%dma_start3A_192 : memref<128x64xbf16, #tpu.memory_space<vmem_shared>>) target_semaphore(%arg13 : memref<!tpu.dma_semaphore, #tpu.memory_space<semaphore_mem>>)
    %add3A_195 = arith.constant 256 : i32
    %add3A_196 = arith.addi %mul3A_2, %add3A_195 : i32
    %dma_start3A_197 = arith.constant 0 : i32
    %dma_start3A_198 = tpu.memref_slice %arg9[%add3A_196, %dma_start3A_197] : memref<10112x64xbf16, #tpu.memory_space<vmem_shared>> -> memref<128x64xbf16, #tpu.memory_space<vmem_shared>>
    %dma_start3A_199 = arith.constant 0 : i32
    %dma_start3A_200 = tpu.memref_slice %arg2[%add3A_196, %dma_start3A_199] : memref<10112x64xbf16, #tpu.memory_space<hbm>> -> memref<128x64xbf16, #tpu.memory_space<hbm>>
    tpu.enqueue_dma source(%dma_start3A_200 : memref<128x64xbf16, #tpu.memory_space<hbm>>) target(%dma_start3A_198 : memref<128x64xbf16, #tpu.memory_space<vmem_shared>>) target_semaphore(%arg14 : memref<!tpu.dma_semaphore, #tpu.memory_space<semaphore_mem>>)
    %add3A_201 = arith.constant 384 : i32
    %add3A_202 = arith.addi %mul3A_2, %add3A_201 : i32
    %dma_start3A_203 = arith.constant 0 : i32
    %dma_start3A_204 = tpu.memref_slice %arg9[%add3A_202, %dma_start3A_203] : memref<10112x64xbf16, #tpu.memory_space<vmem_shared>> -> memref<128x64xbf16, #tpu.memory_space<vmem_shared>>
    %dma_start3A_205 = arith.constant 0 : i32
    %dma_start3A_206 = tpu.memref_slice %arg2[%add3A_202, %dma_start3A_205] : memref<10112x64xbf16, #tpu.memory_space<hbm>> -> memref<128x64xbf16, #tpu.memory_space<hbm>>
    tpu.enqueue_dma source(%dma_start3A_206 : memref<128x64xbf16, #tpu.memory_space<hbm>>) target(%dma_start3A_204 : memref<128x64xbf16, #tpu.memory_space<vmem_shared>>) target_semaphore(%arg12 : memref<!tpu.dma_semaphore, #tpu.memory_space<semaphore_mem>>)
    %add3A_207 = arith.constant 512 : i32
    %add3A_208 = arith.addi %mul3A_2, %add3A_207 : i32
    %dma_start3A_209 = arith.constant 0 : i32
    %dma_start3A_210 = tpu.memref_slice %arg9[%add3A_208, %dma_start3A_209] : memref<10112x64xbf16, #tpu.memory_space<vmem_shared>> -> memref<120x64xbf16, #tpu.memory_space<vmem_shared>>
    %dma_start3A_211 = arith.constant 0 : i32
    %dma_start3A_212 = tpu.memref_slice %arg2[%add3A_208, %dma_start3A_211] : memref<10112x64xbf16, #tpu.memory_space<hbm>> -> memref<120x64xbf16, #tpu.memory_space<hbm>>
    tpu.enqueue_dma source(%dma_start3A_212 : memref<120x64xbf16, #tpu.memory_space<hbm>>) target(%dma_start3A_210 : memref<120x64xbf16, #tpu.memory_space<vmem_shared>>) target_semaphore(%arg13 : memref<!tpu.dma_semaphore, #tpu.memory_space<semaphore_mem>>)
    %dma_wait3A = arith.constant 0 : i32
    %dma_wait3A_213 = tpu.memref_slice %arg9[%add3A_184, %dma_wait3A] : memref<10112x64xbf16, #tpu.memory_space<vmem_shared>> -> memref<128x64xbf16, #tpu.memory_space<vmem_shared>>
    %dma_wait3A_214 = arith.constant 0 : i32
    %dma_wait3A_215 = tpu.memref_slice %arg2[%add3A_184, %dma_wait3A_214] : memref<10112x64xbf16, #tpu.memory_space<hbm>> -> memref<128x64xbf16, #tpu.memory_space<hbm>>
    tpu.wait_dma2 semaphore(%arg12 : memref<!tpu.dma_semaphore, #tpu.memory_space<semaphore_mem>>) src(%dma_wait3A_215 : memref<128x64xbf16, #tpu.memory_space<hbm>>) dst(%dma_wait3A_213 : memref<128x64xbf16, #tpu.memory_space<vmem_shared>>)
    %dma_wait3A_216 = arith.constant 0 : i32
    %dma_wait3A_217 = tpu.memref_slice %arg9[%add3A_190, %dma_wait3A_216] : memref<10112x64xbf16, #tpu.memory_space<vmem_shared>> -> memref<128x64xbf16, #tpu.memory_space<vmem_shared>>
    %dma_wait3A_218 = arith.constant 0 : i32
    %dma_wait3A_219 = tpu.memref_slice %arg2[%add3A_190, %dma_wait3A_218] : memref<10112x64xbf16, #tpu.memory_space<hbm>> -> memref<128x64xbf16, #tpu.memory_space<hbm>>
    tpu.wait_dma2 semaphore(%arg13 : memref<!tpu.dma_semaphore, #tpu.memory_space<semaphore_mem>>) src(%dma_wait3A_219 : memref<128x64xbf16, #tpu.memory_space<hbm>>) dst(%dma_wait3A_217 : memref<128x64xbf16, #tpu.memory_space<vmem_shared>>)
    %dma_wait3A_220 = arith.constant 0 : i32
    %dma_wait3A_221 = tpu.memref_slice %arg9[%add3A_196, %dma_wait3A_220] : memref<10112x64xbf16, #tpu.memory_space<vmem_shared>> -> memref<128x64xbf16, #tpu.memory_space<vmem_shared>>
    %dma_wait3A_222 = arith.constant 0 : i32
    %dma_wait3A_223 = tpu.memref_slice %arg2[%add3A_196, %dma_wait3A_222] : memref<10112x64xbf16, #tpu.memory_space<hbm>> -> memref<128x64xbf16, #tpu.memory_space<hbm>>
    tpu.wait_dma2 semaphore(%arg14 : memref<!tpu.dma_semaphore, #tpu.memory_space<semaphore_mem>>) src(%dma_wait3A_223 : memref<128x64xbf16, #tpu.memory_space<hbm>>) dst(%dma_wait3A_221 : memref<128x64xbf16, #tpu.memory_space<vmem_shared>>)
    %dma_wait3A_224 = arith.constant 0 : i32
    %dma_wait3A_225 = tpu.memref_slice %arg9[%add3A_202, %dma_wait3A_224] : memref<10112x64xbf16, #tpu.memory_space<vmem_shared>> -> memref<128x64xbf16, #tpu.memory_space<vmem_shared>>
    %dma_wait3A_226 = arith.constant 0 : i32
    %dma_wait3A_227 = tpu.memref_slice %arg2[%add3A_202, %dma_wait3A_226] : memref<10112x64xbf16, #tpu.memory_space<hbm>> -> memref<128x64xbf16, #tpu.memory_space<hbm>>
    tpu.wait_dma2 semaphore(%arg12 : memref<!tpu.dma_semaphore, #tpu.memory_space<semaphore_mem>>) src(%dma_wait3A_227 : memref<128x64xbf16, #tpu.memory_space<hbm>>) dst(%dma_wait3A_225 : memref<128x64xbf16, #tpu.memory_space<vmem_shared>>)
    %dma_wait3A_228 = arith.constant 0 : i32
    %dma_wait3A_229 = tpu.memref_slice %arg9[%add3A_208, %dma_wait3A_228] : memref<10112x64xbf16, #tpu.memory_space<vmem_shared>> -> memref<120x64xbf16, #tpu.memory_space<vmem_shared>>
    %dma_wait3A_230 = arith.constant 0 : i32
    %dma_wait3A_231 = tpu.memref_slice %arg2[%add3A_208, %dma_wait3A_230] : memref<10112x64xbf16, #tpu.memory_space<hbm>> -> memref<120x64xbf16, #tpu.memory_space<hbm>>
    tpu.wait_dma2 semaphore(%arg13 : memref<!tpu.dma_semaphore, #tpu.memory_space<semaphore_mem>>) src(%dma_wait3A_231 : memref<120x64xbf16, #tpu.memory_space<hbm>>) dst(%dma_wait3A_229 : memref<120x64xbf16, #tpu.memory_space<vmem_shared>>)
    %dma_wait3A_232 = arith.constant 0 : i32
    %dma_wait3A_233 = arith.constant 0 : i32
    %dma_wait3A_234 = arith.constant 0 : i32
    %dma_wait3A_235 = tpu.memref_slice %arg8[%dma_wait3A_232, %dma_wait3A_233, %dma_wait3A_234] : memref<4x128x64xbf16, #tpu.memory_space<vmem>> -> memref<1x128x64xbf16, #tpu.memory_space<vmem>>
    %dma_wait3A_236 = tpu.memref_squeeze %dma_wait3A_235 : memref<1x128x64xbf16, #tpu.memory_space<vmem>> -> memref<128x64xbf16, #tpu.memory_space<vmem>>
    %dma_wait3A_237 = arith.constant 0 : i32
    %dma_wait3A_238 = arith.constant 0 : i32
    %dma_wait3A_239 = tpu.memref_slice %dma_wait3A_236[%dma_wait3A_237, %dma_wait3A_238] : memref<128x64xbf16, #tpu.memory_space<vmem>> -> memref<128x64xbf16, #tpu.memory_space<vmem>>
    %dma_wait3A_240 = arith.constant 0 : i32
    %dma_wait3A_241 = tpu.memref_slice %arg10[%add3A_79, %dma_wait3A_240] : memref<10112x64xbf16, #tpu.memory_space<vmem_shared>> -> memref<128x64xbf16, #tpu.memory_space<vmem_shared>>
    %dma_wait3A_242 = arith.constant 0 : i32
    %dma_wait3A_243 = tpu.memref_slice %arg10[%add3A_79, %dma_wait3A_242] : memref<10112x64xbf16, #tpu.memory_space<vmem_shared>> -> memref<128x64xbf16, #tpu.memory_space<vmem_shared>>
    %dma_wait3A_244 = arith.constant 0 : i32
    %dma_wait3A_245 = arith.constant 0 : i32
    %dma_wait3A_246 = tpu.memref_slice %arg8[%dma_wait3A_232, %dma_wait3A_244, %dma_wait3A_245] : memref<4x128x64xbf16, #tpu.memory_space<vmem>> -> memref<1x128x64xbf16, #tpu.memory_space<vmem>>
    %dma_wait3A_247 = tpu.memref_squeeze %dma_wait3A_246 : memref<1x128x64xbf16, #tpu.memory_space<vmem>> -> memref<128x64xbf16, #tpu.memory_space<vmem>>
    %dma_wait3A_248 = arith.constant 0 : i32
    %dma_wait3A_249 = arith.constant 0 : i32
    %dma_wait3A_250 = tpu.memref_slice %dma_wait3A_247[%dma_wait3A_248, %dma_wait3A_249] : memref<128x64xbf16, #tpu.memory_space<vmem>> -> memref<128x64xbf16, #tpu.memory_space<vmem>>
    tpu.wait_dma2 semaphore(%arg15 : memref<!tpu.dma_semaphore, #tpu.memory_space<semaphore_mem>>) src(%dma_wait3A_250 : memref<128x64xbf16, #tpu.memory_space<vmem>>) dst(%dma_wait3A_243 : memref<128x64xbf16, #tpu.memory_space<vmem_shared>>)
    %dma_wait3A_251 = arith.constant 0 : i32
    %dma_wait3A_252 = arith.constant 0 : i32
    %dma_wait3A_253 = arith.constant 0 : i32
    %dma_wait3A_254 = tpu.memref_slice %arg8[%dma_wait3A_251, %dma_wait3A_252, %dma_wait3A_253] : memref<4x128x64xbf16, #tpu.memory_space<vmem>> -> memref<1x128x64xbf16, #tpu.memory_space<vmem>>
    %dma_wait3A_255 = tpu.memref_squeeze %dma_wait3A_254 : memref<1x128x64xbf16, #tpu.memory_space<vmem>> -> memref<128x64xbf16, #tpu.memory_space<vmem>>
    %dma_wait3A_256 = arith.constant 0 : i32
    %dma_wait3A_257 = arith.constant 0 : i32
    %dma_wait3A_258 = tpu.memref_slice %dma_wait3A_255[%dma_wait3A_256, %dma_wait3A_257] : memref<128x64xbf16, #tpu.memory_space<vmem>> -> memref<128x64xbf16, #tpu.memory_space<vmem>>
    %dma_wait3A_259 = arith.constant 0 : i32
    %dma_wait3A_260 = tpu.memref_slice %arg10[%add3A_100, %dma_wait3A_259] : memref<10112x64xbf16, #tpu.memory_space<vmem_shared>> -> memref<128x64xbf16, #tpu.memory_space<vmem_shared>>
    %dma_wait3A_261 = arith.constant 0 : i32
    %dma_wait3A_262 = tpu.memref_slice %arg10[%add3A_100, %dma_wait3A_261] : memref<10112x64xbf16, #tpu.memory_space<vmem_shared>> -> memref<128x64xbf16, #tpu.memory_space<vmem_shared>>
    %dma_wait3A_263 = arith.constant 0 : i32
    %dma_wait3A_264 = arith.constant 0 : i32
    %dma_wait3A_265 = tpu.memref_slice %arg8[%dma_wait3A_251, %dma_wait3A_263, %dma_wait3A_264] : memref<4x128x64xbf16, #tpu.memory_space<vmem>> -> memref<1x128x64xbf16, #tpu.memory_space<vmem>>
    %dma_wait3A_266 = tpu.memref_squeeze %dma_wait3A_265 : memref<1x128x64xbf16, #tpu.memory_space<vmem>> -> memref<128x64xbf16, #tpu.memory_space<vmem>>
    %dma_wait3A_267 = arith.constant 0 : i32
    %dma_wait3A_268 = arith.constant 0 : i32
    %dma_wait3A_269 = tpu.memref_slice %dma_wait3A_266[%dma_wait3A_267, %dma_wait3A_268] : memref<128x64xbf16, #tpu.memory_space<vmem>> -> memref<128x64xbf16, #tpu.memory_space<vmem>>
    tpu.wait_dma2 semaphore(%arg15 : memref<!tpu.dma_semaphore, #tpu.memory_space<semaphore_mem>>) src(%dma_wait3A_269 : memref<128x64xbf16, #tpu.memory_space<vmem>>) dst(%dma_wait3A_262 : memref<128x64xbf16, #tpu.memory_space<vmem_shared>>)
    %dma_wait3A_270 = arith.constant 0 : i32
    %dma_wait3A_271 = arith.constant 0 : i32
    %dma_wait3A_272 = arith.constant 0 : i32
    %dma_wait3A_273 = tpu.memref_slice %arg8[%dma_wait3A_270, %dma_wait3A_271, %dma_wait3A_272] : memref<4x128x64xbf16, #tpu.memory_space<vmem>> -> memref<1x128x64xbf16, #tpu.memory_space<vmem>>
    %dma_wait3A_274 = tpu.memref_squeeze %dma_wait3A_273 : memref<1x128x64xbf16, #tpu.memory_space<vmem>> -> memref<128x64xbf16, #tpu.memory_space<vmem>>
    %dma_wait3A_275 = arith.constant 0 : i32
    %dma_wait3A_276 = arith.constant 0 : i32
    %dma_wait3A_277 = tpu.memref_slice %dma_wait3A_274[%dma_wait3A_275, %dma_wait3A_276] : memref<128x64xbf16, #tpu.memory_space<vmem>> -> memref<128x64xbf16, #tpu.memory_space<vmem>>
    %dma_wait3A_278 = arith.constant 0 : i32
    %dma_wait3A_279 = tpu.memref_slice %arg10[%add3A_121, %dma_wait3A_278] : memref<10112x64xbf16, #tpu.memory_space<vmem_shared>> -> memref<128x64xbf16, #tpu.memory_space<vmem_shared>>
    %dma_wait3A_280 = arith.constant 0 : i32
    %dma_wait3A_281 = tpu.memref_slice %arg10[%add3A_121, %dma_wait3A_280] : memref<10112x64xbf16, #tpu.memory_space<vmem_shared>> -> memref<128x64xbf16, #tpu.memory_space<vmem_shared>>
    %dma_wait3A_282 = arith.constant 0 : i32
    %dma_wait3A_283 = arith.constant 0 : i32
    %dma_wait3A_284 = tpu.memref_slice %arg8[%dma_wait3A_270, %dma_wait3A_282, %dma_wait3A_283] : memref<4x128x64xbf16, #tpu.memory_space<vmem>> -> memref<1x128x64xbf16, #tpu.memory_space<vmem>>
    %dma_wait3A_285 = tpu.memref_squeeze %dma_wait3A_284 : memref<1x128x64xbf16, #tpu.memory_space<vmem>> -> memref<128x64xbf16, #tpu.memory_space<vmem>>
    %dma_wait3A_286 = arith.constant 0 : i32
    %dma_wait3A_287 = arith.constant 0 : i32
    %dma_wait3A_288 = tpu.memref_slice %dma_wait3A_285[%dma_wait3A_286, %dma_wait3A_287] : memref<128x64xbf16, #tpu.memory_space<vmem>> -> memref<128x64xbf16, #tpu.memory_space<vmem>>
    tpu.wait_dma2 semaphore(%arg15 : memref<!tpu.dma_semaphore, #tpu.memory_space<semaphore_mem>>) src(%dma_wait3A_288 : memref<128x64xbf16, #tpu.memory_space<vmem>>) dst(%dma_wait3A_281 : memref<128x64xbf16, #tpu.memory_space<vmem_shared>>)
    %dma_wait3A_289 = arith.constant 0 : i32
    %dma_wait3A_290 = arith.constant 0 : i32
    %dma_wait3A_291 = arith.constant 0 : i32
    %dma_wait3A_292 = tpu.memref_slice %arg8[%dma_wait3A_289, %dma_wait3A_290, %dma_wait3A_291] : memref<4x128x64xbf16, #tpu.memory_space<vmem>> -> memref<1x128x64xbf16, #tpu.memory_space<vmem>>
    %dma_wait3A_293 = tpu.memref_squeeze %dma_wait3A_292 : memref<1x128x64xbf16, #tpu.memory_space<vmem>> -> memref<128x64xbf16, #tpu.memory_space<vmem>>
    %dma_wait3A_294 = arith.constant 0 : i32
    %dma_wait3A_295 = arith.constant 0 : i32
    %dma_wait3A_296 = tpu.memref_slice %dma_wait3A_293[%dma_wait3A_294, %dma_wait3A_295] : memref<128x64xbf16, #tpu.memory_space<vmem>> -> memref<128x64xbf16, #tpu.memory_space<vmem>>
    %dma_wait3A_297 = arith.constant 0 : i32
    %dma_wait3A_298 = tpu.memref_slice %arg10[%add3A_142, %dma_wait3A_297] : memref<10112x64xbf16, #tpu.memory_space<vmem_shared>> -> memref<128x64xbf16, #tpu.memory_space<vmem_shared>>
    %dma_wait3A_299 = arith.constant 0 : i32
    %dma_wait3A_300 = tpu.memref_slice %arg10[%add3A_142, %dma_wait3A_299] : memref<10112x64xbf16, #tpu.memory_space<vmem_shared>> -> memref<128x64xbf16, #tpu.memory_space<vmem_shared>>
    %dma_wait3A_301 = arith.constant 0 : i32
    %dma_wait3A_302 = arith.constant 0 : i32
    %dma_wait3A_303 = tpu.memref_slice %arg8[%dma_wait3A_289, %dma_wait3A_301, %dma_wait3A_302] : memref<4x128x64xbf16, #tpu.memory_space<vmem>> -> memref<1x128x64xbf16, #tpu.memory_space<vmem>>
    %dma_wait3A_304 = tpu.memref_squeeze %dma_wait3A_303 : memref<1x128x64xbf16, #tpu.memory_space<vmem>> -> memref<128x64xbf16, #tpu.memory_space<vmem>>
    %dma_wait3A_305 = arith.constant 0 : i32
    %dma_wait3A_306 = arith.constant 0 : i32
    %dma_wait3A_307 = tpu.memref_slice %dma_wait3A_304[%dma_wait3A_305, %dma_wait3A_306] : memref<128x64xbf16, #tpu.memory_space<vmem>> -> memref<128x64xbf16, #tpu.memory_space<vmem>>
    tpu.wait_dma2 semaphore(%arg15 : memref<!tpu.dma_semaphore, #tpu.memory_space<semaphore_mem>>) src(%dma_wait3A_307 : memref<128x64xbf16, #tpu.memory_space<vmem>>) dst(%dma_wait3A_300 : memref<128x64xbf16, #tpu.memory_space<vmem_shared>>)
    %dma_wait3A_308 = arith.constant 0 : i32
    %dma_wait3A_309 = arith.constant 0 : i32
    %dma_wait3A_310 = arith.constant 0 : i32
    %dma_wait3A_311 = tpu.memref_slice %arg8[%dma_wait3A_308, %dma_wait3A_309, %dma_wait3A_310] : memref<4x128x64xbf16, #tpu.memory_space<vmem>> -> memref<1x128x64xbf16, #tpu.memory_space<vmem>>
    %dma_wait3A_312 = tpu.memref_squeeze %dma_wait3A_311 : memref<1x128x64xbf16, #tpu.memory_space<vmem>> -> memref<128x64xbf16, #tpu.memory_space<vmem>>
    %dma_wait3A_313 = arith.constant 0 : i32
    %dma_wait3A_314 = arith.constant 0 : i32
    %dma_wait3A_315 = tpu.memref_slice %dma_wait3A_312[%dma_wait3A_313, %dma_wait3A_314] : memref<128x64xbf16, #tpu.memory_space<vmem>> -> memref<120x64xbf16, #tpu.memory_space<vmem>>
    %dma_wait3A_316 = arith.constant 0 : i32
    %dma_wait3A_317 = tpu.memref_slice %arg10[%add3A_163, %dma_wait3A_316] : memref<10112x64xbf16, #tpu.memory_space<vmem_shared>> -> memref<120x64xbf16, #tpu.memory_space<vmem_shared>>
    %dma_wait3A_318 = arith.constant 0 : i32
    %dma_wait3A_319 = tpu.memref_slice %arg10[%add3A_163, %dma_wait3A_318] : memref<10112x64xbf16, #tpu.memory_space<vmem_shared>> -> memref<120x64xbf16, #tpu.memory_space<vmem_shared>>
    %dma_wait3A_320 = arith.constant 0 : i32
    %dma_wait3A_321 = arith.constant 0 : i32
    %dma_wait3A_322 = tpu.memref_slice %arg8[%dma_wait3A_308, %dma_wait3A_320, %dma_wait3A_321] : memref<4x128x64xbf16, #tpu.memory_space<vmem>> -> memref<1x128x64xbf16, #tpu.memory_space<vmem>>
    %dma_wait3A_323 = tpu.memref_squeeze %dma_wait3A_322 : memref<1x128x64xbf16, #tpu.memory_space<vmem>> -> memref<128x64xbf16, #tpu.memory_space<vmem>>
    %dma_wait3A_324 = arith.constant 0 : i32
    %dma_wait3A_325 = arith.constant 0 : i32
    %dma_wait3A_326 = tpu.memref_slice %dma_wait3A_323[%dma_wait3A_324, %dma_wait3A_325] : memref<128x64xbf16, #tpu.memory_space<vmem>> -> memref<120x64xbf16, #tpu.memory_space<vmem>>
    tpu.wait_dma2 semaphore(%arg15 : memref<!tpu.dma_semaphore, #tpu.memory_space<semaphore_mem>>) src(%dma_wait3A_326 : memref<120x64xbf16, #tpu.memory_space<vmem>>) dst(%dma_wait3A_319 : memref<120x64xbf16, #tpu.memory_space<vmem_shared>>)
    %dma_wait3A_327 = arith.constant 0 : i32
    %dma_wait3A_328 = arith.constant 0 : i32
    %dma_wait3A_329 = arith.constant 0 : i32
    %dma_wait3A_330 = tpu.memref_slice %arg6[%dma_wait3A_327, %dma_wait3A_328, %dma_wait3A_329] : memref<3x8x128xi32, #tpu.memory_space<vmem>> -> memref<1x8x128xi32, #tpu.memory_space<vmem>>
    %dma_wait3A_331 = tpu.memref_squeeze %dma_wait3A_330 : memref<1x8x128xi32, #tpu.memory_space<vmem>> -> memref<8x128xi32, #tpu.memory_space<vmem>>
    %dma_wait3A_332 = arith.constant 0 : i32
    %dma_wait3A_333 = arith.constant 0 : i32
    %dma_wait3A_334 = tpu.memref_slice %arg3[%add3A, %dma_wait3A_332, %dma_wait3A_333] : memref<32x80x128xi32, #tpu.memory_space<hbm>> -> memref<1x8x128xi32, #tpu.memory_space<hbm>>
    %dma_wait3A_335 = tpu.memref_squeeze %dma_wait3A_334 : memref<1x8x128xi32, #tpu.memory_space<hbm>> -> memref<8x128xi32, #tpu.memory_space<hbm>>
    %dma_wait3A_336 = arith.constant 0 : i32
    %dma_wait3A_337 = arith.constant 0 : i32
    %dma_wait3A_338 = tpu.memref_slice %arg6[%dma_wait3A_327, %dma_wait3A_336, %dma_wait3A_337] : memref<3x8x128xi32, #tpu.memory_space<vmem>> -> memref<1x8x128xi32, #tpu.memory_space<vmem>>
    %dma_wait3A_339 = tpu.memref_squeeze %dma_wait3A_338 : memref<1x8x128xi32, #tpu.memory_space<vmem>> -> memref<8x128xi32, #tpu.memory_space<vmem>>
    %dma_wait3A_340 = arith.constant 0 : i32
    %dma_wait3A_341 = arith.constant 0 : i32
    %dma_wait3A_342 = tpu.memref_slice %arg3[%add3A, %dma_wait3A_340, %dma_wait3A_341] : memref<32x80x128xi32, #tpu.memory_space<hbm>> -> memref<1x8x128xi32, #tpu.memory_space<hbm>>
    %dma_wait3A_343 = tpu.memref_squeeze %dma_wait3A_342 : memref<1x8x128xi32, #tpu.memory_space<hbm>> -> memref<8x128xi32, #tpu.memory_space<hbm>>
    tpu.wait_dma2 semaphore(%arg11 : memref<!tpu.dma_semaphore, #tpu.memory_space<semaphore_mem>>) src(%dma_wait3A_343 : memref<8x128xi32, #tpu.memory_space<hbm>>) dst(%dma_wait3A_339 : memref<8x128xi32, #tpu.memory_space<vmem>>)
    %dma_wait3A_344 = arith.constant 0 : i32
    %dma_wait3A_345 = arith.constant 0 : i32
    %dma_wait3A_346 = arith.constant 0 : i32
    %dma_wait3A_347 = tpu.memref_slice %arg7[%dma_wait3A_344, %dma_wait3A_345, %dma_wait3A_346] : memref<3x8x128xi32, #tpu.memory_space<vmem>> -> memref<1x8x128xi32, #tpu.memory_space<vmem>>
    %dma_wait3A_348 = tpu.memref_squeeze %dma_wait3A_347 : memref<1x8x128xi32, #tpu.memory_space<vmem>> -> memref<8x128xi32, #tpu.memory_space<vmem>>
    %dma_wait3A_349 = arith.constant 0 : i32
    %dma_wait3A_350 = arith.constant 0 : i32
    %dma_wait3A_351 = tpu.memref_slice %arg4[%add3A, %dma_wait3A_349, %dma_wait3A_350] : memref<32x80x128xi32, #tpu.memory_space<hbm>> -> memref<1x8x128xi32, #tpu.memory_space<hbm>>
    %dma_wait3A_352 = tpu.memref_squeeze %dma_wait3A_351 : memref<1x8x128xi32, #tpu.memory_space<hbm>> -> memref<8x128xi32, #tpu.memory_space<hbm>>
    %dma_wait3A_353 = arith.constant 0 : i32
    %dma_wait3A_354 = arith.constant 0 : i32
    %dma_wait3A_355 = tpu.memref_slice %arg7[%dma_wait3A_344, %dma_wait3A_353, %dma_wait3A_354] : memref<3x8x128xi32, #tpu.memory_space<vmem>> -> memref<1x8x128xi32, #tpu.memory_space<vmem>>
    %dma_wait3A_356 = tpu.memref_squeeze %dma_wait3A_355 : memref<1x8x128xi32, #tpu.memory_space<vmem>> -> memref<8x128xi32, #tpu.memory_space<vmem>>
    %dma_wait3A_357 = arith.constant 0 : i32
    %dma_wait3A_358 = arith.constant 0 : i32
    %dma_wait3A_359 = tpu.memref_slice %arg4[%add3A, %dma_wait3A_357, %dma_wait3A_358] : memref<32x80x128xi32, #tpu.memory_space<hbm>> -> memref<1x8x128xi32, #tpu.memory_space<hbm>>
    %dma_wait3A_360 = tpu.memref_squeeze %dma_wait3A_359 : memref<1x8x128xi32, #tpu.memory_space<hbm>> -> memref<8x128xi32, #tpu.memory_space<hbm>>
    tpu.wait_dma2 semaphore(%arg11 : memref<!tpu.dma_semaphore, #tpu.memory_space<semaphore_mem>>) src(%dma_wait3A_360 : memref<8x128xi32, #tpu.memory_space<hbm>>) dst(%dma_wait3A_356 : memref<8x128xi32, #tpu.memory_space<vmem>>)
    %barrier3A = arith.constant 0 : index
    tpu.barrier barrier_id(%barrier3A)
    %dma_start3A_361 = arith.constant 0 : i32
    %dma_start3A_362 = arith.constant 0 : i32
    %dma_start3A_363 = arith.constant 0 : i32
    %dma_start3A_364 = arith.constant 0 : i32
    %dma_start3A_365 = arith.constant 0 : i32
    %dma_start3A_366 = tpu.memref_slice %arg8[%dma_start3A_363, %dma_start3A_364, %dma_start3A_365] : memref<4x128x64xbf16, #tpu.memory_space<vmem>> -> memref<1x128x64xbf16, #tpu.memory_space<vmem>>
    %dma_start3A_367 = tpu.memref_squeeze %dma_start3A_366 : memref<1x128x64xbf16, #tpu.memory_space<vmem>> -> memref<128x64xbf16, #tpu.memory_space<vmem>>
    %dma_start3A_368 = arith.constant 0 : i32
    %dma_start3A_369 = tpu.memref_slice %arg6[%dma_start3A_361, %dma_start3A_362, %dma_start3A_368] : memref<3x8x128xi32, #tpu.memory_space<vmem>> -> memref<1x1x128xi32, #tpu.memory_space<vmem>>
    %dma_start3A_370 = tpu.memref_squeeze %dma_start3A_369 : memref<1x1x128xi32, #tpu.memory_space<vmem>> -> memref<128xi32, #tpu.memory_space<vmem>>
    %dma_start3A_371 = arith.constant 0 : i32
    %dma_start3A_372 = arith.constant 0 : i32
    %dma_start3A_373 = tpu.memref_slice %arg9[%dma_start3A_371, %dma_start3A_372] : memref<10112x64xbf16, #tpu.memory_space<vmem_shared>> -> memref<10112x64xbf16, #tpu.memory_space<vmem_shared>>
    tpu.enqueue_indirect_dma source(%dma_start3A_373 : memref<10112x64xbf16, #tpu.memory_space<vmem_shared>>) target(%dma_start3A_367 : memref<128x64xbf16, #tpu.memory_space<vmem>>) offsets(%dma_start3A_370 : memref<128xi32, #tpu.memory_space<vmem>>) semaphore(%arg11 : memref<!tpu.dma_semaphore, #tpu.memory_space<semaphore_mem>>)
    %dma_start3A_374 = arith.constant 0 : i32
    %dma_start3A_375 = arith.constant 1 : i32
    %dma_start3A_376 = arith.constant 1 : i32
    %dma_start3A_377 = arith.constant 0 : i32
    %dma_start3A_378 = arith.constant 0 : i32
    %dma_start3A_379 = tpu.memref_slice %arg8[%dma_start3A_376, %dma_start3A_377, %dma_start3A_378] : memref<4x128x64xbf16, #tpu.memory_space<vmem>> -> memref<1x128x64xbf16, #tpu.memory_space<vmem>>
    %dma_start3A_380 = tpu.memref_squeeze %dma_start3A_379 : memref<1x128x64xbf16, #tpu.memory_space<vmem>> -> memref<128x64xbf16, #tpu.memory_space<vmem>>
    %dma_start3A_381 = arith.constant 0 : i32
    %dma_start3A_382 = tpu.memref_slice %arg6[%dma_start3A_374, %dma_start3A_375, %dma_start3A_381] : memref<3x8x128xi32, #tpu.memory_space<vmem>> -> memref<1x1x128xi32, #tpu.memory_space<vmem>>
    %dma_start3A_383 = tpu.memref_squeeze %dma_start3A_382 : memref<1x1x128xi32, #tpu.memory_space<vmem>> -> memref<128xi32, #tpu.memory_space<vmem>>
    %dma_start3A_384 = arith.constant 0 : i32
    %dma_start3A_385 = arith.constant 0 : i32
    %dma_start3A_386 = tpu.memref_slice %arg9[%dma_start3A_384, %dma_start3A_385] : memref<10112x64xbf16, #tpu.memory_space<vmem_shared>> -> memref<10112x64xbf16, #tpu.memory_space<vmem_shared>>
    tpu.enqueue_indirect_dma source(%dma_start3A_386 : memref<10112x64xbf16, #tpu.memory_space<vmem_shared>>) target(%dma_start3A_380 : memref<128x64xbf16, #tpu.memory_space<vmem>>) offsets(%dma_start3A_383 : memref<128xi32, #tpu.memory_space<vmem>>) semaphore(%arg12 : memref<!tpu.dma_semaphore, #tpu.memory_space<semaphore_mem>>)
    %dma_start3A_387 = arith.constant 0 : i32
    %dma_start3A_388 = arith.constant 2 : i32
    %dma_start3A_389 = arith.constant 2 : i32
    %dma_start3A_390 = arith.constant 0 : i32
    %dma_start3A_391 = arith.constant 0 : i32
    %dma_start3A_392 = tpu.memref_slice %arg8[%dma_start3A_389, %dma_start3A_390, %dma_start3A_391] : memref<4x128x64xbf16, #tpu.memory_space<vmem>> -> memref<1x128x64xbf16, #tpu.memory_space<vmem>>
    %dma_start3A_393 = tpu.memref_squeeze %dma_start3A_392 : memref<1x128x64xbf16, #tpu.memory_space<vmem>> -> memref<128x64xbf16, #tpu.memory_space<vmem>>
    %dma_start3A_394 = arith.constant 0 : i32
    %dma_start3A_395 = tpu.memref_slice %arg6[%dma_start3A_387, %dma_start3A_388, %dma_start3A_394] : memref<3x8x128xi32, #tpu.memory_space<vmem>> -> memref<1x1x128xi32, #tpu.memory_space<vmem>>
    %dma_start3A_396 = tpu.memref_squeeze %dma_start3A_395 : memref<1x1x128xi32, #tpu.memory_space<vmem>> -> memref<128xi32, #tpu.memory_space<vmem>>
    %dma_start3A_397 = arith.constant 0 : i32
    %dma_start3A_398 = arith.constant 0 : i32
    %dma_start3A_399 = tpu.memref_slice %arg9[%dma_start3A_397, %dma_start3A_398] : memref<10112x64xbf16, #tpu.memory_space<vmem_shared>> -> memref<10112x64xbf16, #tpu.memory_space<vmem_shared>>
    tpu.enqueue_indirect_dma source(%dma_start3A_399 : memref<10112x64xbf16, #tpu.memory_space<vmem_shared>>) target(%dma_start3A_393 : memref<128x64xbf16, #tpu.memory_space<vmem>>) offsets(%dma_start3A_396 : memref<128xi32, #tpu.memory_space<vmem>>) semaphore(%arg13 : memref<!tpu.dma_semaphore, #tpu.memory_space<semaphore_mem>>)
    %dma_wait3A_400 = arith.constant 0 : i32
    %dma_wait3A_401 = arith.constant 0 : i32
    %dma_wait3A_402 = arith.constant 0 : i32
    %dma_wait3A_403 = tpu.memref_slice %arg8[%dma_wait3A_400, %dma_wait3A_401, %dma_wait3A_402] : memref<4x128x64xbf16, #tpu.memory_space<vmem>> -> memref<1x128x64xbf16, #tpu.memory_space<vmem>>
    %dma_wait3A_404 = tpu.memref_squeeze %dma_wait3A_403 : memref<1x128x64xbf16, #tpu.memory_space<vmem>> -> memref<128x64xbf16, #tpu.memory_space<vmem>>
    %dma_wait3A_405 = arith.constant 0 : i32
    %dma_wait3A_406 = arith.constant 0 : i32
    %dma_wait3A_407 = tpu.memref_slice %arg2[%dma_wait3A_405, %dma_wait3A_406] : memref<10112x64xbf16, #tpu.memory_space<hbm>> -> memref<128x64xbf16, #tpu.memory_space<hbm>>
    %dma_wait3A_408 = arith.constant 0 : i32
    %dma_wait3A_409 = arith.constant 0 : i32
    %dma_wait3A_410 = tpu.memref_slice %arg8[%dma_wait3A_400, %dma_wait3A_408, %dma_wait3A_409] : memref<4x128x64xbf16, #tpu.memory_space<vmem>> -> memref<1x128x64xbf16, #tpu.memory_space<vmem>>
    %dma_wait3A_411 = tpu.memref_squeeze %dma_wait3A_410 : memref<1x128x64xbf16, #tpu.memory_space<vmem>> -> memref<128x64xbf16, #tpu.memory_space<vmem>>
    %dma_wait3A_412 = arith.constant 0 : i32
    %dma_wait3A_413 = arith.constant 0 : i32
    %dma_wait3A_414 = tpu.memref_slice %arg2[%dma_wait3A_412, %dma_wait3A_413] : memref<10112x64xbf16, #tpu.memory_space<hbm>> -> memref<128x64xbf16, #tpu.memory_space<hbm>>
    tpu.wait_dma2 semaphore(%arg11 : memref<!tpu.dma_semaphore, #tpu.memory_space<semaphore_mem>>) src(%dma_wait3A_414 : memref<128x64xbf16, #tpu.memory_space<hbm>>) dst(%dma_wait3A_411 : memref<128x64xbf16, #tpu.memory_space<vmem>>)
    %dma_start3A_415 = arith.constant 0 : i32
    %dma_start3A_416 = arith.constant 0 : i32
    %dma_start3A_417 = arith.constant 0 : i32
    %dma_start3A_418 = arith.constant 0 : i32
    %dma_start3A_419 = arith.constant 0 : i32
    %dma_start3A_420 = tpu.memref_slice %arg8[%dma_start3A_415, %dma_start3A_418, %dma_start3A_419] : memref<4x128x64xbf16, #tpu.memory_space<vmem>> -> memref<1x128x64xbf16, #tpu.memory_space<vmem>>
    %dma_start3A_421 = tpu.memref_squeeze %dma_start3A_420 : memref<1x128x64xbf16, #tpu.memory_space<vmem>> -> memref<128x64xbf16, #tpu.memory_space<vmem>>
    %dma_start3A_422 = arith.constant 0 : i32
    %dma_start3A_423 = tpu.memref_slice %arg7[%dma_start3A_416, %dma_start3A_417, %dma_start3A_422] : memref<3x8x128xi32, #tpu.memory_space<vmem>> -> memref<1x1x128xi32, #tpu.memory_space<vmem>>
    %dma_start3A_424 = tpu.memref_squeeze %dma_start3A_423 : memref<1x1x128xi32, #tpu.memory_space<vmem>> -> memref<128xi32, #tpu.memory_space<vmem>>
    %dma_start3A_425 = arith.constant 0 : i32
    %dma_start3A_426 = arith.constant 0 : i32
    %dma_start3A_427 = tpu.memref_slice %arg10[%dma_start3A_425, %dma_start3A_426] : memref<10112x64xbf16, #tpu.memory_space<vmem_shared>> -> memref<10112x64xbf16, #tpu.memory_space<vmem_shared>>
    tpu.enqueue_indirect_dma source(%dma_start3A_421 : memref<128x64xbf16, #tpu.memory_space<vmem>>) target(%dma_start3A_427 : memref<10112x64xbf16, #tpu.memory_space<vmem_shared>>) offsets(%dma_start3A_424 : memref<128xi32, #tpu.memory_space<vmem>>) semaphore(%arg15 : memref<!tpu.dma_semaphore, #tpu.memory_space<semaphore_mem>>) {add = true}
    %dma_start3A_428 = arith.constant 0 : i32
    %dma_start3A_429 = arith.constant 3 : i32
    %dma_start3A_430 = arith.constant 3 : i32
    %dma_start3A_431 = arith.constant 0 : i32
    %dma_start3A_432 = arith.constant 0 : i32
    %dma_start3A_433 = tpu.memref_slice %arg8[%dma_start3A_430, %dma_start3A_431, %dma_start3A_432] : memref<4x128x64xbf16, #tpu.memory_space<vmem>> -> memref<1x128x64xbf16, #tpu.memory_space<vmem>>
    %dma_start3A_434 = tpu.memref_squeeze %dma_start3A_433 : memref<1x128x64xbf16, #tpu.memory_space<vmem>> -> memref<128x64xbf16, #tpu.memory_space<vmem>>
    %dma_start3A_435 = arith.constant 0 : i32
    %dma_start3A_436 = tpu.memref_slice %arg6[%dma_start3A_428, %dma_start3A_429, %dma_start3A_435] : memref<3x8x128xi32, #tpu.memory_space<vmem>> -> memref<1x1x128xi32, #tpu.memory_space<vmem>>
    %dma_start3A_437 = tpu.memref_squeeze %dma_start3A_436 : memref<1x1x128xi32, #tpu.memory_space<vmem>> -> memref<128xi32, #tpu.memory_space<vmem>>
    %dma_start3A_438 = arith.constant 0 : i32
    %dma_start3A_439 = arith.constant 0 : i32
    %dma_start3A_440 = tpu.memref_slice %arg9[%dma_start3A_438, %dma_start3A_439] : memref<10112x64xbf16, #tpu.memory_space<vmem_shared>> -> memref<10112x64xbf16, #tpu.memory_space<vmem_shared>>
    tpu.enqueue_indirect_dma source(%dma_start3A_440 : memref<10112x64xbf16, #tpu.memory_space<vmem_shared>>) target(%dma_start3A_434 : memref<128x64xbf16, #tpu.memory_space<vmem>>) offsets(%dma_start3A_437 : memref<128xi32, #tpu.memory_space<vmem>>) semaphore(%arg14 : memref<!tpu.dma_semaphore, #tpu.memory_space<semaphore_mem>>)
    %dma_wait3A_441 = arith.constant 1 : i32
    %dma_wait3A_442 = arith.constant 0 : i32
    %dma_wait3A_443 = arith.constant 0 : i32
    %dma_wait3A_444 = tpu.memref_slice %arg8[%dma_wait3A_441, %dma_wait3A_442, %dma_wait3A_443] : memref<4x128x64xbf16, #tpu.memory_space<vmem>> -> memref<1x128x64xbf16, #tpu.memory_space<vmem>>
    %dma_wait3A_445 = tpu.memref_squeeze %dma_wait3A_444 : memref<1x128x64xbf16, #tpu.memory_space<vmem>> -> memref<128x64xbf16, #tpu.memory_space<vmem>>
    %dma_wait3A_446 = arith.constant 0 : i32
    %dma_wait3A_447 = arith.constant 0 : i32
    %dma_wait3A_448 = tpu.memref_slice %arg2[%dma_wait3A_446, %dma_wait3A_447] : memref<10112x64xbf16, #tpu.memory_space<hbm>> -> memref<128x64xbf16, #tpu.memory_space<hbm>>
    %dma_wait3A_449 = arith.constant 0 : i32
    %dma_wait3A_450 = arith.constant 0 : i32
    %dma_wait3A_451 = tpu.memref_slice %arg8[%dma_wait3A_441, %dma_wait3A_449, %dma_wait3A_450] : memref<4x128x64xbf16, #tpu.memory_space<vmem>> -> memref<1x128x64xbf16, #tpu.memory_space<vmem>>
    %dma_wait3A_452 = tpu.memref_squeeze %dma_wait3A_451 : memref<1x128x64xbf16, #tpu.memory_space<vmem>> -> memref<128x64xbf16, #tpu.memory_space<vmem>>
    %dma_wait3A_453 = arith.constant 0 : i32
    %dma_wait3A_454 = arith.constant 0 : i32
    %dma_wait3A_455 = tpu.memref_slice %arg2[%dma_wait3A_453, %dma_wait3A_454] : memref<10112x64xbf16, #tpu.memory_space<hbm>> -> memref<128x64xbf16, #tpu.memory_space<hbm>>
    tpu.wait_dma2 semaphore(%arg12 : memref<!tpu.dma_semaphore, #tpu.memory_space<semaphore_mem>>) src(%dma_wait3A_455 : memref<128x64xbf16, #tpu.memory_space<hbm>>) dst(%dma_wait3A_452 : memref<128x64xbf16, #tpu.memory_space<vmem>>)
    %dma_start3A_456 = arith.constant 1 : i32
    %dma_start3A_457 = arith.constant 0 : i32
    %dma_start3A_458 = arith.constant 1 : i32
    %dma_start3A_459 = arith.constant 0 : i32
    %dma_start3A_460 = arith.constant 0 : i32
    %dma_start3A_461 = tpu.memref_slice %arg8[%dma_start3A_456, %dma_start3A_459, %dma_start3A_460] : memref<4x128x64xbf16, #tpu.memory_space<vmem>> -> memref<1x128x64xbf16, #tpu.memory_space<vmem>>
    %dma_start3A_462 = tpu.memref_squeeze %dma_start3A_461 : memref<1x128x64xbf16, #tpu.memory_space<vmem>> -> memref<128x64xbf16, #tpu.memory_space<vmem>>
    %dma_start3A_463 = arith.constant 0 : i32
    %dma_start3A_464 = tpu.memref_slice %arg7[%dma_start3A_457, %dma_start3A_458, %dma_start3A_463] : memref<3x8x128xi32, #tpu.memory_space<vmem>> -> memref<1x1x128xi32, #tpu.memory_space<vmem>>
    %dma_start3A_465 = tpu.memref_squeeze %dma_start3A_464 : memref<1x1x128xi32, #tpu.memory_space<vmem>> -> memref<128xi32, #tpu.memory_space<vmem>>
    %dma_start3A_466 = arith.constant 0 : i32
    %dma_start3A_467 = arith.constant 0 : i32
    %dma_start3A_468 = tpu.memref_slice %arg10[%dma_start3A_466, %dma_start3A_467] : memref<10112x64xbf16, #tpu.memory_space<vmem_shared>> -> memref<10112x64xbf16, #tpu.memory_space<vmem_shared>>
    tpu.enqueue_indirect_dma source(%dma_start3A_462 : memref<128x64xbf16, #tpu.memory_space<vmem>>) target(%dma_start3A_468 : memref<10112x64xbf16, #tpu.memory_space<vmem_shared>>) offsets(%dma_start3A_465 : memref<128xi32, #tpu.memory_space<vmem>>) semaphore(%arg16 : memref<!tpu.dma_semaphore, #tpu.memory_space<semaphore_mem>>) {add = true}
    %dma_wait3A_469 = arith.constant 0 : i32
    %dma_wait3A_470 = arith.constant 0 : i32
    %dma_wait3A_471 = arith.constant 0 : i32
    %dma_wait3A_472 = tpu.memref_slice %arg8[%dma_wait3A_469, %dma_wait3A_470, %dma_wait3A_471] : memref<4x128x64xbf16, #tpu.memory_space<vmem>> -> memref<1x128x64xbf16, #tpu.memory_space<vmem>>
    %dma_wait3A_473 = tpu.memref_squeeze %dma_wait3A_472 : memref<1x128x64xbf16, #tpu.memory_space<vmem>> -> memref<128x64xbf16, #tpu.memory_space<vmem>>
    %dma_wait3A_474 = arith.constant 0 : i32
    %dma_wait3A_475 = arith.constant 0 : i32
    %dma_wait3A_476 = tpu.memref_slice %arg2[%dma_wait3A_474, %dma_wait3A_475] : memref<10112x64xbf16, #tpu.memory_space<hbm>> -> memref<128x64xbf16, #tpu.memory_space<hbm>>
    %dma_wait3A_477 = arith.constant 0 : i32
    %dma_wait3A_478 = arith.constant 0 : i32
    %dma_wait3A_479 = tpu.memref_slice %arg8[%dma_wait3A_469, %dma_wait3A_477, %dma_wait3A_478] : memref<4x128x64xbf16, #tpu.memory_space<vmem>> -> memref<1x128x64xbf16, #tpu.memory_space<vmem>>
    %dma_wait3A_480 = tpu.memref_squeeze %dma_wait3A_479 : memref<1x128x64xbf16, #tpu.memory_space<vmem>> -> memref<128x64xbf16, #tpu.memory_space<vmem>>
    %dma_wait3A_481 = arith.constant 0 : i32
    %dma_wait3A_482 = arith.constant 0 : i32
    %dma_wait3A_483 = tpu.memref_slice %arg2[%dma_wait3A_481, %dma_wait3A_482] : memref<10112x64xbf16, #tpu.memory_space<hbm>> -> memref<128x64xbf16, #tpu.memory_space<hbm>>
    tpu.wait_dma2 semaphore(%arg15 : memref<!tpu.dma_semaphore, #tpu.memory_space<semaphore_mem>>) src(%dma_wait3A_483 : memref<128x64xbf16, #tpu.memory_space<hbm>>) dst(%dma_wait3A_480 : memref<128x64xbf16, #tpu.memory_space<vmem>>)
    %dma_start3A_484 = arith.constant 0 : i32
    %dma_start3A_485 = arith.constant 4 : i32
    %dma_start3A_486 = arith.constant 0 : i32
    %dma_start3A_487 = arith.constant 0 : i32
    %dma_start3A_488 = arith.constant 0 : i32
    %dma_start3A_489 = tpu.memref_slice %arg8[%dma_start3A_486, %dma_start3A_487, %dma_start3A_488] : memref<4x128x64xbf16, #tpu.memory_space<vmem>> -> memref<1x128x64xbf16, #tpu.memory_space<vmem>>
    %dma_start3A_490 = tpu.memref_squeeze %dma_start3A_489 : memref<1x128x64xbf16, #tpu.memory_space<vmem>> -> memref<128x64xbf16, #tpu.memory_space<vmem>>
    %dma_start3A_491 = arith.constant 0 : i32
    %dma_start3A_492 = tpu.memref_slice %arg6[%dma_start3A_484, %dma_start3A_485, %dma_start3A_491] : memref<3x8x128xi32, #tpu.memory_space<vmem>> -> memref<1x1x128xi32, #tpu.memory_space<vmem>>
    %dma_start3A_493 = tpu.memref_squeeze %dma_start3A_492 : memref<1x1x128xi32, #tpu.memory_space<vmem>> -> memref<128xi32, #tpu.memory_space<vmem>>
    %dma_start3A_494 = arith.constant 0 : i32
    %dma_start3A_495 = arith.constant 0 : i32
    %dma_start3A_496 = tpu.memref_slice %arg9[%dma_start3A_494, %dma_start3A_495] : memref<10112x64xbf16, #tpu.memory_space<vmem_shared>> -> memref<10112x64xbf16, #tpu.memory_space<vmem_shared>>
    tpu.enqueue_indirect_dma source(%dma_start3A_496 : memref<10112x64xbf16, #tpu.memory_space<vmem_shared>>) target(%dma_start3A_490 : memref<128x64xbf16, #tpu.memory_space<vmem>>) offsets(%dma_start3A_493 : memref<128xi32, #tpu.memory_space<vmem>>) semaphore(%arg11 : memref<!tpu.dma_semaphore, #tpu.memory_space<semaphore_mem>>)
    %dma_wait3A_497 = arith.constant 2 : i32
    %dma_wait3A_498 = arith.constant 0 : i32
    %dma_wait3A_499 = arith.constant 0 : i32
    %dma_wait3A_500 = tpu.memref_slice %arg8[%dma_wait3A_497, %dma_wait3A_498, %dma_wait3A_499] : memref<4x128x64xbf16, #tpu.memory_space<vmem>> -> memref<1x128x64xbf16, #tpu.memory_space<vmem>>
    %dma_wait3A_501 = tpu.memref_squeeze %dma_wait3A_500 : memref<1x128x64xbf16, #tpu.memory_space<vmem>> -> memref<128x64xbf16, #tpu.memory_space<vmem>>
    %dma_wait3A_502 = arith.constant 0 : i32
    %dma_wait3A_503 = arith.constant 0 : i32
    %dma_wait3A_504 = tpu.memref_slice %arg2[%dma_wait3A_502, %dma_wait3A_503] : memref<10112x64xbf16, #tpu.memory_space<hbm>> -> memref<128x64xbf16, #tpu.memory_space<hbm>>
    %dma_wait3A_505 = arith.constant 0 : i32
    %dma_wait3A_506 = arith.constant 0 : i32
    %dma_wait3A_507 = tpu.memref_slice %arg8[%dma_wait3A_497, %dma_wait3A_505, %dma_wait3A_506] : memref<4x128x64xbf16, #tpu.memory_space<vmem>> -> memref<1x128x64xbf16, #tpu.memory_space<vmem>>
    %dma_wait3A_508 = tpu.memref_squeeze %dma_wait3A_507 : memref<1x128x64xbf16, #tpu.memory_space<vmem>> -> memref<128x64xbf16, #tpu.memory_space<vmem>>
    %dma_wait3A_509 = arith.constant 0 : i32
    %dma_wait3A_510 = arith.constant 0 : i32
    %dma_wait3A_511 = tpu.memref_slice %arg2[%dma_wait3A_509, %dma_wait3A_510] : memref<10112x64xbf16, #tpu.memory_space<hbm>> -> memref<128x64xbf16, #tpu.memory_space<hbm>>
    tpu.wait_dma2 semaphore(%arg13 : memref<!tpu.dma_semaphore, #tpu.memory_space<semaphore_mem>>) src(%dma_wait3A_511 : memref<128x64xbf16, #tpu.memory_space<hbm>>) dst(%dma_wait3A_508 : memref<128x64xbf16, #tpu.memory_space<vmem>>)
    %dma_start3A_512 = arith.constant 2 : i32
    %dma_start3A_513 = arith.constant 0 : i32
    %dma_start3A_514 = arith.constant 2 : i32
    %dma_start3A_515 = arith.constant 0 : i32
    %dma_start3A_516 = arith.constant 0 : i32
    %dma_start3A_517 = tpu.memref_slice %arg8[%dma_start3A_512, %dma_start3A_515, %dma_start3A_516] : memref<4x128x64xbf16, #tpu.memory_space<vmem>> -> memref<1x128x64xbf16, #tpu.memory_space<vmem>>
    %dma_start3A_518 = tpu.memref_squeeze %dma_start3A_517 : memref<1x128x64xbf16, #tpu.memory_space<vmem>> -> memref<128x64xbf16, #tpu.memory_space<vmem>>
    %dma_start3A_519 = arith.constant 0 : i32
    %dma_start3A_520 = tpu.memref_slice %arg7[%dma_start3A_513, %dma_start3A_514, %dma_start3A_519] : memref<3x8x128xi32, #tpu.memory_space<vmem>> -> memref<1x1x128xi32, #tpu.memory_space<vmem>>
    %dma_start3A_521 = tpu.memref_squeeze %dma_start3A_520 : memref<1x1x128xi32, #tpu.memory_space<vmem>> -> memref<128xi32, #tpu.memory_space<vmem>>
    %dma_start3A_522 = arith.constant 0 : i32
    %dma_start3A_523 = arith.constant 0 : i32
    %dma_start3A_524 = tpu.memref_slice %arg10[%dma_start3A_522, %dma_start3A_523] : memref<10112x64xbf16, #tpu.memory_space<vmem_shared>> -> memref<10112x64xbf16, #tpu.memory_space<vmem_shared>>
    tpu.enqueue_indirect_dma source(%dma_start3A_518 : memref<128x64xbf16, #tpu.memory_space<vmem>>) target(%dma_start3A_524 : memref<10112x64xbf16, #tpu.memory_space<vmem_shared>>) offsets(%dma_start3A_521 : memref<128xi32, #tpu.memory_space<vmem>>) semaphore(%arg17 : memref<!tpu.dma_semaphore, #tpu.memory_space<semaphore_mem>>) {add = true}
    %dma_wait3A_525 = arith.constant 1 : i32
    %dma_wait3A_526 = arith.constant 0 : i32
    %dma_wait3A_527 = arith.constant 0 : i32
    %dma_wait3A_528 = tpu.memref_slice %arg8[%dma_wait3A_525, %dma_wait3A_526, %dma_wait3A_527] : memref<4x128x64xbf16, #tpu.memory_space<vmem>> -> memref<1x128x64xbf16, #tpu.memory_space<vmem>>
    %dma_wait3A_529 = tpu.memref_squeeze %dma_wait3A_528 : memref<1x128x64xbf16, #tpu.memory_space<vmem>> -> memref<128x64xbf16, #tpu.memory_space<vmem>>
    %dma_wait3A_530 = arith.constant 0 : i32
    %dma_wait3A_531 = arith.constant 0 : i32
    %dma_wait3A_532 = tpu.memref_slice %arg2[%dma_wait3A_530, %dma_wait3A_531] : memref<10112x64xbf16, #tpu.memory_space<hbm>> -> memref<128x64xbf16, #tpu.memory_space<hbm>>
    %dma_wait3A_533 = arith.constant 0 : i32
    %dma_wait3A_534 = arith.constant 0 : i32
    %dma_wait3A_535 = tpu.memref_slice %arg8[%dma_wait3A_525, %dma_wait3A_533, %dma_wait3A_534] : memref<4x128x64xbf16, #tpu.memory_space<vmem>> -> memref<1x128x64xbf16, #tpu.memory_space<vmem>>
    %dma_wait3A_536 = tpu.memref_squeeze %dma_wait3A_535 : memref<1x128x64xbf16, #tpu.memory_space<vmem>> -> memref<128x64xbf16, #tpu.memory_space<vmem>>
    %dma_wait3A_537 = arith.constant 0 : i32
    %dma_wait3A_538 = arith.constant 0 : i32
    %dma_wait3A_539 = tpu.memref_slice %arg2[%dma_wait3A_537, %dma_wait3A_538] : memref<10112x64xbf16, #tpu.memory_space<hbm>> -> memref<128x64xbf16, #tpu.memory_space<hbm>>
    tpu.wait_dma2 semaphore(%arg16 : memref<!tpu.dma_semaphore, #tpu.memory_space<semaphore_mem>>) src(%dma_wait3A_539 : memref<128x64xbf16, #tpu.memory_space<hbm>>) dst(%dma_wait3A_536 : memref<128x64xbf16, #tpu.memory_space<vmem>>)
    %dma_start3A_540 = arith.constant 0 : i32
    %dma_start3A_541 = arith.constant 5 : i32
    %dma_start3A_542 = arith.constant 1 : i32
    %dma_start3A_543 = arith.constant 0 : i32
    %dma_start3A_544 = arith.constant 0 : i32
    %dma_start3A_545 = tpu.memref_slice %arg8[%dma_start3A_542, %dma_start3A_543, %dma_start3A_544] : memref<4x128x64xbf16, #tpu.memory_space<vmem>> -> memref<1x128x64xbf16, #tpu.memory_space<vmem>>
    %dma_start3A_546 = tpu.memref_squeeze %dma_start3A_545 : memref<1x128x64xbf16, #tpu.memory_space<vmem>> -> memref<128x64xbf16, #tpu.memory_space<vmem>>
    %dma_start3A_547 = arith.constant 0 : i32
    %dma_start3A_548 = tpu.memref_slice %arg6[%dma_start3A_540, %dma_start3A_541, %dma_start3A_547] : memref<3x8x128xi32, #tpu.memory_space<vmem>> -> memref<1x1x128xi32, #tpu.memory_space<vmem>>
    %dma_start3A_549 = tpu.memref_squeeze %dma_start3A_548 : memref<1x1x128xi32, #tpu.memory_space<vmem>> -> memref<128xi32, #tpu.memory_space<vmem>>
    %dma_start3A_550 = arith.constant 0 : i32
    %dma_start3A_551 = arith.constant 0 : i32
    %dma_start3A_552 = tpu.memref_slice %arg9[%dma_start3A_550, %dma_start3A_551] : memref<10112x64xbf16, #tpu.memory_space<vmem_shared>> -> memref<10112x64xbf16, #tpu.memory_space<vmem_shared>>
    tpu.enqueue_indirect_dma source(%dma_start3A_552 : memref<10112x64xbf16, #tpu.memory_space<vmem_shared>>) target(%dma_start3A_546 : memref<128x64xbf16, #tpu.memory_space<vmem>>) offsets(%dma_start3A_549 : memref<128xi32, #tpu.memory_space<vmem>>) semaphore(%arg12 : memref<!tpu.dma_semaphore, #tpu.memory_space<semaphore_mem>>)
    %dma_wait3A_553 = arith.constant 3 : i32
    %dma_wait3A_554 = arith.constant 0 : i32
    %dma_wait3A_555 = arith.constant 0 : i32
    %dma_wait3A_556 = tpu.memref_slice %arg8[%dma_wait3A_553, %dma_wait3A_554, %dma_wait3A_555] : memref<4x128x64xbf16, #tpu.memory_space<vmem>> -> memref<1x128x64xbf16, #tpu.memory_space<vmem>>
    %dma_wait3A_557 = tpu.memref_squeeze %dma_wait3A_556 : memref<1x128x64xbf16, #tpu.memory_space<vmem>> -> memref<128x64xbf16, #tpu.memory_space<vmem>>
    %dma_wait3A_558 = arith.constant 0 : i32
    %dma_wait3A_559 = arith.constant 0 : i32
    %dma_wait3A_560 = tpu.memref_slice %arg2[%dma_wait3A_558, %dma_wait3A_559] : memref<10112x64xbf16, #tpu.memory_space<hbm>> -> memref<128x64xbf16, #tpu.memory_space<hbm>>
    %dma_wait3A_561 = arith.constant 0 : i32
    %dma_wait3A_562 = arith.constant 0 : i32
    %dma_wait3A_563 = tpu.memref_slice %arg8[%dma_wait3A_553, %dma_wait3A_561, %dma_wait3A_562] : memref<4x128x64xbf16, #tpu.memory_space<vmem>> -> memref<1x128x64xbf16, #tpu.memory_space<vmem>>
    %dma_wait3A_564 = tpu.memref_squeeze %dma_wait3A_563 : memref<1x128x64xbf16, #tpu.memory_space<vmem>> -> memref<128x64xbf16, #tpu.memory_space<vmem>>
    %dma_wait3A_565 = arith.constant 0 : i32
    %dma_wait3A_566 = arith.constant 0 : i32
    %dma_wait3A_567 = tpu.memref_slice %arg2[%dma_wait3A_565, %dma_wait3A_566] : memref<10112x64xbf16, #tpu.memory_space<hbm>> -> memref<128x64xbf16, #tpu.memory_space<hbm>>
    tpu.wait_dma2 semaphore(%arg14 : memref<!tpu.dma_semaphore, #tpu.memory_space<semaphore_mem>>) src(%dma_wait3A_567 : memref<128x64xbf16, #tpu.memory_space<hbm>>) dst(%dma_wait3A_564 : memref<128x64xbf16, #tpu.memory_space<vmem>>)
    %dma_start3A_568 = arith.constant 3 : i32
    %dma_start3A_569 = arith.constant 0 : i32
    %dma_start3A_570 = arith.constant 3 : i32
    %dma_start3A_571 = arith.constant 0 : i32
    %dma_start3A_572 = arith.constant 0 : i32
    %dma_start3A_573 = tpu.memref_slice %arg8[%dma_start3A_568, %dma_start3A_571, %dma_start3A_572] : memref<4x128x64xbf16, #tpu.memory_space<vmem>> -> memref<1x128x64xbf16, #tpu.memory_space<vmem>>
    %dma_start3A_574 = tpu.memref_squeeze %dma_start3A_573 : memref<1x128x64xbf16, #tpu.memory_space<vmem>> -> memref<128x64xbf16, #tpu.memory_space<vmem>>
    %dma_start3A_575 = arith.constant 0 : i32
    %dma_start3A_576 = tpu.memref_slice %arg7[%dma_start3A_569, %dma_start3A_570, %dma_start3A_575] : memref<3x8x128xi32, #tpu.memory_space<vmem>> -> memref<1x1x128xi32, #tpu.memory_space<vmem>>
    %dma_start3A_577 = tpu.memref_squeeze %dma_start3A_576 : memref<1x1x128xi32, #tpu.memory_space<vmem>> -> memref<128xi32, #tpu.memory_space<vmem>>
    %dma_start3A_578 = arith.constant 0 : i32
    %dma_start3A_579 = arith.constant 0 : i32
    %dma_start3A_580 = tpu.memref_slice %arg10[%dma_start3A_578, %dma_start3A_579] : memref<10112x64xbf16, #tpu.memory_space<vmem_shared>> -> memref<10112x64xbf16, #tpu.memory_space<vmem_shared>>
    tpu.enqueue_indirect_dma source(%dma_start3A_574 : memref<128x64xbf16, #tpu.memory_space<vmem>>) target(%dma_start3A_580 : memref<10112x64xbf16, #tpu.memory_space<vmem_shared>>) offsets(%dma_start3A_577 : memref<128xi32, #tpu.memory_space<vmem>>) semaphore(%arg18 : memref<!tpu.dma_semaphore, #tpu.memory_space<semaphore_mem>>) {add = true}
    %dma_wait3A_581 = arith.constant 2 : i32
    %dma_wait3A_582 = arith.constant 0 : i32
    %dma_wait3A_583 = arith.constant 0 : i32
    %dma_wait3A_584 = tpu.memref_slice %arg8[%dma_wait3A_581, %dma_wait3A_582, %dma_wait3A_583] : memref<4x128x64xbf16, #tpu.memory_space<vmem>> -> memref<1x128x64xbf16, #tpu.memory_space<vmem>>
    %dma_wait3A_585 = tpu.memref_squeeze %dma_wait3A_584 : memref<1x128x64xbf16, #tpu.memory_space<vmem>> -> memref<128x64xbf16, #tpu.memory_space<vmem>>
    %dma_wait3A_586 = arith.constant 0 : i32
    %dma_wait3A_587 = arith.constant 0 : i32
    %dma_wait3A_588 = tpu.memref_slice %arg2[%dma_wait3A_586, %dma_wait3A_587] : memref<10112x64xbf16, #tpu.memory_space<hbm>> -> memref<128x64xbf16, #tpu.memory_space<hbm>>
    %dma_wait3A_589 = arith.constant 0 : i32
    %dma_wait3A_590 = arith.constant 0 : i32
    %dma_wait3A_591 = tpu.memref_slice %arg8[%dma_wait3A_581, %dma_wait3A_589, %dma_wait3A_590] : memref<4x128x64xbf16, #tpu.memory_space<vmem>> -> memref<1x128x64xbf16, #tpu.memory_space<vmem>>
    %dma_wait3A_592 = tpu.memref_squeeze %dma_wait3A_591 : memref<1x128x64xbf16, #tpu.memory_space<vmem>> -> memref<128x64xbf16, #tpu.memory_space<vmem>>
    %dma_wait3A_593 = arith.constant 0 : i32
    %dma_wait3A_594 = arith.constant 0 : i32
    %dma_wait3A_595 = tpu.memref_slice %arg2[%dma_wait3A_593, %dma_wait3A_594] : memref<10112x64xbf16, #tpu.memory_space<hbm>> -> memref<128x64xbf16, #tpu.memory_space<hbm>>
    tpu.wait_dma2 semaphore(%arg17 : memref<!tpu.dma_semaphore, #tpu.memory_space<semaphore_mem>>) src(%dma_wait3A_595 : memref<128x64xbf16, #tpu.memory_space<hbm>>) dst(%dma_wait3A_592 : memref<128x64xbf16, #tpu.memory_space<vmem>>)
    %dma_start3A_596 = arith.constant 0 : i32
    %dma_start3A_597 = arith.constant 6 : i32
    %dma_start3A_598 = arith.constant 2 : i32
    %dma_start3A_599 = arith.constant 0 : i32
    %dma_start3A_600 = arith.constant 0 : i32
    %dma_start3A_601 = tpu.memref_slice %arg8[%dma_start3A_598, %dma_start3A_599, %dma_start3A_600] : memref<4x128x64xbf16, #tpu.memory_space<vmem>> -> memref<1x128x64xbf16, #tpu.memory_space<vmem>>
    %dma_start3A_602 = tpu.memref_squeeze %dma_start3A_601 : memref<1x128x64xbf16, #tpu.memory_space<vmem>> -> memref<128x64xbf16, #tpu.memory_space<vmem>>
    %dma_start3A_603 = arith.constant 0 : i32
    %dma_start3A_604 = tpu.memref_slice %arg6[%dma_start3A_596, %dma_start3A_597, %dma_start3A_603] : memref<3x8x128xi32, #tpu.memory_space<vmem>> -> memref<1x1x128xi32, #tpu.memory_space<vmem>>
    %dma_start3A_605 = tpu.memref_squeeze %dma_start3A_604 : memref<1x1x128xi32, #tpu.memory_space<vmem>> -> memref<128xi32, #tpu.memory_space<vmem>>
    %dma_start3A_606 = arith.constant 0 : i32
    %dma_start3A_607 = arith.constant 0 : i32
    %dma_start3A_608 = tpu.memref_slice %arg9[%dma_start3A_606, %dma_start3A_607] : memref<10112x64xbf16, #tpu.memory_space<vmem_shared>> -> memref<10112x64xbf16, #tpu.memory_space<vmem_shared>>
    tpu.enqueue_indirect_dma source(%dma_start3A_608 : memref<10112x64xbf16, #tpu.memory_space<vmem_shared>>) target(%dma_start3A_602 : memref<128x64xbf16, #tpu.memory_space<vmem>>) offsets(%dma_start3A_605 : memref<128xi32, #tpu.memory_space<vmem>>) semaphore(%arg13 : memref<!tpu.dma_semaphore, #tpu.memory_space<semaphore_mem>>)
    %dma_wait3A_609 = arith.constant 0 : i32
    %dma_wait3A_610 = arith.constant 0 : i32
    %dma_wait3A_611 = arith.constant 0 : i32
    %dma_wait3A_612 = tpu.memref_slice %arg8[%dma_wait3A_609, %dma_wait3A_610, %dma_wait3A_611] : memref<4x128x64xbf16, #tpu.memory_space<vmem>> -> memref<1x128x64xbf16, #tpu.memory_space<vmem>>
    %dma_wait3A_613 = tpu.memref_squeeze %dma_wait3A_612 : memref<1x128x64xbf16, #tpu.memory_space<vmem>> -> memref<128x64xbf16, #tpu.memory_space<vmem>>
    %dma_wait3A_614 = arith.constant 0 : i32
    %dma_wait3A_615 = arith.constant 0 : i32
    %dma_wait3A_616 = tpu.memref_slice %arg2[%dma_wait3A_614, %dma_wait3A_615] : memref<10112x64xbf16, #tpu.memory_space<hbm>> -> memref<128x64xbf16, #tpu.memory_space<hbm>>
    %dma_wait3A_617 = arith.constant 0 : i32
    %dma_wait3A_618 = arith.constant 0 : i32
    %dma_wait3A_619 = tpu.memref_slice %arg8[%dma_wait3A_609, %dma_wait3A_617, %dma_wait3A_618] : memref<4x128x64xbf16, #tpu.memory_space<vmem>> -> memref<1x128x64xbf16, #tpu.memory_space<vmem>>
    %dma_wait3A_620 = tpu.memref_squeeze %dma_wait3A_619 : memref<1x128x64xbf16, #tpu.memory_space<vmem>> -> memref<128x64xbf16, #tpu.memory_space<vmem>>
    %dma_wait3A_621 = arith.constant 0 : i32
    %dma_wait3A_622 = arith.constant 0 : i32
    %dma_wait3A_623 = tpu.memref_slice %arg2[%dma_wait3A_621, %dma_wait3A_622] : memref<10112x64xbf16, #tpu.memory_space<hbm>> -> memref<128x64xbf16, #tpu.memory_space<hbm>>
    tpu.wait_dma2 semaphore(%arg11 : memref<!tpu.dma_semaphore, #tpu.memory_space<semaphore_mem>>) src(%dma_wait3A_623 : memref<128x64xbf16, #tpu.memory_space<hbm>>) dst(%dma_wait3A_620 : memref<128x64xbf16, #tpu.memory_space<vmem>>)
    %dma_start3A_624 = arith.constant 0 : i32
    %dma_start3A_625 = arith.constant 0 : i32
    %dma_start3A_626 = arith.constant 4 : i32
    %dma_start3A_627 = arith.constant 0 : i32
    %dma_start3A_628 = arith.constant 0 : i32
    %dma_start3A_629 = tpu.memref_slice %arg8[%dma_start3A_624, %dma_start3A_627, %dma_start3A_628] : memref<4x128x64xbf16, #tpu.memory_space<vmem>> -> memref<1x128x64xbf16, #tpu.memory_space<vmem>>
    %dma_start3A_630 = tpu.memref_squeeze %dma_start3A_629 : memref<1x128x64xbf16, #tpu.memory_space<vmem>> -> memref<128x64xbf16, #tpu.memory_space<vmem>>
    %dma_start3A_631 = arith.constant 0 : i32
    %dma_start3A_632 = tpu.memref_slice %arg7[%dma_start3A_625, %dma_start3A_626, %dma_start3A_631] : memref<3x8x128xi32, #tpu.memory_space<vmem>> -> memref<1x1x128xi32, #tpu.memory_space<vmem>>
    %dma_start3A_633 = tpu.memref_squeeze %dma_start3A_632 : memref<1x1x128xi32, #tpu.memory_space<vmem>> -> memref<128xi32, #tpu.memory_space<vmem>>
    %dma_start3A_634 = arith.constant 0 : i32
    %dma_start3A_635 = arith.constant 0 : i32
    %dma_start3A_636 = tpu.memref_slice %arg10[%dma_start3A_634, %dma_start3A_635] : memref<10112x64xbf16, #tpu.memory_space<vmem_shared>> -> memref<10112x64xbf16, #tpu.memory_space<vmem_shared>>
    tpu.enqueue_indirect_dma source(%dma_start3A_630 : memref<128x64xbf16, #tpu.memory_space<vmem>>) target(%dma_start3A_636 : memref<10112x64xbf16, #tpu.memory_space<vmem_shared>>) offsets(%dma_start3A_633 : memref<128xi32, #tpu.memory_space<vmem>>) semaphore(%arg15 : memref<!tpu.dma_semaphore, #tpu.memory_space<semaphore_mem>>) {add = true}
    %dma_wait3A_637 = arith.constant 3 : i32
    %dma_wait3A_638 = arith.constant 0 : i32
    %dma_wait3A_639 = arith.constant 0 : i32
    %dma_wait3A_640 = tpu.memref_slice %arg8[%dma_wait3A_637, %dma_wait3A_638, %dma_wait3A_639] : memref<4x128x64xbf16, #tpu.memory_space<vmem>> -> memref<1x128x64xbf16, #tpu.memory_space<vmem>>
    %dma_wait3A_641 = tpu.memref_squeeze %dma_wait3A_640 : memref<1x128x64xbf16, #tpu.memory_space<vmem>> -> memref<128x64xbf16, #tpu.memory_space<vmem>>
    %dma_wait3A_642 = arith.constant 0 : i32
    %dma_wait3A_643 = arith.constant 0 : i32
    %dma_wait3A_644 = tpu.memref_slice %arg2[%dma_wait3A_642, %dma_wait3A_643] : memref<10112x64xbf16, #tpu.memory_space<hbm>> -> memref<128x64xbf16, #tpu.memory_space<hbm>>
    %dma_wait3A_645 = arith.constant 0 : i32
    %dma_wait3A_646 = arith.constant 0 : i32
    %dma_wait3A_647 = tpu.memref_slice %arg8[%dma_wait3A_637, %dma_wait3A_645, %dma_wait3A_646] : memref<4x128x64xbf16, #tpu.memory_space<vmem>> -> memref<1x128x64xbf16, #tpu.memory_space<vmem>>
    %dma_wait3A_648 = tpu.memref_squeeze %dma_wait3A_647 : memref<1x128x64xbf16, #tpu.memory_space<vmem>> -> memref<128x64xbf16, #tpu.memory_space<vmem>>
    %dma_wait3A_649 = arith.constant 0 : i32
    %dma_wait3A_650 = arith.constant 0 : i32
    %dma_wait3A_651 = tpu.memref_slice %arg2[%dma_wait3A_649, %dma_wait3A_650] : memref<10112x64xbf16, #tpu.memory_space<hbm>> -> memref<128x64xbf16, #tpu.memory_space<hbm>>
    tpu.wait_dma2 semaphore(%arg18 : memref<!tpu.dma_semaphore, #tpu.memory_space<semaphore_mem>>) src(%dma_wait3A_651 : memref<128x64xbf16, #tpu.memory_space<hbm>>) dst(%dma_wait3A_648 : memref<128x64xbf16, #tpu.memory_space<vmem>>)
    %dma_start3A_652 = arith.constant 0 : i32
    %dma_start3A_653 = arith.constant 7 : i32
    %dma_start3A_654 = arith.constant 3 : i32
    %dma_start3A_655 = arith.constant 0 : i32
    %dma_start3A_656 = arith.constant 0 : i32
    %dma_start3A_657 = tpu.memref_slice %arg8[%dma_start3A_654, %dma_start3A_655, %dma_start3A_656] : memref<4x128x64xbf16, #tpu.memory_space<vmem>> -> memref<1x128x64xbf16, #tpu.memory_space<vmem>>
    %dma_start3A_658 = tpu.memref_squeeze %dma_start3A_657 : memref<1x128x64xbf16, #tpu.memory_space<vmem>> -> memref<128x64xbf16, #tpu.memory_space<vmem>>
    %dma_start3A_659 = arith.constant 0 : i32
    %dma_start3A_660 = tpu.memref_slice %arg6[%dma_start3A_652, %dma_start3A_653, %dma_start3A_659] : memref<3x8x128xi32, #tpu.memory_space<vmem>> -> memref<1x1x128xi32, #tpu.memory_space<vmem>>
    %dma_start3A_661 = tpu.memref_squeeze %dma_start3A_660 : memref<1x1x128xi32, #tpu.memory_space<vmem>> -> memref<128xi32, #tpu.memory_space<vmem>>
    %dma_start3A_662 = arith.constant 0 : i32
    %dma_start3A_663 = arith.constant 0 : i32
    %dma_start3A_664 = tpu.memref_slice %arg9[%dma_start3A_662, %dma_start3A_663] : memref<10112x64xbf16, #tpu.memory_space<vmem_shared>> -> memref<10112x64xbf16, #tpu.memory_space<vmem_shared>>
    tpu.enqueue_indirect_dma source(%dma_start3A_664 : memref<10112x64xbf16, #tpu.memory_space<vmem_shared>>) target(%dma_start3A_658 : memref<128x64xbf16, #tpu.memory_space<vmem>>) offsets(%dma_start3A_661 : memref<128xi32, #tpu.memory_space<vmem>>) semaphore(%arg14 : memref<!tpu.dma_semaphore, #tpu.memory_space<semaphore_mem>>)
    %dma_wait3A_665 = arith.constant 1 : i32
    %dma_wait3A_666 = arith.constant 0 : i32
    %dma_wait3A_667 = arith.constant 0 : i32
    %dma_wait3A_668 = tpu.memref_slice %arg8[%dma_wait3A_665, %dma_wait3A_666, %dma_wait3A_667] : memref<4x128x64xbf16, #tpu.memory_space<vmem>> -> memref<1x128x64xbf16, #tpu.memory_space<vmem>>
    %dma_wait3A_669 = tpu.memref_squeeze %dma_wait3A_668 : memref<1x128x64xbf16, #tpu.memory_space<vmem>> -> memref<128x64xbf16, #tpu.memory_space<vmem>>
    %dma_wait3A_670 = arith.constant 0 : i32
    %dma_wait3A_671 = arith.constant 0 : i32
    %dma_wait3A_672 = tpu.memref_slice %arg2[%dma_wait3A_670, %dma_wait3A_671] : memref<10112x64xbf16, #tpu.memory_space<hbm>> -> memref<128x64xbf16, #tpu.memory_space<hbm>>
    %dma_wait3A_673 = arith.constant 0 : i32
    %dma_wait3A_674 = arith.constant 0 : i32
    %dma_wait3A_675 = tpu.memref_slice %arg8[%dma_wait3A_665, %dma_wait3A_673, %dma_wait3A_674] : memref<4x128x64xbf16, #tpu.memory_space<vmem>> -> memref<1x128x64xbf16, #tpu.memory_space<vmem>>
    %dma_wait3A_676 = tpu.memref_squeeze %dma_wait3A_675 : memref<1x128x64xbf16, #tpu.memory_space<vmem>> -> memref<128x64xbf16, #tpu.memory_space<vmem>>
    %dma_wait3A_677 = arith.constant 0 : i32
    %dma_wait3A_678 = arith.constant 0 : i32
    %dma_wait3A_679 = tpu.memref_slice %arg2[%dma_wait3A_677, %dma_wait3A_678] : memref<10112x64xbf16, #tpu.memory_space<hbm>> -> memref<128x64xbf16, #tpu.memory_space<hbm>>
    tpu.wait_dma2 semaphore(%arg12 : memref<!tpu.dma_semaphore, #tpu.memory_space<semaphore_mem>>) src(%dma_wait3A_679 : memref<128x64xbf16, #tpu.memory_space<hbm>>) dst(%dma_wait3A_676 : memref<128x64xbf16, #tpu.memory_space<vmem>>)
    %dma_start3A_680 = arith.constant 1 : i32
    %dma_start3A_681 = arith.constant 0 : i32
    %dma_start3A_682 = arith.constant 5 : i32
    %dma_start3A_683 = arith.constant 0 : i32
    %dma_start3A_684 = arith.constant 0 : i32
    %dma_start3A_685 = tpu.memref_slice %arg8[%dma_start3A_680, %dma_start3A_683, %dma_start3A_684] : memref<4x128x64xbf16, #tpu.memory_space<vmem>> -> memref<1x128x64xbf16, #tpu.memory_space<vmem>>
    %dma_start3A_686 = tpu.memref_squeeze %dma_start3A_685 : memref<1x128x64xbf16, #tpu.memory_space<vmem>> -> memref<128x64xbf16, #tpu.memory_space<vmem>>
    %dma_start3A_687 = arith.constant 0 : i32
    %dma_start3A_688 = tpu.memref_slice %arg7[%dma_start3A_681, %dma_start3A_682, %dma_start3A_687] : memref<3x8x128xi32, #tpu.memory_space<vmem>> -> memref<1x1x128xi32, #tpu.memory_space<vmem>>
    %dma_start3A_689 = tpu.memref_squeeze %dma_start3A_688 : memref<1x1x128xi32, #tpu.memory_space<vmem>> -> memref<128xi32, #tpu.memory_space<vmem>>
    %dma_start3A_690 = arith.constant 0 : i32
    %dma_start3A_691 = arith.constant 0 : i32
    %dma_start3A_692 = tpu.memref_slice %arg10[%dma_start3A_690, %dma_start3A_691] : memref<10112x64xbf16, #tpu.memory_space<vmem_shared>> -> memref<10112x64xbf16, #tpu.memory_space<vmem_shared>>
    tpu.enqueue_indirect_dma source(%dma_start3A_686 : memref<128x64xbf16, #tpu.memory_space<vmem>>) target(%dma_start3A_692 : memref<10112x64xbf16, #tpu.memory_space<vmem_shared>>) offsets(%dma_start3A_689 : memref<128xi32, #tpu.memory_space<vmem>>) semaphore(%arg16 : memref<!tpu.dma_semaphore, #tpu.memory_space<semaphore_mem>>) {add = true}
    %scan3A_693 = arith.constant 0 : i32
    %scan3A_694 = arith.constant 1 : i32
    %scan3A_695 = arith.constant 9 : i32
    %scan3A_696 = arith.addi %scan3A_694, %scan3A_695 : i32
    %scan3A_697 = arith.constant 1 : i32
    %scan3A_698 = scf.for %scan3A_877 = %scan3A_694 to %scan3A_696 step %scan3A_697 iter_args(%scan3A_878 = %scan3A_693) -> (i32)  : i32 {
      %jit3A = arith.constant 3 : i32
      %eq3A = arith.constant 0 : i32
      %eq3A_879 = arith.cmpi eq, %jit3A, %eq3A : i32
      %jit3A_880 = arith.constant 1 : i32
      %select_n3A = arith.select %eq3A_879, %jit3A_880, %jit3A : i32
      %rem3A = arith.remsi %scan3A_877, %select_n3A : i32
      %ne3A = arith.constant 0 : i32
      %ne3A_881 = arith.cmpi ne, %rem3A, %ne3A : i32
      %lt3A = arith.constant 0 : i32
      %lt3A_882 = arith.cmpi slt, %rem3A, %lt3A : i32
      %lt3A_883 = arith.constant 0 : i32
      %lt3A_884 = arith.cmpi slt, %select_n3A, %lt3A_883 : i32
      %ne3A_885 = arith.xori %lt3A_882, %lt3A_884 : i1
      %and3A = arith.andi %ne3A_885, %ne3A_881 : i1
      %add3A_886 = arith.addi %rem3A, %select_n3A : i32
      %select_n3A_887 = arith.select %and3A, %add3A_886, %rem3A : i32
      %dma_wait3A_888 = arith.constant 2 : i32
      %dma_wait3A_889 = arith.constant 0 : i32
      %dma_wait3A_890 = arith.constant 0 : i32
      %dma_wait3A_891 = tpu.memref_slice %arg8[%dma_wait3A_888, %dma_wait3A_889, %dma_wait3A_890] : memref<4x128x64xbf16, #tpu.memory_space<vmem>> -> memref<1x128x64xbf16, #tpu.memory_space<vmem>>
      %dma_wait3A_892 = tpu.memref_squeeze %dma_wait3A_891 : memref<1x128x64xbf16, #tpu.memory_space<vmem>> -> memref<128x64xbf16, #tpu.memory_space<vmem>>
      %dma_wait3A_893 = arith.constant 0 : i32
      %dma_wait3A_894 = arith.constant 0 : i32
      %dma_wait3A_895 = tpu.memref_slice %arg2[%dma_wait3A_893, %dma_wait3A_894] : memref<10112x64xbf16, #tpu.memory_space<hbm>> -> memref<128x64xbf16, #tpu.memory_space<hbm>>
      %dma_wait3A_896 = arith.constant 0 : i32
      %dma_wait3A_897 = arith.constant 0 : i32
      %dma_wait3A_898 = tpu.memref_slice %arg8[%dma_wait3A_888, %dma_wait3A_896, %dma_wait3A_897] : memref<4x128x64xbf16, #tpu.memory_space<vmem>> -> memref<1x128x64xbf16, #tpu.memory_space<vmem>>
      %dma_wait3A_899 = tpu.memref_squeeze %dma_wait3A_898 : memref<1x128x64xbf16, #tpu.memory_space<vmem>> -> memref<128x64xbf16, #tpu.memory_space<vmem>>
      %dma_wait3A_900 = arith.constant 0 : i32
      %dma_wait3A_901 = arith.constant 0 : i32
      %dma_wait3A_902 = tpu.memref_slice %arg2[%dma_wait3A_900, %dma_wait3A_901] : memref<10112x64xbf16, #tpu.memory_space<hbm>> -> memref<128x64xbf16, #tpu.memory_space<hbm>>
      tpu.wait_dma2 semaphore(%arg13 : memref<!tpu.dma_semaphore, #tpu.memory_space<semaphore_mem>>) src(%dma_wait3A_902 : memref<128x64xbf16, #tpu.memory_space<hbm>>) dst(%dma_wait3A_899 : memref<128x64xbf16, #tpu.memory_space<vmem>>)
      %sub3A = arith.constant 1 : i32
      %sub3A_903 = arith.subi %scan3A_877, %sub3A : i32
      %jit3A_904 = arith.constant 3 : i32
      %eq3A_905 = arith.constant 0 : i32
      %eq3A_906 = arith.cmpi eq, %jit3A_904, %eq3A_905 : i32
      %jit3A_907 = arith.constant 1 : i32
      %select_n3A_908 = arith.select %eq3A_906, %jit3A_907, %jit3A_904 : i32
      %rem3A_909 = arith.remsi %sub3A_903, %select_n3A_908 : i32
      %ne3A_910 = arith.constant 0 : i32
      %ne3A_911 = arith.cmpi ne, %rem3A_909, %ne3A_910 : i32
      %lt3A_912 = arith.constant 0 : i32
      %lt3A_913 = arith.cmpi slt, %rem3A_909, %lt3A_912 : i32
      %lt3A_914 = arith.constant 0 : i32
      %lt3A_915 = arith.cmpi slt, %select_n3A_908, %lt3A_914 : i32
      %ne3A_916 = arith.xori %lt3A_913, %lt3A_915 : i1
      %and3A_917 = arith.andi %ne3A_916, %ne3A_911 : i1
      %add3A_918 = arith.addi %rem3A_909, %select_n3A_908 : i32
      %select_n3A_919 = arith.select %and3A_917, %add3A_918, %rem3A_909 : i32
      %dma_start3A_920 = arith.constant 2 : i32
      %dma_start3A_921 = arith.constant 6 : i32
      %dma_start3A_922 = arith.constant 0 : i32
      %dma_start3A_923 = arith.constant 0 : i32
      %dma_start3A_924 = tpu.memref_slice %arg8[%dma_start3A_920, %dma_start3A_922, %dma_start3A_923] : memref<4x128x64xbf16, #tpu.memory_space<vmem>> -> memref<1x128x64xbf16, #tpu.memory_space<vmem>>
      %dma_start3A_925 = tpu.memref_squeeze %dma_start3A_924 : memref<1x128x64xbf16, #tpu.memory_space<vmem>> -> memref<128x64xbf16, #tpu.memory_space<vmem>>
      %dma_start3A_926 = arith.constant 0 : i32
      %dma_start3A_927 = tpu.memref_slice %arg7[%select_n3A_919, %dma_start3A_921, %dma_start3A_926] : memref<3x8x128xi32, #tpu.memory_space<vmem>> -> memref<1x1x128xi32, #tpu.memory_space<vmem>>
      %dma_start3A_928 = tpu.memref_squeeze %dma_start3A_927 : memref<1x1x128xi32, #tpu.memory_space<vmem>> -> memref<128xi32, #tpu.memory_space<vmem>>
      %dma_start3A_929 = arith.constant 0 : i32
      %dma_start3A_930 = arith.constant 0 : i32
      %dma_start3A_931 = tpu.memref_slice %arg10[%dma_start3A_929, %dma_start3A_930] : memref<10112x64xbf16, #tpu.memory_space<vmem_shared>> -> memref<10112x64xbf16, #tpu.memory_space<vmem_shared>>
      tpu.enqueue_indirect_dma source(%dma_start3A_925 : memref<128x64xbf16, #tpu.memory_space<vmem>>) target(%dma_start3A_931 : memref<10112x64xbf16, #tpu.memory_space<vmem_shared>>) offsets(%dma_start3A_928 : memref<128xi32, #tpu.memory_space<vmem>>) semaphore(%arg17 : memref<!tpu.dma_semaphore, #tpu.memory_space<semaphore_mem>>) {add = true}
      %dma_wait3A_932 = arith.constant 3 : i32
      %dma_wait3A_933 = arith.constant 0 : i32
      %dma_wait3A_934 = arith.constant 0 : i32
      %dma_wait3A_935 = tpu.memref_slice %arg8[%dma_wait3A_932, %dma_wait3A_933, %dma_wait3A_934] : memref<4x128x64xbf16, #tpu.memory_space<vmem>> -> memref<1x128x64xbf16, #tpu.memory_space<vmem>>
      %dma_wait3A_936 = tpu.memref_squeeze %dma_wait3A_935 : memref<1x128x64xbf16, #tpu.memory_space<vmem>> -> memref<128x64xbf16, #tpu.memory_space<vmem>>
      %dma_wait3A_937 = arith.constant 0 : i32
      %dma_wait3A_938 = arith.constant 0 : i32
      %dma_wait3A_939 = tpu.memref_slice %arg2[%dma_wait3A_937, %dma_wait3A_938] : memref<10112x64xbf16, #tpu.memory_space<hbm>> -> memref<128x64xbf16, #tpu.memory_space<hbm>>
      %dma_wait3A_940 = arith.constant 0 : i32
      %dma_wait3A_941 = arith.constant 0 : i32
      %dma_wait3A_942 = tpu.memref_slice %arg8[%dma_wait3A_932, %dma_wait3A_940, %dma_wait3A_941] : memref<4x128x64xbf16, #tpu.memory_space<vmem>> -> memref<1x128x64xbf16, #tpu.memory_space<vmem>>
      %dma_wait3A_943 = tpu.memref_squeeze %dma_wait3A_942 : memref<1x128x64xbf16, #tpu.memory_space<vmem>> -> memref<128x64xbf16, #tpu.memory_space<vmem>>
      %dma_wait3A_944 = arith.constant 0 : i32
      %dma_wait3A_945 = arith.constant 0 : i32
      %dma_wait3A_946 = tpu.memref_slice %arg2[%dma_wait3A_944, %dma_wait3A_945] : memref<10112x64xbf16, #tpu.memory_space<hbm>> -> memref<128x64xbf16, #tpu.memory_space<hbm>>
      tpu.wait_dma2 semaphore(%arg14 : memref<!tpu.dma_semaphore, #tpu.memory_space<semaphore_mem>>) src(%dma_wait3A_946 : memref<128x64xbf16, #tpu.memory_space<hbm>>) dst(%dma_wait3A_943 : memref<128x64xbf16, #tpu.memory_space<vmem>>)
      %sub3A_947 = arith.constant 1 : i32
      %sub3A_948 = arith.subi %scan3A_877, %sub3A_947 : i32
      %jit3A_949 = arith.constant 3 : i32
      %eq3A_950 = arith.constant 0 : i32
      %eq3A_951 = arith.cmpi eq, %jit3A_949, %eq3A_950 : i32
      %jit3A_952 = arith.constant 1 : i32
      %select_n3A_953 = arith.select %eq3A_951, %jit3A_952, %jit3A_949 : i32
      %rem3A_954 = arith.remsi %sub3A_948, %select_n3A_953 : i32
      %ne3A_955 = arith.constant 0 : i32
      %ne3A_956 = arith.cmpi ne, %rem3A_954, %ne3A_955 : i32
      %lt3A_957 = arith.constant 0 : i32
      %lt3A_958 = arith.cmpi slt, %rem3A_954, %lt3A_957 : i32
      %lt3A_959 = arith.constant 0 : i32
      %lt3A_960 = arith.cmpi slt, %select_n3A_953, %lt3A_959 : i32
      %ne3A_961 = arith.xori %lt3A_958, %lt3A_960 : i1
      %and3A_962 = arith.andi %ne3A_961, %ne3A_956 : i1
      %add3A_963 = arith.addi %rem3A_954, %select_n3A_953 : i32
      %select_n3A_964 = arith.select %and3A_962, %add3A_963, %rem3A_954 : i32
      %dma_start3A_965 = arith.constant 3 : i32
      %dma_start3A_966 = arith.constant 7 : i32
      %dma_start3A_967 = arith.constant 0 : i32
      %dma_start3A_968 = arith.constant 0 : i32
      %dma_start3A_969 = tpu.memref_slice %arg8[%dma_start3A_965, %dma_start3A_967, %dma_start3A_968] : memref<4x128x64xbf16, #tpu.memory_space<vmem>> -> memref<1x128x64xbf16, #tpu.memory_space<vmem>>
      %dma_start3A_970 = tpu.memref_squeeze %dma_start3A_969 : memref<1x128x64xbf16, #tpu.memory_space<vmem>> -> memref<128x64xbf16, #tpu.memory_space<vmem>>
      %dma_start3A_971 = arith.constant 0 : i32
      %dma_start3A_972 = tpu.memref_slice %arg7[%select_n3A_964, %dma_start3A_966, %dma_start3A_971] : memref<3x8x128xi32, #tpu.memory_space<vmem>> -> memref<1x1x128xi32, #tpu.memory_space<vmem>>
      %dma_start3A_973 = tpu.memref_squeeze %dma_start3A_972 : memref<1x1x128xi32, #tpu.memory_space<vmem>> -> memref<128xi32, #tpu.memory_space<vmem>>
      %dma_start3A_974 = arith.constant 0 : i32
      %dma_start3A_975 = arith.constant 0 : i32
      %dma_start3A_976 = tpu.memref_slice %arg10[%dma_start3A_974, %dma_start3A_975] : memref<10112x64xbf16, #tpu.memory_space<vmem_shared>> -> memref<10112x64xbf16, #tpu.memory_space<vmem_shared>>
      tpu.enqueue_indirect_dma source(%dma_start3A_970 : memref<128x64xbf16, #tpu.memory_space<vmem>>) target(%dma_start3A_976 : memref<10112x64xbf16, #tpu.memory_space<vmem_shared>>) offsets(%dma_start3A_973 : memref<128xi32, #tpu.memory_space<vmem>>) semaphore(%arg18 : memref<!tpu.dma_semaphore, #tpu.memory_space<semaphore_mem>>) {add = true}
      %dma_wait3A_977 = arith.constant 0 : i32
      %dma_wait3A_978 = arith.constant 0 : i32
      %dma_wait3A_979 = arith.constant 0 : i32
      %dma_wait3A_980 = tpu.memref_slice %arg6[%dma_wait3A_977, %dma_wait3A_978, %dma_wait3A_979] : memref<3x8x128xi32, #tpu.memory_space<vmem>> -> memref<1x8x128xi32, #tpu.memory_space<vmem>>
      %dma_wait3A_981 = tpu.memref_squeeze %dma_wait3A_980 : memref<1x8x128xi32, #tpu.memory_space<vmem>> -> memref<8x128xi32, #tpu.memory_space<vmem>>
      %dma_wait3A_982 = arith.constant 0 : i32
      %dma_wait3A_983 = arith.constant 0 : i32
      %dma_wait3A_984 = tpu.memref_slice %arg3[%add3A, %dma_wait3A_982, %dma_wait3A_983] : memref<32x80x128xi32, #tpu.memory_space<hbm>> -> memref<1x8x128xi32, #tpu.memory_space<hbm>>
      %dma_wait3A_985 = tpu.memref_squeeze %dma_wait3A_984 : memref<1x8x128xi32, #tpu.memory_space<hbm>> -> memref<8x128xi32, #tpu.memory_space<hbm>>
      %dma_wait3A_986 = arith.constant 0 : i32
      %dma_wait3A_987 = arith.constant 0 : i32
      %dma_wait3A_988 = tpu.memref_slice %arg6[%dma_wait3A_977, %dma_wait3A_986, %dma_wait3A_987] : memref<3x8x128xi32, #tpu.memory_space<vmem>> -> memref<1x8x128xi32, #tpu.memory_space<vmem>>
      %dma_wait3A_989 = tpu.memref_squeeze %dma_wait3A_988 : memref<1x8x128xi32, #tpu.memory_space<vmem>> -> memref<8x128xi32, #tpu.memory_space<vmem>>
      %dma_wait3A_990 = arith.constant 0 : i32
      %dma_wait3A_991 = arith.constant 0 : i32
      %dma_wait3A_992 = tpu.memref_slice %arg3[%add3A, %dma_wait3A_990, %dma_wait3A_991] : memref<32x80x128xi32, #tpu.memory_space<hbm>> -> memref<1x8x128xi32, #tpu.memory_space<hbm>>
      %dma_wait3A_993 = tpu.memref_squeeze %dma_wait3A_992 : memref<1x8x128xi32, #tpu.memory_space<hbm>> -> memref<8x128xi32, #tpu.memory_space<hbm>>
      tpu.wait_dma2 semaphore(%arg19 : memref<!tpu.dma_semaphore, #tpu.memory_space<semaphore_mem>>) src(%dma_wait3A_993 : memref<8x128xi32, #tpu.memory_space<hbm>>) dst(%dma_wait3A_989 : memref<8x128xi32, #tpu.memory_space<vmem>>)
      %dma_wait3A_994 = arith.constant 0 : i32
      %dma_wait3A_995 = arith.constant 0 : i32
      %dma_wait3A_996 = arith.constant 0 : i32
      %dma_wait3A_997 = tpu.memref_slice %arg7[%dma_wait3A_994, %dma_wait3A_995, %dma_wait3A_996] : memref<3x8x128xi32, #tpu.memory_space<vmem>> -> memref<1x8x128xi32, #tpu.memory_space<vmem>>
      %dma_wait3A_998 = tpu.memref_squeeze %dma_wait3A_997 : memref<1x8x128xi32, #tpu.memory_space<vmem>> -> memref<8x128xi32, #tpu.memory_space<vmem>>
      %dma_wait3A_999 = arith.constant 0 : i32
      %dma_wait3A_1000 = arith.constant 0 : i32
      %dma_wait3A_1001 = tpu.memref_slice %arg4[%add3A, %dma_wait3A_999, %dma_wait3A_1000] : memref<32x80x128xi32, #tpu.memory_space<hbm>> -> memref<1x8x128xi32, #tpu.memory_space<hbm>>
      %dma_wait3A_1002 = tpu.memref_squeeze %dma_wait3A_1001 : memref<1x8x128xi32, #tpu.memory_space<hbm>> -> memref<8x128xi32, #tpu.memory_space<hbm>>
      %dma_wait3A_1003 = arith.constant 0 : i32
      %dma_wait3A_1004 = arith.constant 0 : i32
      %dma_wait3A_1005 = tpu.memref_slice %arg7[%dma_wait3A_994, %dma_wait3A_1003, %dma_wait3A_1004] : memref<3x8x128xi32, #tpu.memory_space<vmem>> -> memref<1x8x128xi32, #tpu.memory_space<vmem>>
      %dma_wait3A_1006 = tpu.memref_squeeze %dma_wait3A_1005 : memref<1x8x128xi32, #tpu.memory_space<vmem>> -> memref<8x128xi32, #tpu.memory_space<vmem>>
      %dma_wait3A_1007 = arith.constant 0 : i32
      %dma_wait3A_1008 = arith.constant 0 : i32
      %dma_wait3A_1009 = tpu.memref_slice %arg4[%add3A, %dma_wait3A_1007, %dma_wait3A_1008] : memref<32x80x128xi32, #tpu.memory_space<hbm>> -> memref<1x8x128xi32, #tpu.memory_space<hbm>>
      %dma_wait3A_1010 = tpu.memref_squeeze %dma_wait3A_1009 : memref<1x8x128xi32, #tpu.memory_space<hbm>> -> memref<8x128xi32, #tpu.memory_space<hbm>>
      tpu.wait_dma2 semaphore(%arg20 : memref<!tpu.dma_semaphore, #tpu.memory_space<semaphore_mem>>) src(%dma_wait3A_1010 : memref<8x128xi32, #tpu.memory_space<hbm>>) dst(%dma_wait3A_1006 : memref<8x128xi32, #tpu.memory_space<vmem>>)
      %lt3A_1011 = arith.constant 9 : i32
      %lt3A_1012 = arith.cmpi slt, %scan3A_877, %lt3A_1011 : i32
      %convert_element_type3A = arith.extui %lt3A_1012 : i1 to i32
      %cond3A = arith.constant 0 : i32
      %cond3A_1013 = arith.cmpi ne, %convert_element_type3A, %cond3A : i32
      scf.if %cond3A_1013 {
        %add3A_1393 = arith.constant 1 : i32
        %add3A_1394 = arith.addi %scan3A_877, %add3A_1393 : i32
        %mul3A_1395 = arith.constant 8 : i32
        %mul3A_1396 = arith.muli %add3A_1394, %mul3A_1395 : i32
        %add3A_1397 = arith.constant 1 : i32
        %add3A_1398 = arith.addi %scan3A_877, %add3A_1397 : i32
        %jit3A_1399 = arith.constant 3 : i32
        %eq3A_1400 = arith.constant 0 : i32
        %eq3A_1401 = arith.cmpi eq, %jit3A_1399, %eq3A_1400 : i32
        %jit3A_1402 = arith.constant 1 : i32
        %select_n3A_1403 = arith.select %eq3A_1401, %jit3A_1402, %jit3A_1399 : i32
        %rem3A_1404 = arith.remsi %add3A_1398, %select_n3A_1403 : i32
        %ne3A_1405 = arith.constant 0 : i32
        %ne3A_1406 = arith.cmpi ne, %rem3A_1404, %ne3A_1405 : i32
        %lt3A_1407 = arith.constant 0 : i32
        %lt3A_1408 = arith.cmpi slt, %rem3A_1404, %lt3A_1407 : i32
        %lt3A_1409 = arith.constant 0 : i32
        %lt3A_1410 = arith.cmpi slt, %select_n3A_1403, %lt3A_1409 : i32
        %ne3A_1411 = arith.xori %lt3A_1408, %lt3A_1410 : i1
        %and3A_1412 = arith.andi %ne3A_1411, %ne3A_1406 : i1
        %add3A_1413 = arith.addi %rem3A_1404, %select_n3A_1403 : i32
        %select_n3A_1414 = arith.select %and3A_1412, %add3A_1413, %rem3A_1404 : i32
        %dma_start3A_1415 = arith.constant 0 : i32
        %dma_start3A_1416 = arith.constant 0 : i32
        %dma_start3A_1417 = tpu.memref_slice %arg6[%select_n3A_1414, %dma_start3A_1415, %dma_start3A_1416] : memref<3x8x128xi32, #tpu.memory_space<vmem>> -> memref<1x8x128xi32, #tpu.memory_space<vmem>>
        %dma_start3A_1418 = tpu.memref_squeeze %dma_start3A_1417 : memref<1x8x128xi32, #tpu.memory_space<vmem>> -> memref<8x128xi32, #tpu.memory_space<vmem>>
        %dma_start3A_1419 = arith.constant 0 : i32
        %dma_start3A_1420 = tpu.memref_slice %arg3[%add3A, %mul3A_1396, %dma_start3A_1419] : memref<32x80x128xi32, #tpu.memory_space<hbm>> -> memref<1x8x128xi32, #tpu.memory_space<hbm>>
        %dma_start3A_1421 = tpu.memref_squeeze %dma_start3A_1420 : memref<1x8x128xi32, #tpu.memory_space<hbm>> -> memref<8x128xi32, #tpu.memory_space<hbm>>
        %dma_start3A_1422 = arith.constant 0 : i32
        %dma_start3A_1423 = arith.constant 0 : i32
        %dma_start3A_1424 = tpu.memref_slice %arg6[%select_n3A_1414, %dma_start3A_1422, %dma_start3A_1423] : memref<3x8x128xi32, #tpu.memory_space<vmem>> -> memref<1x8x128xi32, #tpu.memory_space<vmem>>
        %dma_start3A_1425 = tpu.memref_squeeze %dma_start3A_1424 : memref<1x8x128xi32, #tpu.memory_space<vmem>> -> memref<8x128xi32, #tpu.memory_space<vmem>>
        %dma_start3A_1426 = arith.constant 0 : i32
        %dma_start3A_1427 = tpu.memref_slice %arg3[%add3A, %mul3A_1396, %dma_start3A_1426] : memref<32x80x128xi32, #tpu.memory_space<hbm>> -> memref<1x8x128xi32, #tpu.memory_space<hbm>>
        %dma_start3A_1428 = tpu.memref_squeeze %dma_start3A_1427 : memref<1x8x128xi32, #tpu.memory_space<hbm>> -> memref<8x128xi32, #tpu.memory_space<hbm>>
        tpu.enqueue_dma source(%dma_start3A_1428 : memref<8x128xi32, #tpu.memory_space<hbm>>) target(%dma_start3A_1425 : memref<8x128xi32, #tpu.memory_space<vmem>>) target_semaphore(%arg19 : memref<!tpu.dma_semaphore, #tpu.memory_space<semaphore_mem>>)
        %add3A_1429 = arith.constant 1 : i32
        %add3A_1430 = arith.addi %scan3A_877, %add3A_1429 : i32
        %mul3A_1431 = arith.constant 8 : i32
        %mul3A_1432 = arith.muli %add3A_1430, %mul3A_1431 : i32
        %add3A_1433 = arith.constant 1 : i32
        %add3A_1434 = arith.addi %scan3A_877, %add3A_1433 : i32
        %jit3A_1435 = arith.constant 3 : i32
        %eq3A_1436 = arith.constant 0 : i32
        %eq3A_1437 = arith.cmpi eq, %jit3A_1435, %eq3A_1436 : i32
        %jit3A_1438 = arith.constant 1 : i32
        %select_n3A_1439 = arith.select %eq3A_1437, %jit3A_1438, %jit3A_1435 : i32
        %rem3A_1440 = arith.remsi %add3A_1434, %select_n3A_1439 : i32
        %ne3A_1441 = arith.constant 0 : i32
        %ne3A_1442 = arith.cmpi ne, %rem3A_1440, %ne3A_1441 : i32
        %lt3A_1443 = arith.constant 0 : i32
        %lt3A_1444 = arith.cmpi slt, %rem3A_1440, %lt3A_1443 : i32
        %lt3A_1445 = arith.constant 0 : i32
        %lt3A_1446 = arith.cmpi slt, %select_n3A_1439, %lt3A_1445 : i32
        %ne3A_1447 = arith.xori %lt3A_1444, %lt3A_1446 : i1
        %and3A_1448 = arith.andi %ne3A_1447, %ne3A_1442 : i1
        %add3A_1449 = arith.addi %rem3A_1440, %select_n3A_1439 : i32
        %select_n3A_1450 = arith.select %and3A_1448, %add3A_1449, %rem3A_1440 : i32
        %dma_start3A_1451 = arith.constant 0 : i32
        %dma_start3A_1452 = arith.constant 0 : i32
        %dma_start3A_1453 = tpu.memref_slice %arg7[%select_n3A_1450, %dma_start3A_1451, %dma_start3A_1452] : memref<3x8x128xi32, #tpu.memory_space<vmem>> -> memref<1x8x128xi32, #tpu.memory_space<vmem>>
        %dma_start3A_1454 = tpu.memref_squeeze %dma_start3A_1453 : memref<1x8x128xi32, #tpu.memory_space<vmem>> -> memref<8x128xi32, #tpu.memory_space<vmem>>
        %dma_start3A_1455 = arith.constant 0 : i32
        %dma_start3A_1456 = tpu.memref_slice %arg4[%add3A, %mul3A_1432, %dma_start3A_1455] : memref<32x80x128xi32, #tpu.memory_space<hbm>> -> memref<1x8x128xi32, #tpu.memory_space<hbm>>
        %dma_start3A_1457 = tpu.memref_squeeze %dma_start3A_1456 : memref<1x8x128xi32, #tpu.memory_space<hbm>> -> memref<8x128xi32, #tpu.memory_space<hbm>>
        %dma_start3A_1458 = arith.constant 0 : i32
        %dma_start3A_1459 = arith.constant 0 : i32
        %dma_start3A_1460 = tpu.memref_slice %arg7[%select_n3A_1450, %dma_start3A_1458, %dma_start3A_1459] : memref<3x8x128xi32, #tpu.memory_space<vmem>> -> memref<1x8x128xi32, #tpu.memory_space<vmem>>
        %dma_start3A_1461 = tpu.memref_squeeze %dma_start3A_1460 : memref<1x8x128xi32, #tpu.memory_space<vmem>> -> memref<8x128xi32, #tpu.memory_space<vmem>>
        %dma_start3A_1462 = arith.constant 0 : i32
        %dma_start3A_1463 = tpu.memref_slice %arg4[%add3A, %mul3A_1432, %dma_start3A_1462] : memref<32x80x128xi32, #tpu.memory_space<hbm>> -> memref<1x8x128xi32, #tpu.memory_space<hbm>>
        %dma_start3A_1464 = tpu.memref_squeeze %dma_start3A_1463 : memref<1x8x128xi32, #tpu.memory_space<hbm>> -> memref<8x128xi32, #tpu.memory_space<hbm>>
        tpu.enqueue_dma source(%dma_start3A_1464 : memref<8x128xi32, #tpu.memory_space<hbm>>) target(%dma_start3A_1461 : memref<8x128xi32, #tpu.memory_space<vmem>>) target_semaphore(%arg20 : memref<!tpu.dma_semaphore, #tpu.memory_space<semaphore_mem>>)
      } else {
      }
      %dma_wait3A_1014 = arith.constant 0 : i32
      %dma_wait3A_1015 = arith.constant 0 : i32
      %dma_wait3A_1016 = arith.constant 0 : i32
      %dma_wait3A_1017 = tpu.memref_slice %arg8[%dma_wait3A_1014, %dma_wait3A_1015, %dma_wait3A_1016] : memref<4x128x64xbf16, #tpu.memory_space<vmem>> -> memref<1x128x64xbf16, #tpu.memory_space<vmem>>
      %dma_wait3A_1018 = tpu.memref_squeeze %dma_wait3A_1017 : memref<1x128x64xbf16, #tpu.memory_space<vmem>> -> memref<128x64xbf16, #tpu.memory_space<vmem>>
      %dma_wait3A_1019 = arith.constant 0 : i32
      %dma_wait3A_1020 = arith.constant 0 : i32
      %dma_wait3A_1021 = tpu.memref_slice %arg2[%dma_wait3A_1019, %dma_wait3A_1020] : memref<10112x64xbf16, #tpu.memory_space<hbm>> -> memref<128x64xbf16, #tpu.memory_space<hbm>>
      %dma_wait3A_1022 = arith.constant 0 : i32
      %dma_wait3A_1023 = arith.constant 0 : i32
      %dma_wait3A_1024 = tpu.memref_slice %arg8[%dma_wait3A_1014, %dma_wait3A_1022, %dma_wait3A_1023] : memref<4x128x64xbf16, #tpu.memory_space<vmem>> -> memref<1x128x64xbf16, #tpu.memory_space<vmem>>
      %dma_wait3A_1025 = tpu.memref_squeeze %dma_wait3A_1024 : memref<1x128x64xbf16, #tpu.memory_space<vmem>> -> memref<128x64xbf16, #tpu.memory_space<vmem>>
      %dma_wait3A_1026 = arith.constant 0 : i32
      %dma_wait3A_1027 = arith.constant 0 : i32
      %dma_wait3A_1028 = tpu.memref_slice %arg2[%dma_wait3A_1026, %dma_wait3A_1027] : memref<10112x64xbf16, #tpu.memory_space<hbm>> -> memref<128x64xbf16, #tpu.memory_space<hbm>>
      tpu.wait_dma2 semaphore(%arg15 : memref<!tpu.dma_semaphore, #tpu.memory_space<semaphore_mem>>) src(%dma_wait3A_1028 : memref<128x64xbf16, #tpu.memory_space<hbm>>) dst(%dma_wait3A_1025 : memref<128x64xbf16, #tpu.memory_space<vmem>>)
      %dma_start3A_1029 = arith.constant 0 : i32
      %dma_start3A_1030 = arith.constant 0 : i32
      %dma_start3A_1031 = arith.constant 0 : i32
      %dma_start3A_1032 = arith.constant 0 : i32
      %dma_start3A_1033 = tpu.memref_slice %arg8[%dma_start3A_1030, %dma_start3A_1031, %dma_start3A_1032] : memref<4x128x64xbf16, #tpu.memory_space<vmem>> -> memref<1x128x64xbf16, #tpu.memory_space<vmem>>
      %dma_start3A_1034 = tpu.memref_squeeze %dma_start3A_1033 : memref<1x128x64xbf16, #tpu.memory_space<vmem>> -> memref<128x64xbf16, #tpu.memory_space<vmem>>
      %dma_start3A_1035 = arith.constant 0 : i32
      %dma_start3A_1036 = tpu.memref_slice %arg6[%select_n3A_887, %dma_start3A_1029, %dma_start3A_1035] : memref<3x8x128xi32, #tpu.memory_space<vmem>> -> memref<1x1x128xi32, #tpu.memory_space<vmem>>
      %dma_start3A_1037 = tpu.memref_squeeze %dma_start3A_1036 : memref<1x1x128xi32, #tpu.memory_space<vmem>> -> memref<128xi32, #tpu.memory_space<vmem>>
      %dma_start3A_1038 = arith.constant 0 : i32
      %dma_start3A_1039 = arith.constant 0 : i32
      %dma_start3A_1040 = tpu.memref_slice %arg9[%dma_start3A_1038, %dma_start3A_1039] : memref<10112x64xbf16, #tpu.memory_space<vmem_shared>> -> memref<10112x64xbf16, #tpu.memory_space<vmem_shared>>
      tpu.enqueue_indirect_dma source(%dma_start3A_1040 : memref<10112x64xbf16, #tpu.memory_space<vmem_shared>>) target(%dma_start3A_1034 : memref<128x64xbf16, #tpu.memory_space<vmem>>) offsets(%dma_start3A_1037 : memref<128xi32, #tpu.memory_space<vmem>>) semaphore(%arg11 : memref<!tpu.dma_semaphore, #tpu.memory_space<semaphore_mem>>)
      %dma_wait3A_1041 = arith.constant 1 : i32
      %dma_wait3A_1042 = arith.constant 0 : i32
      %dma_wait3A_1043 = arith.constant 0 : i32
      %dma_wait3A_1044 = tpu.memref_slice %arg8[%dma_wait3A_1041, %dma_wait3A_1042, %dma_wait3A_1043] : memref<4x128x64xbf16, #tpu.memory_space<vmem>> -> memref<1x128x64xbf16, #tpu.memory_space<vmem>>
      %dma_wait3A_1045 = tpu.memref_squeeze %dma_wait3A_1044 : memref<1x128x64xbf16, #tpu.memory_space<vmem>> -> memref<128x64xbf16, #tpu.memory_space<vmem>>
      %dma_wait3A_1046 = arith.constant 0 : i32
      %dma_wait3A_1047 = arith.constant 0 : i32
      %dma_wait3A_1048 = tpu.memref_slice %arg2[%dma_wait3A_1046, %dma_wait3A_1047] : memref<10112x64xbf16, #tpu.memory_space<hbm>> -> memref<128x64xbf16, #tpu.memory_space<hbm>>
      %dma_wait3A_1049 = arith.constant 0 : i32
      %dma_wait3A_1050 = arith.constant 0 : i32
      %dma_wait3A_1051 = tpu.memref_slice %arg8[%dma_wait3A_1041, %dma_wait3A_1049, %dma_wait3A_1050] : memref<4x128x64xbf16, #tpu.memory_space<vmem>> -> memref<1x128x64xbf16, #tpu.memory_space<vmem>>
      %dma_wait3A_1052 = tpu.memref_squeeze %dma_wait3A_1051 : memref<1x128x64xbf16, #tpu.memory_space<vmem>> -> memref<128x64xbf16, #tpu.memory_space<vmem>>
      %dma_wait3A_1053 = arith.constant 0 : i32
      %dma_wait3A_1054 = arith.constant 0 : i32
      %dma_wait3A_1055 = tpu.memref_slice %arg2[%dma_wait3A_1053, %dma_wait3A_1054] : memref<10112x64xbf16, #tpu.memory_space<hbm>> -> memref<128x64xbf16, #tpu.memory_space<hbm>>
      tpu.wait_dma2 semaphore(%arg16 : memref<!tpu.dma_semaphore, #tpu.memory_space<semaphore_mem>>) src(%dma_wait3A_1055 : memref<128x64xbf16, #tpu.memory_space<hbm>>) dst(%dma_wait3A_1052 : memref<128x64xbf16, #tpu.memory_space<vmem>>)
      %dma_start3A_1056 = arith.constant 1 : i32
      %dma_start3A_1057 = arith.constant 1 : i32
      %dma_start3A_1058 = arith.constant 0 : i32
      %dma_start3A_1059 = arith.constant 0 : i32
      %dma_start3A_1060 = tpu.memref_slice %arg8[%dma_start3A_1057, %dma_start3A_1058, %dma_start3A_1059] : memref<4x128x64xbf16, #tpu.memory_space<vmem>> -> memref<1x128x64xbf16, #tpu.memory_space<vmem>>
      %dma_start3A_1061 = tpu.memref_squeeze %dma_start3A_1060 : memref<1x128x64xbf16, #tpu.memory_space<vmem>> -> memref<128x64xbf16, #tpu.memory_space<vmem>>
      %dma_start3A_1062 = arith.constant 0 : i32
      %dma_start3A_1063 = tpu.memref_slice %arg6[%select_n3A_887, %dma_start3A_1056, %dma_start3A_1062] : memref<3x8x128xi32, #tpu.memory_space<vmem>> -> memref<1x1x128xi32, #tpu.memory_space<vmem>>
      %dma_start3A_1064 = tpu.memref_squeeze %dma_start3A_1063 : memref<1x1x128xi32, #tpu.memory_space<vmem>> -> memref<128xi32, #tpu.memory_space<vmem>>
      %dma_start3A_1065 = arith.constant 0 : i32
      %dma_start3A_1066 = arith.constant 0 : i32
      %dma_start3A_1067 = tpu.memref_slice %arg9[%dma_start3A_1065, %dma_start3A_1066] : memref<10112x64xbf16, #tpu.memory_space<vmem_shared>> -> memref<10112x64xbf16, #tpu.memory_space<vmem_shared>>
      tpu.enqueue_indirect_dma source(%dma_start3A_1067 : memref<10112x64xbf16, #tpu.memory_space<vmem_shared>>) target(%dma_start3A_1061 : memref<128x64xbf16, #tpu.memory_space<vmem>>) offsets(%dma_start3A_1064 : memref<128xi32, #tpu.memory_space<vmem>>) semaphore(%arg12 : memref<!tpu.dma_semaphore, #tpu.memory_space<semaphore_mem>>)
      %dma_wait3A_1068 = arith.constant 2 : i32
      %dma_wait3A_1069 = arith.constant 0 : i32
      %dma_wait3A_1070 = arith.constant 0 : i32
      %dma_wait3A_1071 = tpu.memref_slice %arg8[%dma_wait3A_1068, %dma_wait3A_1069, %dma_wait3A_1070] : memref<4x128x64xbf16, #tpu.memory_space<vmem>> -> memref<1x128x64xbf16, #tpu.memory_space<vmem>>
      %dma_wait3A_1072 = tpu.memref_squeeze %dma_wait3A_1071 : memref<1x128x64xbf16, #tpu.memory_space<vmem>> -> memref<128x64xbf16, #tpu.memory_space<vmem>>
      %dma_wait3A_1073 = arith.constant 0 : i32
      %dma_wait3A_1074 = arith.constant 0 : i32
      %dma_wait3A_1075 = tpu.memref_slice %arg2[%dma_wait3A_1073, %dma_wait3A_1074] : memref<10112x64xbf16, #tpu.memory_space<hbm>> -> memref<128x64xbf16, #tpu.memory_space<hbm>>
      %dma_wait3A_1076 = arith.constant 0 : i32
      %dma_wait3A_1077 = arith.constant 0 : i32
      %dma_wait3A_1078 = tpu.memref_slice %arg8[%dma_wait3A_1068, %dma_wait3A_1076, %dma_wait3A_1077] : memref<4x128x64xbf16, #tpu.memory_space<vmem>> -> memref<1x128x64xbf16, #tpu.memory_space<vmem>>
      %dma_wait3A_1079 = tpu.memref_squeeze %dma_wait3A_1078 : memref<1x128x64xbf16, #tpu.memory_space<vmem>> -> memref<128x64xbf16, #tpu.memory_space<vmem>>
      %dma_wait3A_1080 = arith.constant 0 : i32
      %dma_wait3A_1081 = arith.constant 0 : i32
      %dma_wait3A_1082 = tpu.memref_slice %arg2[%dma_wait3A_1080, %dma_wait3A_1081] : memref<10112x64xbf16, #tpu.memory_space<hbm>> -> memref<128x64xbf16, #tpu.memory_space<hbm>>
      tpu.wait_dma2 semaphore(%arg17 : memref<!tpu.dma_semaphore, #tpu.memory_space<semaphore_mem>>) src(%dma_wait3A_1082 : memref<128x64xbf16, #tpu.memory_space<hbm>>) dst(%dma_wait3A_1079 : memref<128x64xbf16, #tpu.memory_space<vmem>>)
      %dma_start3A_1083 = arith.constant 2 : i32
      %dma_start3A_1084 = arith.constant 2 : i32
      %dma_start3A_1085 = arith.constant 0 : i32
      %dma_start3A_1086 = arith.constant 0 : i32
      %dma_start3A_1087 = tpu.memref_slice %arg8[%dma_start3A_1084, %dma_start3A_1085, %dma_start3A_1086] : memref<4x128x64xbf16, #tpu.memory_space<vmem>> -> memref<1x128x64xbf16, #tpu.memory_space<vmem>>
      %dma_start3A_1088 = tpu.memref_squeeze %dma_start3A_1087 : memref<1x128x64xbf16, #tpu.memory_space<vmem>> -> memref<128x64xbf16, #tpu.memory_space<vmem>>
      %dma_start3A_1089 = arith.constant 0 : i32
      %dma_start3A_1090 = tpu.memref_slice %arg6[%select_n3A_887, %dma_start3A_1083, %dma_start3A_1089] : memref<3x8x128xi32, #tpu.memory_space<vmem>> -> memref<1x1x128xi32, #tpu.memory_space<vmem>>
      %dma_start3A_1091 = tpu.memref_squeeze %dma_start3A_1090 : memref<1x1x128xi32, #tpu.memory_space<vmem>> -> memref<128xi32, #tpu.memory_space<vmem>>
      %dma_start3A_1092 = arith.constant 0 : i32
      %dma_start3A_1093 = arith.constant 0 : i32
      %dma_start3A_1094 = tpu.memref_slice %arg9[%dma_start3A_1092, %dma_start3A_1093] : memref<10112x64xbf16, #tpu.memory_space<vmem_shared>> -> memref<10112x64xbf16, #tpu.memory_space<vmem_shared>>
      tpu.enqueue_indirect_dma source(%dma_start3A_1094 : memref<10112x64xbf16, #tpu.memory_space<vmem_shared>>) target(%dma_start3A_1088 : memref<128x64xbf16, #tpu.memory_space<vmem>>) offsets(%dma_start3A_1091 : memref<128xi32, #tpu.memory_space<vmem>>) semaphore(%arg13 : memref<!tpu.dma_semaphore, #tpu.memory_space<semaphore_mem>>)
      %dma_wait3A_1095 = arith.constant 0 : i32
      %dma_wait3A_1096 = arith.constant 0 : i32
      %dma_wait3A_1097 = arith.constant 0 : i32
      %dma_wait3A_1098 = tpu.memref_slice %arg8[%dma_wait3A_1095, %dma_wait3A_1096, %dma_wait3A_1097] : memref<4x128x64xbf16, #tpu.memory_space<vmem>> -> memref<1x128x64xbf16, #tpu.memory_space<vmem>>
      %dma_wait3A_1099 = tpu.memref_squeeze %dma_wait3A_1098 : memref<1x128x64xbf16, #tpu.memory_space<vmem>> -> memref<128x64xbf16, #tpu.memory_space<vmem>>
      %dma_wait3A_1100 = arith.constant 0 : i32
      %dma_wait3A_1101 = arith.constant 0 : i32
      %dma_wait3A_1102 = tpu.memref_slice %arg2[%dma_wait3A_1100, %dma_wait3A_1101] : memref<10112x64xbf16, #tpu.memory_space<hbm>> -> memref<128x64xbf16, #tpu.memory_space<hbm>>
      %dma_wait3A_1103 = arith.constant 0 : i32
      %dma_wait3A_1104 = arith.constant 0 : i32
      %dma_wait3A_1105 = tpu.memref_slice %arg8[%dma_wait3A_1095, %dma_wait3A_1103, %dma_wait3A_1104] : memref<4x128x64xbf16, #tpu.memory_space<vmem>> -> memref<1x128x64xbf16, #tpu.memory_space<vmem>>
      %dma_wait3A_1106 = tpu.memref_squeeze %dma_wait3A_1105 : memref<1x128x64xbf16, #tpu.memory_space<vmem>> -> memref<128x64xbf16, #tpu.memory_space<vmem>>
      %dma_wait3A_1107 = arith.constant 0 : i32
      %dma_wait3A_1108 = arith.constant 0 : i32
      %dma_wait3A_1109 = tpu.memref_slice %arg2[%dma_wait3A_1107, %dma_wait3A_1108] : memref<10112x64xbf16, #tpu.memory_space<hbm>> -> memref<128x64xbf16, #tpu.memory_space<hbm>>
      tpu.wait_dma2 semaphore(%arg11 : memref<!tpu.dma_semaphore, #tpu.memory_space<semaphore_mem>>) src(%dma_wait3A_1109 : memref<128x64xbf16, #tpu.memory_space<hbm>>) dst(%dma_wait3A_1106 : memref<128x64xbf16, #tpu.memory_space<vmem>>)
      %dma_start3A_1110 = arith.constant 0 : i32
      %dma_start3A_1111 = arith.constant 0 : i32
      %dma_start3A_1112 = arith.constant 0 : i32
      %dma_start3A_1113 = arith.constant 0 : i32
      %dma_start3A_1114 = tpu.memref_slice %arg8[%dma_start3A_1110, %dma_start3A_1112, %dma_start3A_1113] : memref<4x128x64xbf16, #tpu.memory_space<vmem>> -> memref<1x128x64xbf16, #tpu.memory_space<vmem>>
      %dma_start3A_1115 = tpu.memref_squeeze %dma_start3A_1114 : memref<1x128x64xbf16, #tpu.memory_space<vmem>> -> memref<128x64xbf16, #tpu.memory_space<vmem>>
      %dma_start3A_1116 = arith.constant 0 : i32
      %dma_start3A_1117 = tpu.memref_slice %arg7[%select_n3A_887, %dma_start3A_1111, %dma_start3A_1116] : memref<3x8x128xi32, #tpu.memory_space<vmem>> -> memref<1x1x128xi32, #tpu.memory_space<vmem>>
      %dma_start3A_1118 = tpu.memref_squeeze %dma_start3A_1117 : memref<1x1x128xi32, #tpu.memory_space<vmem>> -> memref<128xi32, #tpu.memory_space<vmem>>
      %dma_start3A_1119 = arith.constant 0 : i32
      %dma_start3A_1120 = arith.constant 0 : i32
      %dma_start3A_1121 = tpu.memref_slice %arg10[%dma_start3A_1119, %dma_start3A_1120] : memref<10112x64xbf16, #tpu.memory_space<vmem_shared>> -> memref<10112x64xbf16, #tpu.memory_space<vmem_shared>>
      tpu.enqueue_indirect_dma source(%dma_start3A_1115 : memref<128x64xbf16, #tpu.memory_space<vmem>>) target(%dma_start3A_1121 : memref<10112x64xbf16, #tpu.memory_space<vmem_shared>>) offsets(%dma_start3A_1118 : memref<128xi32, #tpu.memory_space<vmem>>) semaphore(%arg15 : memref<!tpu.dma_semaphore, #tpu.memory_space<semaphore_mem>>) {add = true}
      %dma_wait3A_1122 = arith.constant 3 : i32
      %dma_wait3A_1123 = arith.constant 0 : i32
      %dma_wait3A_1124 = arith.constant 0 : i32
      %dma_wait3A_1125 = tpu.memref_slice %arg8[%dma_wait3A_1122, %dma_wait3A_1123, %dma_wait3A_1124] : memref<4x128x64xbf16, #tpu.memory_space<vmem>> -> memref<1x128x64xbf16, #tpu.memory_space<vmem>>
      %dma_wait3A_1126 = tpu.memref_squeeze %dma_wait3A_1125 : memref<1x128x64xbf16, #tpu.memory_space<vmem>> -> memref<128x64xbf16, #tpu.memory_space<vmem>>
      %dma_wait3A_1127 = arith.constant 0 : i32
      %dma_wait3A_1128 = arith.constant 0 : i32
      %dma_wait3A_1129 = tpu.memref_slice %arg2[%dma_wait3A_1127, %dma_wait3A_1128] : memref<10112x64xbf16, #tpu.memory_space<hbm>> -> memref<128x64xbf16, #tpu.memory_space<hbm>>
      %dma_wait3A_1130 = arith.constant 0 : i32
      %dma_wait3A_1131 = arith.constant 0 : i32
      %dma_wait3A_1132 = tpu.memref_slice %arg8[%dma_wait3A_1122, %dma_wait3A_1130, %dma_wait3A_1131] : memref<4x128x64xbf16, #tpu.memory_space<vmem>> -> memref<1x128x64xbf16, #tpu.memory_space<vmem>>
      %dma_wait3A_1133 = tpu.memref_squeeze %dma_wait3A_1132 : memref<1x128x64xbf16, #tpu.memory_space<vmem>> -> memref<128x64xbf16, #tpu.memory_space<vmem>>
      %dma_wait3A_1134 = arith.constant 0 : i32
      %dma_wait3A_1135 = arith.constant 0 : i32
      %dma_wait3A_1136 = tpu.memref_slice %arg2[%dma_wait3A_1134, %dma_wait3A_1135] : memref<10112x64xbf16, #tpu.memory_space<hbm>> -> memref<128x64xbf16, #tpu.memory_space<hbm>>
      tpu.wait_dma2 semaphore(%arg18 : memref<!tpu.dma_semaphore, #tpu.memory_space<semaphore_mem>>) src(%dma_wait3A_1136 : memref<128x64xbf16, #tpu.memory_space<hbm>>) dst(%dma_wait3A_1133 : memref<128x64xbf16, #tpu.memory_space<vmem>>)
      %dma_start3A_1137 = arith.constant 3 : i32
      %dma_start3A_1138 = arith.constant 3 : i32
      %dma_start3A_1139 = arith.constant 0 : i32
      %dma_start3A_1140 = arith.constant 0 : i32
      %dma_start3A_1141 = tpu.memref_slice %arg8[%dma_start3A_1138, %dma_start3A_1139, %dma_start3A_1140] : memref<4x128x64xbf16, #tpu.memory_space<vmem>> -> memref<1x128x64xbf16, #tpu.memory_space<vmem>>
      %dma_start3A_1142 = tpu.memref_squeeze %dma_start3A_1141 : memref<1x128x64xbf16, #tpu.memory_space<vmem>> -> memref<128x64xbf16, #tpu.memory_space<vmem>>
      %dma_start3A_1143 = arith.constant 0 : i32
      %dma_start3A_1144 = tpu.memref_slice %arg6[%select_n3A_887, %dma_start3A_1137, %dma_start3A_1143] : memref<3x8x128xi32, #tpu.memory_space<vmem>> -> memref<1x1x128xi32, #tpu.memory_space<vmem>>
      %dma_start3A_1145 = tpu.memref_squeeze %dma_start3A_1144 : memref<1x1x128xi32, #tpu.memory_space<vmem>> -> memref<128xi32, #tpu.memory_space<vmem>>
      %dma_start3A_1146 = arith.constant 0 : i32
      %dma_start3A_1147 = arith.constant 0 : i32
      %dma_start3A_1148 = tpu.memref_slice %arg9[%dma_start3A_1146, %dma_start3A_1147] : memref<10112x64xbf16, #tpu.memory_space<vmem_shared>> -> memref<10112x64xbf16, #tpu.memory_space<vmem_shared>>
      tpu.enqueue_indirect_dma source(%dma_start3A_1148 : memref<10112x64xbf16, #tpu.memory_space<vmem_shared>>) target(%dma_start3A_1142 : memref<128x64xbf16, #tpu.memory_space<vmem>>) offsets(%dma_start3A_1145 : memref<128xi32, #tpu.memory_space<vmem>>) semaphore(%arg14 : memref<!tpu.dma_semaphore, #tpu.memory_space<semaphore_mem>>)
      %dma_wait3A_1149 = arith.constant 1 : i32
      %dma_wait3A_1150 = arith.constant 0 : i32
      %dma_wait3A_1151 = arith.constant 0 : i32
      %dma_wait3A_1152 = tpu.memref_slice %arg8[%dma_wait3A_1149, %dma_wait3A_1150, %dma_wait3A_1151] : memref<4x128x64xbf16, #tpu.memory_space<vmem>> -> memref<1x128x64xbf16, #tpu.memory_space<vmem>>
      %dma_wait3A_1153 = tpu.memref_squeeze %dma_wait3A_1152 : memref<1x128x64xbf16, #tpu.memory_space<vmem>> -> memref<128x64xbf16, #tpu.memory_space<vmem>>
      %dma_wait3A_1154 = arith.constant 0 : i32
      %dma_wait3A_1155 = arith.constant 0 : i32
      %dma_wait3A_1156 = tpu.memref_slice %arg2[%dma_wait3A_1154, %dma_wait3A_1155] : memref<10112x64xbf16, #tpu.memory_space<hbm>> -> memref<128x64xbf16, #tpu.memory_space<hbm>>
      %dma_wait3A_1157 = arith.constant 0 : i32
      %dma_wait3A_1158 = arith.constant 0 : i32
      %dma_wait3A_1159 = tpu.memref_slice %arg8[%dma_wait3A_1149, %dma_wait3A_1157, %dma_wait3A_1158] : memref<4x128x64xbf16, #tpu.memory_space<vmem>> -> memref<1x128x64xbf16, #tpu.memory_space<vmem>>
      %dma_wait3A_1160 = tpu.memref_squeeze %dma_wait3A_1159 : memref<1x128x64xbf16, #tpu.memory_space<vmem>> -> memref<128x64xbf16, #tpu.memory_space<vmem>>
      %dma_wait3A_1161 = arith.constant 0 : i32
      %dma_wait3A_1162 = arith.constant 0 : i32
      %dma_wait3A_1163 = tpu.memref_slice %arg2[%dma_wait3A_1161, %dma_wait3A_1162] : memref<10112x64xbf16, #tpu.memory_space<hbm>> -> memref<128x64xbf16, #tpu.memory_space<hbm>>
      tpu.wait_dma2 semaphore(%arg12 : memref<!tpu.dma_semaphore, #tpu.memory_space<semaphore_mem>>) src(%dma_wait3A_1163 : memref<128x64xbf16, #tpu.memory_space<hbm>>) dst(%dma_wait3A_1160 : memref<128x64xbf16, #tpu.memory_space<vmem>>)
      %dma_start3A_1164 = arith.constant 1 : i32
      %dma_start3A_1165 = arith.constant 1 : i32
      %dma_start3A_1166 = arith.constant 0 : i32
      %dma_start3A_1167 = arith.constant 0 : i32
      %dma_start3A_1168 = tpu.memref_slice %arg8[%dma_start3A_1164, %dma_start3A_1166, %dma_start3A_1167] : memref<4x128x64xbf16, #tpu.memory_space<vmem>> -> memref<1x128x64xbf16, #tpu.memory_space<vmem>>
      %dma_start3A_1169 = tpu.memref_squeeze %dma_start3A_1168 : memref<1x128x64xbf16, #tpu.memory_space<vmem>> -> memref<128x64xbf16, #tpu.memory_space<vmem>>
      %dma_start3A_1170 = arith.constant 0 : i32
      %dma_start3A_1171 = tpu.memref_slice %arg7[%select_n3A_887, %dma_start3A_1165, %dma_start3A_1170] : memref<3x8x128xi32, #tpu.memory_space<vmem>> -> memref<1x1x128xi32, #tpu.memory_space<vmem>>
      %dma_start3A_1172 = tpu.memref_squeeze %dma_start3A_1171 : memref<1x1x128xi32, #tpu.memory_space<vmem>> -> memref<128xi32, #tpu.memory_space<vmem>>
      %dma_start3A_1173 = arith.constant 0 : i32
      %dma_start3A_1174 = arith.constant 0 : i32
      %dma_start3A_1175 = tpu.memref_slice %arg10[%dma_start3A_1173, %dma_start3A_1174] : memref<10112x64xbf16, #tpu.memory_space<vmem_shared>> -> memref<10112x64xbf16, #tpu.memory_space<vmem_shared>>
      tpu.enqueue_indirect_dma source(%dma_start3A_1169 : memref<128x64xbf16, #tpu.memory_space<vmem>>) target(%dma_start3A_1175 : memref<10112x64xbf16, #tpu.memory_space<vmem_shared>>) offsets(%dma_start3A_1172 : memref<128xi32, #tpu.memory_space<vmem>>) semaphore(%arg16 : memref<!tpu.dma_semaphore, #tpu.memory_space<semaphore_mem>>) {add = true}
      %dma_wait3A_1176 = arith.constant 0 : i32
      %dma_wait3A_1177 = arith.constant 0 : i32
      %dma_wait3A_1178 = arith.constant 0 : i32
      %dma_wait3A_1179 = tpu.memref_slice %arg8[%dma_wait3A_1176, %dma_wait3A_1177, %dma_wait3A_1178] : memref<4x128x64xbf16, #tpu.memory_space<vmem>> -> memref<1x128x64xbf16, #tpu.memory_space<vmem>>
      %dma_wait3A_1180 = tpu.memref_squeeze %dma_wait3A_1179 : memref<1x128x64xbf16, #tpu.memory_space<vmem>> -> memref<128x64xbf16, #tpu.memory_space<vmem>>
      %dma_wait3A_1181 = arith.constant 0 : i32
      %dma_wait3A_1182 = arith.constant 0 : i32
      %dma_wait3A_1183 = tpu.memref_slice %arg2[%dma_wait3A_1181, %dma_wait3A_1182] : memref<10112x64xbf16, #tpu.memory_space<hbm>> -> memref<128x64xbf16, #tpu.memory_space<hbm>>
      %dma_wait3A_1184 = arith.constant 0 : i32
      %dma_wait3A_1185 = arith.constant 0 : i32
      %dma_wait3A_1186 = tpu.memref_slice %arg8[%dma_wait3A_1176, %dma_wait3A_1184, %dma_wait3A_1185] : memref<4x128x64xbf16, #tpu.memory_space<vmem>> -> memref<1x128x64xbf16, #tpu.memory_space<vmem>>
      %dma_wait3A_1187 = tpu.memref_squeeze %dma_wait3A_1186 : memref<1x128x64xbf16, #tpu.memory_space<vmem>> -> memref<128x64xbf16, #tpu.memory_space<vmem>>
      %dma_wait3A_1188 = arith.constant 0 : i32
      %dma_wait3A_1189 = arith.constant 0 : i32
      %dma_wait3A_1190 = tpu.memref_slice %arg2[%dma_wait3A_1188, %dma_wait3A_1189] : memref<10112x64xbf16, #tpu.memory_space<hbm>> -> memref<128x64xbf16, #tpu.memory_space<hbm>>
      tpu.wait_dma2 semaphore(%arg15 : memref<!tpu.dma_semaphore, #tpu.memory_space<semaphore_mem>>) src(%dma_wait3A_1190 : memref<128x64xbf16, #tpu.memory_space<hbm>>) dst(%dma_wait3A_1187 : memref<128x64xbf16, #tpu.memory_space<vmem>>)
      %dma_start3A_1191 = arith.constant 4 : i32
      %dma_start3A_1192 = arith.constant 0 : i32
      %dma_start3A_1193 = arith.constant 0 : i32
      %dma_start3A_1194 = arith.constant 0 : i32
      %dma_start3A_1195 = tpu.memref_slice %arg8[%dma_start3A_1192, %dma_start3A_1193, %dma_start3A_1194] : memref<4x128x64xbf16, #tpu.memory_space<vmem>> -> memref<1x128x64xbf16, #tpu.memory_space<vmem>>
      %dma_start3A_1196 = tpu.memref_squeeze %dma_start3A_1195 : memref<1x128x64xbf16, #tpu.memory_space<vmem>> -> memref<128x64xbf16, #tpu.memory_space<vmem>>
      %dma_start3A_1197 = arith.constant 0 : i32
      %dma_start3A_1198 = tpu.memref_slice %arg6[%select_n3A_887, %dma_start3A_1191, %dma_start3A_1197] : memref<3x8x128xi32, #tpu.memory_space<vmem>> -> memref<1x1x128xi32, #tpu.memory_space<vmem>>
      %dma_start3A_1199 = tpu.memref_squeeze %dma_start3A_1198 : memref<1x1x128xi32, #tpu.memory_space<vmem>> -> memref<128xi32, #tpu.memory_space<vmem>>
      %dma_start3A_1200 = arith.constant 0 : i32
      %dma_start3A_1201 = arith.constant 0 : i32
      %dma_start3A_1202 = tpu.memref_slice %arg9[%dma_start3A_1200, %dma_start3A_1201] : memref<10112x64xbf16, #tpu.memory_space<vmem_shared>> -> memref<10112x64xbf16, #tpu.memory_space<vmem_shared>>
      tpu.enqueue_indirect_dma source(%dma_start3A_1202 : memref<10112x64xbf16, #tpu.memory_space<vmem_shared>>) target(%dma_start3A_1196 : memref<128x64xbf16, #tpu.memory_space<vmem>>) offsets(%dma_start3A_1199 : memref<128xi32, #tpu.memory_space<vmem>>) semaphore(%arg11 : memref<!tpu.dma_semaphore, #tpu.memory_space<semaphore_mem>>)
      %dma_wait3A_1203 = arith.constant 2 : i32
      %dma_wait3A_1204 = arith.constant 0 : i32
      %dma_wait3A_1205 = arith.constant 0 : i32
      %dma_wait3A_1206 = tpu.memref_slice %arg8[%dma_wait3A_1203, %dma_wait3A_1204, %dma_wait3A_1205] : memref<4x128x64xbf16, #tpu.memory_space<vmem>> -> memref<1x128x64xbf16, #tpu.memory_space<vmem>>
      %dma_wait3A_1207 = tpu.memref_squeeze %dma_wait3A_1206 : memref<1x128x64xbf16, #tpu.memory_space<vmem>> -> memref<128x64xbf16, #tpu.memory_space<vmem>>
      %dma_wait3A_1208 = arith.constant 0 : i32
      %dma_wait3A_1209 = arith.constant 0 : i32
      %dma_wait3A_1210 = tpu.memref_slice %arg2[%dma_wait3A_1208, %dma_wait3A_1209] : memref<10112x64xbf16, #tpu.memory_space<hbm>> -> memref<128x64xbf16, #tpu.memory_space<hbm>>
      %dma_wait3A_1211 = arith.constant 0 : i32
      %dma_wait3A_1212 = arith.constant 0 : i32
      %dma_wait3A_1213 = tpu.memref_slice %arg8[%dma_wait3A_1203, %dma_wait3A_1211, %dma_wait3A_1212] : memref<4x128x64xbf16, #tpu.memory_space<vmem>> -> memref<1x128x64xbf16, #tpu.memory_space<vmem>>
      %dma_wait3A_1214 = tpu.memref_squeeze %dma_wait3A_1213 : memref<1x128x64xbf16, #tpu.memory_space<vmem>> -> memref<128x64xbf16, #tpu.memory_space<vmem>>
      %dma_wait3A_1215 = arith.constant 0 : i32
      %dma_wait3A_1216 = arith.constant 0 : i32
      %dma_wait3A_1217 = tpu.memref_slice %arg2[%dma_wait3A_1215, %dma_wait3A_1216] : memref<10112x64xbf16, #tpu.memory_space<hbm>> -> memref<128x64xbf16, #tpu.memory_space<hbm>>
      tpu.wait_dma2 semaphore(%arg13 : memref<!tpu.dma_semaphore, #tpu.memory_space<semaphore_mem>>) src(%dma_wait3A_1217 : memref<128x64xbf16, #tpu.memory_space<hbm>>) dst(%dma_wait3A_1214 : memref<128x64xbf16, #tpu.memory_space<vmem>>)
      %dma_start3A_1218 = arith.constant 2 : i32
      %dma_start3A_1219 = arith.constant 2 : i32
      %dma_start3A_1220 = arith.constant 0 : i32
      %dma_start3A_1221 = arith.constant 0 : i32
      %dma_start3A_1222 = tpu.memref_slice %arg8[%dma_start3A_1218, %dma_start3A_1220, %dma_start3A_1221] : memref<4x128x64xbf16, #tpu.memory_space<vmem>> -> memref<1x128x64xbf16, #tpu.memory_space<vmem>>
      %dma_start3A_1223 = tpu.memref_squeeze %dma_start3A_1222 : memref<1x128x64xbf16, #tpu.memory_space<vmem>> -> memref<128x64xbf16, #tpu.memory_space<vmem>>
      %dma_start3A_1224 = arith.constant 0 : i32
      %dma_start3A_1225 = tpu.memref_slice %arg7[%select_n3A_887, %dma_start3A_1219, %dma_start3A_1224] : memref<3x8x128xi32, #tpu.memory_space<vmem>> -> memref<1x1x128xi32, #tpu.memory_space<vmem>>
      %dma_start3A_1226 = tpu.memref_squeeze %dma_start3A_1225 : memref<1x1x128xi32, #tpu.memory_space<vmem>> -> memref<128xi32, #tpu.memory_space<vmem>>
      %dma_start3A_1227 = arith.constant 0 : i32
      %dma_start3A_1228 = arith.constant 0 : i32
      %dma_start3A_1229 = tpu.memref_slice %arg10[%dma_start3A_1227, %dma_start3A_1228] : memref<10112x64xbf16, #tpu.memory_space<vmem_shared>> -> memref<10112x64xbf16, #tpu.memory_space<vmem_shared>>
      tpu.enqueue_indirect_dma source(%dma_start3A_1223 : memref<128x64xbf16, #tpu.memory_space<vmem>>) target(%dma_start3A_1229 : memref<10112x64xbf16, #tpu.memory_space<vmem_shared>>) offsets(%dma_start3A_1226 : memref<128xi32, #tpu.memory_space<vmem>>) semaphore(%arg17 : memref<!tpu.dma_semaphore, #tpu.memory_space<semaphore_mem>>) {add = true}
      %dma_wait3A_1230 = arith.constant 1 : i32
      %dma_wait3A_1231 = arith.constant 0 : i32
      %dma_wait3A_1232 = arith.constant 0 : i32
      %dma_wait3A_1233 = tpu.memref_slice %arg8[%dma_wait3A_1230, %dma_wait3A_1231, %dma_wait3A_1232] : memref<4x128x64xbf16, #tpu.memory_space<vmem>> -> memref<1x128x64xbf16, #tpu.memory_space<vmem>>
      %dma_wait3A_1234 = tpu.memref_squeeze %dma_wait3A_1233 : memref<1x128x64xbf16, #tpu.memory_space<vmem>> -> memref<128x64xbf16, #tpu.memory_space<vmem>>
      %dma_wait3A_1235 = arith.constant 0 : i32
      %dma_wait3A_1236 = arith.constant 0 : i32
      %dma_wait3A_1237 = tpu.memref_slice %arg2[%dma_wait3A_1235, %dma_wait3A_1236] : memref<10112x64xbf16, #tpu.memory_space<hbm>> -> memref<128x64xbf16, #tpu.memory_space<hbm>>
      %dma_wait3A_1238 = arith.constant 0 : i32
      %dma_wait3A_1239 = arith.constant 0 : i32
      %dma_wait3A_1240 = tpu.memref_slice %arg8[%dma_wait3A_1230, %dma_wait3A_1238, %dma_wait3A_1239] : memref<4x128x64xbf16, #tpu.memory_space<vmem>> -> memref<1x128x64xbf16, #tpu.memory_space<vmem>>
      %dma_wait3A_1241 = tpu.memref_squeeze %dma_wait3A_1240 : memref<1x128x64xbf16, #tpu.memory_space<vmem>> -> memref<128x64xbf16, #tpu.memory_space<vmem>>
      %dma_wait3A_1242 = arith.constant 0 : i32
      %dma_wait3A_1243 = arith.constant 0 : i32
      %dma_wait3A_1244 = tpu.memref_slice %arg2[%dma_wait3A_1242, %dma_wait3A_1243] : memref<10112x64xbf16, #tpu.memory_space<hbm>> -> memref<128x64xbf16, #tpu.memory_space<hbm>>
      tpu.wait_dma2 semaphore(%arg16 : memref<!tpu.dma_semaphore, #tpu.memory_space<semaphore_mem>>) src(%dma_wait3A_1244 : memref<128x64xbf16, #tpu.memory_space<hbm>>) dst(%dma_wait3A_1241 : memref<128x64xbf16, #tpu.memory_space<vmem>>)
      %dma_start3A_1245 = arith.constant 5 : i32
      %dma_start3A_1246 = arith.constant 1 : i32
      %dma_start3A_1247 = arith.constant 0 : i32
      %dma_start3A_1248 = arith.constant 0 : i32
      %dma_start3A_1249 = tpu.memref_slice %arg8[%dma_start3A_1246, %dma_start3A_1247, %dma_start3A_1248] : memref<4x128x64xbf16, #tpu.memory_space<vmem>> -> memref<1x128x64xbf16, #tpu.memory_space<vmem>>
      %dma_start3A_1250 = tpu.memref_squeeze %dma_start3A_1249 : memref<1x128x64xbf16, #tpu.memory_space<vmem>> -> memref<128x64xbf16, #tpu.memory_space<vmem>>
      %dma_start3A_1251 = arith.constant 0 : i32
      %dma_start3A_1252 = tpu.memref_slice %arg6[%select_n3A_887, %dma_start3A_1245, %dma_start3A_1251] : memref<3x8x128xi32, #tpu.memory_space<vmem>> -> memref<1x1x128xi32, #tpu.memory_space<vmem>>
      %dma_start3A_1253 = tpu.memref_squeeze %dma_start3A_1252 : memref<1x1x128xi32, #tpu.memory_space<vmem>> -> memref<128xi32, #tpu.memory_space<vmem>>
      %dma_start3A_1254 = arith.constant 0 : i32
      %dma_start3A_1255 = arith.constant 0 : i32
      %dma_start3A_1256 = tpu.memref_slice %arg9[%dma_start3A_1254, %dma_start3A_1255] : memref<10112x64xbf16, #tpu.memory_space<vmem_shared>> -> memref<10112x64xbf16, #tpu.memory_space<vmem_shared>>
      tpu.enqueue_indirect_dma source(%dma_start3A_1256 : memref<10112x64xbf16, #tpu.memory_space<vmem_shared>>) target(%dma_start3A_1250 : memref<128x64xbf16, #tpu.memory_space<vmem>>) offsets(%dma_start3A_1253 : memref<128xi32, #tpu.memory_space<vmem>>) semaphore(%arg12 : memref<!tpu.dma_semaphore, #tpu.memory_space<semaphore_mem>>)
      %dma_wait3A_1257 = arith.constant 3 : i32
      %dma_wait3A_1258 = arith.constant 0 : i32
      %dma_wait3A_1259 = arith.constant 0 : i32
      %dma_wait3A_1260 = tpu.memref_slice %arg8[%dma_wait3A_1257, %dma_wait3A_1258, %dma_wait3A_1259] : memref<4x128x64xbf16, #tpu.memory_space<vmem>> -> memref<1x128x64xbf16, #tpu.memory_space<vmem>>
      %dma_wait3A_1261 = tpu.memref_squeeze %dma_wait3A_1260 : memref<1x128x64xbf16, #tpu.memory_space<vmem>> -> memref<128x64xbf16, #tpu.memory_space<vmem>>
      %dma_wait3A_1262 = arith.constant 0 : i32
      %dma_wait3A_1263 = arith.constant 0 : i32
      %dma_wait3A_1264 = tpu.memref_slice %arg2[%dma_wait3A_1262, %dma_wait3A_1263] : memref<10112x64xbf16, #tpu.memory_space<hbm>> -> memref<128x64xbf16, #tpu.memory_space<hbm>>
      %dma_wait3A_1265 = arith.constant 0 : i32
      %dma_wait3A_1266 = arith.constant 0 : i32
      %dma_wait3A_1267 = tpu.memref_slice %arg8[%dma_wait3A_1257, %dma_wait3A_1265, %dma_wait3A_1266] : memref<4x128x64xbf16, #tpu.memory_space<vmem>> -> memref<1x128x64xbf16, #tpu.memory_space<vmem>>
      %dma_wait3A_1268 = tpu.memref_squeeze %dma_wait3A_1267 : memref<1x128x64xbf16, #tpu.memory_space<vmem>> -> memref<128x64xbf16, #tpu.memory_space<vmem>>
      %dma_wait3A_1269 = arith.constant 0 : i32
      %dma_wait3A_1270 = arith.constant 0 : i32
      %dma_wait3A_1271 = tpu.memref_slice %arg2[%dma_wait3A_1269, %dma_wait3A_1270] : memref<10112x64xbf16, #tpu.memory_space<hbm>> -> memref<128x64xbf16, #tpu.memory_space<hbm>>
      tpu.wait_dma2 semaphore(%arg14 : memref<!tpu.dma_semaphore, #tpu.memory_space<semaphore_mem>>) src(%dma_wait3A_1271 : memref<128x64xbf16, #tpu.memory_space<hbm>>) dst(%dma_wait3A_1268 : memref<128x64xbf16, #tpu.memory_space<vmem>>)
      %dma_start3A_1272 = arith.constant 3 : i32
      %dma_start3A_1273 = arith.constant 3 : i32
      %dma_start3A_1274 = arith.constant 0 : i32
      %dma_start3A_1275 = arith.constant 0 : i32
      %dma_start3A_1276 = tpu.memref_slice %arg8[%dma_start3A_1272, %dma_start3A_1274, %dma_start3A_1275] : memref<4x128x64xbf16, #tpu.memory_space<vmem>> -> memref<1x128x64xbf16, #tpu.memory_space<vmem>>
      %dma_start3A_1277 = tpu.memref_squeeze %dma_start3A_1276 : memref<1x128x64xbf16, #tpu.memory_space<vmem>> -> memref<128x64xbf16, #tpu.memory_space<vmem>>
      %dma_start3A_1278 = arith.constant 0 : i32
      %dma_start3A_1279 = tpu.memref_slice %arg7[%select_n3A_887, %dma_start3A_1273, %dma_start3A_1278] : memref<3x8x128xi32, #tpu.memory_space<vmem>> -> memref<1x1x128xi32, #tpu.memory_space<vmem>>
      %dma_start3A_1280 = tpu.memref_squeeze %dma_start3A_1279 : memref<1x1x128xi32, #tpu.memory_space<vmem>> -> memref<128xi32, #tpu.memory_space<vmem>>
      %dma_start3A_1281 = arith.constant 0 : i32
      %dma_start3A_1282 = arith.constant 0 : i32
      %dma_start3A_1283 = tpu.memref_slice %arg10[%dma_start3A_1281, %dma_start3A_1282] : memref<10112x64xbf16, #tpu.memory_space<vmem_shared>> -> memref<10112x64xbf16, #tpu.memory_space<vmem_shared>>
      tpu.enqueue_indirect_dma source(%dma_start3A_1277 : memref<128x64xbf16, #tpu.memory_space<vmem>>) target(%dma_start3A_1283 : memref<10112x64xbf16, #tpu.memory_space<vmem_shared>>) offsets(%dma_start3A_1280 : memref<128xi32, #tpu.memory_space<vmem>>) semaphore(%arg18 : memref<!tpu.dma_semaphore, #tpu.memory_space<semaphore_mem>>) {add = true}
      %dma_wait3A_1284 = arith.constant 2 : i32
      %dma_wait3A_1285 = arith.constant 0 : i32
      %dma_wait3A_1286 = arith.constant 0 : i32
      %dma_wait3A_1287 = tpu.memref_slice %arg8[%dma_wait3A_1284, %dma_wait3A_1285, %dma_wait3A_1286] : memref<4x128x64xbf16, #tpu.memory_space<vmem>> -> memref<1x128x64xbf16, #tpu.memory_space<vmem>>
      %dma_wait3A_1288 = tpu.memref_squeeze %dma_wait3A_1287 : memref<1x128x64xbf16, #tpu.memory_space<vmem>> -> memref<128x64xbf16, #tpu.memory_space<vmem>>
      %dma_wait3A_1289 = arith.constant 0 : i32
      %dma_wait3A_1290 = arith.constant 0 : i32
      %dma_wait3A_1291 = tpu.memref_slice %arg2[%dma_wait3A_1289, %dma_wait3A_1290] : memref<10112x64xbf16, #tpu.memory_space<hbm>> -> memref<128x64xbf16, #tpu.memory_space<hbm>>
      %dma_wait3A_1292 = arith.constant 0 : i32
      %dma_wait3A_1293 = arith.constant 0 : i32
      %dma_wait3A_1294 = tpu.memref_slice %arg8[%dma_wait3A_1284, %dma_wait3A_1292, %dma_wait3A_1293] : memref<4x128x64xbf16, #tpu.memory_space<vmem>> -> memref<1x128x64xbf16, #tpu.memory_space<vmem>>
      %dma_wait3A_1295 = tpu.memref_squeeze %dma_wait3A_1294 : memref<1x128x64xbf16, #tpu.memory_space<vmem>> -> memref<128x64xbf16, #tpu.memory_space<vmem>>
      %dma_wait3A_1296 = arith.constant 0 : i32
      %dma_wait3A_1297 = arith.constant 0 : i32
      %dma_wait3A_1298 = tpu.memref_slice %arg2[%dma_wait3A_1296, %dma_wait3A_1297] : memref<10112x64xbf16, #tpu.memory_space<hbm>> -> memref<128x64xbf16, #tpu.memory_space<hbm>>
      tpu.wait_dma2 semaphore(%arg17 : memref<!tpu.dma_semaphore, #tpu.memory_space<semaphore_mem>>) src(%dma_wait3A_1298 : memref<128x64xbf16, #tpu.memory_space<hbm>>) dst(%dma_wait3A_1295 : memref<128x64xbf16, #tpu.memory_space<vmem>>)
      %dma_start3A_1299 = arith.constant 6 : i32
      %dma_start3A_1300 = arith.constant 2 : i32
      %dma_start3A_1301 = arith.constant 0 : i32
      %dma_start3A_1302 = arith.constant 0 : i32
      %dma_start3A_1303 = tpu.memref_slice %arg8[%dma_start3A_1300, %dma_start3A_1301, %dma_start3A_1302] : memref<4x128x64xbf16, #tpu.memory_space<vmem>> -> memref<1x128x64xbf16, #tpu.memory_space<vmem>>
      %dma_start3A_1304 = tpu.memref_squeeze %dma_start3A_1303 : memref<1x128x64xbf16, #tpu.memory_space<vmem>> -> memref<128x64xbf16, #tpu.memory_space<vmem>>
      %dma_start3A_1305 = arith.constant 0 : i32
      %dma_start3A_1306 = tpu.memref_slice %arg6[%select_n3A_887, %dma_start3A_1299, %dma_start3A_1305] : memref<3x8x128xi32, #tpu.memory_space<vmem>> -> memref<1x1x128xi32, #tpu.memory_space<vmem>>
      %dma_start3A_1307 = tpu.memref_squeeze %dma_start3A_1306 : memref<1x1x128xi32, #tpu.memory_space<vmem>> -> memref<128xi32, #tpu.memory_space<vmem>>
      %dma_start3A_1308 = arith.constant 0 : i32
      %dma_start3A_1309 = arith.constant 0 : i32
      %dma_start3A_1310 = tpu.memref_slice %arg9[%dma_start3A_1308, %dma_start3A_1309] : memref<10112x64xbf16, #tpu.memory_space<vmem_shared>> -> memref<10112x64xbf16, #tpu.memory_space<vmem_shared>>
      tpu.enqueue_indirect_dma source(%dma_start3A_1310 : memref<10112x64xbf16, #tpu.memory_space<vmem_shared>>) target(%dma_start3A_1304 : memref<128x64xbf16, #tpu.memory_space<vmem>>) offsets(%dma_start3A_1307 : memref<128xi32, #tpu.memory_space<vmem>>) semaphore(%arg13 : memref<!tpu.dma_semaphore, #tpu.memory_space<semaphore_mem>>)
      %dma_wait3A_1311 = arith.constant 0 : i32
      %dma_wait3A_1312 = arith.constant 0 : i32
      %dma_wait3A_1313 = arith.constant 0 : i32
      %dma_wait3A_1314 = tpu.memref_slice %arg8[%dma_wait3A_1311, %dma_wait3A_1312, %dma_wait3A_1313] : memref<4x128x64xbf16, #tpu.memory_space<vmem>> -> memref<1x128x64xbf16, #tpu.memory_space<vmem>>
      %dma_wait3A_1315 = tpu.memref_squeeze %dma_wait3A_1314 : memref<1x128x64xbf16, #tpu.memory_space<vmem>> -> memref<128x64xbf16, #tpu.memory_space<vmem>>
      %dma_wait3A_1316 = arith.constant 0 : i32
      %dma_wait3A_1317 = arith.constant 0 : i32
      %dma_wait3A_1318 = tpu.memref_slice %arg2[%dma_wait3A_1316, %dma_wait3A_1317] : memref<10112x64xbf16, #tpu.memory_space<hbm>> -> memref<128x64xbf16, #tpu.memory_space<hbm>>
      %dma_wait3A_1319 = arith.constant 0 : i32
      %dma_wait3A_1320 = arith.constant 0 : i32
      %dma_wait3A_1321 = tpu.memref_slice %arg8[%dma_wait3A_1311, %dma_wait3A_1319, %dma_wait3A_1320] : memref<4x128x64xbf16, #tpu.memory_space<vmem>> -> memref<1x128x64xbf16, #tpu.memory_space<vmem>>
      %dma_wait3A_1322 = tpu.memref_squeeze %dma_wait3A_1321 : memref<1x128x64xbf16, #tpu.memory_space<vmem>> -> memref<128x64xbf16, #tpu.memory_space<vmem>>
      %dma_wait3A_1323 = arith.constant 0 : i32
      %dma_wait3A_1324 = arith.constant 0 : i32
      %dma_wait3A_1325 = tpu.memref_slice %arg2[%dma_wait3A_1323, %dma_wait3A_1324] : memref<10112x64xbf16, #tpu.memory_space<hbm>> -> memref<128x64xbf16, #tpu.memory_space<hbm>>
      tpu.wait_dma2 semaphore(%arg11 : memref<!tpu.dma_semaphore, #tpu.memory_space<semaphore_mem>>) src(%dma_wait3A_1325 : memref<128x64xbf16, #tpu.memory_space<hbm>>) dst(%dma_wait3A_1322 : memref<128x64xbf16, #tpu.memory_space<vmem>>)
      %dma_start3A_1326 = arith.constant 0 : i32
      %dma_start3A_1327 = arith.constant 4 : i32
      %dma_start3A_1328 = arith.constant 0 : i32
      %dma_start3A_1329 = arith.constant 0 : i32
      %dma_start3A_1330 = tpu.memref_slice %arg8[%dma_start3A_1326, %dma_start3A_1328, %dma_start3A_1329] : memref<4x128x64xbf16, #tpu.memory_space<vmem>> -> memref<1x128x64xbf16, #tpu.memory_space<vmem>>
      %dma_start3A_1331 = tpu.memref_squeeze %dma_start3A_1330 : memref<1x128x64xbf16, #tpu.memory_space<vmem>> -> memref<128x64xbf16, #tpu.memory_space<vmem>>
      %dma_start3A_1332 = arith.constant 0 : i32
      %dma_start3A_1333 = tpu.memref_slice %arg7[%select_n3A_887, %dma_start3A_1327, %dma_start3A_1332] : memref<3x8x128xi32, #tpu.memory_space<vmem>> -> memref<1x1x128xi32, #tpu.memory_space<vmem>>
      %dma_start3A_1334 = tpu.memref_squeeze %dma_start3A_1333 : memref<1x1x128xi32, #tpu.memory_space<vmem>> -> memref<128xi32, #tpu.memory_space<vmem>>
      %dma_start3A_1335 = arith.constant 0 : i32
      %dma_start3A_1336 = arith.constant 0 : i32
      %dma_start3A_1337 = tpu.memref_slice %arg10[%dma_start3A_1335, %dma_start3A_1336] : memref<10112x64xbf16, #tpu.memory_space<vmem_shared>> -> memref<10112x64xbf16, #tpu.memory_space<vmem_shared>>
      tpu.enqueue_indirect_dma source(%dma_start3A_1331 : memref<128x64xbf16, #tpu.memory_space<vmem>>) target(%dma_start3A_1337 : memref<10112x64xbf16, #tpu.memory_space<vmem_shared>>) offsets(%dma_start3A_1334 : memref<128xi32, #tpu.memory_space<vmem>>) semaphore(%arg15 : memref<!tpu.dma_semaphore, #tpu.memory_space<semaphore_mem>>) {add = true}
      %dma_wait3A_1338 = arith.constant 3 : i32
      %dma_wait3A_1339 = arith.constant 0 : i32
      %dma_wait3A_1340 = arith.constant 0 : i32
      %dma_wait3A_1341 = tpu.memref_slice %arg8[%dma_wait3A_1338, %dma_wait3A_1339, %dma_wait3A_1340] : memref<4x128x64xbf16, #tpu.memory_space<vmem>> -> memref<1x128x64xbf16, #tpu.memory_space<vmem>>
      %dma_wait3A_1342 = tpu.memref_squeeze %dma_wait3A_1341 : memref<1x128x64xbf16, #tpu.memory_space<vmem>> -> memref<128x64xbf16, #tpu.memory_space<vmem>>
      %dma_wait3A_1343 = arith.constant 0 : i32
      %dma_wait3A_1344 = arith.constant 0 : i32
      %dma_wait3A_1345 = tpu.memref_slice %arg2[%dma_wait3A_1343, %dma_wait3A_1344] : memref<10112x64xbf16, #tpu.memory_space<hbm>> -> memref<128x64xbf16, #tpu.memory_space<hbm>>
      %dma_wait3A_1346 = arith.constant 0 : i32
      %dma_wait3A_1347 = arith.constant 0 : i32
      %dma_wait3A_1348 = tpu.memref_slice %arg8[%dma_wait3A_1338, %dma_wait3A_1346, %dma_wait3A_1347] : memref<4x128x64xbf16, #tpu.memory_space<vmem>> -> memref<1x128x64xbf16, #tpu.memory_space<vmem>>
      %dma_wait3A_1349 = tpu.memref_squeeze %dma_wait3A_1348 : memref<1x128x64xbf16, #tpu.memory_space<vmem>> -> memref<128x64xbf16, #tpu.memory_space<vmem>>
      %dma_wait3A_1350 = arith.constant 0 : i32
      %dma_wait3A_1351 = arith.constant 0 : i32
      %dma_wait3A_1352 = tpu.memref_slice %arg2[%dma_wait3A_1350, %dma_wait3A_1351] : memref<10112x64xbf16, #tpu.memory_space<hbm>> -> memref<128x64xbf16, #tpu.memory_space<hbm>>
      tpu.wait_dma2 semaphore(%arg18 : memref<!tpu.dma_semaphore, #tpu.memory_space<semaphore_mem>>) src(%dma_wait3A_1352 : memref<128x64xbf16, #tpu.memory_space<hbm>>) dst(%dma_wait3A_1349 : memref<128x64xbf16, #tpu.memory_space<vmem>>)
      %dma_start3A_1353 = arith.constant 7 : i32
      %dma_start3A_1354 = arith.constant 3 : i32
      %dma_start3A_1355 = arith.constant 0 : i32
      %dma_start3A_1356 = arith.constant 0 : i32
      %dma_start3A_1357 = tpu.memref_slice %arg8[%dma_start3A_1354, %dma_start3A_1355, %dma_start3A_1356] : memref<4x128x64xbf16, #tpu.memory_space<vmem>> -> memref<1x128x64xbf16, #tpu.memory_space<vmem>>
      %dma_start3A_1358 = tpu.memref_squeeze %dma_start3A_1357 : memref<1x128x64xbf16, #tpu.memory_space<vmem>> -> memref<128x64xbf16, #tpu.memory_space<vmem>>
      %dma_start3A_1359 = arith.constant 0 : i32
      %dma_start3A_1360 = tpu.memref_slice %arg6[%select_n3A_887, %dma_start3A_1353, %dma_start3A_1359] : memref<3x8x128xi32, #tpu.memory_space<vmem>> -> memref<1x1x128xi32, #tpu.memory_space<vmem>>
      %dma_start3A_1361 = tpu.memref_squeeze %dma_start3A_1360 : memref<1x1x128xi32, #tpu.memory_space<vmem>> -> memref<128xi32, #tpu.memory_space<vmem>>
      %dma_start3A_1362 = arith.constant 0 : i32
      %dma_start3A_1363 = arith.constant 0 : i32
      %dma_start3A_1364 = tpu.memref_slice %arg9[%dma_start3A_1362, %dma_start3A_1363] : memref<10112x64xbf16, #tpu.memory_space<vmem_shared>> -> memref<10112x64xbf16, #tpu.memory_space<vmem_shared>>
      tpu.enqueue_indirect_dma source(%dma_start3A_1364 : memref<10112x64xbf16, #tpu.memory_space<vmem_shared>>) target(%dma_start3A_1358 : memref<128x64xbf16, #tpu.memory_space<vmem>>) offsets(%dma_start3A_1361 : memref<128xi32, #tpu.memory_space<vmem>>) semaphore(%arg14 : memref<!tpu.dma_semaphore, #tpu.memory_space<semaphore_mem>>)
      %dma_wait3A_1365 = arith.constant 1 : i32
      %dma_wait3A_1366 = arith.constant 0 : i32
      %dma_wait3A_1367 = arith.constant 0 : i32
      %dma_wait3A_1368 = tpu.memref_slice %arg8[%dma_wait3A_1365, %dma_wait3A_1366, %dma_wait3A_1367] : memref<4x128x64xbf16, #tpu.memory_space<vmem>> -> memref<1x128x64xbf16, #tpu.memory_space<vmem>>
      %dma_wait3A_1369 = tpu.memref_squeeze %dma_wait3A_1368 : memref<1x128x64xbf16, #tpu.memory_space<vmem>> -> memref<128x64xbf16, #tpu.memory_space<vmem>>
      %dma_wait3A_1370 = arith.constant 0 : i32
      %dma_wait3A_1371 = arith.constant 0 : i32
      %dma_wait3A_1372 = tpu.memref_slice %arg2[%dma_wait3A_1370, %dma_wait3A_1371] : memref<10112x64xbf16, #tpu.memory_space<hbm>> -> memref<128x64xbf16, #tpu.memory_space<hbm>>
      %dma_wait3A_1373 = arith.constant 0 : i32
      %dma_wait3A_1374 = arith.constant 0 : i32
      %dma_wait3A_1375 = tpu.memref_slice %arg8[%dma_wait3A_1365, %dma_wait3A_1373, %dma_wait3A_1374] : memref<4x128x64xbf16, #tpu.memory_space<vmem>> -> memref<1x128x64xbf16, #tpu.memory_space<vmem>>
      %dma_wait3A_1376 = tpu.memref_squeeze %dma_wait3A_1375 : memref<1x128x64xbf16, #tpu.memory_space<vmem>> -> memref<128x64xbf16, #tpu.memory_space<vmem>>
      %dma_wait3A_1377 = arith.constant 0 : i32
      %dma_wait3A_1378 = arith.constant 0 : i32
      %dma_wait3A_1379 = tpu.memref_slice %arg2[%dma_wait3A_1377, %dma_wait3A_1378] : memref<10112x64xbf16, #tpu.memory_space<hbm>> -> memref<128x64xbf16, #tpu.memory_space<hbm>>
      tpu.wait_dma2 semaphore(%arg12 : memref<!tpu.dma_semaphore, #tpu.memory_space<semaphore_mem>>) src(%dma_wait3A_1379 : memref<128x64xbf16, #tpu.memory_space<hbm>>) dst(%dma_wait3A_1376 : memref<128x64xbf16, #tpu.memory_space<vmem>>)
      %dma_start3A_1380 = arith.constant 1 : i32
      %dma_start3A_1381 = arith.constant 5 : i32
      %dma_start3A_1382 = arith.constant 0 : i32
      %dma_start3A_1383 = arith.constant 0 : i32
      %dma_start3A_1384 = tpu.memref_slice %arg8[%dma_start3A_1380, %dma_start3A_1382, %dma_start3A_1383] : memref<4x128x64xbf16, #tpu.memory_space<vmem>> -> memref<1x128x64xbf16, #tpu.memory_space<vmem>>
      %dma_start3A_1385 = tpu.memref_squeeze %dma_start3A_1384 : memref<1x128x64xbf16, #tpu.memory_space<vmem>> -> memref<128x64xbf16, #tpu.memory_space<vmem>>
      %dma_start3A_1386 = arith.constant 0 : i32
      %dma_start3A_1387 = tpu.memref_slice %arg7[%select_n3A_887, %dma_start3A_1381, %dma_start3A_1386] : memref<3x8x128xi32, #tpu.memory_space<vmem>> -> memref<1x1x128xi32, #tpu.memory_space<vmem>>
      %dma_start3A_1388 = tpu.memref_squeeze %dma_start3A_1387 : memref<1x1x128xi32, #tpu.memory_space<vmem>> -> memref<128xi32, #tpu.memory_space<vmem>>
      %dma_start3A_1389 = arith.constant 0 : i32
      %dma_start3A_1390 = arith.constant 0 : i32
      %dma_start3A_1391 = tpu.memref_slice %arg10[%dma_start3A_1389, %dma_start3A_1390] : memref<10112x64xbf16, #tpu.memory_space<vmem_shared>> -> memref<10112x64xbf16, #tpu.memory_space<vmem_shared>>
      tpu.enqueue_indirect_dma source(%dma_start3A_1385 : memref<128x64xbf16, #tpu.memory_space<vmem>>) target(%dma_start3A_1391 : memref<10112x64xbf16, #tpu.memory_space<vmem_shared>>) offsets(%dma_start3A_1388 : memref<128xi32, #tpu.memory_space<vmem>>) semaphore(%arg16 : memref<!tpu.dma_semaphore, #tpu.memory_space<semaphore_mem>>) {add = true}
      %scan3A_1392 = arith.constant 0 : i32
      scf.yield %scan3A_1392 : i32
    }
    %scan3A_699 = arith.constant 9 : i32
    %dma_wait3A_700 = arith.constant 2 : i32
    %dma_wait3A_701 = arith.constant 0 : i32
    %dma_wait3A_702 = arith.constant 0 : i32
    %dma_wait3A_703 = tpu.memref_slice %arg8[%dma_wait3A_700, %dma_wait3A_701, %dma_wait3A_702] : memref<4x128x64xbf16, #tpu.memory_space<vmem>> -> memref<1x128x64xbf16, #tpu.memory_space<vmem>>
    %dma_wait3A_704 = tpu.memref_squeeze %dma_wait3A_703 : memref<1x128x64xbf16, #tpu.memory_space<vmem>> -> memref<128x64xbf16, #tpu.memory_space<vmem>>
    %dma_wait3A_705 = arith.constant 0 : i32
    %dma_wait3A_706 = arith.constant 0 : i32
    %dma_wait3A_707 = tpu.memref_slice %arg2[%dma_wait3A_705, %dma_wait3A_706] : memref<10112x64xbf16, #tpu.memory_space<hbm>> -> memref<128x64xbf16, #tpu.memory_space<hbm>>
    %dma_wait3A_708 = arith.constant 0 : i32
    %dma_wait3A_709 = arith.constant 0 : i32
    %dma_wait3A_710 = tpu.memref_slice %arg8[%dma_wait3A_700, %dma_wait3A_708, %dma_wait3A_709] : memref<4x128x64xbf16, #tpu.memory_space<vmem>> -> memref<1x128x64xbf16, #tpu.memory_space<vmem>>
    %dma_wait3A_711 = tpu.memref_squeeze %dma_wait3A_710 : memref<1x128x64xbf16, #tpu.memory_space<vmem>> -> memref<128x64xbf16, #tpu.memory_space<vmem>>
    %dma_wait3A_712 = arith.constant 0 : i32
    %dma_wait3A_713 = arith.constant 0 : i32
    %dma_wait3A_714 = tpu.memref_slice %arg2[%dma_wait3A_712, %dma_wait3A_713] : memref<10112x64xbf16, #tpu.memory_space<hbm>> -> memref<128x64xbf16, #tpu.memory_space<hbm>>
    tpu.wait_dma2 semaphore(%arg13 : memref<!tpu.dma_semaphore, #tpu.memory_space<semaphore_mem>>) src(%dma_wait3A_714 : memref<128x64xbf16, #tpu.memory_space<hbm>>) dst(%dma_wait3A_711 : memref<128x64xbf16, #tpu.memory_space<vmem>>)
    %dma_start3A_715 = arith.constant 2 : i32
    %dma_start3A_716 = arith.constant 0 : i32
    %dma_start3A_717 = arith.constant 6 : i32
    %dma_start3A_718 = arith.constant 0 : i32
    %dma_start3A_719 = arith.constant 0 : i32
    %dma_start3A_720 = tpu.memref_slice %arg8[%dma_start3A_715, %dma_start3A_718, %dma_start3A_719] : memref<4x128x64xbf16, #tpu.memory_space<vmem>> -> memref<1x128x64xbf16, #tpu.memory_space<vmem>>
    %dma_start3A_721 = tpu.memref_squeeze %dma_start3A_720 : memref<1x128x64xbf16, #tpu.memory_space<vmem>> -> memref<128x64xbf16, #tpu.memory_space<vmem>>
    %dma_start3A_722 = arith.constant 0 : i32
    %dma_start3A_723 = tpu.memref_slice %arg7[%dma_start3A_716, %dma_start3A_717, %dma_start3A_722] : memref<3x8x128xi32, #tpu.memory_space<vmem>> -> memref<1x1x128xi32, #tpu.memory_space<vmem>>
    %dma_start3A_724 = tpu.memref_squeeze %dma_start3A_723 : memref<1x1x128xi32, #tpu.memory_space<vmem>> -> memref<128xi32, #tpu.memory_space<vmem>>
    %dma_start3A_725 = arith.constant 0 : i32
    %dma_start3A_726 = arith.constant 0 : i32
    %dma_start3A_727 = tpu.memref_slice %arg10[%dma_start3A_725, %dma_start3A_726] : memref<10112x64xbf16, #tpu.memory_space<vmem_shared>> -> memref<10112x64xbf16, #tpu.memory_space<vmem_shared>>
    tpu.enqueue_indirect_dma source(%dma_start3A_721 : memref<128x64xbf16, #tpu.memory_space<vmem>>) target(%dma_start3A_727 : memref<10112x64xbf16, #tpu.memory_space<vmem_shared>>) offsets(%dma_start3A_724 : memref<128xi32, #tpu.memory_space<vmem>>) semaphore(%arg17 : memref<!tpu.dma_semaphore, #tpu.memory_space<semaphore_mem>>) {add = true}
    %dma_wait3A_728 = arith.constant 3 : i32
    %dma_wait3A_729 = arith.constant 0 : i32
    %dma_wait3A_730 = arith.constant 0 : i32
    %dma_wait3A_731 = tpu.memref_slice %arg8[%dma_wait3A_728, %dma_wait3A_729, %dma_wait3A_730] : memref<4x128x64xbf16, #tpu.memory_space<vmem>> -> memref<1x128x64xbf16, #tpu.memory_space<vmem>>
    %dma_wait3A_732 = tpu.memref_squeeze %dma_wait3A_731 : memref<1x128x64xbf16, #tpu.memory_space<vmem>> -> memref<128x64xbf16, #tpu.memory_space<vmem>>
    %dma_wait3A_733 = arith.constant 0 : i32
    %dma_wait3A_734 = arith.constant 0 : i32
    %dma_wait3A_735 = tpu.memref_slice %arg2[%dma_wait3A_733, %dma_wait3A_734] : memref<10112x64xbf16, #tpu.memory_space<hbm>> -> memref<128x64xbf16, #tpu.memory_space<hbm>>
    %dma_wait3A_736 = arith.constant 0 : i32
    %dma_wait3A_737 = arith.constant 0 : i32
    %dma_wait3A_738 = tpu.memref_slice %arg8[%dma_wait3A_728, %dma_wait3A_736, %dma_wait3A_737] : memref<4x128x64xbf16, #tpu.memory_space<vmem>> -> memref<1x128x64xbf16, #tpu.memory_space<vmem>>
    %dma_wait3A_739 = tpu.memref_squeeze %dma_wait3A_738 : memref<1x128x64xbf16, #tpu.memory_space<vmem>> -> memref<128x64xbf16, #tpu.memory_space<vmem>>
    %dma_wait3A_740 = arith.constant 0 : i32
    %dma_wait3A_741 = arith.constant 0 : i32
    %dma_wait3A_742 = tpu.memref_slice %arg2[%dma_wait3A_740, %dma_wait3A_741] : memref<10112x64xbf16, #tpu.memory_space<hbm>> -> memref<128x64xbf16, #tpu.memory_space<hbm>>
    tpu.wait_dma2 semaphore(%arg14 : memref<!tpu.dma_semaphore, #tpu.memory_space<semaphore_mem>>) src(%dma_wait3A_742 : memref<128x64xbf16, #tpu.memory_space<hbm>>) dst(%dma_wait3A_739 : memref<128x64xbf16, #tpu.memory_space<vmem>>)
    %dma_start3A_743 = arith.constant 3 : i32
    %dma_start3A_744 = arith.constant 0 : i32
    %dma_start3A_745 = arith.constant 7 : i32
    %dma_start3A_746 = arith.constant 0 : i32
    %dma_start3A_747 = arith.constant 0 : i32
    %dma_start3A_748 = tpu.memref_slice %arg8[%dma_start3A_743, %dma_start3A_746, %dma_start3A_747] : memref<4x128x64xbf16, #tpu.memory_space<vmem>> -> memref<1x128x64xbf16, #tpu.memory_space<vmem>>
    %dma_start3A_749 = tpu.memref_squeeze %dma_start3A_748 : memref<1x128x64xbf16, #tpu.memory_space<vmem>> -> memref<128x64xbf16, #tpu.memory_space<vmem>>
    %dma_start3A_750 = arith.constant 0 : i32
    %dma_start3A_751 = tpu.memref_slice %arg7[%dma_start3A_744, %dma_start3A_745, %dma_start3A_750] : memref<3x8x128xi32, #tpu.memory_space<vmem>> -> memref<1x1x128xi32, #tpu.memory_space<vmem>>
    %dma_start3A_752 = tpu.memref_squeeze %dma_start3A_751 : memref<1x1x128xi32, #tpu.memory_space<vmem>> -> memref<128xi32, #tpu.memory_space<vmem>>
    %dma_start3A_753 = arith.constant 0 : i32
    %dma_start3A_754 = arith.constant 0 : i32
    %dma_start3A_755 = tpu.memref_slice %arg10[%dma_start3A_753, %dma_start3A_754] : memref<10112x64xbf16, #tpu.memory_space<vmem_shared>> -> memref<10112x64xbf16, #tpu.memory_space<vmem_shared>>
    tpu.enqueue_indirect_dma source(%dma_start3A_749 : memref<128x64xbf16, #tpu.memory_space<vmem>>) target(%dma_start3A_755 : memref<10112x64xbf16, #tpu.memory_space<vmem_shared>>) offsets(%dma_start3A_752 : memref<128xi32, #tpu.memory_space<vmem>>) semaphore(%arg18 : memref<!tpu.dma_semaphore, #tpu.memory_space<semaphore_mem>>) {add = true}
    %dma_wait3A_756 = arith.constant 0 : i32
    %dma_wait3A_757 = arith.constant 0 : i32
    %dma_wait3A_758 = arith.constant 0 : i32
    %dma_wait3A_759 = tpu.memref_slice %arg8[%dma_wait3A_756, %dma_wait3A_757, %dma_wait3A_758] : memref<4x128x64xbf16, #tpu.memory_space<vmem>> -> memref<1x128x64xbf16, #tpu.memory_space<vmem>>
    %dma_wait3A_760 = tpu.memref_squeeze %dma_wait3A_759 : memref<1x128x64xbf16, #tpu.memory_space<vmem>> -> memref<128x64xbf16, #tpu.memory_space<vmem>>
    %dma_wait3A_761 = arith.constant 0 : i32
    %dma_wait3A_762 = arith.constant 0 : i32
    %dma_wait3A_763 = tpu.memref_slice %arg2[%dma_wait3A_761, %dma_wait3A_762] : memref<10112x64xbf16, #tpu.memory_space<hbm>> -> memref<128x64xbf16, #tpu.memory_space<hbm>>
    %dma_wait3A_764 = arith.constant 0 : i32
    %dma_wait3A_765 = arith.constant 0 : i32
    %dma_wait3A_766 = tpu.memref_slice %arg8[%dma_wait3A_756, %dma_wait3A_764, %dma_wait3A_765] : memref<4x128x64xbf16, #tpu.memory_space<vmem>> -> memref<1x128x64xbf16, #tpu.memory_space<vmem>>
    %dma_wait3A_767 = tpu.memref_squeeze %dma_wait3A_766 : memref<1x128x64xbf16, #tpu.memory_space<vmem>> -> memref<128x64xbf16, #tpu.memory_space<vmem>>
    %dma_wait3A_768 = arith.constant 0 : i32
    %dma_wait3A_769 = arith.constant 0 : i32
    %dma_wait3A_770 = tpu.memref_slice %arg2[%dma_wait3A_768, %dma_wait3A_769] : memref<10112x64xbf16, #tpu.memory_space<hbm>> -> memref<128x64xbf16, #tpu.memory_space<hbm>>
    tpu.wait_dma2 semaphore(%arg15 : memref<!tpu.dma_semaphore, #tpu.memory_space<semaphore_mem>>) src(%dma_wait3A_770 : memref<128x64xbf16, #tpu.memory_space<hbm>>) dst(%dma_wait3A_767 : memref<128x64xbf16, #tpu.memory_space<vmem>>)
    %dma_wait3A_771 = arith.constant 1 : i32
    %dma_wait3A_772 = arith.constant 0 : i32
    %dma_wait3A_773 = arith.constant 0 : i32
    %dma_wait3A_774 = tpu.memref_slice %arg8[%dma_wait3A_771, %dma_wait3A_772, %dma_wait3A_773] : memref<4x128x64xbf16, #tpu.memory_space<vmem>> -> memref<1x128x64xbf16, #tpu.memory_space<vmem>>
    %dma_wait3A_775 = tpu.memref_squeeze %dma_wait3A_774 : memref<1x128x64xbf16, #tpu.memory_space<vmem>> -> memref<128x64xbf16, #tpu.memory_space<vmem>>
    %dma_wait3A_776 = arith.constant 0 : i32
    %dma_wait3A_777 = arith.constant 0 : i32
    %dma_wait3A_778 = tpu.memref_slice %arg2[%dma_wait3A_776, %dma_wait3A_777] : memref<10112x64xbf16, #tpu.memory_space<hbm>> -> memref<128x64xbf16, #tpu.memory_space<hbm>>
    %dma_wait3A_779 = arith.constant 0 : i32
    %dma_wait3A_780 = arith.constant 0 : i32
    %dma_wait3A_781 = tpu.memref_slice %arg8[%dma_wait3A_771, %dma_wait3A_779, %dma_wait3A_780] : memref<4x128x64xbf16, #tpu.memory_space<vmem>> -> memref<1x128x64xbf16, #tpu.memory_space<vmem>>
    %dma_wait3A_782 = tpu.memref_squeeze %dma_wait3A_781 : memref<1x128x64xbf16, #tpu.memory_space<vmem>> -> memref<128x64xbf16, #tpu.memory_space<vmem>>
    %dma_wait3A_783 = arith.constant 0 : i32
    %dma_wait3A_784 = arith.constant 0 : i32
    %dma_wait3A_785 = tpu.memref_slice %arg2[%dma_wait3A_783, %dma_wait3A_784] : memref<10112x64xbf16, #tpu.memory_space<hbm>> -> memref<128x64xbf16, #tpu.memory_space<hbm>>
    tpu.wait_dma2 semaphore(%arg16 : memref<!tpu.dma_semaphore, #tpu.memory_space<semaphore_mem>>) src(%dma_wait3A_785 : memref<128x64xbf16, #tpu.memory_space<hbm>>) dst(%dma_wait3A_782 : memref<128x64xbf16, #tpu.memory_space<vmem>>)
    %dma_wait3A_786 = arith.constant 2 : i32
    %dma_wait3A_787 = arith.constant 0 : i32
    %dma_wait3A_788 = arith.constant 0 : i32
    %dma_wait3A_789 = tpu.memref_slice %arg8[%dma_wait3A_786, %dma_wait3A_787, %dma_wait3A_788] : memref<4x128x64xbf16, #tpu.memory_space<vmem>> -> memref<1x128x64xbf16, #tpu.memory_space<vmem>>
    %dma_wait3A_790 = tpu.memref_squeeze %dma_wait3A_789 : memref<1x128x64xbf16, #tpu.memory_space<vmem>> -> memref<128x64xbf16, #tpu.memory_space<vmem>>
    %dma_wait3A_791 = arith.constant 0 : i32
    %dma_wait3A_792 = arith.constant 0 : i32
    %dma_wait3A_793 = tpu.memref_slice %arg2[%dma_wait3A_791, %dma_wait3A_792] : memref<10112x64xbf16, #tpu.memory_space<hbm>> -> memref<128x64xbf16, #tpu.memory_space<hbm>>
    %dma_wait3A_794 = arith.constant 0 : i32
    %dma_wait3A_795 = arith.constant 0 : i32
    %dma_wait3A_796 = tpu.memref_slice %arg8[%dma_wait3A_786, %dma_wait3A_794, %dma_wait3A_795] : memref<4x128x64xbf16, #tpu.memory_space<vmem>> -> memref<1x128x64xbf16, #tpu.memory_space<vmem>>
    %dma_wait3A_797 = tpu.memref_squeeze %dma_wait3A_796 : memref<1x128x64xbf16, #tpu.memory_space<vmem>> -> memref<128x64xbf16, #tpu.memory_space<vmem>>
    %dma_wait3A_798 = arith.constant 0 : i32
    %dma_wait3A_799 = arith.constant 0 : i32
    %dma_wait3A_800 = tpu.memref_slice %arg2[%dma_wait3A_798, %dma_wait3A_799] : memref<10112x64xbf16, #tpu.memory_space<hbm>> -> memref<128x64xbf16, #tpu.memory_space<hbm>>
    tpu.wait_dma2 semaphore(%arg17 : memref<!tpu.dma_semaphore, #tpu.memory_space<semaphore_mem>>) src(%dma_wait3A_800 : memref<128x64xbf16, #tpu.memory_space<hbm>>) dst(%dma_wait3A_797 : memref<128x64xbf16, #tpu.memory_space<vmem>>)
    %dma_wait3A_801 = arith.constant 3 : i32
    %dma_wait3A_802 = arith.constant 0 : i32
    %dma_wait3A_803 = arith.constant 0 : i32
    %dma_wait3A_804 = tpu.memref_slice %arg8[%dma_wait3A_801, %dma_wait3A_802, %dma_wait3A_803] : memref<4x128x64xbf16, #tpu.memory_space<vmem>> -> memref<1x128x64xbf16, #tpu.memory_space<vmem>>
    %dma_wait3A_805 = tpu.memref_squeeze %dma_wait3A_804 : memref<1x128x64xbf16, #tpu.memory_space<vmem>> -> memref<128x64xbf16, #tpu.memory_space<vmem>>
    %dma_wait3A_806 = arith.constant 0 : i32
    %dma_wait3A_807 = arith.constant 0 : i32
    %dma_wait3A_808 = tpu.memref_slice %arg2[%dma_wait3A_806, %dma_wait3A_807] : memref<10112x64xbf16, #tpu.memory_space<hbm>> -> memref<128x64xbf16, #tpu.memory_space<hbm>>
    %dma_wait3A_809 = arith.constant 0 : i32
    %dma_wait3A_810 = arith.constant 0 : i32
    %dma_wait3A_811 = tpu.memref_slice %arg8[%dma_wait3A_801, %dma_wait3A_809, %dma_wait3A_810] : memref<4x128x64xbf16, #tpu.memory_space<vmem>> -> memref<1x128x64xbf16, #tpu.memory_space<vmem>>
    %dma_wait3A_812 = tpu.memref_squeeze %dma_wait3A_811 : memref<1x128x64xbf16, #tpu.memory_space<vmem>> -> memref<128x64xbf16, #tpu.memory_space<vmem>>
    %dma_wait3A_813 = arith.constant 0 : i32
    %dma_wait3A_814 = arith.constant 0 : i32
    %dma_wait3A_815 = tpu.memref_slice %arg2[%dma_wait3A_813, %dma_wait3A_814] : memref<10112x64xbf16, #tpu.memory_space<hbm>> -> memref<128x64xbf16, #tpu.memory_space<hbm>>
    tpu.wait_dma2 semaphore(%arg18 : memref<!tpu.dma_semaphore, #tpu.memory_space<semaphore_mem>>) src(%dma_wait3A_815 : memref<128x64xbf16, #tpu.memory_space<hbm>>) dst(%dma_wait3A_812 : memref<128x64xbf16, #tpu.memory_space<vmem>>)
    %barrier3A_816 = arith.constant 0 : index
    tpu.barrier barrier_id(%barrier3A_816)
    %add3A_817 = arith.constant 0 : i32
    %add3A_818 = arith.addi %mul3A_2, %add3A_817 : i32
    %dma_start3A_819 = arith.constant 0 : i32
    %dma_start3A_820 = tpu.memref_slice %arg5[%arg0, %add3A_818, %dma_start3A_819] : memref<2x10112x64xbf16, #tpu.memory_space<hbm>> -> memref<1x128x64xbf16, #tpu.memory_space<hbm>>
    %dma_start3A_821 = tpu.memref_squeeze %dma_start3A_820 : memref<1x128x64xbf16, #tpu.memory_space<hbm>> -> memref<128x64xbf16, #tpu.memory_space<hbm>>
    %dma_start3A_822 = arith.constant 0 : i32
    %dma_start3A_823 = tpu.memref_slice %arg10[%add3A_818, %dma_start3A_822] : memref<10112x64xbf16, #tpu.memory_space<vmem_shared>> -> memref<128x64xbf16, #tpu.memory_space<vmem_shared>>
    tpu.enqueue_dma source(%dma_start3A_823 : memref<128x64xbf16, #tpu.memory_space<vmem_shared>>) target(%dma_start3A_821 : memref<128x64xbf16, #tpu.memory_space<hbm>>) target_semaphore(%arg15 : memref<!tpu.dma_semaphore, #tpu.memory_space<semaphore_mem>>)
    %add3A_824 = arith.constant 128 : i32
    %add3A_825 = arith.addi %mul3A_2, %add3A_824 : i32
    %dma_start3A_826 = arith.constant 0 : i32
    %dma_start3A_827 = tpu.memref_slice %arg5[%arg0, %add3A_825, %dma_start3A_826] : memref<2x10112x64xbf16, #tpu.memory_space<hbm>> -> memref<1x128x64xbf16, #tpu.memory_space<hbm>>
    %dma_start3A_828 = tpu.memref_squeeze %dma_start3A_827 : memref<1x128x64xbf16, #tpu.memory_space<hbm>> -> memref<128x64xbf16, #tpu.memory_space<hbm>>
    %dma_start3A_829 = arith.constant 0 : i32
    %dma_start3A_830 = tpu.memref_slice %arg10[%add3A_825, %dma_start3A_829] : memref<10112x64xbf16, #tpu.memory_space<vmem_shared>> -> memref<128x64xbf16, #tpu.memory_space<vmem_shared>>
    tpu.enqueue_dma source(%dma_start3A_830 : memref<128x64xbf16, #tpu.memory_space<vmem_shared>>) target(%dma_start3A_828 : memref<128x64xbf16, #tpu.memory_space<hbm>>) target_semaphore(%arg16 : memref<!tpu.dma_semaphore, #tpu.memory_space<semaphore_mem>>)
    %add3A_831 = arith.constant 256 : i32
    %add3A_832 = arith.addi %mul3A_2, %add3A_831 : i32
    %dma_start3A_833 = arith.constant 0 : i32
    %dma_start3A_834 = tpu.memref_slice %arg5[%arg0, %add3A_832, %dma_start3A_833] : memref<2x10112x64xbf16, #tpu.memory_space<hbm>> -> memref<1x128x64xbf16, #tpu.memory_space<hbm>>
    %dma_start3A_835 = tpu.memref_squeeze %dma_start3A_834 : memref<1x128x64xbf16, #tpu.memory_space<hbm>> -> memref<128x64xbf16, #tpu.memory_space<hbm>>
    %dma_start3A_836 = arith.constant 0 : i32
    %dma_start3A_837 = tpu.memref_slice %arg10[%add3A_832, %dma_start3A_836] : memref<10112x64xbf16, #tpu.memory_space<vmem_shared>> -> memref<128x64xbf16, #tpu.memory_space<vmem_shared>>
    tpu.enqueue_dma source(%dma_start3A_837 : memref<128x64xbf16, #tpu.memory_space<vmem_shared>>) target(%dma_start3A_835 : memref<128x64xbf16, #tpu.memory_space<hbm>>) target_semaphore(%arg17 : memref<!tpu.dma_semaphore, #tpu.memory_space<semaphore_mem>>)
    %add3A_838 = arith.constant 384 : i32
    %add3A_839 = arith.addi %mul3A_2, %add3A_838 : i32
    %dma_start3A_840 = arith.constant 0 : i32
    %dma_start3A_841 = tpu.memref_slice %arg5[%arg0, %add3A_839, %dma_start3A_840] : memref<2x10112x64xbf16, #tpu.memory_space<hbm>> -> memref<1x128x64xbf16, #tpu.memory_space<hbm>>
    %dma_start3A_842 = tpu.memref_squeeze %dma_start3A_841 : memref<1x128x64xbf16, #tpu.memory_space<hbm>> -> memref<128x64xbf16, #tpu.memory_space<hbm>>
    %dma_start3A_843 = arith.constant 0 : i32
    %dma_start3A_844 = tpu.memref_slice %arg10[%add3A_839, %dma_start3A_843] : memref<10112x64xbf16, #tpu.memory_space<vmem_shared>> -> memref<128x64xbf16, #tpu.memory_space<vmem_shared>>
    tpu.enqueue_dma source(%dma_start3A_844 : memref<128x64xbf16, #tpu.memory_space<vmem_shared>>) target(%dma_start3A_842 : memref<128x64xbf16, #tpu.memory_space<hbm>>) target_semaphore(%arg18 : memref<!tpu.dma_semaphore, #tpu.memory_space<semaphore_mem>>)
    %add3A_845 = arith.constant 512 : i32
    %add3A_846 = arith.addi %mul3A_2, %add3A_845 : i32
    %dma_start3A_847 = arith.constant 0 : i32
    %dma_start3A_848 = tpu.memref_slice %arg5[%arg0, %add3A_846, %dma_start3A_847] : memref<2x10112x64xbf16, #tpu.memory_space<hbm>> -> memref<1x120x64xbf16, #tpu.memory_space<hbm>>
    %dma_start3A_849 = tpu.memref_squeeze %dma_start3A_848 : memref<1x120x64xbf16, #tpu.memory_space<hbm>> -> memref<120x64xbf16, #tpu.memory_space<hbm>>
    %dma_start3A_850 = arith.constant 0 : i32
    %dma_start3A_851 = tpu.memref_slice %arg10[%add3A_846, %dma_start3A_850] : memref<10112x64xbf16, #tpu.memory_space<vmem_shared>> -> memref<120x64xbf16, #tpu.memory_space<vmem_shared>>
    tpu.enqueue_dma source(%dma_start3A_851 : memref<120x64xbf16, #tpu.memory_space<vmem_shared>>) target(%dma_start3A_849 : memref<120x64xbf16, #tpu.memory_space<hbm>>) target_semaphore(%arg15 : memref<!tpu.dma_semaphore, #tpu.memory_space<semaphore_mem>>)
    %dma_wait3A_852 = arith.constant 0 : i32
    %dma_wait3A_853 = tpu.memref_slice %arg5[%arg0, %add3A_818, %dma_wait3A_852] : memref<2x10112x64xbf16, #tpu.memory_space<hbm>> -> memref<1x128x64xbf16, #tpu.memory_space<hbm>>
    %dma_wait3A_854 = tpu.memref_squeeze %dma_wait3A_853 : memref<1x128x64xbf16, #tpu.memory_space<hbm>> -> memref<128x64xbf16, #tpu.memory_space<hbm>>
    %dma_wait3A_855 = arith.constant 0 : i32
    %dma_wait3A_856 = tpu.memref_slice %arg10[%add3A_818, %dma_wait3A_855] : memref<10112x64xbf16, #tpu.memory_space<vmem_shared>> -> memref<128x64xbf16, #tpu.memory_space<vmem_shared>>
    tpu.wait_dma2 semaphore(%arg15 : memref<!tpu.dma_semaphore, #tpu.memory_space<semaphore_mem>>) src(%dma_wait3A_856 : memref<128x64xbf16, #tpu.memory_space<vmem_shared>>) dst(%dma_wait3A_854 : memref<128x64xbf16, #tpu.memory_space<hbm>>)
    %dma_wait3A_857 = arith.constant 0 : i32
    %dma_wait3A_858 = tpu.memref_slice %arg5[%arg0, %add3A_825, %dma_wait3A_857] : memref<2x10112x64xbf16, #tpu.memory_space<hbm>> -> memref<1x128x64xbf16, #tpu.memory_space<hbm>>
    %dma_wait3A_859 = tpu.memref_squeeze %dma_wait3A_858 : memref<1x128x64xbf16, #tpu.memory_space<hbm>> -> memref<128x64xbf16, #tpu.memory_space<hbm>>
    %dma_wait3A_860 = arith.constant 0 : i32
    %dma_wait3A_861 = tpu.memref_slice %arg10[%add3A_825, %dma_wait3A_860] : memref<10112x64xbf16, #tpu.memory_space<vmem_shared>> -> memref<128x64xbf16, #tpu.memory_space<vmem_shared>>
    tpu.wait_dma2 semaphore(%arg16 : memref<!tpu.dma_semaphore, #tpu.memory_space<semaphore_mem>>) src(%dma_wait3A_861 : memref<128x64xbf16, #tpu.memory_space<vmem_shared>>) dst(%dma_wait3A_859 : memref<128x64xbf16, #tpu.memory_space<hbm>>)
    %dma_wait3A_862 = arith.constant 0 : i32
    %dma_wait3A_863 = tpu.memref_slice %arg5[%arg0, %add3A_832, %dma_wait3A_862] : memref<2x10112x64xbf16, #tpu.memory_space<hbm>> -> memref<1x128x64xbf16, #tpu.memory_space<hbm>>
    %dma_wait3A_864 = tpu.memref_squeeze %dma_wait3A_863 : memref<1x128x64xbf16, #tpu.memory_space<hbm>> -> memref<128x64xbf16, #tpu.memory_space<hbm>>
    %dma_wait3A_865 = arith.constant 0 : i32
    %dma_wait3A_866 = tpu.memref_slice %arg10[%add3A_832, %dma_wait3A_865] : memref<10112x64xbf16, #tpu.memory_space<vmem_shared>> -> memref<128x64xbf16, #tpu.memory_space<vmem_shared>>
    tpu.wait_dma2 semaphore(%arg17 : memref<!tpu.dma_semaphore, #tpu.memory_space<semaphore_mem>>) src(%dma_wait3A_866 : memref<128x64xbf16, #tpu.memory_space<vmem_shared>>) dst(%dma_wait3A_864 : memref<128x64xbf16, #tpu.memory_space<hbm>>)
    %dma_wait3A_867 = arith.constant 0 : i32
    %dma_wait3A_868 = tpu.memref_slice %arg5[%arg0, %add3A_839, %dma_wait3A_867] : memref<2x10112x64xbf16, #tpu.memory_space<hbm>> -> memref<1x128x64xbf16, #tpu.memory_space<hbm>>
    %dma_wait3A_869 = tpu.memref_squeeze %dma_wait3A_868 : memref<1x128x64xbf16, #tpu.memory_space<hbm>> -> memref<128x64xbf16, #tpu.memory_space<hbm>>
    %dma_wait3A_870 = arith.constant 0 : i32
    %dma_wait3A_871 = tpu.memref_slice %arg10[%add3A_839, %dma_wait3A_870] : memref<10112x64xbf16, #tpu.memory_space<vmem_shared>> -> memref<128x64xbf16, #tpu.memory_space<vmem_shared>>
    tpu.wait_dma2 semaphore(%arg18 : memref<!tpu.dma_semaphore, #tpu.memory_space<semaphore_mem>>) src(%dma_wait3A_871 : memref<128x64xbf16, #tpu.memory_space<vmem_shared>>) dst(%dma_wait3A_869 : memref<128x64xbf16, #tpu.memory_space<hbm>>)
    %dma_wait3A_872 = arith.constant 0 : i32
    %dma_wait3A_873 = tpu.memref_slice %arg5[%arg0, %add3A_846, %dma_wait3A_872] : memref<2x10112x64xbf16, #tpu.memory_space<hbm>> -> memref<1x120x64xbf16, #tpu.memory_space<hbm>>
    %dma_wait3A_874 = tpu.memref_squeeze %dma_wait3A_873 : memref<1x120x64xbf16, #tpu.memory_space<hbm>> -> memref<120x64xbf16, #tpu.memory_space<hbm>>
    %dma_wait3A_875 = arith.constant 0 : i32
    %dma_wait3A_876 = tpu.memref_slice %arg10[%add3A_846, %dma_wait3A_875] : memref<10112x64xbf16, #tpu.memory_space<vmem_shared>> -> memref<120x64xbf16, #tpu.memory_space<vmem_shared>>
    tpu.wait_dma2 semaphore(%arg15 : memref<!tpu.dma_semaphore, #tpu.memory_space<semaphore_mem>>) src(%dma_wait3A_876 : memref<120x64xbf16, #tpu.memory_space<vmem_shared>>) dst(%dma_wait3A_874 : memref<120x64xbf16, #tpu.memory_space<hbm>>)
    return
  }
}

#map = affine_map<(d0, d1) -> (0, 0)>
#map1 = affine_map<(d0, d1) -> (0, 0, 0)>
module attributes {stable_mosaic.version = 14 : i64} {
  func.func @_scatter_kernel(%arg0: i32, %arg1: i32, %arg2: memref<10112x64xbf16, #tpu.memory_space<hbm>>, %arg3: memref<32x80x128xi32, #tpu.memory_space<hbm>>, %arg4: memref<32x80x128xi32, #tpu.memory_space<hbm>>, %arg5: memref<2x10112x64xbf16, #tpu.memory_space<hbm>>, %arg6: memref<3x8x128xi32, #tpu.memory_space<vmem>>, %arg7: memref<3x8x128xi32, #tpu.memory_space<vmem>>, %arg8: memref<4x128x64xbf16, #tpu.memory_space<vmem>>, %arg9: memref<10112x64xbf16, #tpu.memory_space<vmem_shared>>, %arg10: memref<10112x64xbf16, #tpu.memory_space<vmem_shared>>, %arg11: memref<!tpu.dma_semaphore, #tpu.memory_space<semaphore_mem>>, %arg12: memref<!tpu.dma_semaphore, #tpu.memory_space<semaphore_mem>>, %arg13: memref<!tpu.dma_semaphore, #tpu.memory_space<semaphore_mem>>, %arg14: memref<!tpu.dma_semaphore, #tpu.memory_space<semaphore_mem>>, %arg15: memref<!tpu.dma_semaphore, #tpu.memory_space<semaphore_mem>>, %arg16: memref<!tpu.dma_semaphore, #tpu.memory_space<semaphore_mem>>, %arg17: memref<!tpu.dma_semaphore, #tpu.memory_space<semaphore_mem>>, %arg18: memref<!tpu.dma_semaphore, #tpu.memory_space<semaphore_mem>>, %arg19: memref<!tpu.dma_semaphore, #tpu.memory_space<semaphore_mem>>, %arg20: memref<!tpu.dma_semaphore, #tpu.memory_space<semaphore_mem>>) attributes {dimension_semantics = [#tpu.dimension_semantics<core_parallel>, #tpu.dimension_semantics<subcore_parallel>], iteration_bounds = array<i64: 2, 16>, scalar_prefetch = 0 : i64, scratch_operands = 15 : i64, tpu.core_type = #tpu.core_type<sc_vector_subcore>, window_params = [{transform_indices = #map}, {transform_indices = #map1}, {transform_indices = #map1}, {transform_indices = #map1}]} {
    %mul3A = arith.constant 16 : i32
    %mul3A_0 = arith.muli %arg0, %mul3A : i32
    %add3A = arith.addi %mul3A_0, %arg1 : i32
    %mul3A_1 = arith.constant 632 : i32
    %mul3A_2 = arith.muli %arg1, %mul3A_1 : i32
    %dma_start3A = arith.constant 0 : i32
    %dma_start3A_3 = arith.constant 0 : i32
    %dma_start3A_4 = arith.constant 0 : i32
    %dma_start3A_5 = tpu.memref_slice %arg6[%dma_start3A, %dma_start3A_3, %dma_start3A_4] : memref<3x8x128xi32, #tpu.memory_space<vmem>> -> memref<1x8x128xi32, #tpu.memory_space<vmem>>
    %dma_start3A_6 = tpu.memref_squeeze %dma_start3A_5 : memref<1x8x128xi32, #tpu.memory_space<vmem>> -> memref<8x128xi32, #tpu.memory_space<vmem>>
    %dma_start3A_7 = arith.constant 0 : i32
    %dma_start3A_8 = arith.constant 0 : i32
    %dma_start3A_9 = tpu.memref_slice %arg3[%add3A, %dma_start3A_7, %dma_start3A_8] : memref<32x80x128xi32, #tpu.memory_space<hbm>> -> memref<1x8x128xi32, #tpu.memory_space<hbm>>
    %dma_start3A_10 = tpu.memref_squeeze %dma_start3A_9 : memref<1x8x128xi32, #tpu.memory_space<hbm>> -> memref<8x128xi32, #tpu.memory_space<hbm>>
    %dma_start3A_11 = arith.constant 0 : i32
    %dma_start3A_12 = arith.constant 0 : i32
    %dma_start3A_13 = tpu.memref_slice %arg6[%dma_start3A, %dma_start3A_11, %dma_start3A_12] : memref<3x8x128xi32, #tpu.memory_space<vmem>> -> memref<1x8x128xi32, #tpu.memory_space<vmem>>
    %dma_start3A_14 = tpu.memref_squeeze %dma_start3A_13 : memref<1x8x128xi32, #tpu.memory_space<vmem>> -> memref<8x128xi32, #tpu.memory_space<vmem>>
    %dma_start3A_15 = arith.constant 0 : i32
    %dma_start3A_16 = arith.constant 0 : i32
    %dma_start3A_17 = tpu.memref_slice %arg3[%add3A, %dma_start3A_15, %dma_start3A_16] : memref<32x80x128xi32, #tpu.memory_space<hbm>> -> memref<1x8x128xi32, #tpu.memory_space<hbm>>
    %dma_start3A_18 = tpu.memref_squeeze %dma_start3A_17 : memref<1x8x128xi32, #tpu.memory_space<hbm>> -> memref<8x128xi32, #tpu.memory_space<hbm>>
    tpu.enqueue_dma source(%dma_start3A_18 : memref<8x128xi32, #tpu.memory_space<hbm>>) target(%dma_start3A_14 : memref<8x128xi32, #tpu.memory_space<vmem>>) target_semaphore(%arg11 : memref<!tpu.dma_semaphore, #tpu.memory_space<semaphore_mem>>)
    %dma_start3A_19 = arith.constant 0 : i32
    %dma_start3A_20 = arith.constant 0 : i32
    %dma_start3A_21 = arith.constant 0 : i32
    %dma_start3A_22 = tpu.memref_slice %arg7[%dma_start3A_19, %dma_start3A_20, %dma_start3A_21] : memref<3x8x128xi32, #tpu.memory_space<vmem>> -> memref<1x8x128xi32, #tpu.memory_space<vmem>>
    %dma_start3A_23 = tpu.memref_squeeze %dma_start3A_22 : memref<1x8x128xi32, #tpu.memory_space<vmem>> -> memref<8x128xi32, #tpu.memory_space<vmem>>
    %dma_start3A_24 = arith.constant 0 : i32
    %dma_start3A_25 = arith.constant 0 : i32
    %dma_start3A_26 = tpu.memref_slice %arg4[%add3A, %dma_start3A_24, %dma_start3A_25] : memref<32x80x128xi32, #tpu.memory_space<hbm>> -> memref<1x8x128xi32, #tpu.memory_space<hbm>>
    %dma_start3A_27 = tpu.memref_squeeze %dma_start3A_26 : memref<1x8x128xi32, #tpu.memory_space<hbm>> -> memref<8x128xi32, #tpu.memory_space<hbm>>
    %dma_start3A_28 = arith.constant 0 : i32
    %dma_start3A_29 = arith.constant 0 : i32
    %dma_start3A_30 = tpu.memref_slice %arg7[%dma_start3A_19, %dma_start3A_28, %dma_start3A_29] : memref<3x8x128xi32, #tpu.memory_space<vmem>> -> memref<1x8x128xi32, #tpu.memory_space<vmem>>
    %dma_start3A_31 = tpu.memref_squeeze %dma_start3A_30 : memref<1x8x128xi32, #tpu.memory_space<vmem>> -> memref<8x128xi32, #tpu.memory_space<vmem>>
    %dma_start3A_32 = arith.constant 0 : i32
    %dma_start3A_33 = arith.constant 0 : i32
    %dma_start3A_34 = tpu.memref_slice %arg4[%add3A, %dma_start3A_32, %dma_start3A_33] : memref<32x80x128xi32, #tpu.memory_space<hbm>> -> memref<1x8x128xi32, #tpu.memory_space<hbm>>
    %dma_start3A_35 = tpu.memref_squeeze %dma_start3A_34 : memref<1x8x128xi32, #tpu.memory_space<hbm>> -> memref<8x128xi32, #tpu.memory_space<hbm>>
    tpu.enqueue_dma source(%dma_start3A_35 : memref<8x128xi32, #tpu.memory_space<hbm>>) target(%dma_start3A_31 : memref<8x128xi32, #tpu.memory_space<vmem>>) target_semaphore(%arg11 : memref<!tpu.dma_semaphore, #tpu.memory_space<semaphore_mem>>)
    %dma_start3A_36 = arith.constant 1 : i32
    %dma_start3A_37 = arith.constant 0 : i32
    %dma_start3A_38 = arith.constant 0 : i32
    %dma_start3A_39 = tpu.memref_slice %arg6[%dma_start3A_36, %dma_start3A_37, %dma_start3A_38] : memref<3x8x128xi32, #tpu.memory_space<vmem>> -> memref<1x8x128xi32, #tpu.memory_space<vmem>>
    %dma_start3A_40 = tpu.memref_squeeze %dma_start3A_39 : memref<1x8x128xi32, #tpu.memory_space<vmem>> -> memref<8x128xi32, #tpu.memory_space<vmem>>
    %dma_start3A_41 = arith.constant 8 : i32
    %dma_start3A_42 = arith.constant 0 : i32
    %dma_start3A_43 = tpu.memref_slice %arg3[%add3A, %dma_start3A_41, %dma_start3A_42] : memref<32x80x128xi32, #tpu.memory_space<hbm>> -> memref<1x8x128xi32, #tpu.memory_space<hbm>>
    %dma_start3A_44 = tpu.memref_squeeze %dma_start3A_43 : memref<1x8x128xi32, #tpu.memory_space<hbm>> -> memref<8x128xi32, #tpu.memory_space<hbm>>
    %dma_start3A_45 = arith.constant 0 : i32
    %dma_start3A_46 = arith.constant 0 : i32
    %dma_start3A_47 = tpu.memref_slice %arg6[%dma_start3A_36, %dma_start3A_45, %dma_start3A_46] : memref<3x8x128xi32, #tpu.memory_space<vmem>> -> memref<1x8x128xi32, #tpu.memory_space<vmem>>
    %dma_start3A_48 = tpu.memref_squeeze %dma_start3A_47 : memref<1x8x128xi32, #tpu.memory_space<vmem>> -> memref<8x128xi32, #tpu.memory_space<vmem>>
    %dma_start3A_49 = arith.constant 8 : i32
    %dma_start3A_50 = arith.constant 0 : i32
    %dma_start3A_51 = tpu.memref_slice %arg3[%add3A, %dma_start3A_49, %dma_start3A_50] : memref<32x80x128xi32, #tpu.memory_space<hbm>> -> memref<1x8x128xi32, #tpu.memory_space<hbm>>
    %dma_start3A_52 = tpu.memref_squeeze %dma_start3A_51 : memref<1x8x128xi32, #tpu.memory_space<hbm>> -> memref<8x128xi32, #tpu.memory_space<hbm>>
    tpu.enqueue_dma source(%dma_start3A_52 : memref<8x128xi32, #tpu.memory_space<hbm>>) target(%dma_start3A_48 : memref<8x128xi32, #tpu.memory_space<vmem>>) target_semaphore(%arg19 : memref<!tpu.dma_semaphore, #tpu.memory_space<semaphore_mem>>)
    %dma_start3A_53 = arith.constant 1 : i32
    %dma_start3A_54 = arith.constant 0 : i32
    %dma_start3A_55 = arith.constant 0 : i32
    %dma_start3A_56 = tpu.memref_slice %arg7[%dma_start3A_53, %dma_start3A_54, %dma_start3A_55] : memref<3x8x128xi32, #tpu.memory_space<vmem>> -> memref<1x8x128xi32, #tpu.memory_space<vmem>>
    %dma_start3A_57 = tpu.memref_squeeze %dma_start3A_56 : memref<1x8x128xi32, #tpu.memory_space<vmem>> -> memref<8x128xi32, #tpu.memory_space<vmem>>
    %dma_start3A_58 = arith.constant 8 : i32
    %dma_start3A_59 = arith.constant 0 : i32
    %dma_start3A_60 = tpu.memref_slice %arg4[%add3A, %dma_start3A_58, %dma_start3A_59] : memref<32x80x128xi32, #tpu.memory_space<hbm>> -> memref<1x8x128xi32, #tpu.memory_space<hbm>>
    %dma_start3A_61 = tpu.memref_squeeze %dma_start3A_60 : memref<1x8x128xi32, #tpu.memory_space<hbm>> -> memref<8x128xi32, #tpu.memory_space<hbm>>
    %dma_start3A_62 = arith.constant 0 : i32
    %dma_start3A_63 = arith.constant 0 : i32
    %dma_start3A_64 = tpu.memref_slice %arg7[%dma_start3A_53, %dma_start3A_62, %dma_start3A_63] : memref<3x8x128xi32, #tpu.memory_space<vmem>> -> memref<1x8x128xi32, #tpu.memory_space<vmem>>
    %dma_start3A_65 = tpu.memref_squeeze %dma_start3A_64 : memref<1x8x128xi32, #tpu.memory_space<vmem>> -> memref<8x128xi32, #tpu.memory_space<vmem>>
    %dma_start3A_66 = arith.constant 8 : i32
    %dma_start3A_67 = arith.constant 0 : i32
    %dma_start3A_68 = tpu.memref_slice %arg4[%add3A, %dma_start3A_66, %dma_start3A_67] : memref<32x80x128xi32, #tpu.memory_space<hbm>> -> memref<1x8x128xi32, #tpu.memory_space<hbm>>
    %dma_start3A_69 = tpu.memref_squeeze %dma_start3A_68 : memref<1x8x128xi32, #tpu.memory_space<hbm>> -> memref<8x128xi32, #tpu.memory_space<hbm>>
    tpu.enqueue_dma source(%dma_start3A_69 : memref<8x128xi32, #tpu.memory_space<hbm>>) target(%dma_start3A_65 : memref<8x128xi32, #tpu.memory_space<vmem>>) target_semaphore(%arg20 : memref<!tpu.dma_semaphore, #tpu.memory_space<semaphore_mem>>)
    %broadcast_in_dim3A = arith.constant 0.000000e+00 : bf16
    %broadcast_in_dim3A_70 = vector.broadcast %broadcast_in_dim3A : bf16 to vector<32xbf16>
    %scan3A = arith.constant 0 : i32
    %scan3A_71 = arith.constant 0 : i32
    %scan3A_72 = arith.constant 0 : i32
    %scan3A_73 = arith.constant 128 : i32
    %scan3A_74 = arith.addi %scan3A_72, %scan3A_73 : i32
    %scan3A_75 = arith.constant 1 : i32
    %scan3A_76 = scf.for %scan3A_877 = %scan3A_72 to %scan3A_74 step %scan3A_75 iter_args(%scan3A_878 = %scan3A_71) -> (i32)  : i32 {
      %swap3A = arith.constant 0 : i32
      %swap3A_879 = arith.constant 0 : i32
      %swap3A_880 = tpu.memref_slice %arg8[%scan3A, %swap3A, %swap3A_879] : memref<4x128x64xbf16, #tpu.memory_space<vmem>> -> memref<1x128x64xbf16, #tpu.memory_space<vmem>>
      %swap3A_881 = tpu.memref_squeeze %swap3A_880 : memref<1x128x64xbf16, #tpu.memory_space<vmem>> -> memref<128x64xbf16, #tpu.memory_space<vmem>>
      %swap3A_882 = arith.index_cast %scan3A_877 : i32 to index
      %swap3A_883 = arith.constant 0 : index
      %swap3A_884 = tpu.vector_load %swap3A_881[%swap3A_882, %swap3A_883] {strides = array<i32>} : memref<128x64xbf16, #tpu.memory_space<vmem>>, vector<1x32xbf16>,
      %swap3A_885 = vector.shape_cast %swap3A_884 : vector<1x32xbf16> to vector<32xbf16>
      %swap3A_886 = vector.shape_cast %broadcast_in_dim3A_70 : vector<32xbf16> to vector<1x32xbf16>
      tpu.vector_store %swap3A_881[%swap3A_882, %swap3A_883], %swap3A_886 {strides = array<i32>} : memref<128x64xbf16, #tpu.memory_space<vmem>>, vector<1x32xbf16>,
      %swap3A_887 = arith.constant 0 : i32
      %swap3A_888 = arith.constant 0 : i32
      %swap3A_889 = tpu.memref_slice %arg8[%scan3A, %swap3A_887, %swap3A_888] : memref<4x128x64xbf16, #tpu.memory_space<vmem>> -> memref<1x128x64xbf16, #tpu.memory_space<vmem>>
      %swap3A_890 = tpu.memref_squeeze %swap3A_889 : memref<1x128x64xbf16, #tpu.memory_space<vmem>> -> memref<128x64xbf16, #tpu.memory_space<vmem>>
      %swap3A_891 = arith.index_cast %scan3A_877 : i32 to index
      %swap3A_892 = arith.constant 32 : index
      %swap3A_893 = tpu.vector_load %swap3A_890[%swap3A_891, %swap3A_892] {strides = array<i32>} : memref<128x64xbf16, #tpu.memory_space<vmem>>, vector<1x32xbf16>,
      %swap3A_894 = vector.shape_cast %swap3A_893 : vector<1x32xbf16> to vector<32xbf16>
      %swap3A_895 = vector.shape_cast %broadcast_in_dim3A_70 : vector<32xbf16> to vector<1x32xbf16>
      tpu.vector_store %swap3A_890[%swap3A_891, %swap3A_892], %swap3A_895 {strides = array<i32>} : memref<128x64xbf16, #tpu.memory_space<vmem>>, vector<1x32xbf16>,
      %scan3A_896 = arith.constant 0 : i32
      scf.yield %scan3A_896 : i32
    }
    %scan3A_77 = arith.constant 128 : i32
    %add3A_78 = arith.constant 0 : i32
    %add3A_79 = arith.addi %mul3A_2, %add3A_78 : i32
    %dma_start3A_80 = arith.constant 0 : i32
    %dma_start3A_81 = arith.constant 0 : i32
    %dma_start3A_82 = arith.constant 0 : i32
    %dma_start3A_83 = tpu.memref_slice %arg8[%dma_start3A_80, %dma_start3A_81, %dma_start3A_82] : memref<4x128x64xbf16, #tpu.memory_space<vmem>> -> memref<1x128x64xbf16, #tpu.memory_space<vmem>>
    %dma_start3A_84 = tpu.memref_squeeze %dma_start3A_83 : memref<1x128x64xbf16, #tpu.memory_space<vmem>> -> memref<128x64xbf16, #tpu.memory_space<vmem>>
    %dma_start3A_85 = arith.constant 0 : i32
    %dma_start3A_86 = arith.constant 0 : i32
    %dma_start3A_87 = tpu.memref_slice %dma_start3A_84[%dma_start3A_85, %dma_start3A_86] : memref<128x64xbf16, #tpu.memory_space<vmem>> -> memref<128x64xbf16, #tpu.memory_space<vmem>>
    %dma_start3A_88 = arith.constant 0 : i32
    %dma_start3A_89 = tpu.memref_slice %arg10[%add3A_79, %dma_start3A_88] : memref<10112x64xbf16, #tpu.memory_space<vmem_shared>> -> memref<128x64xbf16, #tpu.memory_space<vmem_shared>>
    %dma_start3A_90 = arith.constant 0 : i32
    %dma_start3A_91 = tpu.memref_slice %arg10[%add3A_79, %dma_start3A_90] : memref<10112x64xbf16, #tpu.memory_space<vmem_shared>> -> memref<128x64xbf16, #tpu.memory_space<vmem_shared>>
    %dma_start3A_92 = arith.constant 0 : i32
    %dma_start3A_93 = arith.constant 0 : i32
    %dma_start3A_94 = tpu.memref_slice %arg8[%dma_start3A_80, %dma_start3A_92, %dma_start3A_93] : memref<4x128x64xbf16, #tpu.memory_space<vmem>> -> memref<1x128x64xbf16, #tpu.memory_space<vmem>>
    %dma_start3A_95 = tpu.memref_squeeze %dma_start3A_94 : memref<1x128x64xbf16, #tpu.memory_space<vmem>> -> memref<128x64xbf16, #tpu.memory_space<vmem>>
    %dma_start3A_96 = arith.constant 0 : i32
    %dma_start3A_97 = arith.constant 0 : i32
    %dma_start3A_98 = tpu.memref_slice %dma_start3A_95[%dma_start3A_96, %dma_start3A_97] : memref<128x64xbf16, #tpu.memory_space<vmem>> -> memref<128x64xbf16, #tpu.memory_space<vmem>>
    tpu.enqueue_dma source(%dma_start3A_98 : memref<128x64xbf16, #tpu.memory_space<vmem>>) target(%dma_start3A_91 : memref<128x64xbf16, #tpu.memory_space<vmem_shared>>) target_semaphore(%arg15 : memref<!tpu.dma_semaphore, #tpu.memory_space<semaphore_mem>>)
    %add3A_99 = arith.constant 128 : i32
    %add3A_100 = arith.addi %mul3A_2, %add3A_99 : i32
    %dma_start3A_101 = arith.constant 0 : i32
    %dma_start3A_102 = arith.constant 0 : i32
    %dma_start3A_103 = arith.constant 0 : i32
    %dma_start3A_104 = tpu.memref_slice %arg8[%dma_start3A_101, %dma_start3A_102, %dma_start3A_103] : memref<4x128x64xbf16, #tpu.memory_space<vmem>> -> memref<1x128x64xbf16, #tpu.memory_space<vmem>>
    %dma_start3A_105 = tpu.memref_squeeze %dma_start3A_104 : memref<1x128x64xbf16, #tpu.memory_space<vmem>> -> memref<128x64xbf16, #tpu.memory_space<vmem>>
    %dma_start3A_106 = arith.constant 0 : i32
    %dma_start3A_107 = arith.constant 0 : i32
    %dma_start3A_108 = tpu.memref_slice %dma_start3A_105[%dma_start3A_106, %dma_start3A_107] : memref<128x64xbf16, #tpu.memory_space<vmem>> -> memref<128x64xbf16, #tpu.memory_space<vmem>>
    %dma_start3A_109 = arith.constant 0 : i32
    %dma_start3A_110 = tpu.memref_slice %arg10[%add3A_100, %dma_start3A_109] : memref<10112x64xbf16, #tpu.memory_space<vmem_shared>> -> memref<128x64xbf16, #tpu.memory_space<vmem_shared>>
    %dma_start3A_111 = arith.constant 0 : i32
    %dma_start3A_112 = tpu.memref_slice %arg10[%add3A_100, %dma_start3A_111] : memref<10112x64xbf16, #tpu.memory_space<vmem_shared>> -> memref<128x64xbf16, #tpu.memory_space<vmem_shared>>
    %dma_start3A_113 = arith.constant 0 : i32
    %dma_start3A_114 = arith.constant 0 : i32
    %dma_start3A_115 = tpu.memref_slice %arg8[%dma_start3A_101, %dma_start3A_113, %dma_start3A_114] : memref<4x128x64xbf16, #tpu.memory_space<vmem>> -> memref<1x128x64xbf16, #tpu.memory_space<vmem>>
    %dma_start3A_116 = tpu.memref_squeeze %dma_start3A_115 : memref<1x128x64xbf16, #tpu.memory_space<vmem>> -> memref<128x64xbf16, #tpu.memory_space<vmem>>
    %dma_start3A_117 = arith.constant 0 : i32
    %dma_start3A_118 = arith.constant 0 : i32
    %dma_start3A_119 = tpu.memref_slice %dma_start3A_116[%dma_start3A_117, %dma_start3A_118] : memref<128x64xbf16, #tpu.memory_space<vmem>> -> memref<128x64xbf16, #tpu.memory_space<vmem>>
    tpu.enqueue_dma source(%dma_start3A_119 : memref<128x64xbf16, #tpu.memory_space<vmem>>) target(%dma_start3A_112 : memref<128x64xbf16, #tpu.memory_space<vmem_shared>>) target_semaphore(%arg15 : memref<!tpu.dma_semaphore, #tpu.memory_space<semaphore_mem>>)
    %add3A_120 = arith.constant 256 : i32
    %add3A_121 = arith.addi %mul3A_2, %add3A_120 : i32
    %dma_start3A_122 = arith.constant 0 : i32
    %dma_start3A_123 = arith.constant 0 : i32
    %dma_start3A_124 = arith.constant 0 : i32
    %dma_start3A_125 = tpu.memref_slice %arg8[%dma_start3A_122, %dma_start3A_123, %dma_start3A_124] : memref<4x128x64xbf16, #tpu.memory_space<vmem>> -> memref<1x128x64xbf16, #tpu.memory_space<vmem>>
    %dma_start3A_126 = tpu.memref_squeeze %dma_start3A_125 : memref<1x128x64xbf16, #tpu.memory_space<vmem>> -> memref<128x64xbf16, #tpu.memory_space<vmem>>
    %dma_start3A_127 = arith.constant 0 : i32
    %dma_start3A_128 = arith.constant 0 : i32
    %dma_start3A_129 = tpu.memref_slice %dma_start3A_126[%dma_start3A_127, %dma_start3A_128] : memref<128x64xbf16, #tpu.memory_space<vmem>> -> memref<128x64xbf16, #tpu.memory_space<vmem>>
    %dma_start3A_130 = arith.constant 0 : i32
    %dma_start3A_131 = tpu.memref_slice %arg10[%add3A_121, %dma_start3A_130] : memref<10112x64xbf16, #tpu.memory_space<vmem_shared>> -> memref<128x64xbf16, #tpu.memory_space<vmem_shared>>
    %dma_start3A_132 = arith.constant 0 : i32
    %dma_start3A_133 = tpu.memref_slice %arg10[%add3A_121, %dma_start3A_132] : memref<10112x64xbf16, #tpu.memory_space<vmem_shared>> -> memref<128x64xbf16, #tpu.memory_space<vmem_shared>>
    %dma_start3A_134 = arith.constant 0 : i32
    %dma_start3A_135 = arith.constant 0 : i32
    %dma_start3A_136 = tpu.memref_slice %arg8[%dma_start3A_122, %dma_start3A_134, %dma_start3A_135] : memref<4x128x64xbf16, #tpu.memory_space<vmem>> -> memref<1x128x64xbf16, #tpu.memory_space<vmem>>
    %dma_start3A_137 = tpu.memref_squeeze %dma_start3A_136 : memref<1x128x64xbf16, #tpu.memory_space<vmem>> -> memref<128x64xbf16, #tpu.memory_space<vmem>>
    %dma_start3A_138 = arith.constant 0 : i32
    %dma_start3A_139 = arith.constant 0 : i32
    %dma_start3A_140 = tpu.memref_slice %dma_start3A_137[%dma_start3A_138, %dma_start3A_139] : memref<128x64xbf16, #tpu.memory_space<vmem>> -> memref<128x64xbf16, #tpu.memory_space<vmem>>
    tpu.enqueue_dma source(%dma_start3A_140 : memref<128x64xbf16, #tpu.memory_space<vmem>>) target(%dma_start3A_133 : memref<128x64xbf16, #tpu.memory_space<vmem_shared>>) target_semaphore(%arg15 : memref<!tpu.dma_semaphore, #tpu.memory_space<semaphore_mem>>)
    %add3A_141 = arith.constant 384 : i32
    %add3A_142 = arith.addi %mul3A_2, %add3A_141 : i32
    %dma_start3A_143 = arith.constant 0 : i32
    %dma_start3A_144 = arith.constant 0 : i32
    %dma_start3A_145 = arith.constant 0 : i32
    %dma_start3A_146 = tpu.memref_slice %arg8[%dma_start3A_143, %dma_start3A_144, %dma_start3A_145] : memref<4x128x64xbf16, #tpu.memory_space<vmem>> -> memref<1x128x64xbf16, #tpu.memory_space<vmem>>
    %dma_start3A_147 = tpu.memref_squeeze %dma_start3A_146 : memref<1x128x64xbf16, #tpu.memory_space<vmem>> -> memref<128x64xbf16, #tpu.memory_space<vmem>>
    %dma_start3A_148 = arith.constant 0 : i32
    %dma_start3A_149 = arith.constant 0 : i32
    %dma_start3A_150 = tpu.memref_slice %dma_start3A_147[%dma_start3A_148, %dma_start3A_149] : memref<128x64xbf16, #tpu.memory_space<vmem>> -> memref<128x64xbf16, #tpu.memory_space<vmem>>
    %dma_start3A_151 = arith.constant 0 : i32
    %dma_start3A_152 = tpu.memref_slice %arg10[%add3A_142, %dma_start3A_151] : memref<10112x64xbf16, #tpu.memory_space<vmem_shared>> -> memref<128x64xbf16, #tpu.memory_space<vmem_shared>>
    %dma_start3A_153 = arith.constant 0 : i32
    %dma_start3A_154 = tpu.memref_slice %arg10[%add3A_142, %dma_start3A_153] : memref<10112x64xbf16, #tpu.memory_space<vmem_shared>> -> memref<128x64xbf16, #tpu.memory_space<vmem_shared>>
    %dma_start3A_155 = arith.constant 0 : i32
    %dma_start3A_156 = arith.constant 0 : i32
    %dma_start3A_157 = tpu.memref_slice %arg8[%dma_start3A_143, %dma_start3A_155, %dma_start3A_156] : memref<4x128x64xbf16, #tpu.memory_space<vmem>> -> memref<1x128x64xbf16, #tpu.memory_space<vmem>>
    %dma_start3A_158 = tpu.memref_squeeze %dma_start3A_157 : memref<1x128x64xbf16, #tpu.memory_space<vmem>> -> memref<128x64xbf16, #tpu.memory_space<vmem>>
    %dma_start3A_159 = arith.constant 0 : i32
    %dma_start3A_160 = arith.constant 0 : i32
    %dma_start3A_161 = tpu.memref_slice %dma_start3A_158[%dma_start3A_159, %dma_start3A_160] : memref<128x64xbf16, #tpu.memory_space<vmem>> -> memref<128x64xbf16, #tpu.memory_space<vmem>>
    tpu.enqueue_dma source(%dma_start3A_161 : memref<128x64xbf16, #tpu.memory_space<vmem>>) target(%dma_start3A_154 : memref<128x64xbf16, #tpu.memory_space<vmem_shared>>) target_semaphore(%arg15 : memref<!tpu.dma_semaphore, #tpu.memory_space<semaphore_mem>>)
    %add3A_162 = arith.constant 512 : i32
    %add3A_163 = arith.addi %mul3A_2, %add3A_162 : i32
    %dma_start3A_164 = arith.constant 0 : i32
    %dma_start3A_165 = arith.constant 0 : i32
    %dma_start3A_166 = arith.constant 0 : i32
    %dma_start3A_167 = tpu.memref_slice %arg8[%dma_start3A_164, %dma_start3A_165, %dma_start3A_166] : memref<4x128x64xbf16, #tpu.memory_space<vmem>> -> memref<1x128x64xbf16, #tpu.memory_space<vmem>>
    %dma_start3A_168 = tpu.memref_squeeze %dma_start3A_167 : memref<1x128x64xbf16, #tpu.memory_space<vmem>> -> memref<128x64xbf16, #tpu.memory_space<vmem>>
    %dma_start3A_169 = arith.constant 0 : i32
    %dma_start3A_170 = arith.constant 0 : i32
    %dma_start3A_171 = tpu.memref_slice %dma_start3A_168[%dma_start3A_169, %dma_start3A_170] : memref<128x64xbf16, #tpu.memory_space<vmem>> -> memref<120x64xbf16, #tpu.memory_space<vmem>>
    %dma_start3A_172 = arith.constant 0 : i32
    %dma_start3A_173 = tpu.memref_slice %arg10[%add3A_163, %dma_start3A_172] : memref<10112x64xbf16, #tpu.memory_space<vmem_shared>> -> memref<120x64xbf16, #tpu.memory_space<vmem_shared>>
    %dma_start3A_174 = arith.constant 0 : i32
    %dma_start3A_175 = tpu.memref_slice %arg10[%add3A_163, %dma_start3A_174] : memref<10112x64xbf16, #tpu.memory_space<vmem_shared>> -> memref<120x64xbf16, #tpu.memory_space<vmem_shared>>
    %dma_start3A_176 = arith.constant 0 : i32
    %dma_start3A_177 = arith.constant 0 : i32
    %dma_start3A_178 = tpu.memref_slice %arg8[%dma_start3A_164, %dma_start3A_176, %dma_start3A_177] : memref<4x128x64xbf16, #tpu.memory_space<vmem>> -> memref<1x128x64xbf16, #tpu.memory_space<vmem>>
    %dma_start3A_179 = tpu.memref_squeeze %dma_start3A_178 : memref<1x128x64xbf16, #tpu.memory_space<vmem>> -> memref<128x64xbf16, #tpu.memory_space<vmem>>
    %dma_start3A_180 = arith.constant 0 : i32
    %dma_start3A_181 = arith.constant 0 : i32
    %dma_start3A_182 = tpu.memref_slice %dma_start3A_179[%dma_start3A_180, %dma_start3A_181] : memref<128x64xbf16, #tpu.memory_space<vmem>> -> memref<120x64xbf16, #tpu.memory_space<vmem>>
    tpu.enqueue_dma source(%dma_start3A_182 : memref<120x64xbf16, #tpu.memory_space<vmem>>) target(%dma_start3A_175 : memref<120x64xbf16, #tpu.memory_space<vmem_shared>>) target_semaphore(%arg15 : memref<!tpu.dma_semaphore, #tpu.memory_space<semaphore_mem>>)
    %add3A_183 = arith.constant 0 : i32
    %add3A_184 = arith.addi %mul3A_2, %add3A_183 : i32
    %dma_start3A_185 = arith.constant 0 : i32
    %dma_start3A_186 = tpu.memref_slice %arg9[%add3A_184, %dma_start3A_185] : memref<10112x64xbf16, #tpu.memory_space<vmem_shared>> -> memref<128x64xbf16, #tpu.memory_space<vmem_shared>>
    %dma_start3A_187 = arith.constant 0 : i32
    %dma_start3A_188 = tpu.memref_slice %arg2[%add3A_184, %dma_start3A_187] : memref<10112x64xbf16, #tpu.memory_space<hbm>> -> memref<128x64xbf16, #tpu.memory_space<hbm>>
    tpu.enqueue_dma source(%dma_start3A_188 : memref<128x64xbf16, #tpu.memory_space<hbm>>) target(%dma_start3A_186 : memref<128x64xbf16, #tpu.memory_space<vmem_shared>>) target_semaphore(%arg12 : memref<!tpu.dma_semaphore, #tpu.memory_space<semaphore_mem>>)
    %add3A_189 = arith.constant 128 : i32
    %add3A_190 = arith.addi %mul3A_2, %add3A_189 : i32
    %dma_start3A_191 = arith.constant 0 : i32
    %dma_start3A_192 = tpu.memref_slice %arg9[%add3A_190, %dma_start3A_191] : memref<10112x64xbf16, #tpu.memory_space<vmem_shared>> -> memref<128x64xbf16, #tpu.memory_space<vmem_shared>>
    %dma_start3A_193 = arith.constant 0 : i32
    %dma_start3A_194 = tpu.memref_slice %arg2[%add3A_190, %dma_start3A_193] : memref<10112x64xbf16, #tpu.memory_space<hbm>> -> memref<128x64xbf16, #tpu.memory_space<hbm>>
    tpu.enqueue_dma source(%dma_start3A_194 : memref<128x64xbf16, #tpu.memory_space<hbm>>) target(%dma_start3A_192 : memref<128x64xbf16, #tpu.memory_space<vmem_shared>>) target_semaphore(%arg13 : memref<!tpu.dma_semaphore, #tpu.memory_space<semaphore_mem>>)
    %add3A_195 = arith.constant 256 : i32
    %add3A_196 = arith.addi %mul3A_2, %add3A_195 : i32
    %dma_start3A_197 = arith.constant 0 : i32
    %dma_start3A_198 = tpu.memref_slice %arg9[%add3A_196, %dma_start3A_197] : memref<10112x64xbf16, #tpu.memory_space<vmem_shared>> -> memref<128x64xbf16, #tpu.memory_space<vmem_shared>>
    %dma_start3A_199 = arith.constant 0 : i32
    %dma_start3A_200 = tpu.memref_slice %arg2[%add3A_196, %dma_start3A_199] : memref<10112x64xbf16, #tpu.memory_space<hbm>> -> memref<128x64xbf16, #tpu.memory_space<hbm>>
    tpu.enqueue_dma source(%dma_start3A_200 : memref<128x64xbf16, #tpu.memory_space<hbm>>) target(%dma_start3A_198 : memref<128x64xbf16, #tpu.memory_space<vmem_shared>>) target_semaphore(%arg14 : memref<!tpu.dma_semaphore, #tpu.memory_space<semaphore_mem>>)
    %add3A_201 = arith.constant 384 : i32
    %add3A_202 = arith.addi %mul3A_2, %add3A_201 : i32
    %dma_start3A_203 = arith.constant 0 : i32
    %dma_start3A_204 = tpu.memref_slice %arg9[%add3A_202, %dma_start3A_203] : memref<10112x64xbf16, #tpu.memory_space<vmem_shared>> -> memref<128x64xbf16, #tpu.memory_space<vmem_shared>>
    %dma_start3A_205 = arith.constant 0 : i32
    %dma_start3A_206 = tpu.memref_slice %arg2[%add3A_202, %dma_start3A_205] : memref<10112x64xbf16, #tpu.memory_space<hbm>> -> memref<128x64xbf16, #tpu.memory_space<hbm>>
    tpu.enqueue_dma source(%dma_start3A_206 : memref<128x64xbf16, #tpu.memory_space<hbm>>) target(%dma_start3A_204 : memref<128x64xbf16, #tpu.memory_space<vmem_shared>>) target_semaphore(%arg12 : memref<!tpu.dma_semaphore, #tpu.memory_space<semaphore_mem>>)
    %add3A_207 = arith.constant 512 : i32
    %add3A_208 = arith.addi %mul3A_2, %add3A_207 : i32
    %dma_start3A_209 = arith.constant 0 : i32
    %dma_start3A_210 = tpu.memref_slice %arg9[%add3A_208, %dma_start3A_209] : memref<10112x64xbf16, #tpu.memory_space<vmem_shared>> -> memref<120x64xbf16, #tpu.memory_space<vmem_shared>>
    %dma_start3A_211 = arith.constant 0 : i32
    %dma_start3A_212 = tpu.memref_slice %arg2[%add3A_208, %dma_start3A_211] : memref<10112x64xbf16, #tpu.memory_space<hbm>> -> memref<120x64xbf16, #tpu.memory_space<hbm>>
    tpu.enqueue_dma source(%dma_start3A_212 : memref<120x64xbf16, #tpu.memory_space<hbm>>) target(%dma_start3A_210 : memref<120x64xbf16, #tpu.memory_space<vmem_shared>>) target_semaphore(%arg13 : memref<!tpu.dma_semaphore, #tpu.memory_space<semaphore_mem>>)
    %dma_wait3A = arith.constant 0 : i32
    %dma_wait3A_213 = tpu.memref_slice %arg9[%add3A_184, %dma_wait3A] : memref<10112x64xbf16, #tpu.memory_space<vmem_shared>> -> memref<128x64xbf16, #tpu.memory_space<vmem_shared>>
    %dma_wait3A_214 = arith.constant 0 : i32
    %dma_wait3A_215 = tpu.memref_slice %arg2[%add3A_184, %dma_wait3A_214] : memref<10112x64xbf16, #tpu.memory_space<hbm>> -> memref<128x64xbf16, #tpu.memory_space<hbm>>
    tpu.wait_dma2 semaphore(%arg12 : memref<!tpu.dma_semaphore, #tpu.memory_space<semaphore_mem>>) src(%dma_wait3A_215 : memref<128x64xbf16, #tpu.memory_space<hbm>>) dst(%dma_wait3A_213 : memref<128x64xbf16, #tpu.memory_space<vmem_shared>>)
    %dma_wait3A_216 = arith.constant 0 : i32
    %dma_wait3A_217 = tpu.memref_slice %arg9[%add3A_190, %dma_wait3A_216] : memref<10112x64xbf16, #tpu.memory_space<vmem_shared>> -> memref<128x64xbf16, #tpu.memory_space<vmem_shared>>
    %dma_wait3A_218 = arith.constant 0 : i32
    %dma_wait3A_219 = tpu.memref_slice %arg2[%add3A_190, %dma_wait3A_218] : memref<10112x64xbf16, #tpu.memory_space<hbm>> -> memref<128x64xbf16, #tpu.memory_space<hbm>>
    tpu.wait_dma2 semaphore(%arg13 : memref<!tpu.dma_semaphore, #tpu.memory_space<semaphore_mem>>) src(%dma_wait3A_219 : memref<128x64xbf16, #tpu.memory_space<hbm>>) dst(%dma_wait3A_217 : memref<128x64xbf16, #tpu.memory_space<vmem_shared>>)
    %dma_wait3A_220 = arith.constant 0 : i32
    %dma_wait3A_221 = tpu.memref_slice %arg9[%add3A_196, %dma_wait3A_220] : memref<10112x64xbf16, #tpu.memory_space<vmem_shared>> -> memref<128x64xbf16, #tpu.memory_space<vmem_shared>>
    %dma_wait3A_222 = arith.constant 0 : i32
    %dma_wait3A_223 = tpu.memref_slice %arg2[%add3A_196, %dma_wait3A_222] : memref<10112x64xbf16, #tpu.memory_space<hbm>> -> memref<128x64xbf16, #tpu.memory_space<hbm>>
    tpu.wait_dma2 semaphore(%arg14 : memref<!tpu.dma_semaphore, #tpu.memory_space<semaphore_mem>>) src(%dma_wait3A_223 : memref<128x64xbf16, #tpu.memory_space<hbm>>) dst(%dma_wait3A_221 : memref<128x64xbf16, #tpu.memory_space<vmem_shared>>)
    %dma_wait3A_224 = arith.constant 0 : i32
    %dma_wait3A_225 = tpu.memref_slice %arg9[%add3A_202, %dma_wait3A_224] : memref<10112x64xbf16, #tpu.memory_space<vmem_shared>> -> memref<128x64xbf16, #tpu.memory_space<vmem_shared>>
    %dma_wait3A_226 = arith.constant 0 : i32
    %dma_wait3A_227 = tpu.memref_slice %arg2[%add3A_202, %dma_wait3A_226] : memref<10112x64xbf16, #tpu.memory_space<hbm>> -> memref<128x64xbf16, #tpu.memory_space<hbm>>
    tpu.wait_dma2 semaphore(%arg12 : memref<!tpu.dma_semaphore, #tpu.memory_space<semaphore_mem>>) src(%dma_wait3A_227 : memref<128x64xbf16, #tpu.memory_space<hbm>>) dst(%dma_wait3A_225 : memref<128x64xbf16, #tpu.memory_space<vmem_shared>>)
    %dma_wait3A_228 = arith.constant 0 : i32
    %dma_wait3A_229 = tpu.memref_slice %arg9[%add3A_208, %dma_wait3A_228] : memref<10112x64xbf16, #tpu.memory_space<vmem_shared>> -> memref<120x64xbf16, #tpu.memory_space<vmem_shared>>
    %dma_wait3A_230 = arith.constant 0 : i32
    %dma_wait3A_231 = tpu.memref_slice %arg2[%add3A_208, %dma_wait3A_230] : memref<10112x64xbf16, #tpu.memory_space<hbm>> -> memref<120x64xbf16, #tpu.memory_space<hbm>>
    tpu.wait_dma2 semaphore(%arg13 : memref<!tpu.dma_semaphore, #tpu.memory_space<semaphore_mem>>) src(%dma_wait3A_231 : memref<120x64xbf16, #tpu.memory_space<hbm>>) dst(%dma_wait3A_229 : memref<120x64xbf16, #tpu.memory_space<vmem_shared>>)
    %dma_wait3A_232 = arith.constant 0 : i32
    %dma_wait3A_233 = arith.constant 0 : i32
    %dma_wait3A_234 = arith.constant 0 : i32
    %dma_wait3A_235 = tpu.memref_slice %arg8[%dma_wait3A_232, %dma_wait3A_233, %dma_wait3A_234] : memref<4x128x64xbf16, #tpu.memory_space<vmem>> -> memref<1x128x64xbf16, #tpu.memory_space<vmem>>
    %dma_wait3A_236 = tpu.memref_squeeze %dma_wait3A_235 : memref<1x128x64xbf16, #tpu.memory_space<vmem>> -> memref<128x64xbf16, #tpu.memory_space<vmem>>
    %dma_wait3A_237 = arith.constant 0 : i32
    %dma_wait3A_238 = arith.constant 0 : i32
    %dma_wait3A_239 = tpu.memref_slice %dma_wait3A_236[%dma_wait3A_237, %dma_wait3A_238] : memref<128x64xbf16, #tpu.memory_space<vmem>> -> memref<128x64xbf16, #tpu.memory_space<vmem>>
    %dma_wait3A_240 = arith.constant 0 : i32
    %dma_wait3A_241 = tpu.memref_slice %arg10[%add3A_79, %dma_wait3A_240] : memref<10112x64xbf16, #tpu.memory_space<vmem_shared>> -> memref<128x64xbf16, #tpu.memory_space<vmem_shared>>
    %dma_wait3A_242 = arith.constant 0 : i32
    %dma_wait3A_243 = tpu.memref_slice %arg10[%add3A_79, %dma_wait3A_242] : memref<10112x64xbf16, #tpu.memory_space<vmem_shared>> -> memref<128x64xbf16, #tpu.memory_space<vmem_shared>>
    %dma_wait3A_244 = arith.constant 0 : i32
    %dma_wait3A_245 = arith.constant 0 : i32
    %dma_wait3A_246 = tpu.memref_slice %arg8[%dma_wait3A_232, %dma_wait3A_244, %dma_wait3A_245] : memref<4x128x64xbf16, #tpu.memory_space<vmem>> -> memref<1x128x64xbf16, #tpu.memory_space<vmem>>
    %dma_wait3A_247 = tpu.memref_squeeze %dma_wait3A_246 : memref<1x128x64xbf16, #tpu.memory_space<vmem>> -> memref<128x64xbf16, #tpu.memory_space<vmem>>
    %dma_wait3A_248 = arith.constant 0 : i32
    %dma_wait3A_249 = arith.constant 0 : i32
    %dma_wait3A_250 = tpu.memref_slice %dma_wait3A_247[%dma_wait3A_248, %dma_wait3A_249] : memref<128x64xbf16, #tpu.memory_space<vmem>> -> memref<128x64xbf16, #tpu.memory_space<vmem>>
    tpu.wait_dma2 semaphore(%arg15 : memref<!tpu.dma_semaphore, #tpu.memory_space<semaphore_mem>>) src(%dma_wait3A_250 : memref<128x64xbf16, #tpu.memory_space<vmem>>) dst(%dma_wait3A_243 : memref<128x64xbf16, #tpu.memory_space<vmem_shared>>)
    %dma_wait3A_251 = arith.constant 0 : i32
    %dma_wait3A_252 = arith.constant 0 : i32
    %dma_wait3A_253 = arith.constant 0 : i32
    %dma_wait3A_254 = tpu.memref_slice %arg8[%dma_wait3A_251, %dma_wait3A_252, %dma_wait3A_253] : memref<4x128x64xbf16, #tpu.memory_space<vmem>> -> memref<1x128x64xbf16, #tpu.memory_space<vmem>>
    %dma_wait3A_255 = tpu.memref_squeeze %dma_wait3A_254 : memref<1x128x64xbf16, #tpu.memory_space<vmem>> -> memref<128x64xbf16, #tpu.memory_space<vmem>>
    %dma_wait3A_256 = arith.constant 0 : i32
    %dma_wait3A_257 = arith.constant 0 : i32
    %dma_wait3A_258 = tpu.memref_slice %dma_wait3A_255[%dma_wait3A_256, %dma_wait3A_257] : memref<128x64xbf16, #tpu.memory_space<vmem>> -> memref<128x64xbf16, #tpu.memory_space<vmem>>
    %dma_wait3A_259 = arith.constant 0 : i32
    %dma_wait3A_260 = tpu.memref_slice %arg10[%add3A_100, %dma_wait3A_259] : memref<10112x64xbf16, #tpu.memory_space<vmem_shared>> -> memref<128x64xbf16, #tpu.memory_space<vmem_shared>>
    %dma_wait3A_261 = arith.constant 0 : i32
    %dma_wait3A_262 = tpu.memref_slice %arg10[%add3A_100, %dma_wait3A_261] : memref<10112x64xbf16, #tpu.memory_space<vmem_shared>> -> memref<128x64xbf16, #tpu.memory_space<vmem_shared>>
    %dma_wait3A_263 = arith.constant 0 : i32
    %dma_wait3A_264 = arith.constant 0 : i32
    %dma_wait3A_265 = tpu.memref_slice %arg8[%dma_wait3A_251, %dma_wait3A_263, %dma_wait3A_264] : memref<4x128x64xbf16, #tpu.memory_space<vmem>> -> memref<1x128x64xbf16, #tpu.memory_space<vmem>>
    %dma_wait3A_266 = tpu.memref_squeeze %dma_wait3A_265 : memref<1x128x64xbf16, #tpu.memory_space<vmem>> -> memref<128x64xbf16, #tpu.memory_space<vmem>>
    %dma_wait3A_267 = arith.constant 0 : i32
    %dma_wait3A_268 = arith.constant 0 : i32
    %dma_wait3A_269 = tpu.memref_slice %dma_wait3A_266[%dma_wait3A_267, %dma_wait3A_268] : memref<128x64xbf16, #tpu.memory_space<vmem>> -> memref<128x64xbf16, #tpu.memory_space<vmem>>
    tpu.wait_dma2 semaphore(%arg15 : memref<!tpu.dma_semaphore, #tpu.memory_space<semaphore_mem>>) src(%dma_wait3A_269 : memref<128x64xbf16, #tpu.memory_space<vmem>>) dst(%dma_wait3A_262 : memref<128x64xbf16, #tpu.memory_space<vmem_shared>>)
    %dma_wait3A_270 = arith.constant 0 : i32
    %dma_wait3A_271 = arith.constant 0 : i32
    %dma_wait3A_272 = arith.constant 0 : i32
    %dma_wait3A_273 = tpu.memref_slice %arg8[%dma_wait3A_270, %dma_wait3A_271, %dma_wait3A_272] : memref<4x128x64xbf16, #tpu.memory_space<vmem>> -> memref<1x128x64xbf16, #tpu.memory_space<vmem>>
    %dma_wait3A_274 = tpu.memref_squeeze %dma_wait3A_273 : memref<1x128x64xbf16, #tpu.memory_space<vmem>> -> memref<128x64xbf16, #tpu.memory_space<vmem>>
    %dma_wait3A_275 = arith.constant 0 : i32
    %dma_wait3A_276 = arith.constant 0 : i32
    %dma_wait3A_277 = tpu.memref_slice %dma_wait3A_274[%dma_wait3A_275, %dma_wait3A_276] : memref<128x64xbf16, #tpu.memory_space<vmem>> -> memref<128x64xbf16, #tpu.memory_space<vmem>>
    %dma_wait3A_278 = arith.constant 0 : i32
    %dma_wait3A_279 = tpu.memref_slice %arg10[%add3A_121, %dma_wait3A_278] : memref<10112x64xbf16, #tpu.memory_space<vmem_shared>> -> memref<128x64xbf16, #tpu.memory_space<vmem_shared>>
    %dma_wait3A_280 = arith.constant 0 : i32
    %dma_wait3A_281 = tpu.memref_slice %arg10[%add3A_121, %dma_wait3A_280] : memref<10112x64xbf16, #tpu.memory_space<vmem_shared>> -> memref<128x64xbf16, #tpu.memory_space<vmem_shared>>
    %dma_wait3A_282 = arith.constant 0 : i32
    %dma_wait3A_283 = arith.constant 0 : i32
    %dma_wait3A_284 = tpu.memref_slice %arg8[%dma_wait3A_270, %dma_wait3A_282, %dma_wait3A_283] : memref<4x128x64xbf16, #tpu.memory_space<vmem>> -> memref<1x128x64xbf16, #tpu.memory_space<vmem>>
    %dma_wait3A_285 = tpu.memref_squeeze %dma_wait3A_284 : memref<1x128x64xbf16, #tpu.memory_space<vmem>> -> memref<128x64xbf16, #tpu.memory_space<vmem>>
    %dma_wait3A_286 = arith.constant 0 : i32
    %dma_wait3A_287 = arith.constant 0 : i32
    %dma_wait3A_288 = tpu.memref_slice %dma_wait3A_285[%dma_wait3A_286, %dma_wait3A_287] : memref<128x64xbf16, #tpu.memory_space<vmem>> -> memref<128x64xbf16, #tpu.memory_space<vmem>>
    tpu.wait_dma2 semaphore(%arg15 : memref<!tpu.dma_semaphore, #tpu.memory_space<semaphore_mem>>) src(%dma_wait3A_288 : memref<128x64xbf16, #tpu.memory_space<vmem>>) dst(%dma_wait3A_281 : memref<128x64xbf16, #tpu.memory_space<vmem_shared>>)
    %dma_wait3A_289 = arith.constant 0 : i32
    %dma_wait3A_290 = arith.constant 0 : i32
    %dma_wait3A_291 = arith.constant 0 : i32
    %dma_wait3A_292 = tpu.memref_slice %arg8[%dma_wait3A_289, %dma_wait3A_290, %dma_wait3A_291] : memref<4x128x64xbf16, #tpu.memory_space<vmem>> -> memref<1x128x64xbf16, #tpu.memory_space<vmem>>
    %dma_wait3A_293 = tpu.memref_squeeze %dma_wait3A_292 : memref<1x128x64xbf16, #tpu.memory_space<vmem>> -> memref<128x64xbf16, #tpu.memory_space<vmem>>
    %dma_wait3A_294 = arith.constant 0 : i32
    %dma_wait3A_295 = arith.constant 0 : i32
    %dma_wait3A_296 = tpu.memref_slice %dma_wait3A_293[%dma_wait3A_294, %dma_wait3A_295] : memref<128x64xbf16, #tpu.memory_space<vmem>> -> memref<128x64xbf16, #tpu.memory_space<vmem>>
    %dma_wait3A_297 = arith.constant 0 : i32
    %dma_wait3A_298 = tpu.memref_slice %arg10[%add3A_142, %dma_wait3A_297] : memref<10112x64xbf16, #tpu.memory_space<vmem_shared>> -> memref<128x64xbf16, #tpu.memory_space<vmem_shared>>
    %dma_wait3A_299 = arith.constant 0 : i32
    %dma_wait3A_300 = tpu.memref_slice %arg10[%add3A_142, %dma_wait3A_299] : memref<10112x64xbf16, #tpu.memory_space<vmem_shared>> -> memref<128x64xbf16, #tpu.memory_space<vmem_shared>>
    %dma_wait3A_301 = arith.constant 0 : i32
    %dma_wait3A_302 = arith.constant 0 : i32
    %dma_wait3A_303 = tpu.memref_slice %arg8[%dma_wait3A_289, %dma_wait3A_301, %dma_wait3A_302] : memref<4x128x64xbf16, #tpu.memory_space<vmem>> -> memref<1x128x64xbf16, #tpu.memory_space<vmem>>
    %dma_wait3A_304 = tpu.memref_squeeze %dma_wait3A_303 : memref<1x128x64xbf16, #tpu.memory_space<vmem>> -> memref<128x64xbf16, #tpu.memory_space<vmem>>
    %dma_wait3A_305 = arith.constant 0 : i32
    %dma_wait3A_306 = arith.constant 0 : i32
    %dma_wait3A_307 = tpu.memref_slice %dma_wait3A_304[%dma_wait3A_305, %dma_wait3A_306] : memref<128x64xbf16, #tpu.memory_space<vmem>> -> memref<128x64xbf16, #tpu.memory_space<vmem>>
    tpu.wait_dma2 semaphore(%arg15 : memref<!tpu.dma_semaphore, #tpu.memory_space<semaphore_mem>>) src(%dma_wait3A_307 : memref<128x64xbf16, #tpu.memory_space<vmem>>) dst(%dma_wait3A_300 : memref<128x64xbf16, #tpu.memory_space<vmem_shared>>)
    %dma_wait3A_308 = arith.constant 0 : i32
    %dma_wait3A_309 = arith.constant 0 : i32
    %dma_wait3A_310 = arith.constant 0 : i32
    %dma_wait3A_311 = tpu.memref_slice %arg8[%dma_wait3A_308, %dma_wait3A_309, %dma_wait3A_310] : memref<4x128x64xbf16, #tpu.memory_space<vmem>> -> memref<1x128x64xbf16, #tpu.memory_space<vmem>>
    %dma_wait3A_312 = tpu.memref_squeeze %dma_wait3A_311 : memref<1x128x64xbf16, #tpu.memory_space<vmem>> -> memref<128x64xbf16, #tpu.memory_space<vmem>>
    %dma_wait3A_313 = arith.constant 0 : i32
    %dma_wait3A_314 = arith.constant 0 : i32
    %dma_wait3A_315 = tpu.memref_slice %dma_wait3A_312[%dma_wait3A_313, %dma_wait3A_314] : memref<128x64xbf16, #tpu.memory_space<vmem>> -> memref<120x64xbf16, #tpu.memory_space<vmem>>
    %dma_wait3A_316 = arith.constant 0 : i32
    %dma_wait3A_317 = tpu.memref_slice %arg10[%add3A_163, %dma_wait3A_316] : memref<10112x64xbf16, #tpu.memory_space<vmem_shared>> -> memref<120x64xbf16, #tpu.memory_space<vmem_shared>>
    %dma_wait3A_318 = arith.constant 0 : i32
    %dma_wait3A_319 = tpu.memref_slice %arg10[%add3A_163, %dma_wait3A_318] : memref<10112x64xbf16, #tpu.memory_space<vmem_shared>> -> memref<120x64xbf16, #tpu.memory_space<vmem_shared>>
    %dma_wait3A_320 = arith.constant 0 : i32
    %dma_wait3A_321 = arith.constant 0 : i32
    %dma_wait3A_322 = tpu.memref_slice %arg8[%dma_wait3A_308, %dma_wait3A_320, %dma_wait3A_321] : memref<4x128x64xbf16, #tpu.memory_space<vmem>> -> memref<1x128x64xbf16, #tpu.memory_space<vmem>>
    %dma_wait3A_323 = tpu.memref_squeeze %dma_wait3A_322 : memref<1x128x64xbf16, #tpu.memory_space<vmem>> -> memref<128x64xbf16, #tpu.memory_space<vmem>>
    %dma_wait3A_324 = arith.constant 0 : i32
    %dma_wait3A_325 = arith.constant 0 : i32
    %dma_wait3A_326 = tpu.memref_slice %dma_wait3A_323[%dma_wait3A_324, %dma_wait3A_325] : memref<128x64xbf16, #tpu.memory_space<vmem>> -> memref<120x64xbf16, #tpu.memory_space<vmem>>
    tpu.wait_dma2 semaphore(%arg15 : memref<!tpu.dma_semaphore, #tpu.memory_space<semaphore_mem>>) src(%dma_wait3A_326 : memref<120x64xbf16, #tpu.memory_space<vmem>>) dst(%dma_wait3A_319 : memref<120x64xbf16, #tpu.memory_space<vmem_shared>>)
    %dma_wait3A_327 = arith.constant 0 : i32
    %dma_wait3A_328 = arith.constant 0 : i32
    %dma_wait3A_329 = arith.constant 0 : i32
    %dma_wait3A_330 = tpu.memref_slice %arg6[%dma_wait3A_327, %dma_wait3A_328, %dma_wait3A_329] : memref<3x8x128xi32, #tpu.memory_space<vmem>> -> memref<1x8x128xi32, #tpu.memory_space<vmem>>
    %dma_wait3A_331 = tpu.memref_squeeze %dma_wait3A_330 : memref<1x8x128xi32, #tpu.memory_space<vmem>> -> memref<8x128xi32, #tpu.memory_space<vmem>>
    %dma_wait3A_332 = arith.constant 0 : i32
    %dma_wait3A_333 = arith.constant 0 : i32
    %dma_wait3A_334 = tpu.memref_slice %arg3[%add3A, %dma_wait3A_332, %dma_wait3A_333] : memref<32x80x128xi32, #tpu.memory_space<hbm>> -> memref<1x8x128xi32, #tpu.memory_space<hbm>>
    %dma_wait3A_335 = tpu.memref_squeeze %dma_wait3A_334 : memref<1x8x128xi32, #tpu.memory_space<hbm>> -> memref<8x128xi32, #tpu.memory_space<hbm>>
    %dma_wait3A_336 = arith.constant 0 : i32
    %dma_wait3A_337 = arith.constant 0 : i32
    %dma_wait3A_338 = tpu.memref_slice %arg6[%dma_wait3A_327, %dma_wait3A_336, %dma_wait3A_337] : memref<3x8x128xi32, #tpu.memory_space<vmem>> -> memref<1x8x128xi32, #tpu.memory_space<vmem>>
    %dma_wait3A_339 = tpu.memref_squeeze %dma_wait3A_338 : memref<1x8x128xi32, #tpu.memory_space<vmem>> -> memref<8x128xi32, #tpu.memory_space<vmem>>
    %dma_wait3A_340 = arith.constant 0 : i32
    %dma_wait3A_341 = arith.constant 0 : i32
    %dma_wait3A_342 = tpu.memref_slice %arg3[%add3A, %dma_wait3A_340, %dma_wait3A_341] : memref<32x80x128xi32, #tpu.memory_space<hbm>> -> memref<1x8x128xi32, #tpu.memory_space<hbm>>
    %dma_wait3A_343 = tpu.memref_squeeze %dma_wait3A_342 : memref<1x8x128xi32, #tpu.memory_space<hbm>> -> memref<8x128xi32, #tpu.memory_space<hbm>>
    tpu.wait_dma2 semaphore(%arg11 : memref<!tpu.dma_semaphore, #tpu.memory_space<semaphore_mem>>) src(%dma_wait3A_343 : memref<8x128xi32, #tpu.memory_space<hbm>>) dst(%dma_wait3A_339 : memref<8x128xi32, #tpu.memory_space<vmem>>)
    %dma_wait3A_344 = arith.constant 0 : i32
    %dma_wait3A_345 = arith.constant 0 : i32
    %dma_wait3A_346 = arith.constant 0 : i32
    %dma_wait3A_347 = tpu.memref_slice %arg7[%dma_wait3A_344, %dma_wait3A_345, %dma_wait3A_346] : memref<3x8x128xi32, #tpu.memory_space<vmem>> -> memref<1x8x128xi32, #tpu.memory_space<vmem>>
    %dma_wait3A_348 = tpu.memref_squeeze %dma_wait3A_347 : memref<1x8x128xi32, #tpu.memory_space<vmem>> -> memref<8x128xi32, #tpu.memory_space<vmem>>
    %dma_wait3A_349 = arith.constant 0 : i32
    %dma_wait3A_350 = arith.constant 0 : i32
    %dma_wait3A_351 = tpu.memref_slice %arg4[%add3A, %dma_wait3A_349, %dma_wait3A_350] : memref<32x80x128xi32, #tpu.memory_space<hbm>> -> memref<1x8x128xi32, #tpu.memory_space<hbm>>
    %dma_wait3A_352 = tpu.memref_squeeze %dma_wait3A_351 : memref<1x8x128xi32, #tpu.memory_space<hbm>> -> memref<8x128xi32, #tpu.memory_space<hbm>>
    %dma_wait3A_353 = arith.constant 0 : i32
    %dma_wait3A_354 = arith.constant 0 : i32
    %dma_wait3A_355 = tpu.memref_slice %arg7[%dma_wait3A_344, %dma_wait3A_353, %dma_wait3A_354] : memref<3x8x128xi32, #tpu.memory_space<vmem>> -> memref<1x8x128xi32, #tpu.memory_space<vmem>>
    %dma_wait3A_356 = tpu.memref_squeeze %dma_wait3A_355 : memref<1x8x128xi32, #tpu.memory_space<vmem>> -> memref<8x128xi32, #tpu.memory_space<vmem>>
    %dma_wait3A_357 = arith.constant 0 : i32
    %dma_wait3A_358 = arith.constant 0 : i32
    %dma_wait3A_359 = tpu.memref_slice %arg4[%add3A, %dma_wait3A_357, %dma_wait3A_358] : memref<32x80x128xi32, #tpu.memory_space<hbm>> -> memref<1x8x128xi32, #tpu.memory_space<hbm>>
    %dma_wait3A_360 = tpu.memref_squeeze %dma_wait3A_359 : memref<1x8x128xi32, #tpu.memory_space<hbm>> -> memref<8x128xi32, #tpu.memory_space<hbm>>
    tpu.wait_dma2 semaphore(%arg11 : memref<!tpu.dma_semaphore, #tpu.memory_space<semaphore_mem>>) src(%dma_wait3A_360 : memref<8x128xi32, #tpu.memory_space<hbm>>) dst(%dma_wait3A_356 : memref<8x128xi32, #tpu.memory_space<vmem>>)
    %barrier3A = arith.constant 0 : index
    tpu.barrier barrier_id(%barrier3A)
    %dma_start3A_361 = arith.constant 0 : i32
    %dma_start3A_362 = arith.constant 0 : i32
    %dma_start3A_363 = arith.constant 0 : i32
    %dma_start3A_364 = arith.constant 0 : i32
    %dma_start3A_365 = arith.constant 0 : i32
    %dma_start3A_366 = tpu.memref_slice %arg8[%dma_start3A_363, %dma_start3A_364, %dma_start3A_365] : memref<4x128x64xbf16, #tpu.memory_space<vmem>> -> memref<1x128x64xbf16, #tpu.memory_space<vmem>>
    %dma_start3A_367 = tpu.memref_squeeze %dma_start3A_366 : memref<1x128x64xbf16, #tpu.memory_space<vmem>> -> memref<128x64xbf16, #tpu.memory_space<vmem>>
    %dma_start3A_368 = arith.constant 0 : i32
    %dma_start3A_369 = tpu.memref_slice %arg6[%dma_start3A_361, %dma_start3A_362, %dma_start3A_368] : memref<3x8x128xi32, #tpu.memory_space<vmem>> -> memref<1x1x128xi32, #tpu.memory_space<vmem>>
    %dma_start3A_370 = tpu.memref_squeeze %dma_start3A_369 : memref<1x1x128xi32, #tpu.memory_space<vmem>> -> memref<128xi32, #tpu.memory_space<vmem>>
    %dma_start3A_371 = arith.constant 0 : i32
    %dma_start3A_372 = arith.constant 0 : i32
    %dma_start3A_373 = tpu.memref_slice %arg9[%dma_start3A_371, %dma_start3A_372] : memref<10112x64xbf16, #tpu.memory_space<vmem_shared>> -> memref<10112x64xbf16, #tpu.memory_space<vmem_shared>>
    tpu.enqueue_indirect_dma source(%dma_start3A_373 : memref<10112x64xbf16, #tpu.memory_space<vmem_shared>>) target(%dma_start3A_367 : memref<128x64xbf16, #tpu.memory_space<vmem>>) offsets(%dma_start3A_370 : memref<128xi32, #tpu.memory_space<vmem>>) semaphore(%arg11 : memref<!tpu.dma_semaphore, #tpu.memory_space<semaphore_mem>>)
    %dma_start3A_374 = arith.constant 0 : i32
    %dma_start3A_375 = arith.constant 1 : i32
    %dma_start3A_376 = arith.constant 1 : i32
    %dma_start3A_377 = arith.constant 0 : i32
    %dma_start3A_378 = arith.constant 0 : i32
    %dma_start3A_379 = tpu.memref_slice %arg8[%dma_start3A_376, %dma_start3A_377, %dma_start3A_378] : memref<4x128x64xbf16, #tpu.memory_space<vmem>> -> memref<1x128x64xbf16, #tpu.memory_space<vmem>>
    %dma_start3A_380 = tpu.memref_squeeze %dma_start3A_379 : memref<1x128x64xbf16, #tpu.memory_space<vmem>> -> memref<128x64xbf16, #tpu.memory_space<vmem>>
    %dma_start3A_381 = arith.constant 0 : i32
    %dma_start3A_382 = tpu.memref_slice %arg6[%dma_start3A_374, %dma_start3A_375, %dma_start3A_381] : memref<3x8x128xi32, #tpu.memory_space<vmem>> -> memref<1x1x128xi32, #tpu.memory_space<vmem>>
    %dma_start3A_383 = tpu.memref_squeeze %dma_start3A_382 : memref<1x1x128xi32, #tpu.memory_space<vmem>> -> memref<128xi32, #tpu.memory_space<vmem>>
    %dma_start3A_384 = arith.constant 0 : i32
    %dma_start3A_385 = arith.constant 0 : i32
    %dma_start3A_386 = tpu.memref_slice %arg9[%dma_start3A_384, %dma_start3A_385] : memref<10112x64xbf16, #tpu.memory_space<vmem_shared>> -> memref<10112x64xbf16, #tpu.memory_space<vmem_shared>>
    tpu.enqueue_indirect_dma source(%dma_start3A_386 : memref<10112x64xbf16, #tpu.memory_space<vmem_shared>>) target(%dma_start3A_380 : memref<128x64xbf16, #tpu.memory_space<vmem>>) offsets(%dma_start3A_383 : memref<128xi32, #tpu.memory_space<vmem>>) semaphore(%arg12 : memref<!tpu.dma_semaphore, #tpu.memory_space<semaphore_mem>>)
    %dma_start3A_387 = arith.constant 0 : i32
    %dma_start3A_388 = arith.constant 2 : i32
    %dma_start3A_389 = arith.constant 2 : i32
    %dma_start3A_390 = arith.constant 0 : i32
    %dma_start3A_391 = arith.constant 0 : i32
    %dma_start3A_392 = tpu.memref_slice %arg8[%dma_start3A_389, %dma_start3A_390, %dma_start3A_391] : memref<4x128x64xbf16, #tpu.memory_space<vmem>> -> memref<1x128x64xbf16, #tpu.memory_space<vmem>>
    %dma_start3A_393 = tpu.memref_squeeze %dma_start3A_392 : memref<1x128x64xbf16, #tpu.memory_space<vmem>> -> memref<128x64xbf16, #tpu.memory_space<vmem>>
    %dma_start3A_394 = arith.constant 0 : i32
    %dma_start3A_395 = tpu.memref_slice %arg6[%dma_start3A_387, %dma_start3A_388, %dma_start3A_394] : memref<3x8x128xi32, #tpu.memory_space<vmem>> -> memref<1x1x128xi32, #tpu.memory_space<vmem>>
    %dma_start3A_396 = tpu.memref_squeeze %dma_start3A_395 : memref<1x1x128xi32, #tpu.memory_space<vmem>> -> memref<128xi32, #tpu.memory_space<vmem>>
    %dma_start3A_397 = arith.constant 0 : i32
    %dma_start3A_398 = arith.constant 0 : i32
    %dma_start3A_399 = tpu.memref_slice %arg9[%dma_start3A_397, %dma_start3A_398] : memref<10112x64xbf16, #tpu.memory_space<vmem_shared>> -> memref<10112x64xbf16, #tpu.memory_space<vmem_shared>>
    tpu.enqueue_indirect_dma source(%dma_start3A_399 : memref<10112x64xbf16, #tpu.memory_space<vmem_shared>>) target(%dma_start3A_393 : memref<128x64xbf16, #tpu.memory_space<vmem>>) offsets(%dma_start3A_396 : memref<128xi32, #tpu.memory_space<vmem>>) semaphore(%arg13 : memref<!tpu.dma_semaphore, #tpu.memory_space<semaphore_mem>>)
    %dma_wait3A_400 = arith.constant 0 : i32
    %dma_wait3A_401 = arith.constant 0 : i32
    %dma_wait3A_402 = arith.constant 0 : i32
    %dma_wait3A_403 = tpu.memref_slice %arg8[%dma_wait3A_400, %dma_wait3A_401, %dma_wait3A_402] : memref<4x128x64xbf16, #tpu.memory_space<vmem>> -> memref<1x128x64xbf16, #tpu.memory_space<vmem>>
    %dma_wait3A_404 = tpu.memref_squeeze %dma_wait3A_403 : memref<1x128x64xbf16, #tpu.memory_space<vmem>> -> memref<128x64xbf16, #tpu.memory_space<vmem>>
    %dma_wait3A_405 = arith.constant 0 : i32
    %dma_wait3A_406 = arith.constant 0 : i32
    %dma_wait3A_407 = tpu.memref_slice %arg2[%dma_wait3A_405, %dma_wait3A_406] : memref<10112x64xbf16, #tpu.memory_space<hbm>> -> memref<128x64xbf16, #tpu.memory_space<hbm>>
    %dma_wait3A_408 = arith.constant 0 : i32
    %dma_wait3A_409 = arith.constant 0 : i32
    %dma_wait3A_410 = tpu.memref_slice %arg8[%dma_wait3A_400, %dma_wait3A_408, %dma_wait3A_409] : memref<4x128x64xbf16, #tpu.memory_space<vmem>> -> memref<1x128x64xbf16, #tpu.memory_space<vmem>>
    %dma_wait3A_411 = tpu.memref_squeeze %dma_wait3A_410 : memref<1x128x64xbf16, #tpu.memory_space<vmem>> -> memref<128x64xbf16, #tpu.memory_space<vmem>>
    %dma_wait3A_412 = arith.constant 0 : i32
    %dma_wait3A_413 = arith.constant 0 : i32
    %dma_wait3A_414 = tpu.memref_slice %arg2[%dma_wait3A_412, %dma_wait3A_413] : memref<10112x64xbf16, #tpu.memory_space<hbm>> -> memref<128x64xbf16, #tpu.memory_space<hbm>>
    tpu.wait_dma2 semaphore(%arg11 : memref<!tpu.dma_semaphore, #tpu.memory_space<semaphore_mem>>) src(%dma_wait3A_414 : memref<128x64xbf16, #tpu.memory_space<hbm>>) dst(%dma_wait3A_411 : memref<128x64xbf16, #tpu.memory_space<vmem>>)
    %dma_start3A_415 = arith.constant 0 : i32
    %dma_start3A_416 = arith.constant 0 : i32
    %dma_start3A_417 = arith.constant 0 : i32
    %dma_start3A_418 = arith.constant 0 : i32
    %dma_start3A_419 = arith.constant 0 : i32
    %dma_start3A_420 = tpu.memref_slice %arg8[%dma_start3A_415, %dma_start3A_418, %dma_start3A_419] : memref<4x128x64xbf16, #tpu.memory_space<vmem>> -> memref<1x128x64xbf16, #tpu.memory_space<vmem>>
    %dma_start3A_421 = tpu.memref_squeeze %dma_start3A_420 : memref<1x128x64xbf16, #tpu.memory_space<vmem>> -> memref<128x64xbf16, #tpu.memory_space<vmem>>
    %dma_start3A_422 = arith.constant 0 : i32
    %dma_start3A_423 = tpu.memref_slice %arg7[%dma_start3A_416, %dma_start3A_417, %dma_start3A_422] : memref<3x8x128xi32, #tpu.memory_space<vmem>> -> memref<1x1x128xi32, #tpu.memory_space<vmem>>
    %dma_start3A_424 = tpu.memref_squeeze %dma_start3A_423 : memref<1x1x128xi32, #tpu.memory_space<vmem>> -> memref<128xi32, #tpu.memory_space<vmem>>
    %dma_start3A_425 = arith.constant 0 : i32
    %dma_start3A_426 = arith.constant 0 : i32
    %dma_start3A_427 = tpu.memref_slice %arg10[%dma_start3A_425, %dma_start3A_426] : memref<10112x64xbf16, #tpu.memory_space<vmem_shared>> -> memref<10112x64xbf16, #tpu.memory_space<vmem_shared>>
    tpu.enqueue_indirect_dma source(%dma_start3A_421 : memref<128x64xbf16, #tpu.memory_space<vmem>>) target(%dma_start3A_427 : memref<10112x64xbf16, #tpu.memory_space<vmem_shared>>) offsets(%dma_start3A_424 : memref<128xi32, #tpu.memory_space<vmem>>) semaphore(%arg15 : memref<!tpu.dma_semaphore, #tpu.memory_space<semaphore_mem>>) {add = true}
    %dma_start3A_428 = arith.constant 0 : i32
    %dma_start3A_429 = arith.constant 3 : i32
    %dma_start3A_430 = arith.constant 3 : i32
    %dma_start3A_431 = arith.constant 0 : i32
    %dma_start3A_432 = arith.constant 0 : i32
    %dma_start3A_433 = tpu.memref_slice %arg8[%dma_start3A_430, %dma_start3A_431, %dma_start3A_432] : memref<4x128x64xbf16, #tpu.memory_space<vmem>> -> memref<1x128x64xbf16, #tpu.memory_space<vmem>>
    %dma_start3A_434 = tpu.memref_squeeze %dma_start3A_433 : memref<1x128x64xbf16, #tpu.memory_space<vmem>> -> memref<128x64xbf16, #tpu.memory_space<vmem>>
    %dma_start3A_435 = arith.constant 0 : i32
    %dma_start3A_436 = tpu.memref_slice %arg6[%dma_start3A_428, %dma_start3A_429, %dma_start3A_435] : memref<3x8x128xi32, #tpu.memory_space<vmem>> -> memref<1x1x128xi32, #tpu.memory_space<vmem>>
    %dma_start3A_437 = tpu.memref_squeeze %dma_start3A_436 : memref<1x1x128xi32, #tpu.memory_space<vmem>> -> memref<128xi32, #tpu.memory_space<vmem>>
    %dma_start3A_438 = arith.constant 0 : i32
    %dma_start3A_439 = arith.constant 0 : i32
    %dma_start3A_440 = tpu.memref_slice %arg9[%dma_start3A_438, %dma_start3A_439] : memref<10112x64xbf16, #tpu.memory_space<vmem_shared>> -> memref<10112x64xbf16, #tpu.memory_space<vmem_shared>>
    tpu.enqueue_indirect_dma source(%dma_start3A_440 : memref<10112x64xbf16, #tpu.memory_space<vmem_shared>>) target(%dma_start3A_434 : memref<128x64xbf16, #tpu.memory_space<vmem>>) offsets(%dma_start3A_437 : memref<128xi32, #tpu.memory_space<vmem>>) semaphore(%arg14 : memref<!tpu.dma_semaphore, #tpu.memory_space<semaphore_mem>>)
    %dma_wait3A_441 = arith.constant 1 : i32
    %dma_wait3A_442 = arith.constant 0 : i32
    %dma_wait3A_443 = arith.constant 0 : i32
    %dma_wait3A_444 = tpu.memref_slice %arg8[%dma_wait3A_441, %dma_wait3A_442, %dma_wait3A_443] : memref<4x128x64xbf16, #tpu.memory_space<vmem>> -> memref<1x128x64xbf16, #tpu.memory_space<vmem>>
    %dma_wait3A_445 = tpu.memref_squeeze %dma_wait3A_444 : memref<1x128x64xbf16, #tpu.memory_space<vmem>> -> memref<128x64xbf16, #tpu.memory_space<vmem>>
    %dma_wait3A_446 = arith.constant 0 : i32
    %dma_wait3A_447 = arith.constant 0 : i32
    %dma_wait3A_448 = tpu.memref_slice %arg2[%dma_wait3A_446, %dma_wait3A_447] : memref<10112x64xbf16, #tpu.memory_space<hbm>> -> memref<128x64xbf16, #tpu.memory_space<hbm>>
    %dma_wait3A_449 = arith.constant 0 : i32
    %dma_wait3A_450 = arith.constant 0 : i32
    %dma_wait3A_451 = tpu.memref_slice %arg8[%dma_wait3A_441, %dma_wait3A_449, %dma_wait3A_450] : memref<4x128x64xbf16, #tpu.memory_space<vmem>> -> memref<1x128x64xbf16, #tpu.memory_space<vmem>>
    %dma_wait3A_452 = tpu.memref_squeeze %dma_wait3A_451 : memref<1x128x64xbf16, #tpu.memory_space<vmem>> -> memref<128x64xbf16, #tpu.memory_space<vmem>>
    %dma_wait3A_453 = arith.constant 0 : i32
    %dma_wait3A_454 = arith.constant 0 : i32
    %dma_wait3A_455 = tpu.memref_slice %arg2[%dma_wait3A_453, %dma_wait3A_454] : memref<10112x64xbf16, #tpu.memory_space<hbm>> -> memref<128x64xbf16, #tpu.memory_space<hbm>>
    tpu.wait_dma2 semaphore(%arg12 : memref<!tpu.dma_semaphore, #tpu.memory_space<semaphore_mem>>) src(%dma_wait3A_455 : memref<128x64xbf16, #tpu.memory_space<hbm>>) dst(%dma_wait3A_452 : memref<128x64xbf16, #tpu.memory_space<vmem>>)
    %dma_start3A_456 = arith.constant 1 : i32
    %dma_start3A_457 = arith.constant 0 : i32
    %dma_start3A_458 = arith.constant 1 : i32
    %dma_start3A_459 = arith.constant 0 : i32
    %dma_start3A_460 = arith.constant 0 : i32
    %dma_start3A_461 = tpu.memref_slice %arg8[%dma_start3A_456, %dma_start3A_459, %dma_start3A_460] : memref<4x128x64xbf16, #tpu.memory_space<vmem>> -> memref<1x128x64xbf16, #tpu.memory_space<vmem>>
    %dma_start3A_462 = tpu.memref_squeeze %dma_start3A_461 : memref<1x128x64xbf16, #tpu.memory_space<vmem>> -> memref<128x64xbf16, #tpu.memory_space<vmem>>
    %dma_start3A_463 = arith.constant 0 : i32
    %dma_start3A_464 = tpu.memref_slice %arg7[%dma_start3A_457, %dma_start3A_458, %dma_start3A_463] : memref<3x8x128xi32, #tpu.memory_space<vmem>> -> memref<1x1x128xi32, #tpu.memory_space<vmem>>
    %dma_start3A_465 = tpu.memref_squeeze %dma_start3A_464 : memref<1x1x128xi32, #tpu.memory_space<vmem>> -> memref<128xi32, #tpu.memory_space<vmem>>
    %dma_start3A_466 = arith.constant 0 : i32
    %dma_start3A_467 = arith.constant 0 : i32
    %dma_start3A_468 = tpu.memref_slice %arg10[%dma_start3A_466, %dma_start3A_467] : memref<10112x64xbf16, #tpu.memory_space<vmem_shared>> -> memref<10112x64xbf16, #tpu.memory_space<vmem_shared>>
    tpu.enqueue_indirect_dma source(%dma_start3A_462 : memref<128x64xbf16, #tpu.memory_space<vmem>>) target(%dma_start3A_468 : memref<10112x64xbf16, #tpu.memory_space<vmem_shared>>) offsets(%dma_start3A_465 : memref<128xi32, #tpu.memory_space<vmem>>) semaphore(%arg16 : memref<!tpu.dma_semaphore, #tpu.memory_space<semaphore_mem>>) {add = true}
    %dma_wait3A_469 = arith.constant 0 : i32
    %dma_wait3A_470 = arith.constant 0 : i32
    %dma_wait3A_471 = arith.constant 0 : i32
    %dma_wait3A_472 = tpu.memref_slice %arg8[%dma_wait3A_469, %dma_wait3A_470, %dma_wait3A_471] : memref<4x128x64xbf16, #tpu.memory_space<vmem>> -> memref<1x128x64xbf16, #tpu.memory_space<vmem>>
    %dma_wait3A_473 = tpu.memref_squeeze %dma_wait3A_472 : memref<1x128x64xbf16, #tpu.memory_space<vmem>> -> memref<128x64xbf16, #tpu.memory_space<vmem>>
    %dma_wait3A_474 = arith.constant 0 : i32
    %dma_wait3A_475 = arith.constant 0 : i32
    %dma_wait3A_476 = tpu.memref_slice %arg2[%dma_wait3A_474, %dma_wait3A_475] : memref<10112x64xbf16, #tpu.memory_space<hbm>> -> memref<128x64xbf16, #tpu.memory_space<hbm>>
    %dma_wait3A_477 = arith.constant 0 : i32
    %dma_wait3A_478 = arith.constant 0 : i32
    %dma_wait3A_479 = tpu.memref_slice %arg8[%dma_wait3A_469, %dma_wait3A_477, %dma_wait3A_478] : memref<4x128x64xbf16, #tpu.memory_space<vmem>> -> memref<1x128x64xbf16, #tpu.memory_space<vmem>>
    %dma_wait3A_480 = tpu.memref_squeeze %dma_wait3A_479 : memref<1x128x64xbf16, #tpu.memory_space<vmem>> -> memref<128x64xbf16, #tpu.memory_space<vmem>>
    %dma_wait3A_481 = arith.constant 0 : i32
    %dma_wait3A_482 = arith.constant 0 : i32
    %dma_wait3A_483 = tpu.memref_slice %arg2[%dma_wait3A_481, %dma_wait3A_482] : memref<10112x64xbf16, #tpu.memory_space<hbm>> -> memref<128x64xbf16, #tpu.memory_space<hbm>>
    tpu.wait_dma2 semaphore(%arg15 : memref<!tpu.dma_semaphore, #tpu.memory_space<semaphore_mem>>) src(%dma_wait3A_483 : memref<128x64xbf16, #tpu.memory_space<hbm>>) dst(%dma_wait3A_480 : memref<128x64xbf16, #tpu.memory_space<vmem>>)
    %dma_start3A_484 = arith.constant 0 : i32
    %dma_start3A_485 = arith.constant 4 : i32
    %dma_start3A_486 = arith.constant 0 : i32
    %dma_start3A_487 = arith.constant 0 : i32
    %dma_start3A_488 = arith.constant 0 : i32
    %dma_start3A_489 = tpu.memref_slice %arg8[%dma_start3A_486, %dma_start3A_487, %dma_start3A_488] : memref<4x128x64xbf16, #tpu.memory_space<vmem>> -> memref<1x128x64xbf16, #tpu.memory_space<vmem>>
    %dma_start3A_490 = tpu.memref_squeeze %dma_start3A_489 : memref<1x128x64xbf16, #tpu.memory_space<vmem>> -> memref<128x64xbf16, #tpu.memory_space<vmem>>
    %dma_start3A_491 = arith.constant 0 : i32
    %dma_start3A_492 = tpu.memref_slice %arg6[%dma_start3A_484, %dma_start3A_485, %dma_start3A_491] : memref<3x8x128xi32, #tpu.memory_space<vmem>> -> memref<1x1x128xi32, #tpu.memory_space<vmem>>
    %dma_start3A_493 = tpu.memref_squeeze %dma_start3A_492 : memref<1x1x128xi32, #tpu.memory_space<vmem>> -> memref<128xi32, #tpu.memory_space<vmem>>
    %dma_start3A_494 = arith.constant 0 : i32
    %dma_start3A_495 = arith.constant 0 : i32
    %dma_start3A_496 = tpu.memref_slice %arg9[%dma_start3A_494, %dma_start3A_495] : memref<10112x64xbf16, #tpu.memory_space<vmem_shared>> -> memref<10112x64xbf16, #tpu.memory_space<vmem_shared>>
    tpu.enqueue_indirect_dma source(%dma_start3A_496 : memref<10112x64xbf16, #tpu.memory_space<vmem_shared>>) target(%dma_start3A_490 : memref<128x64xbf16, #tpu.memory_space<vmem>>) offsets(%dma_start3A_493 : memref<128xi32, #tpu.memory_space<vmem>>) semaphore(%arg11 : memref<!tpu.dma_semaphore, #tpu.memory_space<semaphore_mem>>)
    %dma_wait3A_497 = arith.constant 2 : i32
    %dma_wait3A_498 = arith.constant 0 : i32
    %dma_wait3A_499 = arith.constant 0 : i32
    %dma_wait3A_500 = tpu.memref_slice %arg8[%dma_wait3A_497, %dma_wait3A_498, %dma_wait3A_499] : memref<4x128x64xbf16, #tpu.memory_space<vmem>> -> memref<1x128x64xbf16, #tpu.memory_space<vmem>>
    %dma_wait3A_501 = tpu.memref_squeeze %dma_wait3A_500 : memref<1x128x64xbf16, #tpu.memory_space<vmem>> -> memref<128x64xbf16, #tpu.memory_space<vmem>>
    %dma_wait3A_502 = arith.constant 0 : i32
    %dma_wait3A_503 = arith.constant 0 : i32
    %dma_wait3A_504 = tpu.memref_slice %arg2[%dma_wait3A_502, %dma_wait3A_503] : memref<10112x64xbf16, #tpu.memory_space<hbm>> -> memref<128x64xbf16, #tpu.memory_space<hbm>>
    %dma_wait3A_505 = arith.constant 0 : i32
    %dma_wait3A_506 = arith.constant 0 : i32
    %dma_wait3A_507 = tpu.memref_slice %arg8[%dma_wait3A_497, %dma_wait3A_505, %dma_wait3A_506] : memref<4x128x64xbf16, #tpu.memory_space<vmem>> -> memref<1x128x64xbf16, #tpu.memory_space<vmem>>
    %dma_wait3A_508 = tpu.memref_squeeze %dma_wait3A_507 : memref<1x128x64xbf16, #tpu.memory_space<vmem>> -> memref<128x64xbf16, #tpu.memory_space<vmem>>
    %dma_wait3A_509 = arith.constant 0 : i32
    %dma_wait3A_510 = arith.constant 0 : i32
    %dma_wait3A_511 = tpu.memref_slice %arg2[%dma_wait3A_509, %dma_wait3A_510] : memref<10112x64xbf16, #tpu.memory_space<hbm>> -> memref<128x64xbf16, #tpu.memory_space<hbm>>
    tpu.wait_dma2 semaphore(%arg13 : memref<!tpu.dma_semaphore, #tpu.memory_space<semaphore_mem>>) src(%dma_wait3A_511 : memref<128x64xbf16, #tpu.memory_space<hbm>>) dst(%dma_wait3A_508 : memref<128x64xbf16, #tpu.memory_space<vmem>>)
    %dma_start3A_512 = arith.constant 2 : i32
    %dma_start3A_513 = arith.constant 0 : i32
    %dma_start3A_514 = arith.constant 2 : i32
    %dma_start3A_515 = arith.constant 0 : i32
    %dma_start3A_516 = arith.constant 0 : i32
    %dma_start3A_517 = tpu.memref_slice %arg8[%dma_start3A_512, %dma_start3A_515, %dma_start3A_516] : memref<4x128x64xbf16, #tpu.memory_space<vmem>> -> memref<1x128x64xbf16, #tpu.memory_space<vmem>>
    %dma_start3A_518 = tpu.memref_squeeze %dma_start3A_517 : memref<1x128x64xbf16, #tpu.memory_space<vmem>> -> memref<128x64xbf16, #tpu.memory_space<vmem>>
    %dma_start3A_519 = arith.constant 0 : i32
    %dma_start3A_520 = tpu.memref_slice %arg7[%dma_start3A_513, %dma_start3A_514, %dma_start3A_519] : memref<3x8x128xi32, #tpu.memory_space<vmem>> -> memref<1x1x128xi32, #tpu.memory_space<vmem>>
    %dma_start3A_521 = tpu.memref_squeeze %dma_start3A_520 : memref<1x1x128xi32, #tpu.memory_space<vmem>> -> memref<128xi32, #tpu.memory_space<vmem>>
    %dma_start3A_522 = arith.constant 0 : i32
    %dma_start3A_523 = arith.constant 0 : i32
    %dma_start3A_524 = tpu.memref_slice %arg10[%dma_start3A_522, %dma_start3A_523] : memref<10112x64xbf16, #tpu.memory_space<vmem_shared>> -> memref<10112x64xbf16, #tpu.memory_space<vmem_shared>>
    tpu.enqueue_indirect_dma source(%dma_start3A_518 : memref<128x64xbf16, #tpu.memory_space<vmem>>) target(%dma_start3A_524 : memref<10112x64xbf16, #tpu.memory_space<vmem_shared>>) offsets(%dma_start3A_521 : memref<128xi32, #tpu.memory_space<vmem>>) semaphore(%arg17 : memref<!tpu.dma_semaphore, #tpu.memory_space<semaphore_mem>>) {add = true}
    %dma_wait3A_525 = arith.constant 1 : i32
    %dma_wait3A_526 = arith.constant 0 : i32
    %dma_wait3A_527 = arith.constant 0 : i32
    %dma_wait3A_528 = tpu.memref_slice %arg8[%dma_wait3A_525, %dma_wait3A_526, %dma_wait3A_527] : memref<4x128x64xbf16, #tpu.memory_space<vmem>> -> memref<1x128x64xbf16, #tpu.memory_space<vmem>>
    %dma_wait3A_529 = tpu.memref_squeeze %dma_wait3A_528 : memref<1x128x64xbf16, #tpu.memory_space<vmem>> -> memref<128x64xbf16, #tpu.memory_space<vmem>>
    %dma_wait3A_530 = arith.constant 0 : i32
    %dma_wait3A_531 = arith.constant 0 : i32
    %dma_wait3A_532 = tpu.memref_slice %arg2[%dma_wait3A_530, %dma_wait3A_531] : memref<10112x64xbf16, #tpu.memory_space<hbm>> -> memref<128x64xbf16, #tpu.memory_space<hbm>>
    %dma_wait3A_533 = arith.constant 0 : i32
    %dma_wait3A_534 = arith.constant 0 : i32
    %dma_wait3A_535 = tpu.memref_slice %arg8[%dma_wait3A_525, %dma_wait3A_533, %dma_wait3A_534] : memref<4x128x64xbf16, #tpu.memory_space<vmem>> -> memref<1x128x64xbf16, #tpu.memory_space<vmem>>
    %dma_wait3A_536 = tpu.memref_squeeze %dma_wait3A_535 : memref<1x128x64xbf16, #tpu.memory_space<vmem>> -> memref<128x64xbf16, #tpu.memory_space<vmem>>
    %dma_wait3A_537 = arith.constant 0 : i32
    %dma_wait3A_538 = arith.constant 0 : i32
    %dma_wait3A_539 = tpu.memref_slice %arg2[%dma_wait3A_537, %dma_wait3A_538] : memref<10112x64xbf16, #tpu.memory_space<hbm>> -> memref<128x64xbf16, #tpu.memory_space<hbm>>
    tpu.wait_dma2 semaphore(%arg16 : memref<!tpu.dma_semaphore, #tpu.memory_space<semaphore_mem>>) src(%dma_wait3A_539 : memref<128x64xbf16, #tpu.memory_space<hbm>>) dst(%dma_wait3A_536 : memref<128x64xbf16, #tpu.memory_space<vmem>>)
    %dma_start3A_540 = arith.constant 0 : i32
    %dma_start3A_541 = arith.constant 5 : i32
    %dma_start3A_542 = arith.constant 1 : i32
    %dma_start3A_543 = arith.constant 0 : i32
    %dma_start3A_544 = arith.constant 0 : i32
    %dma_start3A_545 = tpu.memref_slice %arg8[%dma_start3A_542, %dma_start3A_543, %dma_start3A_544] : memref<4x128x64xbf16, #tpu.memory_space<vmem>> -> memref<1x128x64xbf16, #tpu.memory_space<vmem>>
    %dma_start3A_546 = tpu.memref_squeeze %dma_start3A_545 : memref<1x128x64xbf16, #tpu.memory_space<vmem>> -> memref<128x64xbf16, #tpu.memory_space<vmem>>
    %dma_start3A_547 = arith.constant 0 : i32
    %dma_start3A_548 = tpu.memref_slice %arg6[%dma_start3A_540, %dma_start3A_541, %dma_start3A_547] : memref<3x8x128xi32, #tpu.memory_space<vmem>> -> memref<1x1x128xi32, #tpu.memory_space<vmem>>
    %dma_start3A_549 = tpu.memref_squeeze %dma_start3A_548 : memref<1x1x128xi32, #tpu.memory_space<vmem>> -> memref<128xi32, #tpu.memory_space<vmem>>
    %dma_start3A_550 = arith.constant 0 : i32
    %dma_start3A_551 = arith.constant 0 : i32
    %dma_start3A_552 = tpu.memref_slice %arg9[%dma_start3A_550, %dma_start3A_551] : memref<10112x64xbf16, #tpu.memory_space<vmem_shared>> -> memref<10112x64xbf16, #tpu.memory_space<vmem_shared>>
    tpu.enqueue_indirect_dma source(%dma_start3A_552 : memref<10112x64xbf16, #tpu.memory_space<vmem_shared>>) target(%dma_start3A_546 : memref<128x64xbf16, #tpu.memory_space<vmem>>) offsets(%dma_start3A_549 : memref<128xi32, #tpu.memory_space<vmem>>) semaphore(%arg12 : memref<!tpu.dma_semaphore, #tpu.memory_space<semaphore_mem>>)
    %dma_wait3A_553 = arith.constant 3 : i32
    %dma_wait3A_554 = arith.constant 0 : i32
    %dma_wait3A_555 = arith.constant 0 : i32
    %dma_wait3A_556 = tpu.memref_slice %arg8[%dma_wait3A_553, %dma_wait3A_554, %dma_wait3A_555] : memref<4x128x64xbf16, #tpu.memory_space<vmem>> -> memref<1x128x64xbf16, #tpu.memory_space<vmem>>
    %dma_wait3A_557 = tpu.memref_squeeze %dma_wait3A_556 : memref<1x128x64xbf16, #tpu.memory_space<vmem>> -> memref<128x64xbf16, #tpu.memory_space<vmem>>
    %dma_wait3A_558 = arith.constant 0 : i32
    %dma_wait3A_559 = arith.constant 0 : i32
    %dma_wait3A_560 = tpu.memref_slice %arg2[%dma_wait3A_558, %dma_wait3A_559] : memref<10112x64xbf16, #tpu.memory_space<hbm>> -> memref<128x64xbf16, #tpu.memory_space<hbm>>
    %dma_wait3A_561 = arith.constant 0 : i32
    %dma_wait3A_562 = arith.constant 0 : i32
    %dma_wait3A_563 = tpu.memref_slice %arg8[%dma_wait3A_553, %dma_wait3A_561, %dma_wait3A_562] : memref<4x128x64xbf16, #tpu.memory_space<vmem>> -> memref<1x128x64xbf16, #tpu.memory_space<vmem>>
    %dma_wait3A_564 = tpu.memref_squeeze %dma_wait3A_563 : memref<1x128x64xbf16, #tpu.memory_space<vmem>> -> memref<128x64xbf16, #tpu.memory_space<vmem>>
    %dma_wait3A_565 = arith.constant 0 : i32
    %dma_wait3A_566 = arith.constant 0 : i32
    %dma_wait3A_567 = tpu.memref_slice %arg2[%dma_wait3A_565, %dma_wait3A_566] : memref<10112x64xbf16, #tpu.memory_space<hbm>> -> memref<128x64xbf16, #tpu.memory_space<hbm>>
    tpu.wait_dma2 semaphore(%arg14 : memref<!tpu.dma_semaphore, #tpu.memory_space<semaphore_mem>>) src(%dma_wait3A_567 : memref<128x64xbf16, #tpu.memory_space<hbm>>) dst(%dma_wait3A_564 : memref<128x64xbf16, #tpu.memory_space<vmem>>)
    %dma_start3A_568 = arith.constant 3 : i32
    %dma_start3A_569 = arith.constant 0 : i32
    %dma_start3A_570 = arith.constant 3 : i32
    %dma_start3A_571 = arith.constant 0 : i32
    %dma_start3A_572 = arith.constant 0 : i32
    %dma_start3A_573 = tpu.memref_slice %arg8[%dma_start3A_568, %dma_start3A_571, %dma_start3A_572] : memref<4x128x64xbf16, #tpu.memory_space<vmem>> -> memref<1x128x64xbf16, #tpu.memory_space<vmem>>
    %dma_start3A_574 = tpu.memref_squeeze %dma_start3A_573 : memref<1x128x64xbf16, #tpu.memory_space<vmem>> -> memref<128x64xbf16, #tpu.memory_space<vmem>>
    %dma_start3A_575 = arith.constant 0 : i32
    %dma_start3A_576 = tpu.memref_slice %arg7[%dma_start3A_569, %dma_start3A_570, %dma_start3A_575] : memref<3x8x128xi32, #tpu.memory_space<vmem>> -> memref<1x1x128xi32, #tpu.memory_space<vmem>>
    %dma_start3A_577 = tpu.memref_squeeze %dma_start3A_576 : memref<1x1x128xi32, #tpu.memory_space<vmem>> -> memref<128xi32, #tpu.memory_space<vmem>>
    %dma_start3A_578 = arith.constant 0 : i32
    %dma_start3A_579 = arith.constant 0 : i32
    %dma_start3A_580 = tpu.memref_slice %arg10[%dma_start3A_578, %dma_start3A_579] : memref<10112x64xbf16, #tpu.memory_space<vmem_shared>> -> memref<10112x64xbf16, #tpu.memory_space<vmem_shared>>
    tpu.enqueue_indirect_dma source(%dma_start3A_574 : memref<128x64xbf16, #tpu.memory_space<vmem>>) target(%dma_start3A_580 : memref<10112x64xbf16, #tpu.memory_space<vmem_shared>>) offsets(%dma_start3A_577 : memref<128xi32, #tpu.memory_space<vmem>>) semaphore(%arg18 : memref<!tpu.dma_semaphore, #tpu.memory_space<semaphore_mem>>) {add = true}
    %dma_wait3A_581 = arith.constant 2 : i32
    %dma_wait3A_582 = arith.constant 0 : i32
    %dma_wait3A_583 = arith.constant 0 : i32
    %dma_wait3A_584 = tpu.memref_slice %arg8[%dma_wait3A_581, %dma_wait3A_582, %dma_wait3A_583] : memref<4x128x64xbf16, #tpu.memory_space<vmem>> -> memref<1x128x64xbf16, #tpu.memory_space<vmem>>
    %dma_wait3A_585 = tpu.memref_squeeze %dma_wait3A_584 : memref<1x128x64xbf16, #tpu.memory_space<vmem>> -> memref<128x64xbf16, #tpu.memory_space<vmem>>
    %dma_wait3A_586 = arith.constant 0 : i32
    %dma_wait3A_587 = arith.constant 0 : i32
    %dma_wait3A_588 = tpu.memref_slice %arg2[%dma_wait3A_586, %dma_wait3A_587] : memref<10112x64xbf16, #tpu.memory_space<hbm>> -> memref<128x64xbf16, #tpu.memory_space<hbm>>
    %dma_wait3A_589 = arith.constant 0 : i32
    %dma_wait3A_590 = arith.constant 0 : i32
    %dma_wait3A_591 = tpu.memref_slice %arg8[%dma_wait3A_581, %dma_wait3A_589, %dma_wait3A_590] : memref<4x128x64xbf16, #tpu.memory_space<vmem>> -> memref<1x128x64xbf16, #tpu.memory_space<vmem>>
    %dma_wait3A_592 = tpu.memref_squeeze %dma_wait3A_591 : memref<1x128x64xbf16, #tpu.memory_space<vmem>> -> memref<128x64xbf16, #tpu.memory_space<vmem>>
    %dma_wait3A_593 = arith.constant 0 : i32
    %dma_wait3A_594 = arith.constant 0 : i32
    %dma_wait3A_595 = tpu.memref_slice %arg2[%dma_wait3A_593, %dma_wait3A_594] : memref<10112x64xbf16, #tpu.memory_space<hbm>> -> memref<128x64xbf16, #tpu.memory_space<hbm>>
    tpu.wait_dma2 semaphore(%arg17 : memref<!tpu.dma_semaphore, #tpu.memory_space<semaphore_mem>>) src(%dma_wait3A_595 : memref<128x64xbf16, #tpu.memory_space<hbm>>) dst(%dma_wait3A_592 : memref<128x64xbf16, #tpu.memory_space<vmem>>)
    %dma_start3A_596 = arith.constant 0 : i32
    %dma_start3A_597 = arith.constant 6 : i32
    %dma_start3A_598 = arith.constant 2 : i32
    %dma_start3A_599 = arith.constant 0 : i32
    %dma_start3A_600 = arith.constant 0 : i32
    %dma_start3A_601 = tpu.memref_slice %arg8[%dma_start3A_598, %dma_start3A_599, %dma_start3A_600] : memref<4x128x64xbf16, #tpu.memory_space<vmem>> -> memref<1x128x64xbf16, #tpu.memory_space<vmem>>
    %dma_start3A_602 = tpu.memref_squeeze %dma_start3A_601 : memref<1x128x64xbf16, #tpu.memory_space<vmem>> -> memref<128x64xbf16, #tpu.memory_space<vmem>>
    %dma_start3A_603 = arith.constant 0 : i32
    %dma_start3A_604 = tpu.memref_slice %arg6[%dma_start3A_596, %dma_start3A_597, %dma_start3A_603] : memref<3x8x128xi32, #tpu.memory_space<vmem>> -> memref<1x1x128xi32, #tpu.memory_space<vmem>>
    %dma_start3A_605 = tpu.memref_squeeze %dma_start3A_604 : memref<1x1x128xi32, #tpu.memory_space<vmem>> -> memref<128xi32, #tpu.memory_space<vmem>>
    %dma_start3A_606 = arith.constant 0 : i32
    %dma_start3A_607 = arith.constant 0 : i32
    %dma_start3A_608 = tpu.memref_slice %arg9[%dma_start3A_606, %dma_start3A_607] : memref<10112x64xbf16, #tpu.memory_space<vmem_shared>> -> memref<10112x64xbf16, #tpu.memory_space<vmem_shared>>
    tpu.enqueue_indirect_dma source(%dma_start3A_608 : memref<10112x64xbf16, #tpu.memory_space<vmem_shared>>) target(%dma_start3A_602 : memref<128x64xbf16, #tpu.memory_space<vmem>>) offsets(%dma_start3A_605 : memref<128xi32, #tpu.memory_space<vmem>>) semaphore(%arg13 : memref<!tpu.dma_semaphore, #tpu.memory_space<semaphore_mem>>)
    %dma_wait3A_609 = arith.constant 0 : i32
    %dma_wait3A_610 = arith.constant 0 : i32
    %dma_wait3A_611 = arith.constant 0 : i32
    %dma_wait3A_612 = tpu.memref_slice %arg8[%dma_wait3A_609, %dma_wait3A_610, %dma_wait3A_611] : memref<4x128x64xbf16, #tpu.memory_space<vmem>> -> memref<1x128x64xbf16, #tpu.memory_space<vmem>>
    %dma_wait3A_613 = tpu.memref_squeeze %dma_wait3A_612 : memref<1x128x64xbf16, #tpu.memory_space<vmem>> -> memref<128x64xbf16, #tpu.memory_space<vmem>>
    %dma_wait3A_614 = arith.constant 0 : i32
    %dma_wait3A_615 = arith.constant 0 : i32
    %dma_wait3A_616 = tpu.memref_slice %arg2[%dma_wait3A_614, %dma_wait3A_615] : memref<10112x64xbf16, #tpu.memory_space<hbm>> -> memref<128x64xbf16, #tpu.memory_space<hbm>>
    %dma_wait3A_617 = arith.constant 0 : i32
    %dma_wait3A_618 = arith.constant 0 : i32
    %dma_wait3A_619 = tpu.memref_slice %arg8[%dma_wait3A_609, %dma_wait3A_617, %dma_wait3A_618] : memref<4x128x64xbf16, #tpu.memory_space<vmem>> -> memref<1x128x64xbf16, #tpu.memory_space<vmem>>
    %dma_wait3A_620 = tpu.memref_squeeze %dma_wait3A_619 : memref<1x128x64xbf16, #tpu.memory_space<vmem>> -> memref<128x64xbf16, #tpu.memory_space<vmem>>
    %dma_wait3A_621 = arith.constant 0 : i32
    %dma_wait3A_622 = arith.constant 0 : i32
    %dma_wait3A_623 = tpu.memref_slice %arg2[%dma_wait3A_621, %dma_wait3A_622] : memref<10112x64xbf16, #tpu.memory_space<hbm>> -> memref<128x64xbf16, #tpu.memory_space<hbm>>
    tpu.wait_dma2 semaphore(%arg11 : memref<!tpu.dma_semaphore, #tpu.memory_space<semaphore_mem>>) src(%dma_wait3A_623 : memref<128x64xbf16, #tpu.memory_space<hbm>>) dst(%dma_wait3A_620 : memref<128x64xbf16, #tpu.memory_space<vmem>>)
    %dma_start3A_624 = arith.constant 0 : i32
    %dma_start3A_625 = arith.constant 0 : i32
    %dma_start3A_626 = arith.constant 4 : i32
    %dma_start3A_627 = arith.constant 0 : i32
    %dma_start3A_628 = arith.constant 0 : i32
    %dma_start3A_629 = tpu.memref_slice %arg8[%dma_start3A_624, %dma_start3A_627, %dma_start3A_628] : memref<4x128x64xbf16, #tpu.memory_space<vmem>> -> memref<1x128x64xbf16, #tpu.memory_space<vmem>>
    %dma_start3A_630 = tpu.memref_squeeze %dma_start3A_629 : memref<1x128x64xbf16, #tpu.memory_space<vmem>> -> memref<128x64xbf16, #tpu.memory_space<vmem>>
    %dma_start3A_631 = arith.constant 0 : i32
    %dma_start3A_632 = tpu.memref_slice %arg7[%dma_start3A_625, %dma_start3A_626, %dma_start3A_631] : memref<3x8x128xi32, #tpu.memory_space<vmem>> -> memref<1x1x128xi32, #tpu.memory_space<vmem>>
    %dma_start3A_633 = tpu.memref_squeeze %dma_start3A_632 : memref<1x1x128xi32, #tpu.memory_space<vmem>> -> memref<128xi32, #tpu.memory_space<vmem>>
    %dma_start3A_634 = arith.constant 0 : i32
    %dma_start3A_635 = arith.constant 0 : i32
    %dma_start3A_636 = tpu.memref_slice %arg10[%dma_start3A_634, %dma_start3A_635] : memref<10112x64xbf16, #tpu.memory_space<vmem_shared>> -> memref<10112x64xbf16, #tpu.memory_space<vmem_shared>>
    tpu.enqueue_indirect_dma source(%dma_start3A_630 : memref<128x64xbf16, #tpu.memory_space<vmem>>) target(%dma_start3A_636 : memref<10112x64xbf16, #tpu.memory_space<vmem_shared>>) offsets(%dma_start3A_633 : memref<128xi32, #tpu.memory_space<vmem>>) semaphore(%arg15 : memref<!tpu.dma_semaphore, #tpu.memory_space<semaphore_mem>>) {add = true}
    %dma_wait3A_637 = arith.constant 3 : i32
    %dma_wait3A_638 = arith.constant 0 : i32
    %dma_wait3A_639 = arith.constant 0 : i32
    %dma_wait3A_640 = tpu.memref_slice %arg8[%dma_wait3A_637, %dma_wait3A_638, %dma_wait3A_639] : memref<4x128x64xbf16, #tpu.memory_space<vmem>> -> memref<1x128x64xbf16, #tpu.memory_space<vmem>>
    %dma_wait3A_641 = tpu.memref_squeeze %dma_wait3A_640 : memref<1x128x64xbf16, #tpu.memory_space<vmem>> -> memref<128x64xbf16, #tpu.memory_space<vmem>>
    %dma_wait3A_642 = arith.constant 0 : i32
    %dma_wait3A_643 = arith.constant 0 : i32
    %dma_wait3A_644 = tpu.memref_slice %arg2[%dma_wait3A_642, %dma_wait3A_643] : memref<10112x64xbf16, #tpu.memory_space<hbm>> -> memref<128x64xbf16, #tpu.memory_space<hbm>>
    %dma_wait3A_645 = arith.constant 0 : i32
    %dma_wait3A_646 = arith.constant 0 : i32
    %dma_wait3A_647 = tpu.memref_slice %arg8[%dma_wait3A_637, %dma_wait3A_645, %dma_wait3A_646] : memref<4x128x64xbf16, #tpu.memory_space<vmem>> -> memref<1x128x64xbf16, #tpu.memory_space<vmem>>
    %dma_wait3A_648 = tpu.memref_squeeze %dma_wait3A_647 : memref<1x128x64xbf16, #tpu.memory_space<vmem>> -> memref<128x64xbf16, #tpu.memory_space<vmem>>
    %dma_wait3A_649 = arith.constant 0 : i32
    %dma_wait3A_650 = arith.constant 0 : i32
    %dma_wait3A_651 = tpu.memref_slice %arg2[%dma_wait3A_649, %dma_wait3A_650] : memref<10112x64xbf16, #tpu.memory_space<hbm>> -> memref<128x64xbf16, #tpu.memory_space<hbm>>
    tpu.wait_dma2 semaphore(%arg18 : memref<!tpu.dma_semaphore, #tpu.memory_space<semaphore_mem>>) src(%dma_wait3A_651 : memref<128x64xbf16, #tpu.memory_space<hbm>>) dst(%dma_wait3A_648 : memref<128x64xbf16, #tpu.memory_space<vmem>>)
    %dma_start3A_652 = arith.constant 0 : i32
    %dma_start3A_653 = arith.constant 7 : i32
    %dma_start3A_654 = arith.constant 3 : i32
    %dma_start3A_655 = arith.constant 0 : i32
    %dma_start3A_656 = arith.constant 0 : i32
    %dma_start3A_657 = tpu.memref_slice %arg8[%dma_start3A_654, %dma_start3A_655, %dma_start3A_656] : memref<4x128x64xbf16, #tpu.memory_space<vmem>> -> memref<1x128x64xbf16, #tpu.memory_space<vmem>>
    %dma_start3A_658 = tpu.memref_squeeze %dma_start3A_657 : memref<1x128x64xbf16, #tpu.memory_space<vmem>> -> memref<128x64xbf16, #tpu.memory_space<vmem>>
    %dma_start3A_659 = arith.constant 0 : i32
    %dma_start3A_660 = tpu.memref_slice %arg6[%dma_start3A_652, %dma_start3A_653, %dma_start3A_659] : memref<3x8x128xi32, #tpu.memory_space<vmem>> -> memref<1x1x128xi32, #tpu.memory_space<vmem>>
    %dma_start3A_661 = tpu.memref_squeeze %dma_start3A_660 : memref<1x1x128xi32, #tpu.memory_space<vmem>> -> memref<128xi32, #tpu.memory_space<vmem>>
    %dma_start3A_662 = arith.constant 0 : i32
    %dma_start3A_663 = arith.constant 0 : i32
    %dma_start3A_664 = tpu.memref_slice %arg9[%dma_start3A_662, %dma_start3A_663] : memref<10112x64xbf16, #tpu.memory_space<vmem_shared>> -> memref<10112x64xbf16, #tpu.memory_space<vmem_shared>>
    tpu.enqueue_indirect_dma source(%dma_start3A_664 : memref<10112x64xbf16, #tpu.memory_space<vmem_shared>>) target(%dma_start3A_658 : memref<128x64xbf16, #tpu.memory_space<vmem>>) offsets(%dma_start3A_661 : memref<128xi32, #tpu.memory_space<vmem>>) semaphore(%arg14 : memref<!tpu.dma_semaphore, #tpu.memory_space<semaphore_mem>>)
    %dma_wait3A_665 = arith.constant 1 : i32
    %dma_wait3A_666 = arith.constant 0 : i32
    %dma_wait3A_667 = arith.constant 0 : i32
    %dma_wait3A_668 = tpu.memref_slice %arg8[%dma_wait3A_665, %dma_wait3A_666, %dma_wait3A_667] : memref<4x128x64xbf16, #tpu.memory_space<vmem>> -> memref<1x128x64xbf16, #tpu.memory_space<vmem>>
    %dma_wait3A_669 = tpu.memref_squeeze %dma_wait3A_668 : memref<1x128x64xbf16, #tpu.memory_space<vmem>> -> memref<128x64xbf16, #tpu.memory_space<vmem>>
    %dma_wait3A_670 = arith.constant 0 : i32
    %dma_wait3A_671 = arith.constant 0 : i32
    %dma_wait3A_672 = tpu.memref_slice %arg2[%dma_wait3A_670, %dma_wait3A_671] : memref<10112x64xbf16, #tpu.memory_space<hbm>> -> memref<128x64xbf16, #tpu.memory_space<hbm>>
    %dma_wait3A_673 = arith.constant 0 : i32
    %dma_wait3A_674 = arith.constant 0 : i32
    %dma_wait3A_675 = tpu.memref_slice %arg8[%dma_wait3A_665, %dma_wait3A_673, %dma_wait3A_674] : memref<4x128x64xbf16, #tpu.memory_space<vmem>> -> memref<1x128x64xbf16, #tpu.memory_space<vmem>>
    %dma_wait3A_676 = tpu.memref_squeeze %dma_wait3A_675 : memref<1x128x64xbf16, #tpu.memory_space<vmem>> -> memref<128x64xbf16, #tpu.memory_space<vmem>>
    %dma_wait3A_677 = arith.constant 0 : i32
    %dma_wait3A_678 = arith.constant 0 : i32
    %dma_wait3A_679 = tpu.memref_slice %arg2[%dma_wait3A_677, %dma_wait3A_678] : memref<10112x64xbf16, #tpu.memory_space<hbm>> -> memref<128x64xbf16, #tpu.memory_space<hbm>>
    tpu.wait_dma2 semaphore(%arg12 : memref<!tpu.dma_semaphore, #tpu.memory_space<semaphore_mem>>) src(%dma_wait3A_679 : memref<128x64xbf16, #tpu.memory_space<hbm>>) dst(%dma_wait3A_676 : memref<128x64xbf16, #tpu.memory_space<vmem>>)
    %dma_start3A_680 = arith.constant 1 : i32
    %dma_start3A_681 = arith.constant 0 : i32
    %dma_start3A_682 = arith.constant 5 : i32
    %dma_start3A_683 = arith.constant 0 : i32
    %dma_start3A_684 = arith.constant 0 : i32
    %dma_start3A_685 = tpu.memref_slice %arg8[%dma_start3A_680, %dma_start3A_683, %dma_start3A_684] : memref<4x128x64xbf16, #tpu.memory_space<vmem>> -> memref<1x128x64xbf16, #tpu.memory_space<vmem>>
    %dma_start3A_686 = tpu.memref_squeeze %dma_start3A_685 : memref<1x128x64xbf16, #tpu.memory_space<vmem>> -> memref<128x64xbf16, #tpu.memory_space<vmem>>
    %dma_start3A_687 = arith.constant 0 : i32
    %dma_start3A_688 = tpu.memref_slice %arg7[%dma_start3A_681, %dma_start3A_682, %dma_start3A_687] : memref<3x8x128xi32, #tpu.memory_space<vmem>> -> memref<1x1x128xi32, #tpu.memory_space<vmem>>
    %dma_start3A_689 = tpu.memref_squeeze %dma_start3A_688 : memref<1x1x128xi32, #tpu.memory_space<vmem>> -> memref<128xi32, #tpu.memory_space<vmem>>
    %dma_start3A_690 = arith.constant 0 : i32
    %dma_start3A_691 = arith.constant 0 : i32
    %dma_start3A_692 = tpu.memref_slice %arg10[%dma_start3A_690, %dma_start3A_691] : memref<10112x64xbf16, #tpu.memory_space<vmem_shared>> -> memref<10112x64xbf16, #tpu.memory_space<vmem_shared>>
    tpu.enqueue_indirect_dma source(%dma_start3A_686 : memref<128x64xbf16, #tpu.memory_space<vmem>>) target(%dma_start3A_692 : memref<10112x64xbf16, #tpu.memory_space<vmem_shared>>) offsets(%dma_start3A_689 : memref<128xi32, #tpu.memory_space<vmem>>) semaphore(%arg16 : memref<!tpu.dma_semaphore, #tpu.memory_space<semaphore_mem>>) {add = true}
    %scan3A_693 = arith.constant 0 : i32
    %scan3A_694 = arith.constant 1 : i32
    %scan3A_695 = arith.constant 9 : i32
    %scan3A_696 = arith.addi %scan3A_694, %scan3A_695 : i32
    %scan3A_697 = arith.constant 1 : i32
    %scan3A_698 = scf.for %scan3A_877 = %scan3A_694 to %scan3A_696 step %scan3A_697 iter_args(%scan3A_878 = %scan3A_693) -> (i32)  : i32 {
      %jit3A = arith.constant 3 : i32
      %eq3A = arith.constant 0 : i32
      %eq3A_879 = arith.cmpi eq, %jit3A, %eq3A : i32
      %jit3A_880 = arith.constant 1 : i32
      %select_n3A = arith.select %eq3A_879, %jit3A_880, %jit3A : i32
      %rem3A = arith.remsi %scan3A_877, %select_n3A : i32
      %ne3A = arith.constant 0 : i32
      %ne3A_881 = arith.cmpi ne, %rem3A, %ne3A : i32
      %lt3A = arith.constant 0 : i32
      %lt3A_882 = arith.cmpi slt, %rem3A, %lt3A : i32
      %lt3A_883 = arith.constant 0 : i32
      %lt3A_884 = arith.cmpi slt, %select_n3A, %lt3A_883 : i32
      %ne3A_885 = arith.xori %lt3A_882, %lt3A_884 : i1
      %and3A = arith.andi %ne3A_885, %ne3A_881 : i1
      %add3A_886 = arith.addi %rem3A, %select_n3A : i32
      %select_n3A_887 = arith.select %and3A, %add3A_886, %rem3A : i32
      %dma_wait3A_888 = arith.constant 2 : i32
      %dma_wait3A_889 = arith.constant 0 : i32
      %dma_wait3A_890 = arith.constant 0 : i32
      %dma_wait3A_891 = tpu.memref_slice %arg8[%dma_wait3A_888, %dma_wait3A_889, %dma_wait3A_890] : memref<4x128x64xbf16, #tpu.memory_space<vmem>> -> memref<1x128x64xbf16, #tpu.memory_space<vmem>>
      %dma_wait3A_892 = tpu.memref_squeeze %dma_wait3A_891 : memref<1x128x64xbf16, #tpu.memory_space<vmem>> -> memref<128x64xbf16, #tpu.memory_space<vmem>>
      %dma_wait3A_893 = arith.constant 0 : i32
      %dma_wait3A_894 = arith.constant 0 : i32
      %dma_wait3A_895 = tpu.memref_slice %arg2[%dma_wait3A_893, %dma_wait3A_894] : memref<10112x64xbf16, #tpu.memory_space<hbm>> -> memref<128x64xbf16, #tpu.memory_space<hbm>>
      %dma_wait3A_896 = arith.constant 0 : i32
      %dma_wait3A_897 = arith.constant 0 : i32
      %dma_wait3A_898 = tpu.memref_slice %arg8[%dma_wait3A_888, %dma_wait3A_896, %dma_wait3A_897] : memref<4x128x64xbf16, #tpu.memory_space<vmem>> -> memref<1x128x64xbf16, #tpu.memory_space<vmem>>
      %dma_wait3A_899 = tpu.memref_squeeze %dma_wait3A_898 : memref<1x128x64xbf16, #tpu.memory_space<vmem>> -> memref<128x64xbf16, #tpu.memory_space<vmem>>
      %dma_wait3A_900 = arith.constant 0 : i32
      %dma_wait3A_901 = arith.constant 0 : i32
      %dma_wait3A_902 = tpu.memref_slice %arg2[%dma_wait3A_900, %dma_wait3A_901] : memref<10112x64xbf16, #tpu.memory_space<hbm>> -> memref<128x64xbf16, #tpu.memory_space<hbm>>
      tpu.wait_dma2 semaphore(%arg13 : memref<!tpu.dma_semaphore, #tpu.memory_space<semaphore_mem>>) src(%dma_wait3A_902 : memref<128x64xbf16, #tpu.memory_space<hbm>>) dst(%dma_wait3A_899 : memref<128x64xbf16, #tpu.memory_space<vmem>>)
      %sub3A = arith.constant 1 : i32
      %sub3A_903 = arith.subi %scan3A_877, %sub3A : i32
      %jit3A_904 = arith.constant 3 : i32
      %eq3A_905 = arith.constant 0 : i32
      %eq3A_906 = arith.cmpi eq, %jit3A_904, %eq3A_905 : i32
      %jit3A_907 = arith.constant 1 : i32
      %select_n3A_908 = arith.select %eq3A_906, %jit3A_907, %jit3A_904 : i32
      %rem3A_909 = arith.remsi %sub3A_903, %select_n3A_908 : i32
      %ne3A_910 = arith.constant 0 : i32
      %ne3A_911 = arith.cmpi ne, %rem3A_909, %ne3A_910 : i32
      %lt3A_912 = arith.constant 0 : i32
      %lt3A_913 = arith.cmpi slt, %rem3A_909, %lt3A_912 : i32
      %lt3A_914 = arith.constant 0 : i32
      %lt3A_915 = arith.cmpi slt, %select_n3A_908, %lt3A_914 : i32
      %ne3A_916 = arith.xori %lt3A_913, %lt3A_915 : i1
      %and3A_917 = arith.andi %ne3A_916, %ne3A_911 : i1
      %add3A_918 = arith.addi %rem3A_909, %select_n3A_908 : i32
      %select_n3A_919 = arith.select %and3A_917, %add3A_918, %rem3A_909 : i32
      %dma_start3A_920 = arith.constant 2 : i32
      %dma_start3A_921 = arith.constant 6 : i32
      %dma_start3A_922 = arith.constant 0 : i32
      %dma_start3A_923 = arith.constant 0 : i32
      %dma_start3A_924 = tpu.memref_slice %arg8[%dma_start3A_920, %dma_start3A_922, %dma_start3A_923] : memref<4x128x64xbf16, #tpu.memory_space<vmem>> -> memref<1x128x64xbf16, #tpu.memory_space<vmem>>
      %dma_start3A_925 = tpu.memref_squeeze %dma_start3A_924 : memref<1x128x64xbf16, #tpu.memory_space<vmem>> -> memref<128x64xbf16, #tpu.memory_space<vmem>>
      %dma_start3A_926 = arith.constant 0 : i32
      %dma_start3A_927 = tpu.memref_slice %arg7[%select_n3A_919, %dma_start3A_921, %dma_start3A_926] : memref<3x8x128xi32, #tpu.memory_space<vmem>> -> memref<1x1x128xi32, #tpu.memory_space<vmem>>
      %dma_start3A_928 = tpu.memref_squeeze %dma_start3A_927 : memref<1x1x128xi32, #tpu.memory_space<vmem>> -> memref<128xi32, #tpu.memory_space<vmem>>
      %dma_start3A_929 = arith.constant 0 : i32
      %dma_start3A_930 = arith.constant 0 : i32
      %dma_start3A_931 = tpu.memref_slice %arg10[%dma_start3A_929, %dma_start3A_930] : memref<10112x64xbf16, #tpu.memory_space<vmem_shared>> -> memref<10112x64xbf16, #tpu.memory_space<vmem_shared>>
      tpu.enqueue_indirect_dma source(%dma_start3A_925 : memref<128x64xbf16, #tpu.memory_space<vmem>>) target(%dma_start3A_931 : memref<10112x64xbf16, #tpu.memory_space<vmem_shared>>) offsets(%dma_start3A_928 : memref<128xi32, #tpu.memory_space<vmem>>) semaphore(%arg17 : memref<!tpu.dma_semaphore, #tpu.memory_space<semaphore_mem>>) {add = true}
      %dma_wait3A_932 = arith.constant 3 : i32
      %dma_wait3A_933 = arith.constant 0 : i32
      %dma_wait3A_934 = arith.constant 0 : i32
      %dma_wait3A_935 = tpu.memref_slice %arg8[%dma_wait3A_932, %dma_wait3A_933, %dma_wait3A_934] : memref<4x128x64xbf16, #tpu.memory_space<vmem>> -> memref<1x128x64xbf16, #tpu.memory_space<vmem>>
      %dma_wait3A_936 = tpu.memref_squeeze %dma_wait3A_935 : memref<1x128x64xbf16, #tpu.memory_space<vmem>> -> memref<128x64xbf16, #tpu.memory_space<vmem>>
      %dma_wait3A_937 = arith.constant 0 : i32
      %dma_wait3A_938 = arith.constant 0 : i32
      %dma_wait3A_939 = tpu.memref_slice %arg2[%dma_wait3A_937, %dma_wait3A_938] : memref<10112x64xbf16, #tpu.memory_space<hbm>> -> memref<128x64xbf16, #tpu.memory_space<hbm>>
      %dma_wait3A_940 = arith.constant 0 : i32
      %dma_wait3A_941 = arith.constant 0 : i32
      %dma_wait3A_942 = tpu.memref_slice %arg8[%dma_wait3A_932, %dma_wait3A_940, %dma_wait3A_941] : memref<4x128x64xbf16, #tpu.memory_space<vmem>> -> memref<1x128x64xbf16, #tpu.memory_space<vmem>>
      %dma_wait3A_943 = tpu.memref_squeeze %dma_wait3A_942 : memref<1x128x64xbf16, #tpu.memory_space<vmem>> -> memref<128x64xbf16, #tpu.memory_space<vmem>>
      %dma_wait3A_944 = arith.constant 0 : i32
      %dma_wait3A_945 = arith.constant 0 : i32
      %dma_wait3A_946 = tpu.memref_slice %arg2[%dma_wait3A_944, %dma_wait3A_945] : memref<10112x64xbf16, #tpu.memory_space<hbm>> -> memref<128x64xbf16, #tpu.memory_space<hbm>>
      tpu.wait_dma2 semaphore(%arg14 : memref<!tpu.dma_semaphore, #tpu.memory_space<semaphore_mem>>) src(%dma_wait3A_946 : memref<128x64xbf16, #tpu.memory_space<hbm>>) dst(%dma_wait3A_943 : memref<128x64xbf16, #tpu.memory_space<vmem>>)
      %sub3A_947 = arith.constant 1 : i32
      %sub3A_948 = arith.subi %scan3A_877, %sub3A_947 : i32
      %jit3A_949 = arith.constant 3 : i32
      %eq3A_950 = arith.constant 0 : i32
      %eq3A_951 = arith.cmpi eq, %jit3A_949, %eq3A_950 : i32
      %jit3A_952 = arith.constant 1 : i32
      %select_n3A_953 = arith.select %eq3A_951, %jit3A_952, %jit3A_949 : i32
      %rem3A_954 = arith.remsi %sub3A_948, %select_n3A_953 : i32
      %ne3A_955 = arith.constant 0 : i32
      %ne3A_956 = arith.cmpi ne, %rem3A_954, %ne3A_955 : i32
      %lt3A_957 = arith.constant 0 : i32
      %lt3A_958 = arith.cmpi slt, %rem3A_954, %lt3A_957 : i32
      %lt3A_959 = arith.constant 0 : i32
      %lt3A_960 = arith.cmpi slt, %select_n3A_953, %lt3A_959 : i32
      %ne3A_961 = arith.xori %lt3A_958, %lt3A_960 : i1
      %and3A_962 = arith.andi %ne3A_961, %ne3A_956 : i1
      %add3A_963 = arith.addi %rem3A_954, %select_n3A_953 : i32
      %select_n3A_964 = arith.select %and3A_962, %add3A_963, %rem3A_954 : i32
      %dma_start3A_965 = arith.constant 3 : i32
      %dma_start3A_966 = arith.constant 7 : i32
      %dma_start3A_967 = arith.constant 0 : i32
      %dma_start3A_968 = arith.constant 0 : i32
      %dma_start3A_969 = tpu.memref_slice %arg8[%dma_start3A_965, %dma_start3A_967, %dma_start3A_968] : memref<4x128x64xbf16, #tpu.memory_space<vmem>> -> memref<1x128x64xbf16, #tpu.memory_space<vmem>>
      %dma_start3A_970 = tpu.memref_squeeze %dma_start3A_969 : memref<1x128x64xbf16, #tpu.memory_space<vmem>> -> memref<128x64xbf16, #tpu.memory_space<vmem>>
      %dma_start3A_971 = arith.constant 0 : i32
      %dma_start3A_972 = tpu.memref_slice %arg7[%select_n3A_964, %dma_start3A_966, %dma_start3A_971] : memref<3x8x128xi32, #tpu.memory_space<vmem>> -> memref<1x1x128xi32, #tpu.memory_space<vmem>>
      %dma_start3A_973 = tpu.memref_squeeze %dma_start3A_972 : memref<1x1x128xi32, #tpu.memory_space<vmem>> -> memref<128xi32, #tpu.memory_space<vmem>>
      %dma_start3A_974 = arith.constant 0 : i32
      %dma_start3A_975 = arith.constant 0 : i32
      %dma_start3A_976 = tpu.memref_slice %arg10[%dma_start3A_974, %dma_start3A_975] : memref<10112x64xbf16, #tpu.memory_space<vmem_shared>> -> memref<10112x64xbf16, #tpu.memory_space<vmem_shared>>
      tpu.enqueue_indirect_dma source(%dma_start3A_970 : memref<128x64xbf16, #tpu.memory_space<vmem>>) target(%dma_start3A_976 : memref<10112x64xbf16, #tpu.memory_space<vmem_shared>>) offsets(%dma_start3A_973 : memref<128xi32, #tpu.memory_space<vmem>>) semaphore(%arg18 : memref<!tpu.dma_semaphore, #tpu.memory_space<semaphore_mem>>) {add = true}
      %dma_wait3A_977 = arith.constant 0 : i32
      %dma_wait3A_978 = arith.constant 0 : i32
      %dma_wait3A_979 = arith.constant 0 : i32
      %dma_wait3A_980 = tpu.memref_slice %arg6[%dma_wait3A_977, %dma_wait3A_978, %dma_wait3A_979] : memref<3x8x128xi32, #tpu.memory_space<vmem>> -> memref<1x8x128xi32, #tpu.memory_space<vmem>>
      %dma_wait3A_981 = tpu.memref_squeeze %dma_wait3A_980 : memref<1x8x128xi32, #tpu.memory_space<vmem>> -> memref<8x128xi32, #tpu.memory_space<vmem>>
      %dma_wait3A_982 = arith.constant 0 : i32
      %dma_wait3A_983 = arith.constant 0 : i32
      %dma_wait3A_984 = tpu.memref_slice %arg3[%add3A, %dma_wait3A_982, %dma_wait3A_983] : memref<32x80x128xi32, #tpu.memory_space<hbm>> -> memref<1x8x128xi32, #tpu.memory_space<hbm>>
      %dma_wait3A_985 = tpu.memref_squeeze %dma_wait3A_984 : memref<1x8x128xi32, #tpu.memory_space<hbm>> -> memref<8x128xi32, #tpu.memory_space<hbm>>
      %dma_wait3A_986 = arith.constant 0 : i32
      %dma_wait3A_987 = arith.constant 0 : i32
      %dma_wait3A_988 = tpu.memref_slice %arg6[%dma_wait3A_977, %dma_wait3A_986, %dma_wait3A_987] : memref<3x8x128xi32, #tpu.memory_space<vmem>> -> memref<1x8x128xi32, #tpu.memory_space<vmem>>
      %dma_wait3A_989 = tpu.memref_squeeze %dma_wait3A_988 : memref<1x8x128xi32, #tpu.memory_space<vmem>> -> memref<8x128xi32, #tpu.memory_space<vmem>>
      %dma_wait3A_990 = arith.constant 0 : i32
      %dma_wait3A_991 = arith.constant 0 : i32
      %dma_wait3A_992 = tpu.memref_slice %arg3[%add3A, %dma_wait3A_990, %dma_wait3A_991] : memref<32x80x128xi32, #tpu.memory_space<hbm>> -> memref<1x8x128xi32, #tpu.memory_space<hbm>>
      %dma_wait3A_993 = tpu.memref_squeeze %dma_wait3A_992 : memref<1x8x128xi32, #tpu.memory_space<hbm>> -> memref<8x128xi32, #tpu.memory_space<hbm>>
      tpu.wait_dma2 semaphore(%arg19 : memref<!tpu.dma_semaphore, #tpu.memory_space<semaphore_mem>>) src(%dma_wait3A_993 : memref<8x128xi32, #tpu.memory_space<hbm>>) dst(%dma_wait3A_989 : memref<8x128xi32, #tpu.memory_space<vmem>>)
      %dma_wait3A_994 = arith.constant 0 : i32
      %dma_wait3A_995 = arith.constant 0 : i32
      %dma_wait3A_996 = arith.constant 0 : i32
      %dma_wait3A_997 = tpu.memref_slice %arg7[%dma_wait3A_994, %dma_wait3A_995, %dma_wait3A_996] : memref<3x8x128xi32, #tpu.memory_space<vmem>> -> memref<1x8x128xi32, #tpu.memory_space<vmem>>
      %dma_wait3A_998 = tpu.memref_squeeze %dma_wait3A_997 : memref<1x8x128xi32, #tpu.memory_space<vmem>> -> memref<8x128xi32, #tpu.memory_space<vmem>>
      %dma_wait3A_999 = arith.constant 0 : i32
      %dma_wait3A_1000 = arith.constant 0 : i32
      %dma_wait3A_1001 = tpu.memref_slice %arg4[%add3A, %dma_wait3A_999, %dma_wait3A_1000] : memref<32x80x128xi32, #tpu.memory_space<hbm>> -> memref<1x8x128xi32, #tpu.memory_space<hbm>>
      %dma_wait3A_1002 = tpu.memref_squeeze %dma_wait3A_1001 : memref<1x8x128xi32, #tpu.memory_space<hbm>> -> memref<8x128xi32, #tpu.memory_space<hbm>>
      %dma_wait3A_1003 = arith.constant 0 : i32
      %dma_wait3A_1004 = arith.constant 0 : i32
      %dma_wait3A_1005 = tpu.memref_slice %arg7[%dma_wait3A_994, %dma_wait3A_1003, %dma_wait3A_1004] : memref<3x8x128xi32, #tpu.memory_space<vmem>> -> memref<1x8x128xi32, #tpu.memory_space<vmem>>
      %dma_wait3A_1006 = tpu.memref_squeeze %dma_wait3A_1005 : memref<1x8x128xi32, #tpu.memory_space<vmem>> -> memref<8x128xi32, #tpu.memory_space<vmem>>
      %dma_wait3A_1007 = arith.constant 0 : i32
      %dma_wait3A_1008 = arith.constant 0 : i32
      %dma_wait3A_1009 = tpu.memref_slice %arg4[%add3A, %dma_wait3A_1007, %dma_wait3A_1008] : memref<32x80x128xi32, #tpu.memory_space<hbm>> -> memref<1x8x128xi32, #tpu.memory_space<hbm>>
      %dma_wait3A_1010 = tpu.memref_squeeze %dma_wait3A_1009 : memref<1x8x128xi32, #tpu.memory_space<hbm>> -> memref<8x128xi32, #tpu.memory_space<hbm>>
      tpu.wait_dma2 semaphore(%arg20 : memref<!tpu.dma_semaphore, #tpu.memory_space<semaphore_mem>>) src(%dma_wait3A_1010 : memref<8x128xi32, #tpu.memory_space<hbm>>) dst(%dma_wait3A_1006 : memref<8x128xi32, #tpu.memory_space<vmem>>)
      %lt3A_1011 = arith.constant 9 : i32
      %lt3A_1012 = arith.cmpi slt, %scan3A_877, %lt3A_1011 : i32
      %convert_element_type3A = arith.extui %lt3A_1012 : i1 to i32
      %cond3A = arith.constant 0 : i32
      %cond3A_1013 = arith.cmpi ne, %convert_element_type3A, %cond3A : i32
      scf.if %cond3A_1013 {
        %add3A_1393 = arith.constant 1 : i32
        %add3A_1394 = arith.addi %scan3A_877, %add3A_1393 : i32
        %mul3A_1395 = arith.constant 8 : i32
        %mul3A_1396 = arith.muli %add3A_1394, %mul3A_1395 : i32
        %add3A_1397 = arith.constant 1 : i32
        %add3A_1398 = arith.addi %scan3A_877, %add3A_1397 : i32
        %jit3A_1399 = arith.constant 3 : i32
        %eq3A_1400 = arith.constant 0 : i32
        %eq3A_1401 = arith.cmpi eq, %jit3A_1399, %eq3A_1400 : i32
        %jit3A_1402 = arith.constant 1 : i32
        %select_n3A_1403 = arith.select %eq3A_1401, %jit3A_1402, %jit3A_1399 : i32
        %rem3A_1404 = arith.remsi %add3A_1398, %select_n3A_1403 : i32
        %ne3A_1405 = arith.constant 0 : i32
        %ne3A_1406 = arith.cmpi ne, %rem3A_1404, %ne3A_1405 : i32
        %lt3A_1407 = arith.constant 0 : i32
        %lt3A_1408 = arith.cmpi slt, %rem3A_1404, %lt3A_1407 : i32
        %lt3A_1409 = arith.constant 0 : i32
        %lt3A_1410 = arith.cmpi slt, %select_n3A_1403, %lt3A_1409 : i32
        %ne3A_1411 = arith.xori %lt3A_1408, %lt3A_1410 : i1
        %and3A_1412 = arith.andi %ne3A_1411, %ne3A_1406 : i1
        %add3A_1413 = arith.addi %rem3A_1404, %select_n3A_1403 : i32
        %select_n3A_1414 = arith.select %and3A_1412, %add3A_1413, %rem3A_1404 : i32
        %dma_start3A_1415 = arith.constant 0 : i32
        %dma_start3A_1416 = arith.constant 0 : i32
        %dma_start3A_1417 = tpu.memref_slice %arg6[%select_n3A_1414, %dma_start3A_1415, %dma_start3A_1416] : memref<3x8x128xi32, #tpu.memory_space<vmem>> -> memref<1x8x128xi32, #tpu.memory_space<vmem>>
        %dma_start3A_1418 = tpu.memref_squeeze %dma_start3A_1417 : memref<1x8x128xi32, #tpu.memory_space<vmem>> -> memref<8x128xi32, #tpu.memory_space<vmem>>
        %dma_start3A_1419 = arith.constant 0 : i32
        %dma_start3A_1420 = tpu.memref_slice %arg3[%add3A, %mul3A_1396, %dma_start3A_1419] : memref<32x80x128xi32, #tpu.memory_space<hbm>> -> memref<1x8x128xi32, #tpu.memory_space<hbm>>
        %dma_start3A_1421 = tpu.memref_squeeze %dma_start3A_1420 : memref<1x8x128xi32, #tpu.memory_space<hbm>> -> memref<8x128xi32, #tpu.memory_space<hbm>>
        %dma_start3A_1422 = arith.constant 0 : i32
        %dma_start3A_1423 = arith.constant 0 : i32
        %dma_start3A_1424 = tpu.memref_slice %arg6[%select_n3A_1414, %dma_start3A_1422, %dma_start3A_1423] : memref<3x8x128xi32, #tpu.memory_space<vmem>> -> memref<1x8x128xi32, #tpu.memory_space<vmem>>
        %dma_start3A_1425 = tpu.memref_squeeze %dma_start3A_1424 : memref<1x8x128xi32, #tpu.memory_space<vmem>> -> memref<8x128xi32, #tpu.memory_space<vmem>>
        %dma_start3A_1426 = arith.constant 0 : i32
        %dma_start3A_1427 = tpu.memref_slice %arg3[%add3A, %mul3A_1396, %dma_start3A_1426] : memref<32x80x128xi32, #tpu.memory_space<hbm>> -> memref<1x8x128xi32, #tpu.memory_space<hbm>>
        %dma_start3A_1428 = tpu.memref_squeeze %dma_start3A_1427 : memref<1x8x128xi32, #tpu.memory_space<hbm>> -> memref<8x128xi32, #tpu.memory_space<hbm>>
        tpu.enqueue_dma source(%dma_start3A_1428 : memref<8x128xi32, #tpu.memory_space<hbm>>) target(%dma_start3A_1425 : memref<8x128xi32, #tpu.memory_space<vmem>>) target_semaphore(%arg19 : memref<!tpu.dma_semaphore, #tpu.memory_space<semaphore_mem>>)
        %add3A_1429 = arith.constant 1 : i32
        %add3A_1430 = arith.addi %scan3A_877, %add3A_1429 : i32
        %mul3A_1431 = arith.constant 8 : i32
        %mul3A_1432 = arith.muli %add3A_1430, %mul3A_1431 : i32
        %add3A_1433 = arith.constant 1 : i32
        %add3A_1434 = arith.addi %scan3A_877, %add3A_1433 : i32
        %jit3A_1435 = arith.constant 3 : i32
        %eq3A_1436 = arith.constant 0 : i32
        %eq3A_1437 = arith.cmpi eq, %jit3A_1435, %eq3A_1436 : i32
        %jit3A_1438 = arith.constant 1 : i32
        %select_n3A_1439 = arith.select %eq3A_1437, %jit3A_1438, %jit3A_1435 : i32
        %rem3A_1440 = arith.remsi %add3A_1434, %select_n3A_1439 : i32
        %ne3A_1441 = arith.constant 0 : i32
        %ne3A_1442 = arith.cmpi ne, %rem3A_1440, %ne3A_1441 : i32
        %lt3A_1443 = arith.constant 0 : i32
        %lt3A_1444 = arith.cmpi slt, %rem3A_1440, %lt3A_1443 : i32
        %lt3A_1445 = arith.constant 0 : i32
        %lt3A_1446 = arith.cmpi slt, %select_n3A_1439, %lt3A_1445 : i32
        %ne3A_1447 = arith.xori %lt3A_1444, %lt3A_1446 : i1
        %and3A_1448 = arith.andi %ne3A_1447, %ne3A_1442 : i1
        %add3A_1449 = arith.addi %rem3A_1440, %select_n3A_1439 : i32
        %select_n3A_1450 = arith.select %and3A_1448, %add3A_1449, %rem3A_1440 : i32
        %dma_start3A_1451 = arith.constant 0 : i32
        %dma_start3A_1452 = arith.constant 0 : i32
        %dma_start3A_1453 = tpu.memref_slice %arg7[%select_n3A_1450, %dma_start3A_1451, %dma_start3A_1452] : memref<3x8x128xi32, #tpu.memory_space<vmem>> -> memref<1x8x128xi32, #tpu.memory_space<vmem>>
        %dma_start3A_1454 = tpu.memref_squeeze %dma_start3A_1453 : memref<1x8x128xi32, #tpu.memory_space<vmem>> -> memref<8x128xi32, #tpu.memory_space<vmem>>
        %dma_start3A_1455 = arith.constant 0 : i32
        %dma_start3A_1456 = tpu.memref_slice %arg4[%add3A, %mul3A_1432, %dma_start3A_1455] : memref<32x80x128xi32, #tpu.memory_space<hbm>> -> memref<1x8x128xi32, #tpu.memory_space<hbm>>
        %dma_start3A_1457 = tpu.memref_squeeze %dma_start3A_1456 : memref<1x8x128xi32, #tpu.memory_space<hbm>> -> memref<8x128xi32, #tpu.memory_space<hbm>>
        %dma_start3A_1458 = arith.constant 0 : i32
        %dma_start3A_1459 = arith.constant 0 : i32
        %dma_start3A_1460 = tpu.memref_slice %arg7[%select_n3A_1450, %dma_start3A_1458, %dma_start3A_1459] : memref<3x8x128xi32, #tpu.memory_space<vmem>> -> memref<1x8x128xi32, #tpu.memory_space<vmem>>
        %dma_start3A_1461 = tpu.memref_squeeze %dma_start3A_1460 : memref<1x8x128xi32, #tpu.memory_space<vmem>> -> memref<8x128xi32, #tpu.memory_space<vmem>>
        %dma_start3A_1462 = arith.constant 0 : i32
        %dma_start3A_1463 = tpu.memref_slice %arg4[%add3A, %mul3A_1432, %dma_start3A_1462] : memref<32x80x128xi32, #tpu.memory_space<hbm>> -> memref<1x8x128xi32, #tpu.memory_space<hbm>>
        %dma_start3A_1464 = tpu.memref_squeeze %dma_start3A_1463 : memref<1x8x128xi32, #tpu.memory_space<hbm>> -> memref<8x128xi32, #tpu.memory_space<hbm>>
        tpu.enqueue_dma source(%dma_start3A_1464 : memref<8x128xi32, #tpu.memory_space<hbm>>) target(%dma_start3A_1461 : memref<8x128xi32, #tpu.memory_space<vmem>>) target_semaphore(%arg20 : memref<!tpu.dma_semaphore, #tpu.memory_space<semaphore_mem>>)
      } else {
      }
      %dma_wait3A_1014 = arith.constant 0 : i32
      %dma_wait3A_1015 = arith.constant 0 : i32
      %dma_wait3A_1016 = arith.constant 0 : i32
      %dma_wait3A_1017 = tpu.memref_slice %arg8[%dma_wait3A_1014, %dma_wait3A_1015, %dma_wait3A_1016] : memref<4x128x64xbf16, #tpu.memory_space<vmem>> -> memref<1x128x64xbf16, #tpu.memory_space<vmem>>
      %dma_wait3A_1018 = tpu.memref_squeeze %dma_wait3A_1017 : memref<1x128x64xbf16, #tpu.memory_space<vmem>> -> memref<128x64xbf16, #tpu.memory_space<vmem>>
      %dma_wait3A_1019 = arith.constant 0 : i32
      %dma_wait3A_1020 = arith.constant 0 : i32
      %dma_wait3A_1021 = tpu.memref_slice %arg2[%dma_wait3A_1019, %dma_wait3A_1020] : memref<10112x64xbf16, #tpu.memory_space<hbm>> -> memref<128x64xbf16, #tpu.memory_space<hbm>>
      %dma_wait3A_1022 = arith.constant 0 : i32
      %dma_wait3A_1023 = arith.constant 0 : i32
      %dma_wait3A_1024 = tpu.memref_slice %arg8[%dma_wait3A_1014, %dma_wait3A_1022, %dma_wait3A_1023] : memref<4x128x64xbf16, #tpu.memory_space<vmem>> -> memref<1x128x64xbf16, #tpu.memory_space<vmem>>
      %dma_wait3A_1025 = tpu.memref_squeeze %dma_wait3A_1024 : memref<1x128x64xbf16, #tpu.memory_space<vmem>> -> memref<128x64xbf16, #tpu.memory_space<vmem>>
      %dma_wait3A_1026 = arith.constant 0 : i32
      %dma_wait3A_1027 = arith.constant 0 : i32
      %dma_wait3A_1028 = tpu.memref_slice %arg2[%dma_wait3A_1026, %dma_wait3A_1027] : memref<10112x64xbf16, #tpu.memory_space<hbm>> -> memref<128x64xbf16, #tpu.memory_space<hbm>>
      tpu.wait_dma2 semaphore(%arg15 : memref<!tpu.dma_semaphore, #tpu.memory_space<semaphore_mem>>) src(%dma_wait3A_1028 : memref<128x64xbf16, #tpu.memory_space<hbm>>) dst(%dma_wait3A_1025 : memref<128x64xbf16, #tpu.memory_space<vmem>>)
      %dma_start3A_1029 = arith.constant 0 : i32
      %dma_start3A_1030 = arith.constant 0 : i32
      %dma_start3A_1031 = arith.constant 0 : i32
      %dma_start3A_1032 = arith.constant 0 : i32
      %dma_start3A_1033 = tpu.memref_slice %arg8[%dma_start3A_1030, %dma_start3A_1031, %dma_start3A_1032] : memref<4x128x64xbf16, #tpu.memory_space<vmem>> -> memref<1x128x64xbf16, #tpu.memory_space<vmem>>
      %dma_start3A_1034 = tpu.memref_squeeze %dma_start3A_1033 : memref<1x128x64xbf16, #tpu.memory_space<vmem>> -> memref<128x64xbf16, #tpu.memory_space<vmem>>
      %dma_start3A_1035 = arith.constant 0 : i32
      %dma_start3A_1036 = tpu.memref_slice %arg6[%select_n3A_887, %dma_start3A_1029, %dma_start3A_1035] : memref<3x8x128xi32, #tpu.memory_space<vmem>> -> memref<1x1x128xi32, #tpu.memory_space<vmem>>
      %dma_start3A_1037 = tpu.memref_squeeze %dma_start3A_1036 : memref<1x1x128xi32, #tpu.memory_space<vmem>> -> memref<128xi32, #tpu.memory_space<vmem>>
      %dma_start3A_1038 = arith.constant 0 : i32
      %dma_start3A_1039 = arith.constant 0 : i32
      %dma_start3A_1040 = tpu.memref_slice %arg9[%dma_start3A_1038, %dma_start3A_1039] : memref<10112x64xbf16, #tpu.memory_space<vmem_shared>> -> memref<10112x64xbf16, #tpu.memory_space<vmem_shared>>
      tpu.enqueue_indirect_dma source(%dma_start3A_1040 : memref<10112x64xbf16, #tpu.memory_space<vmem_shared>>) target(%dma_start3A_1034 : memref<128x64xbf16, #tpu.memory_space<vmem>>) offsets(%dma_start3A_1037 : memref<128xi32, #tpu.memory_space<vmem>>) semaphore(%arg11 : memref<!tpu.dma_semaphore, #tpu.memory_space<semaphore_mem>>)
      %dma_wait3A_1041 = arith.constant 1 : i32
      %dma_wait3A_1042 = arith.constant 0 : i32
      %dma_wait3A_1043 = arith.constant 0 : i32
      %dma_wait3A_1044 = tpu.memref_slice %arg8[%dma_wait3A_1041, %dma_wait3A_1042, %dma_wait3A_1043] : memref<4x128x64xbf16, #tpu.memory_space<vmem>> -> memref<1x128x64xbf16, #tpu.memory_space<vmem>>
      %dma_wait3A_1045 = tpu.memref_squeeze %dma_wait3A_1044 : memref<1x128x64xbf16, #tpu.memory_space<vmem>> -> memref<128x64xbf16, #tpu.memory_space<vmem>>
      %dma_wait3A_1046 = arith.constant 0 : i32
      %dma_wait3A_1047 = arith.constant 0 : i32
      %dma_wait3A_1048 = tpu.memref_slice %arg2[%dma_wait3A_1046, %dma_wait3A_1047] : memref<10112x64xbf16, #tpu.memory_space<hbm>> -> memref<128x64xbf16, #tpu.memory_space<hbm>>
      %dma_wait3A_1049 = arith.constant 0 : i32
      %dma_wait3A_1050 = arith.constant 0 : i32
      %dma_wait3A_1051 = tpu.memref_slice %arg8[%dma_wait3A_1041, %dma_wait3A_1049, %dma_wait3A_1050] : memref<4x128x64xbf16, #tpu.memory_space<vmem>> -> memref<1x128x64xbf16, #tpu.memory_space<vmem>>
      %dma_wait3A_1052 = tpu.memref_squeeze %dma_wait3A_1051 : memref<1x128x64xbf16, #tpu.memory_space<vmem>> -> memref<128x64xbf16, #tpu.memory_space<vmem>>
      %dma_wait3A_1053 = arith.constant 0 : i32
      %dma_wait3A_1054 = arith.constant 0 : i32
      %dma_wait3A_1055 = tpu.memref_slice %arg2[%dma_wait3A_1053, %dma_wait3A_1054] : memref<10112x64xbf16, #tpu.memory_space<hbm>> -> memref<128x64xbf16, #tpu.memory_space<hbm>>
      tpu.wait_dma2 semaphore(%arg16 : memref<!tpu.dma_semaphore, #tpu.memory_space<semaphore_mem>>) src(%dma_wait3A_1055 : memref<128x64xbf16, #tpu.memory_space<hbm>>) dst(%dma_wait3A_1052 : memref<128x64xbf16, #tpu.memory_space<vmem>>)
      %dma_start3A_1056 = arith.constant 1 : i32
      %dma_start3A_1057 = arith.constant 1 : i32
      %dma_start3A_1058 = arith.constant 0 : i32
      %dma_start3A_1059 = arith.constant 0 : i32
      %dma_start3A_1060 = tpu.memref_slice %arg8[%dma_start3A_1057, %dma_start3A_1058, %dma_start3A_1059] : memref<4x128x64xbf16, #tpu.memory_space<vmem>> -> memref<1x128x64xbf16, #tpu.memory_space<vmem>>
      %dma_start3A_1061 = tpu.memref_squeeze %dma_start3A_1060 : memref<1x128x64xbf16, #tpu.memory_space<vmem>> -> memref<128x64xbf16, #tpu.memory_space<vmem>>
      %dma_start3A_1062 = arith.constant 0 : i32
      %dma_start3A_1063 = tpu.memref_slice %arg6[%select_n3A_887, %dma_start3A_1056, %dma_start3A_1062] : memref<3x8x128xi32, #tpu.memory_space<vmem>> -> memref<1x1x128xi32, #tpu.memory_space<vmem>>
      %dma_start3A_1064 = tpu.memref_squeeze %dma_start3A_1063 : memref<1x1x128xi32, #tpu.memory_space<vmem>> -> memref<128xi32, #tpu.memory_space<vmem>>
      %dma_start3A_1065 = arith.constant 0 : i32
      %dma_start3A_1066 = arith.constant 0 : i32
      %dma_start3A_1067 = tpu.memref_slice %arg9[%dma_start3A_1065, %dma_start3A_1066] : memref<10112x64xbf16, #tpu.memory_space<vmem_shared>> -> memref<10112x64xbf16, #tpu.memory_space<vmem_shared>>
      tpu.enqueue_indirect_dma source(%dma_start3A_1067 : memref<10112x64xbf16, #tpu.memory_space<vmem_shared>>) target(%dma_start3A_1061 : memref<128x64xbf16, #tpu.memory_space<vmem>>) offsets(%dma_start3A_1064 : memref<128xi32, #tpu.memory_space<vmem>>) semaphore(%arg12 : memref<!tpu.dma_semaphore, #tpu.memory_space<semaphore_mem>>)
      %dma_wait3A_1068 = arith.constant 2 : i32
      %dma_wait3A_1069 = arith.constant 0 : i32
      %dma_wait3A_1070 = arith.constant 0 : i32
      %dma_wait3A_1071 = tpu.memref_slice %arg8[%dma_wait3A_1068, %dma_wait3A_1069, %dma_wait3A_1070] : memref<4x128x64xbf16, #tpu.memory_space<vmem>> -> memref<1x128x64xbf16, #tpu.memory_space<vmem>>
      %dma_wait3A_1072 = tpu.memref_squeeze %dma_wait3A_1071 : memref<1x128x64xbf16, #tpu.memory_space<vmem>> -> memref<128x64xbf16, #tpu.memory_space<vmem>>
      %dma_wait3A_1073 = arith.constant 0 : i32
      %dma_wait3A_1074 = arith.constant 0 : i32
      %dma_wait3A_1075 = tpu.memref_slice %arg2[%dma_wait3A_1073, %dma_wait3A_1074] : memref<10112x64xbf16, #tpu.memory_space<hbm>> -> memref<128x64xbf16, #tpu.memory_space<hbm>>
      %dma_wait3A_1076 = arith.constant 0 : i32
      %dma_wait3A_1077 = arith.constant 0 : i32
      %dma_wait3A_1078 = tpu.memref_slice %arg8[%dma_wait3A_1068, %dma_wait3A_1076, %dma_wait3A_1077] : memref<4x128x64xbf16, #tpu.memory_space<vmem>> -> memref<1x128x64xbf16, #tpu.memory_space<vmem>>
      %dma_wait3A_1079 = tpu.memref_squeeze %dma_wait3A_1078 : memref<1x128x64xbf16, #tpu.memory_space<vmem>> -> memref<128x64xbf16, #tpu.memory_space<vmem>>
      %dma_wait3A_1080 = arith.constant 0 : i32
      %dma_wait3A_1081 = arith.constant 0 : i32
      %dma_wait3A_1082 = tpu.memref_slice %arg2[%dma_wait3A_1080, %dma_wait3A_1081] : memref<10112x64xbf16, #tpu.memory_space<hbm>> -> memref<128x64xbf16, #tpu.memory_space<hbm>>
      tpu.wait_dma2 semaphore(%arg17 : memref<!tpu.dma_semaphore, #tpu.memory_space<semaphore_mem>>) src(%dma_wait3A_1082 : memref<128x64xbf16, #tpu.memory_space<hbm>>) dst(%dma_wait3A_1079 : memref<128x64xbf16, #tpu.memory_space<vmem>>)
      %dma_start3A_1083 = arith.constant 2 : i32
      %dma_start3A_1084 = arith.constant 2 : i32
      %dma_start3A_1085 = arith.constant 0 : i32
      %dma_start3A_1086 = arith.constant 0 : i32
      %dma_start3A_1087 = tpu.memref_slice %arg8[%dma_start3A_1084, %dma_start3A_1085, %dma_start3A_1086] : memref<4x128x64xbf16, #tpu.memory_space<vmem>> -> memref<1x128x64xbf16, #tpu.memory_space<vmem>>
      %dma_start3A_1088 = tpu.memref_squeeze %dma_start3A_1087 : memref<1x128x64xbf16, #tpu.memory_space<vmem>> -> memref<128x64xbf16, #tpu.memory_space<vmem>>
      %dma_start3A_1089 = arith.constant 0 : i32
      %dma_start3A_1090 = tpu.memref_slice %arg6[%select_n3A_887, %dma_start3A_1083, %dma_start3A_1089] : memref<3x8x128xi32, #tpu.memory_space<vmem>> -> memref<1x1x128xi32, #tpu.memory_space<vmem>>
      %dma_start3A_1091 = tpu.memref_squeeze %dma_start3A_1090 : memref<1x1x128xi32, #tpu.memory_space<vmem>> -> memref<128xi32, #tpu.memory_space<vmem>>
      %dma_start3A_1092 = arith.constant 0 : i32
      %dma_start3A_1093 = arith.constant 0 : i32
      %dma_start3A_1094 = tpu.memref_slice %arg9[%dma_start3A_1092, %dma_start3A_1093] : memref<10112x64xbf16, #tpu.memory_space<vmem_shared>> -> memref<10112x64xbf16, #tpu.memory_space<vmem_shared>>
      tpu.enqueue_indirect_dma source(%dma_start3A_1094 : memref<10112x64xbf16, #tpu.memory_space<vmem_shared>>) target(%dma_start3A_1088 : memref<128x64xbf16, #tpu.memory_space<vmem>>) offsets(%dma_start3A_1091 : memref<128xi32, #tpu.memory_space<vmem>>) semaphore(%arg13 : memref<!tpu.dma_semaphore, #tpu.memory_space<semaphore_mem>>)
      %dma_wait3A_1095 = arith.constant 0 : i32
      %dma_wait3A_1096 = arith.constant 0 : i32
      %dma_wait3A_1097 = arith.constant 0 : i32
      %dma_wait3A_1098 = tpu.memref_slice %arg8[%dma_wait3A_1095, %dma_wait3A_1096, %dma_wait3A_1097] : memref<4x128x64xbf16, #tpu.memory_space<vmem>> -> memref<1x128x64xbf16, #tpu.memory_space<vmem>>
      %dma_wait3A_1099 = tpu.memref_squeeze %dma_wait3A_1098 : memref<1x128x64xbf16, #tpu.memory_space<vmem>> -> memref<128x64xbf16, #tpu.memory_space<vmem>>
      %dma_wait3A_1100 = arith.constant 0 : i32
      %dma_wait3A_1101 = arith.constant 0 : i32
      %dma_wait3A_1102 = tpu.memref_slice %arg2[%dma_wait3A_1100, %dma_wait3A_1101] : memref<10112x64xbf16, #tpu.memory_space<hbm>> -> memref<128x64xbf16, #tpu.memory_space<hbm>>
      %dma_wait3A_1103 = arith.constant 0 : i32
      %dma_wait3A_1104 = arith.constant 0 : i32
      %dma_wait3A_1105 = tpu.memref_slice %arg8[%dma_wait3A_1095, %dma_wait3A_1103, %dma_wait3A_1104] : memref<4x128x64xbf16, #tpu.memory_space<vmem>> -> memref<1x128x64xbf16, #tpu.memory_space<vmem>>
      %dma_wait3A_1106 = tpu.memref_squeeze %dma_wait3A_1105 : memref<1x128x64xbf16, #tpu.memory_space<vmem>> -> memref<128x64xbf16, #tpu.memory_space<vmem>>
      %dma_wait3A_1107 = arith.constant 0 : i32
      %dma_wait3A_1108 = arith.constant 0 : i32
      %dma_wait3A_1109 = tpu.memref_slice %arg2[%dma_wait3A_1107, %dma_wait3A_1108] : memref<10112x64xbf16, #tpu.memory_space<hbm>> -> memref<128x64xbf16, #tpu.memory_space<hbm>>
      tpu.wait_dma2 semaphore(%arg11 : memref<!tpu.dma_semaphore, #tpu.memory_space<semaphore_mem>>) src(%dma_wait3A_1109 : memref<128x64xbf16, #tpu.memory_space<hbm>>) dst(%dma_wait3A_1106 : memref<128x64xbf16, #tpu.memory_space<vmem>>)
      %dma_start3A_1110 = arith.constant 0 : i32
      %dma_start3A_1111 = arith.constant 0 : i32
      %dma_start3A_1112 = arith.constant 0 : i32
      %dma_start3A_1113 = arith.constant 0 : i32
      %dma_start3A_1114 = tpu.memref_slice %arg8[%dma_start3A_1110, %dma_start3A_1112, %dma_start3A_1113] : memref<4x128x64xbf16, #tpu.memory_space<vmem>> -> memref<1x128x64xbf16, #tpu.memory_space<vmem>>
      %dma_start3A_1115 = tpu.memref_squeeze %dma_start3A_1114 : memref<1x128x64xbf16, #tpu.memory_space<vmem>> -> memref<128x64xbf16, #tpu.memory_space<vmem>>
      %dma_start3A_1116 = arith.constant 0 : i32
      %dma_start3A_1117 = tpu.memref_slice %arg7[%select_n3A_887, %dma_start3A_1111, %dma_start3A_1116] : memref<3x8x128xi32, #tpu.memory_space<vmem>> -> memref<1x1x128xi32, #tpu.memory_space<vmem>>
      %dma_start3A_1118 = tpu.memref_squeeze %dma_start3A_1117 : memref<1x1x128xi32, #tpu.memory_space<vmem>> -> memref<128xi32, #tpu.memory_space<vmem>>
      %dma_start3A_1119 = arith.constant 0 : i32
      %dma_start3A_1120 = arith.constant 0 : i32
      %dma_start3A_1121 = tpu.memref_slice %arg10[%dma_start3A_1119, %dma_start3A_1120] : memref<10112x64xbf16, #tpu.memory_space<vmem_shared>> -> memref<10112x64xbf16, #tpu.memory_space<vmem_shared>>
      tpu.enqueue_indirect_dma source(%dma_start3A_1115 : memref<128x64xbf16, #tpu.memory_space<vmem>>) target(%dma_start3A_1121 : memref<10112x64xbf16, #tpu.memory_space<vmem_shared>>) offsets(%dma_start3A_1118 : memref<128xi32, #tpu.memory_space<vmem>>) semaphore(%arg15 : memref<!tpu.dma_semaphore, #tpu.memory_space<semaphore_mem>>) {add = true}
      %dma_wait3A_1122 = arith.constant 3 : i32
      %dma_wait3A_1123 = arith.constant 0 : i32
      %dma_wait3A_1124 = arith.constant 0 : i32
      %dma_wait3A_1125 = tpu.memref_slice %arg8[%dma_wait3A_1122, %dma_wait3A_1123, %dma_wait3A_1124] : memref<4x128x64xbf16, #tpu.memory_space<vmem>> -> memref<1x128x64xbf16, #tpu.memory_space<vmem>>
      %dma_wait3A_1126 = tpu.memref_squeeze %dma_wait3A_1125 : memref<1x128x64xbf16, #tpu.memory_space<vmem>> -> memref<128x64xbf16, #tpu.memory_space<vmem>>
      %dma_wait3A_1127 = arith.constant 0 : i32
      %dma_wait3A_1128 = arith.constant 0 : i32
      %dma_wait3A_1129 = tpu.memref_slice %arg2[%dma_wait3A_1127, %dma_wait3A_1128] : memref<10112x64xbf16, #tpu.memory_space<hbm>> -> memref<128x64xbf16, #tpu.memory_space<hbm>>
      %dma_wait3A_1130 = arith.constant 0 : i32
      %dma_wait3A_1131 = arith.constant 0 : i32
      %dma_wait3A_1132 = tpu.memref_slice %arg8[%dma_wait3A_1122, %dma_wait3A_1130, %dma_wait3A_1131] : memref<4x128x64xbf16, #tpu.memory_space<vmem>> -> memref<1x128x64xbf16, #tpu.memory_space<vmem>>
      %dma_wait3A_1133 = tpu.memref_squeeze %dma_wait3A_1132 : memref<1x128x64xbf16, #tpu.memory_space<vmem>> -> memref<128x64xbf16, #tpu.memory_space<vmem>>
      %dma_wait3A_1134 = arith.constant 0 : i32
      %dma_wait3A_1135 = arith.constant 0 : i32
      %dma_wait3A_1136 = tpu.memref_slice %arg2[%dma_wait3A_1134, %dma_wait3A_1135] : memref<10112x64xbf16, #tpu.memory_space<hbm>> -> memref<128x64xbf16, #tpu.memory_space<hbm>>
      tpu.wait_dma2 semaphore(%arg18 : memref<!tpu.dma_semaphore, #tpu.memory_space<semaphore_mem>>) src(%dma_wait3A_1136 : memref<128x64xbf16, #tpu.memory_space<hbm>>) dst(%dma_wait3A_1133 : memref<128x64xbf16, #tpu.memory_space<vmem>>)
      %dma_start3A_1137 = arith.constant 3 : i32
      %dma_start3A_1138 = arith.constant 3 : i32
      %dma_start3A_1139 = arith.constant 0 : i32
      %dma_start3A_1140 = arith.constant 0 : i32
      %dma_start3A_1141 = tpu.memref_slice %arg8[%dma_start3A_1138, %dma_start3A_1139, %dma_start3A_1140] : memref<4x128x64xbf16, #tpu.memory_space<vmem>> -> memref<1x128x64xbf16, #tpu.memory_space<vmem>>
      %dma_start3A_1142 = tpu.memref_squeeze %dma_start3A_1141 : memref<1x128x64xbf16, #tpu.memory_space<vmem>> -> memref<128x64xbf16, #tpu.memory_space<vmem>>
      %dma_start3A_1143 = arith.constant 0 : i32
      %dma_start3A_1144 = tpu.memref_slice %arg6[%select_n3A_887, %dma_start3A_1137, %dma_start3A_1143] : memref<3x8x128xi32, #tpu.memory_space<vmem>> -> memref<1x1x128xi32, #tpu.memory_space<vmem>>
      %dma_start3A_1145 = tpu.memref_squeeze %dma_start3A_1144 : memref<1x1x128xi32, #tpu.memory_space<vmem>> -> memref<128xi32, #tpu.memory_space<vmem>>
      %dma_start3A_1146 = arith.constant 0 : i32
      %dma_start3A_1147 = arith.constant 0 : i32
      %dma_start3A_1148 = tpu.memref_slice %arg9[%dma_start3A_1146, %dma_start3A_1147] : memref<10112x64xbf16, #tpu.memory_space<vmem_shared>> -> memref<10112x64xbf16, #tpu.memory_space<vmem_shared>>
      tpu.enqueue_indirect_dma source(%dma_start3A_1148 : memref<10112x64xbf16, #tpu.memory_space<vmem_shared>>) target(%dma_start3A_1142 : memref<128x64xbf16, #tpu.memory_space<vmem>>) offsets(%dma_start3A_1145 : memref<128xi32, #tpu.memory_space<vmem>>) semaphore(%arg14 : memref<!tpu.dma_semaphore, #tpu.memory_space<semaphore_mem>>)
      %dma_wait3A_1149 = arith.constant 1 : i32
      %dma_wait3A_1150 = arith.constant 0 : i32
      %dma_wait3A_1151 = arith.constant 0 : i32
      %dma_wait3A_1152 = tpu.memref_slice %arg8[%dma_wait3A_1149, %dma_wait3A_1150, %dma_wait3A_1151] : memref<4x128x64xbf16, #tpu.memory_space<vmem>> -> memref<1x128x64xbf16, #tpu.memory_space<vmem>>
      %dma_wait3A_1153 = tpu.memref_squeeze %dma_wait3A_1152 : memref<1x128x64xbf16, #tpu.memory_space<vmem>> -> memref<128x64xbf16, #tpu.memory_space<vmem>>
      %dma_wait3A_1154 = arith.constant 0 : i32
      %dma_wait3A_1155 = arith.constant 0 : i32
      %dma_wait3A_1156 = tpu.memref_slice %arg2[%dma_wait3A_1154, %dma_wait3A_1155] : memref<10112x64xbf16, #tpu.memory_space<hbm>> -> memref<128x64xbf16, #tpu.memory_space<hbm>>
      %dma_wait3A_1157 = arith.constant 0 : i32
      %dma_wait3A_1158 = arith.constant 0 : i32
      %dma_wait3A_1159 = tpu.memref_slice %arg8[%dma_wait3A_1149, %dma_wait3A_1157, %dma_wait3A_1158] : memref<4x128x64xbf16, #tpu.memory_space<vmem>> -> memref<1x128x64xbf16, #tpu.memory_space<vmem>>
      %dma_wait3A_1160 = tpu.memref_squeeze %dma_wait3A_1159 : memref<1x128x64xbf16, #tpu.memory_space<vmem>> -> memref<128x64xbf16, #tpu.memory_space<vmem>>
      %dma_wait3A_1161 = arith.constant 0 : i32
      %dma_wait3A_1162 = arith.constant 0 : i32
      %dma_wait3A_1163 = tpu.memref_slice %arg2[%dma_wait3A_1161, %dma_wait3A_1162] : memref<10112x64xbf16, #tpu.memory_space<hbm>> -> memref<128x64xbf16, #tpu.memory_space<hbm>>
      tpu.wait_dma2 semaphore(%arg12 : memref<!tpu.dma_semaphore, #tpu.memory_space<semaphore_mem>>) src(%dma_wait3A_1163 : memref<128x64xbf16, #tpu.memory_space<hbm>>) dst(%dma_wait3A_1160 : memref<128x64xbf16, #tpu.memory_space<vmem>>)
      %dma_start3A_1164 = arith.constant 1 : i32
      %dma_start3A_1165 = arith.constant 1 : i32
      %dma_start3A_1166 = arith.constant 0 : i32
      %dma_start3A_1167 = arith.constant 0 : i32
      %dma_start3A_1168 = tpu.memref_slice %arg8[%dma_start3A_1164, %dma_start3A_1166, %dma_start3A_1167] : memref<4x128x64xbf16, #tpu.memory_space<vmem>> -> memref<1x128x64xbf16, #tpu.memory_space<vmem>>
      %dma_start3A_1169 = tpu.memref_squeeze %dma_start3A_1168 : memref<1x128x64xbf16, #tpu.memory_space<vmem>> -> memref<128x64xbf16, #tpu.memory_space<vmem>>
      %dma_start3A_1170 = arith.constant 0 : i32
      %dma_start3A_1171 = tpu.memref_slice %arg7[%select_n3A_887, %dma_start3A_1165, %dma_start3A_1170] : memref<3x8x128xi32, #tpu.memory_space<vmem>> -> memref<1x1x128xi32, #tpu.memory_space<vmem>>
      %dma_start3A_1172 = tpu.memref_squeeze %dma_start3A_1171 : memref<1x1x128xi32, #tpu.memory_space<vmem>> -> memref<128xi32, #tpu.memory_space<vmem>>
      %dma_start3A_1173 = arith.constant 0 : i32
      %dma_start3A_1174 = arith.constant 0 : i32
      %dma_start3A_1175 = tpu.memref_slice %arg10[%dma_start3A_1173, %dma_start3A_1174] : memref<10112x64xbf16, #tpu.memory_space<vmem_shared>> -> memref<10112x64xbf16, #tpu.memory_space<vmem_shared>>
      tpu.enqueue_indirect_dma source(%dma_start3A_1169 : memref<128x64xbf16, #tpu.memory_space<vmem>>) target(%dma_start3A_1175 : memref<10112x64xbf16, #tpu.memory_space<vmem_shared>>) offsets(%dma_start3A_1172 : memref<128xi32, #tpu.memory_space<vmem>>) semaphore(%arg16 : memref<!tpu.dma_semaphore, #tpu.memory_space<semaphore_mem>>) {add = true}
      %dma_wait3A_1176 = arith.constant 0 : i32
      %dma_wait3A_1177 = arith.constant 0 : i32
      %dma_wait3A_1178 = arith.constant 0 : i32
      %dma_wait3A_1179 = tpu.memref_slice %arg8[%dma_wait3A_1176, %dma_wait3A_1177, %dma_wait3A_1178] : memref<4x128x64xbf16, #tpu.memory_space<vmem>> -> memref<1x128x64xbf16, #tpu.memory_space<vmem>>
      %dma_wait3A_1180 = tpu.memref_squeeze %dma_wait3A_1179 : memref<1x128x64xbf16, #tpu.memory_space<vmem>> -> memref<128x64xbf16, #tpu.memory_space<vmem>>
      %dma_wait3A_1181 = arith.constant 0 : i32
      %dma_wait3A_1182 = arith.constant 0 : i32
      %dma_wait3A_1183 = tpu.memref_slice %arg2[%dma_wait3A_1181, %dma_wait3A_1182] : memref<10112x64xbf16, #tpu.memory_space<hbm>> -> memref<128x64xbf16, #tpu.memory_space<hbm>>
      %dma_wait3A_1184 = arith.constant 0 : i32
      %dma_wait3A_1185 = arith.constant 0 : i32
      %dma_wait3A_1186 = tpu.memref_slice %arg8[%dma_wait3A_1176, %dma_wait3A_1184, %dma_wait3A_1185] : memref<4x128x64xbf16, #tpu.memory_space<vmem>> -> memref<1x128x64xbf16, #tpu.memory_space<vmem>>
      %dma_wait3A_1187 = tpu.memref_squeeze %dma_wait3A_1186 : memref<1x128x64xbf16, #tpu.memory_space<vmem>> -> memref<128x64xbf16, #tpu.memory_space<vmem>>
      %dma_wait3A_1188 = arith.constant 0 : i32
      %dma_wait3A_1189 = arith.constant 0 : i32
      %dma_wait3A_1190 = tpu.memref_slice %arg2[%dma_wait3A_1188, %dma_wait3A_1189] : memref<10112x64xbf16, #tpu.memory_space<hbm>> -> memref<128x64xbf16, #tpu.memory_space<hbm>>
      tpu.wait_dma2 semaphore(%arg15 : memref<!tpu.dma_semaphore, #tpu.memory_space<semaphore_mem>>) src(%dma_wait3A_1190 : memref<128x64xbf16, #tpu.memory_space<hbm>>) dst(%dma_wait3A_1187 : memref<128x64xbf16, #tpu.memory_space<vmem>>)
      %dma_start3A_1191 = arith.constant 4 : i32
      %dma_start3A_1192 = arith.constant 0 : i32
      %dma_start3A_1193 = arith.constant 0 : i32
      %dma_start3A_1194 = arith.constant 0 : i32
      %dma_start3A_1195 = tpu.memref_slice %arg8[%dma_start3A_1192, %dma_start3A_1193, %dma_start3A_1194] : memref<4x128x64xbf16, #tpu.memory_space<vmem>> -> memref<1x128x64xbf16, #tpu.memory_space<vmem>>
      %dma_start3A_1196 = tpu.memref_squeeze %dma_start3A_1195 : memref<1x128x64xbf16, #tpu.memory_space<vmem>> -> memref<128x64xbf16, #tpu.memory_space<vmem>>
      %dma_start3A_1197 = arith.constant 0 : i32
      %dma_start3A_1198 = tpu.memref_slice %arg6[%select_n3A_887, %dma_start3A_1191, %dma_start3A_1197] : memref<3x8x128xi32, #tpu.memory_space<vmem>> -> memref<1x1x128xi32, #tpu.memory_space<vmem>>
      %dma_start3A_1199 = tpu.memref_squeeze %dma_start3A_1198 : memref<1x1x128xi32, #tpu.memory_space<vmem>> -> memref<128xi32, #tpu.memory_space<vmem>>
      %dma_start3A_1200 = arith.constant 0 : i32
      %dma_start3A_1201 = arith.constant 0 : i32
      %dma_start3A_1202 = tpu.memref_slice %arg9[%dma_start3A_1200, %dma_start3A_1201] : memref<10112x64xbf16, #tpu.memory_space<vmem_shared>> -> memref<10112x64xbf16, #tpu.memory_space<vmem_shared>>
      tpu.enqueue_indirect_dma source(%dma_start3A_1202 : memref<10112x64xbf16, #tpu.memory_space<vmem_shared>>) target(%dma_start3A_1196 : memref<128x64xbf16, #tpu.memory_space<vmem>>) offsets(%dma_start3A_1199 : memref<128xi32, #tpu.memory_space<vmem>>) semaphore(%arg11 : memref<!tpu.dma_semaphore, #tpu.memory_space<semaphore_mem>>)
      %dma_wait3A_1203 = arith.constant 2 : i32
      %dma_wait3A_1204 = arith.constant 0 : i32
      %dma_wait3A_1205 = arith.constant 0 : i32
      %dma_wait3A_1206 = tpu.memref_slice %arg8[%dma_wait3A_1203, %dma_wait3A_1204, %dma_wait3A_1205] : memref<4x128x64xbf16, #tpu.memory_space<vmem>> -> memref<1x128x64xbf16, #tpu.memory_space<vmem>>
      %dma_wait3A_1207 = tpu.memref_squeeze %dma_wait3A_1206 : memref<1x128x64xbf16, #tpu.memory_space<vmem>> -> memref<128x64xbf16, #tpu.memory_space<vmem>>
      %dma_wait3A_1208 = arith.constant 0 : i32
      %dma_wait3A_1209 = arith.constant 0 : i32
      %dma_wait3A_1210 = tpu.memref_slice %arg2[%dma_wait3A_1208, %dma_wait3A_1209] : memref<10112x64xbf16, #tpu.memory_space<hbm>> -> memref<128x64xbf16, #tpu.memory_space<hbm>>
      %dma_wait3A_1211 = arith.constant 0 : i32
      %dma_wait3A_1212 = arith.constant 0 : i32
      %dma_wait3A_1213 = tpu.memref_slice %arg8[%dma_wait3A_1203, %dma_wait3A_1211, %dma_wait3A_1212] : memref<4x128x64xbf16, #tpu.memory_space<vmem>> -> memref<1x128x64xbf16, #tpu.memory_space<vmem>>
      %dma_wait3A_1214 = tpu.memref_squeeze %dma_wait3A_1213 : memref<1x128x64xbf16, #tpu.memory_space<vmem>> -> memref<128x64xbf16, #tpu.memory_space<vmem>>
      %dma_wait3A_1215 = arith.constant 0 : i32
      %dma_wait3A_1216 = arith.constant 0 : i32
      %dma_wait3A_1217 = tpu.memref_slice %arg2[%dma_wait3A_1215, %dma_wait3A_1216] : memref<10112x64xbf16, #tpu.memory_space<hbm>> -> memref<128x64xbf16, #tpu.memory_space<hbm>>
      tpu.wait_dma2 semaphore(%arg13 : memref<!tpu.dma_semaphore, #tpu.memory_space<semaphore_mem>>) src(%dma_wait3A_1217 : memref<128x64xbf16, #tpu.memory_space<hbm>>) dst(%dma_wait3A_1214 : memref<128x64xbf16, #tpu.memory_space<vmem>>)
      %dma_start3A_1218 = arith.constant 2 : i32
      %dma_start3A_1219 = arith.constant 2 : i32
      %dma_start3A_1220 = arith.constant 0 : i32
      %dma_start3A_1221 = arith.constant 0 : i32
      %dma_start3A_1222 = tpu.memref_slice %arg8[%dma_start3A_1218, %dma_start3A_1220, %dma_start3A_1221] : memref<4x128x64xbf16, #tpu.memory_space<vmem>> -> memref<1x128x64xbf16, #tpu.memory_space<vmem>>
      %dma_start3A_1223 = tpu.memref_squeeze %dma_start3A_1222 : memref<1x128x64xbf16, #tpu.memory_space<vmem>> -> memref<128x64xbf16, #tpu.memory_space<vmem>>
      %dma_start3A_1224 = arith.constant 0 : i32
      %dma_start3A_1225 = tpu.memref_slice %arg7[%select_n3A_887, %dma_start3A_1219, %dma_start3A_1224] : memref<3x8x128xi32, #tpu.memory_space<vmem>> -> memref<1x1x128xi32, #tpu.memory_space<vmem>>
      %dma_start3A_1226 = tpu.memref_squeeze %dma_start3A_1225 : memref<1x1x128xi32, #tpu.memory_space<vmem>> -> memref<128xi32, #tpu.memory_space<vmem>>
      %dma_start3A_1227 = arith.constant 0 : i32
      %dma_start3A_1228 = arith.constant 0 : i32
      %dma_start3A_1229 = tpu.memref_slice %arg10[%dma_start3A_1227, %dma_start3A_1228] : memref<10112x64xbf16, #tpu.memory_space<vmem_shared>> -> memref<10112x64xbf16, #tpu.memory_space<vmem_shared>>
      tpu.enqueue_indirect_dma source(%dma_start3A_1223 : memref<128x64xbf16, #tpu.memory_space<vmem>>) target(%dma_start3A_1229 : memref<10112x64xbf16, #tpu.memory_space<vmem_shared>>) offsets(%dma_start3A_1226 : memref<128xi32, #tpu.memory_space<vmem>>) semaphore(%arg17 : memref<!tpu.dma_semaphore, #tpu.memory_space<semaphore_mem>>) {add = true}
      %dma_wait3A_1230 = arith.constant 1 : i32
      %dma_wait3A_1231 = arith.constant 0 : i32
      %dma_wait3A_1232 = arith.constant 0 : i32
      %dma_wait3A_1233 = tpu.memref_slice %arg8[%dma_wait3A_1230, %dma_wait3A_1231, %dma_wait3A_1232] : memref<4x128x64xbf16, #tpu.memory_space<vmem>> -> memref<1x128x64xbf16, #tpu.memory_space<vmem>>
      %dma_wait3A_1234 = tpu.memref_squeeze %dma_wait3A_1233 : memref<1x128x64xbf16, #tpu.memory_space<vmem>> -> memref<128x64xbf16, #tpu.memory_space<vmem>>
      %dma_wait3A_1235 = arith.constant 0 : i32
      %dma_wait3A_1236 = arith.constant 0 : i32
      %dma_wait3A_1237 = tpu.memref_slice %arg2[%dma_wait3A_1235, %dma_wait3A_1236] : memref<10112x64xbf16, #tpu.memory_space<hbm>> -> memref<128x64xbf16, #tpu.memory_space<hbm>>
      %dma_wait3A_1238 = arith.constant 0 : i32
      %dma_wait3A_1239 = arith.constant 0 : i32
      %dma_wait3A_1240 = tpu.memref_slice %arg8[%dma_wait3A_1230, %dma_wait3A_1238, %dma_wait3A_1239] : memref<4x128x64xbf16, #tpu.memory_space<vmem>> -> memref<1x128x64xbf16, #tpu.memory_space<vmem>>
      %dma_wait3A_1241 = tpu.memref_squeeze %dma_wait3A_1240 : memref<1x128x64xbf16, #tpu.memory_space<vmem>> -> memref<128x64xbf16, #tpu.memory_space<vmem>>
      %dma_wait3A_1242 = arith.constant 0 : i32
      %dma_wait3A_1243 = arith.constant 0 : i32
      %dma_wait3A_1244 = tpu.memref_slice %arg2[%dma_wait3A_1242, %dma_wait3A_1243] : memref<10112x64xbf16, #tpu.memory_space<hbm>> -> memref<128x64xbf16, #tpu.memory_space<hbm>>
      tpu.wait_dma2 semaphore(%arg16 : memref<!tpu.dma_semaphore, #tpu.memory_space<semaphore_mem>>) src(%dma_wait3A_1244 : memref<128x64xbf16, #tpu.memory_space<hbm>>) dst(%dma_wait3A_1241 : memref<128x64xbf16, #tpu.memory_space<vmem>>)
      %dma_start3A_1245 = arith.constant 5 : i32
      %dma_start3A_1246 = arith.constant 1 : i32
      %dma_start3A_1247 = arith.constant 0 : i32
      %dma_start3A_1248 = arith.constant 0 : i32
      %dma_start3A_1249 = tpu.memref_slice %arg8[%dma_start3A_1246, %dma_start3A_1247, %dma_start3A_1248] : memref<4x128x64xbf16, #tpu.memory_space<vmem>> -> memref<1x128x64xbf16, #tpu.memory_space<vmem>>
      %dma_start3A_1250 = tpu.memref_squeeze %dma_start3A_1249 : memref<1x128x64xbf16, #tpu.memory_space<vmem>> -> memref<128x64xbf16, #tpu.memory_space<vmem>>
      %dma_start3A_1251 = arith.constant 0 : i32
      %dma_start3A_1252 = tpu.memref_slice %arg6[%select_n3A_887, %dma_start3A_1245, %dma_start3A_1251] : memref<3x8x128xi32, #tpu.memory_space<vmem>> -> memref<1x1x128xi32, #tpu.memory_space<vmem>>
      %dma_start3A_1253 = tpu.memref_squeeze %dma_start3A_1252 : memref<1x1x128xi32, #tpu.memory_space<vmem>> -> memref<128xi32, #tpu.memory_space<vmem>>
      %dma_start3A_1254 = arith.constant 0 : i32
      %dma_start3A_1255 = arith.constant 0 : i32
      %dma_start3A_1256 = tpu.memref_slice %arg9[%dma_start3A_1254, %dma_start3A_1255] : memref<10112x64xbf16, #tpu.memory_space<vmem_shared>> -> memref<10112x64xbf16, #tpu.memory_space<vmem_shared>>
      tpu.enqueue_indirect_dma source(%dma_start3A_1256 : memref<10112x64xbf16, #tpu.memory_space<vmem_shared>>) target(%dma_start3A_1250 : memref<128x64xbf16, #tpu.memory_space<vmem>>) offsets(%dma_start3A_1253 : memref<128xi32, #tpu.memory_space<vmem>>) semaphore(%arg12 : memref<!tpu.dma_semaphore, #tpu.memory_space<semaphore_mem>>)
      %dma_wait3A_1257 = arith.constant 3 : i32
      %dma_wait3A_1258 = arith.constant 0 : i32
      %dma_wait3A_1259 = arith.constant 0 : i32
      %dma_wait3A_1260 = tpu.memref_slice %arg8[%dma_wait3A_1257, %dma_wait3A_1258, %dma_wait3A_1259] : memref<4x128x64xbf16, #tpu.memory_space<vmem>> -> memref<1x128x64xbf16, #tpu.memory_space<vmem>>
      %dma_wait3A_1261 = tpu.memref_squeeze %dma_wait3A_1260 : memref<1x128x64xbf16, #tpu.memory_space<vmem>> -> memref<128x64xbf16, #tpu.memory_space<vmem>>
      %dma_wait3A_1262 = arith.constant 0 : i32
      %dma_wait3A_1263 = arith.constant 0 : i32
      %dma_wait3A_1264 = tpu.memref_slice %arg2[%dma_wait3A_1262, %dma_wait3A_1263] : memref<10112x64xbf16, #tpu.memory_space<hbm>> -> memref<128x64xbf16, #tpu.memory_space<hbm>>
      %dma_wait3A_1265 = arith.constant 0 : i32
      %dma_wait3A_1266 = arith.constant 0 : i32
      %dma_wait3A_1267 = tpu.memref_slice %arg8[%dma_wait3A_1257, %dma_wait3A_1265, %dma_wait3A_1266] : memref<4x128x64xbf16, #tpu.memory_space<vmem>> -> memref<1x128x64xbf16, #tpu.memory_space<vmem>>
      %dma_wait3A_1268 = tpu.memref_squeeze %dma_wait3A_1267 : memref<1x128x64xbf16, #tpu.memory_space<vmem>> -> memref<128x64xbf16, #tpu.memory_space<vmem>>
      %dma_wait3A_1269 = arith.constant 0 : i32
      %dma_wait3A_1270 = arith.constant 0 : i32
      %dma_wait3A_1271 = tpu.memref_slice %arg2[%dma_wait3A_1269, %dma_wait3A_1270] : memref<10112x64xbf16, #tpu.memory_space<hbm>> -> memref<128x64xbf16, #tpu.memory_space<hbm>>
      tpu.wait_dma2 semaphore(%arg14 : memref<!tpu.dma_semaphore, #tpu.memory_space<semaphore_mem>>) src(%dma_wait3A_1271 : memref<128x64xbf16, #tpu.memory_space<hbm>>) dst(%dma_wait3A_1268 : memref<128x64xbf16, #tpu.memory_space<vmem>>)
      %dma_start3A_1272 = arith.constant 3 : i32
      %dma_start3A_1273 = arith.constant 3 : i32
      %dma_start3A_1274 = arith.constant 0 : i32
      %dma_start3A_1275 = arith.constant 0 : i32
      %dma_start3A_1276 = tpu.memref_slice %arg8[%dma_start3A_1272, %dma_start3A_1274, %dma_start3A_1275] : memref<4x128x64xbf16, #tpu.memory_space<vmem>> -> memref<1x128x64xbf16, #tpu.memory_space<vmem>>
      %dma_start3A_1277 = tpu.memref_squeeze %dma_start3A_1276 : memref<1x128x64xbf16, #tpu.memory_space<vmem>> -> memref<128x64xbf16, #tpu.memory_space<vmem>>
      %dma_start3A_1278 = arith.constant 0 : i32
      %dma_start3A_1279 = tpu.memref_slice %arg7[%select_n3A_887, %dma_start3A_1273, %dma_start3A_1278] : memref<3x8x128xi32, #tpu.memory_space<vmem>> -> memref<1x1x128xi32, #tpu.memory_space<vmem>>
      %dma_start3A_1280 = tpu.memref_squeeze %dma_start3A_1279 : memref<1x1x128xi32, #tpu.memory_space<vmem>> -> memref<128xi32, #tpu.memory_space<vmem>>
      %dma_start3A_1281 = arith.constant 0 : i32
      %dma_start3A_1282 = arith.constant 0 : i32
      %dma_start3A_1283 = tpu.memref_slice %arg10[%dma_start3A_1281, %dma_start3A_1282] : memref<10112x64xbf16, #tpu.memory_space<vmem_shared>> -> memref<10112x64xbf16, #tpu.memory_space<vmem_shared>>
      tpu.enqueue_indirect_dma source(%dma_start3A_1277 : memref<128x64xbf16, #tpu.memory_space<vmem>>) target(%dma_start3A_1283 : memref<10112x64xbf16, #tpu.memory_space<vmem_shared>>) offsets(%dma_start3A_1280 : memref<128xi32, #tpu.memory_space<vmem>>) semaphore(%arg18 : memref<!tpu.dma_semaphore, #tpu.memory_space<semaphore_mem>>) {add = true}
      %dma_wait3A_1284 = arith.constant 2 : i32
      %dma_wait3A_1285 = arith.constant 0 : i32
      %dma_wait3A_1286 = arith.constant 0 : i32
      %dma_wait3A_1287 = tpu.memref_slice %arg8[%dma_wait3A_1284, %dma_wait3A_1285, %dma_wait3A_1286] : memref<4x128x64xbf16, #tpu.memory_space<vmem>> -> memref<1x128x64xbf16, #tpu.memory_space<vmem>>
      %dma_wait3A_1288 = tpu.memref_squeeze %dma_wait3A_1287 : memref<1x128x64xbf16, #tpu.memory_space<vmem>> -> memref<128x64xbf16, #tpu.memory_space<vmem>>
      %dma_wait3A_1289 = arith.constant 0 : i32
      %dma_wait3A_1290 = arith.constant 0 : i32
      %dma_wait3A_1291 = tpu.memref_slice %arg2[%dma_wait3A_1289, %dma_wait3A_1290] : memref<10112x64xbf16, #tpu.memory_space<hbm>> -> memref<128x64xbf16, #tpu.memory_space<hbm>>
      %dma_wait3A_1292 = arith.constant 0 : i32
      %dma_wait3A_1293 = arith.constant 0 : i32
      %dma_wait3A_1294 = tpu.memref_slice %arg8[%dma_wait3A_1284, %dma_wait3A_1292, %dma_wait3A_1293] : memref<4x128x64xbf16, #tpu.memory_space<vmem>> -> memref<1x128x64xbf16, #tpu.memory_space<vmem>>
      %dma_wait3A_1295 = tpu.memref_squeeze %dma_wait3A_1294 : memref<1x128x64xbf16, #tpu.memory_space<vmem>> -> memref<128x64xbf16, #tpu.memory_space<vmem>>
      %dma_wait3A_1296 = arith.constant 0 : i32
      %dma_wait3A_1297 = arith.constant 0 : i32
      %dma_wait3A_1298 = tpu.memref_slice %arg2[%dma_wait3A_1296, %dma_wait3A_1297] : memref<10112x64xbf16, #tpu.memory_space<hbm>> -> memref<128x64xbf16, #tpu.memory_space<hbm>>
      tpu.wait_dma2 semaphore(%arg17 : memref<!tpu.dma_semaphore, #tpu.memory_space<semaphore_mem>>) src(%dma_wait3A_1298 : memref<128x64xbf16, #tpu.memory_space<hbm>>) dst(%dma_wait3A_1295 : memref<128x64xbf16, #tpu.memory_space<vmem>>)
      %dma_start3A_1299 = arith.constant 6 : i32
      %dma_start3A_1300 = arith.constant 2 : i32
      %dma_start3A_1301 = arith.constant 0 : i32
      %dma_start3A_1302 = arith.constant 0 : i32
      %dma_start3A_1303 = tpu.memref_slice %arg8[%dma_start3A_1300, %dma_start3A_1301, %dma_start3A_1302] : memref<4x128x64xbf16, #tpu.memory_space<vmem>> -> memref<1x128x64xbf16, #tpu.memory_space<vmem>>
      %dma_start3A_1304 = tpu.memref_squeeze %dma_start3A_1303 : memref<1x128x64xbf16, #tpu.memory_space<vmem>> -> memref<128x64xbf16, #tpu.memory_space<vmem>>
      %dma_start3A_1305 = arith.constant 0 : i32
      %dma_start3A_1306 = tpu.memref_slice %arg6[%select_n3A_887, %dma_start3A_1299, %dma_start3A_1305] : memref<3x8x128xi32, #tpu.memory_space<vmem>> -> memref<1x1x128xi32, #tpu.memory_space<vmem>>
      %dma_start3A_1307 = tpu.memref_squeeze %dma_start3A_1306 : memref<1x1x128xi32, #tpu.memory_space<vmem>> -> memref<128xi32, #tpu.memory_space<vmem>>
      %dma_start3A_1308 = arith.constant 0 : i32
      %dma_start3A_1309 = arith.constant 0 : i32
      %dma_start3A_1310 = tpu.memref_slice %arg9[%dma_start3A_1308, %dma_start3A_1309] : memref<10112x64xbf16, #tpu.memory_space<vmem_shared>> -> memref<10112x64xbf16, #tpu.memory_space<vmem_shared>>
      tpu.enqueue_indirect_dma source(%dma_start3A_1310 : memref<10112x64xbf16, #tpu.memory_space<vmem_shared>>) target(%dma_start3A_1304 : memref<128x64xbf16, #tpu.memory_space<vmem>>) offsets(%dma_start3A_1307 : memref<128xi32, #tpu.memory_space<vmem>>) semaphore(%arg13 : memref<!tpu.dma_semaphore, #tpu.memory_space<semaphore_mem>>)
      %dma_wait3A_1311 = arith.constant 0 : i32
      %dma_wait3A_1312 = arith.constant 0 : i32
      %dma_wait3A_1313 = arith.constant 0 : i32
      %dma_wait3A_1314 = tpu.memref_slice %arg8[%dma_wait3A_1311, %dma_wait3A_1312, %dma_wait3A_1313] : memref<4x128x64xbf16, #tpu.memory_space<vmem>> -> memref<1x128x64xbf16, #tpu.memory_space<vmem>>
      %dma_wait3A_1315 = tpu.memref_squeeze %dma_wait3A_1314 : memref<1x128x64xbf16, #tpu.memory_space<vmem>> -> memref<128x64xbf16, #tpu.memory_space<vmem>>
      %dma_wait3A_1316 = arith.constant 0 : i32
      %dma_wait3A_1317 = arith.constant 0 : i32
      %dma_wait3A_1318 = tpu.memref_slice %arg2[%dma_wait3A_1316, %dma_wait3A_1317] : memref<10112x64xbf16, #tpu.memory_space<hbm>> -> memref<128x64xbf16, #tpu.memory_space<hbm>>
      %dma_wait3A_1319 = arith.constant 0 : i32
      %dma_wait3A_1320 = arith.constant 0 : i32
      %dma_wait3A_1321 = tpu.memref_slice %arg8[%dma_wait3A_1311, %dma_wait3A_1319, %dma_wait3A_1320] : memref<4x128x64xbf16, #tpu.memory_space<vmem>> -> memref<1x128x64xbf16, #tpu.memory_space<vmem>>
      %dma_wait3A_1322 = tpu.memref_squeeze %dma_wait3A_1321 : memref<1x128x64xbf16, #tpu.memory_space<vmem>> -> memref<128x64xbf16, #tpu.memory_space<vmem>>
      %dma_wait3A_1323 = arith.constant 0 : i32
      %dma_wait3A_1324 = arith.constant 0 : i32
      %dma_wait3A_1325 = tpu.memref_slice %arg2[%dma_wait3A_1323, %dma_wait3A_1324] : memref<10112x64xbf16, #tpu.memory_space<hbm>> -> memref<128x64xbf16, #tpu.memory_space<hbm>>
      tpu.wait_dma2 semaphore(%arg11 : memref<!tpu.dma_semaphore, #tpu.memory_space<semaphore_mem>>) src(%dma_wait3A_1325 : memref<128x64xbf16, #tpu.memory_space<hbm>>) dst(%dma_wait3A_1322 : memref<128x64xbf16, #tpu.memory_space<vmem>>)
      %dma_start3A_1326 = arith.constant 0 : i32
      %dma_start3A_1327 = arith.constant 4 : i32
      %dma_start3A_1328 = arith.constant 0 : i32
      %dma_start3A_1329 = arith.constant 0 : i32
      %dma_start3A_1330 = tpu.memref_slice %arg8[%dma_start3A_1326, %dma_start3A_1328, %dma_start3A_1329] : memref<4x128x64xbf16, #tpu.memory_space<vmem>> -> memref<1x128x64xbf16, #tpu.memory_space<vmem>>
      %dma_start3A_1331 = tpu.memref_squeeze %dma_start3A_1330 : memref<1x128x64xbf16, #tpu.memory_space<vmem>> -> memref<128x64xbf16, #tpu.memory_space<vmem>>
      %dma_start3A_1332 = arith.constant 0 : i32
      %dma_start3A_1333 = tpu.memref_slice %arg7[%select_n3A_887, %dma_start3A_1327, %dma_start3A_1332] : memref<3x8x128xi32, #tpu.memory_space<vmem>> -> memref<1x1x128xi32, #tpu.memory_space<vmem>>
      %dma_start3A_1334 = tpu.memref_squeeze %dma_start3A_1333 : memref<1x1x128xi32, #tpu.memory_space<vmem>> -> memref<128xi32, #tpu.memory_space<vmem>>
      %dma_start3A_1335 = arith.constant 0 : i32
      %dma_start3A_1336 = arith.constant 0 : i32
      %dma_start3A_1337 = tpu.memref_slice %arg10[%dma_start3A_1335, %dma_start3A_1336] : memref<10112x64xbf16, #tpu.memory_space<vmem_shared>> -> memref<10112x64xbf16, #tpu.memory_space<vmem_shared>>
      tpu.enqueue_indirect_dma source(%dma_start3A_1331 : memref<128x64xbf16, #tpu.memory_space<vmem>>) target(%dma_start3A_1337 : memref<10112x64xbf16, #tpu.memory_space<vmem_shared>>) offsets(%dma_start3A_1334 : memref<128xi32, #tpu.memory_space<vmem>>) semaphore(%arg15 : memref<!tpu.dma_semaphore, #tpu.memory_space<semaphore_mem>>) {add = true}
      %dma_wait3A_1338 = arith.constant 3 : i32
      %dma_wait3A_1339 = arith.constant 0 : i32
      %dma_wait3A_1340 = arith.constant 0 : i32
      %dma_wait3A_1341 = tpu.memref_slice %arg8[%dma_wait3A_1338, %dma_wait3A_1339, %dma_wait3A_1340] : memref<4x128x64xbf16, #tpu.memory_space<vmem>> -> memref<1x128x64xbf16, #tpu.memory_space<vmem>>
      %dma_wait3A_1342 = tpu.memref_squeeze %dma_wait3A_1341 : memref<1x128x64xbf16, #tpu.memory_space<vmem>> -> memref<128x64xbf16, #tpu.memory_space<vmem>>
      %dma_wait3A_1343 = arith.constant 0 : i32
      %dma_wait3A_1344 = arith.constant 0 : i32
      %dma_wait3A_1345 = tpu.memref_slice %arg2[%dma_wait3A_1343, %dma_wait3A_1344] : memref<10112x64xbf16, #tpu.memory_space<hbm>> -> memref<128x64xbf16, #tpu.memory_space<hbm>>
      %dma_wait3A_1346 = arith.constant 0 : i32
      %dma_wait3A_1347 = arith.constant 0 : i32
      %dma_wait3A_1348 = tpu.memref_slice %arg8[%dma_wait3A_1338, %dma_wait3A_1346, %dma_wait3A_1347] : memref<4x128x64xbf16, #tpu.memory_space<vmem>> -> memref<1x128x64xbf16, #tpu.memory_space<vmem>>
      %dma_wait3A_1349 = tpu.memref_squeeze %dma_wait3A_1348 : memref<1x128x64xbf16, #tpu.memory_space<vmem>> -> memref<128x64xbf16, #tpu.memory_space<vmem>>
      %dma_wait3A_1350 = arith.constant 0 : i32
      %dma_wait3A_1351 = arith.constant 0 : i32
      %dma_wait3A_1352 = tpu.memref_slice %arg2[%dma_wait3A_1350, %dma_wait3A_1351] : memref<10112x64xbf16, #tpu.memory_space<hbm>> -> memref<128x64xbf16, #tpu.memory_space<hbm>>
      tpu.wait_dma2 semaphore(%arg18 : memref<!tpu.dma_semaphore, #tpu.memory_space<semaphore_mem>>) src(%dma_wait3A_1352 : memref<128x64xbf16, #tpu.memory_space<hbm>>) dst(%dma_wait3A_1349 : memref<128x64xbf16, #tpu.memory_space<vmem>>)
      %dma_start3A_1353 = arith.constant 7 : i32
      %dma_start3A_1354 = arith.constant 3 : i32
      %dma_start3A_1355 = arith.constant 0 : i32
      %dma_start3A_1356 = arith.constant 0 : i32
      %dma_start3A_1357 = tpu.memref_slice %arg8[%dma_start3A_1354, %dma_start3A_1355, %dma_start3A_1356] : memref<4x128x64xbf16, #tpu.memory_space<vmem>> -> memref<1x128x64xbf16, #tpu.memory_space<vmem>>
      %dma_start3A_1358 = tpu.memref_squeeze %dma_start3A_1357 : memref<1x128x64xbf16, #tpu.memory_space<vmem>> -> memref<128x64xbf16, #tpu.memory_space<vmem>>
      %dma_start3A_1359 = arith.constant 0 : i32
      %dma_start3A_1360 = tpu.memref_slice %arg6[%select_n3A_887, %dma_start3A_1353, %dma_start3A_1359] : memref<3x8x128xi32, #tpu.memory_space<vmem>> -> memref<1x1x128xi32, #tpu.memory_space<vmem>>
      %dma_start3A_1361 = tpu.memref_squeeze %dma_start3A_1360 : memref<1x1x128xi32, #tpu.memory_space<vmem>> -> memref<128xi32, #tpu.memory_space<vmem>>
      %dma_start3A_1362 = arith.constant 0 : i32
      %dma_start3A_1363 = arith.constant 0 : i32
      %dma_start3A_1364 = tpu.memref_slice %arg9[%dma_start3A_1362, %dma_start3A_1363] : memref<10112x64xbf16, #tpu.memory_space<vmem_shared>> -> memref<10112x64xbf16, #tpu.memory_space<vmem_shared>>
      tpu.enqueue_indirect_dma source(%dma_start3A_1364 : memref<10112x64xbf16, #tpu.memory_space<vmem_shared>>) target(%dma_start3A_1358 : memref<128x64xbf16, #tpu.memory_space<vmem>>) offsets(%dma_start3A_1361 : memref<128xi32, #tpu.memory_space<vmem>>) semaphore(%arg14 : memref<!tpu.dma_semaphore, #tpu.memory_space<semaphore_mem>>)
      %dma_wait3A_1365 = arith.constant 1 : i32
      %dma_wait3A_1366 = arith.constant 0 : i32
      %dma_wait3A_1367 = arith.constant 0 : i32
      %dma_wait3A_1368 = tpu.memref_slice %arg8[%dma_wait3A_1365, %dma_wait3A_1366, %dma_wait3A_1367] : memref<4x128x64xbf16, #tpu.memory_space<vmem>> -> memref<1x128x64xbf16, #tpu.memory_space<vmem>>
      %dma_wait3A_1369 = tpu.memref_squeeze %dma_wait3A_1368 : memref<1x128x64xbf16, #tpu.memory_space<vmem>> -> memref<128x64xbf16, #tpu.memory_space<vmem>>
      %dma_wait3A_1370 = arith.constant 0 : i32
      %dma_wait3A_1371 = arith.constant 0 : i32
      %dma_wait3A_1372 = tpu.memref_slice %arg2[%dma_wait3A_1370, %dma_wait3A_1371] : memref<10112x64xbf16, #tpu.memory_space<hbm>> -> memref<128x64xbf16, #tpu.memory_space<hbm>>
      %dma_wait3A_1373 = arith.constant 0 : i32
      %dma_wait3A_1374 = arith.constant 0 : i32
      %dma_wait3A_1375 = tpu.memref_slice %arg8[%dma_wait3A_1365, %dma_wait3A_1373, %dma_wait3A_1374] : memref<4x128x64xbf16, #tpu.memory_space<vmem>> -> memref<1x128x64xbf16, #tpu.memory_space<vmem>>
      %dma_wait3A_1376 = tpu.memref_squeeze %dma_wait3A_1375 : memref<1x128x64xbf16, #tpu.memory_space<vmem>> -> memref<128x64xbf16, #tpu.memory_space<vmem>>
      %dma_wait3A_1377 = arith.constant 0 : i32
      %dma_wait3A_1378 = arith.constant 0 : i32
      %dma_wait3A_1379 = tpu.memref_slice %arg2[%dma_wait3A_1377, %dma_wait3A_1378] : memref<10112x64xbf16, #tpu.memory_space<hbm>> -> memref<128x64xbf16, #tpu.memory_space<hbm>>
      tpu.wait_dma2 semaphore(%arg12 : memref<!tpu.dma_semaphore, #tpu.memory_space<semaphore_mem>>) src(%dma_wait3A_1379 : memref<128x64xbf16, #tpu.memory_space<hbm>>) dst(%dma_wait3A_1376 : memref<128x64xbf16, #tpu.memory_space<vmem>>)
      %dma_start3A_1380 = arith.constant 1 : i32
      %dma_start3A_1381 = arith.constant 5 : i32
      %dma_start3A_1382 = arith.constant 0 : i32
      %dma_start3A_1383 = arith.constant 0 : i32
      %dma_start3A_1384 = tpu.memref_slice %arg8[%dma_start3A_1380, %dma_start3A_1382, %dma_start3A_1383] : memref<4x128x64xbf16, #tpu.memory_space<vmem>> -> memref<1x128x64xbf16, #tpu.memory_space<vmem>>
      %dma_start3A_1385 = tpu.memref_squeeze %dma_start3A_1384 : memref<1x128x64xbf16, #tpu.memory_space<vmem>> -> memref<128x64xbf16, #tpu.memory_space<vmem>>
      %dma_start3A_1386 = arith.constant 0 : i32
      %dma_start3A_1387 = tpu.memref_slice %arg7[%select_n3A_887, %dma_start3A_1381, %dma_start3A_1386] : memref<3x8x128xi32, #tpu.memory_space<vmem>> -> memref<1x1x128xi32, #tpu.memory_space<vmem>>
      %dma_start3A_1388 = tpu.memref_squeeze %dma_start3A_1387 : memref<1x1x128xi32, #tpu.memory_space<vmem>> -> memref<128xi32, #tpu.memory_space<vmem>>
      %dma_start3A_1389 = arith.constant 0 : i32
      %dma_start3A_1390 = arith.constant 0 : i32
      %dma_start3A_1391 = tpu.memref_slice %arg10[%dma_start3A_1389, %dma_start3A_1390] : memref<10112x64xbf16, #tpu.memory_space<vmem_shared>> -> memref<10112x64xbf16, #tpu.memory_space<vmem_shared>>
      tpu.enqueue_indirect_dma source(%dma_start3A_1385 : memref<128x64xbf16, #tpu.memory_space<vmem>>) target(%dma_start3A_1391 : memref<10112x64xbf16, #tpu.memory_space<vmem_shared>>) offsets(%dma_start3A_1388 : memref<128xi32, #tpu.memory_space<vmem>>) semaphore(%arg16 : memref<!tpu.dma_semaphore, #tpu.memory_space<semaphore_mem>>) {add = true}
      %scan3A_1392 = arith.constant 0 : i32
      scf.yield %scan3A_1392 : i32
    }
    %scan3A_699 = arith.constant 9 : i32
    %dma_wait3A_700 = arith.constant 2 : i32
    %dma_wait3A_701 = arith.constant 0 : i32
    %dma_wait3A_702 = arith.constant 0 : i32
    %dma_wait3A_703 = tpu.memref_slice %arg8[%dma_wait3A_700, %dma_wait3A_701, %dma_wait3A_702] : memref<4x128x64xbf16, #tpu.memory_space<vmem>> -> memref<1x128x64xbf16, #tpu.memory_space<vmem>>
    %dma_wait3A_704 = tpu.memref_squeeze %dma_wait3A_703 : memref<1x128x64xbf16, #tpu.memory_space<vmem>> -> memref<128x64xbf16, #tpu.memory_space<vmem>>
    %dma_wait3A_705 = arith.constant 0 : i32
    %dma_wait3A_706 = arith.constant 0 : i32
    %dma_wait3A_707 = tpu.memref_slice %arg2[%dma_wait3A_705, %dma_wait3A_706] : memref<10112x64xbf16, #tpu.memory_space<hbm>> -> memref<128x64xbf16, #tpu.memory_space<hbm>>
    %dma_wait3A_708 = arith.constant 0 : i32
    %dma_wait3A_709 = arith.constant 0 : i32
    %dma_wait3A_710 = tpu.memref_slice %arg8[%dma_wait3A_700, %dma_wait3A_708, %dma_wait3A_709] : memref<4x128x64xbf16, #tpu.memory_space<vmem>> -> memref<1x128x64xbf16, #tpu.memory_space<vmem>>
    %dma_wait3A_711 = tpu.memref_squeeze %dma_wait3A_710 : memref<1x128x64xbf16, #tpu.memory_space<vmem>> -> memref<128x64xbf16, #tpu.memory_space<vmem>>
    %dma_wait3A_712 = arith.constant 0 : i32
    %dma_wait3A_713 = arith.constant 0 : i32
    %dma_wait3A_714 = tpu.memref_slice %arg2[%dma_wait3A_712, %dma_wait3A_713] : memref<10112x64xbf16, #tpu.memory_space<hbm>> -> memref<128x64xbf16, #tpu.memory_space<hbm>>
    tpu.wait_dma2 semaphore(%arg13 : memref<!tpu.dma_semaphore, #tpu.memory_space<semaphore_mem>>) src(%dma_wait3A_714 : memref<128x64xbf16, #tpu.memory_space<hbm>>) dst(%dma_wait3A_711 : memref<128x64xbf16, #tpu.memory_space<vmem>>)
    %dma_start3A_715 = arith.constant 2 : i32
    %dma_start3A_716 = arith.constant 0 : i32
    %dma_start3A_717 = arith.constant 6 : i32
    %dma_start3A_718 = arith.constant 0 : i32
    %dma_start3A_719 = arith.constant 0 : i32
    %dma_start3A_720 = tpu.memref_slice %arg8[%dma_start3A_715, %dma_start3A_718, %dma_start3A_719] : memref<4x128x64xbf16, #tpu.memory_space<vmem>> -> memref<1x128x64xbf16, #tpu.memory_space<vmem>>
    %dma_start3A_721 = tpu.memref_squeeze %dma_start3A_720 : memref<1x128x64xbf16, #tpu.memory_space<vmem>> -> memref<128x64xbf16, #tpu.memory_space<vmem>>
    %dma_start3A_722 = arith.constant 0 : i32
    %dma_start3A_723 = tpu.memref_slice %arg7[%dma_start3A_716, %dma_start3A_717, %dma_start3A_722] : memref<3x8x128xi32, #tpu.memory_space<vmem>> -> memref<1x1x128xi32, #tpu.memory_space<vmem>>
    %dma_start3A_724 = tpu.memref_squeeze %dma_start3A_723 : memref<1x1x128xi32, #tpu.memory_space<vmem>> -> memref<128xi32, #tpu.memory_space<vmem>>
    %dma_start3A_725 = arith.constant 0 : i32
    %dma_start3A_726 = arith.constant 0 : i32
    %dma_start3A_727 = tpu.memref_slice %arg10[%dma_start3A_725, %dma_start3A_726] : memref<10112x64xbf16, #tpu.memory_space<vmem_shared>> -> memref<10112x64xbf16, #tpu.memory_space<vmem_shared>>
    tpu.enqueue_indirect_dma source(%dma_start3A_721 : memref<128x64xbf16, #tpu.memory_space<vmem>>) target(%dma_start3A_727 : memref<10112x64xbf16, #tpu.memory_space<vmem_shared>>) offsets(%dma_start3A_724 : memref<128xi32, #tpu.memory_space<vmem>>) semaphore(%arg17 : memref<!tpu.dma_semaphore, #tpu.memory_space<semaphore_mem>>) {add = true}
    %dma_wait3A_728 = arith.constant 3 : i32
    %dma_wait3A_729 = arith.constant 0 : i32
    %dma_wait3A_730 = arith.constant 0 : i32
    %dma_wait3A_731 = tpu.memref_slice %arg8[%dma_wait3A_728, %dma_wait3A_729, %dma_wait3A_730] : memref<4x128x64xbf16, #tpu.memory_space<vmem>> -> memref<1x128x64xbf16, #tpu.memory_space<vmem>>
    %dma_wait3A_732 = tpu.memref_squeeze %dma_wait3A_731 : memref<1x128x64xbf16, #tpu.memory_space<vmem>> -> memref<128x64xbf16, #tpu.memory_space<vmem>>
    %dma_wait3A_733 = arith.constant 0 : i32
    %dma_wait3A_734 = arith.constant 0 : i32
    %dma_wait3A_735 = tpu.memref_slice %arg2[%dma_wait3A_733, %dma_wait3A_734] : memref<10112x64xbf16, #tpu.memory_space<hbm>> -> memref<128x64xbf16, #tpu.memory_space<hbm>>
    %dma_wait3A_736 = arith.constant 0 : i32
    %dma_wait3A_737 = arith.constant 0 : i32
    %dma_wait3A_738 = tpu.memref_slice %arg8[%dma_wait3A_728, %dma_wait3A_736, %dma_wait3A_737] : memref<4x128x64xbf16, #tpu.memory_space<vmem>> -> memref<1x128x64xbf16, #tpu.memory_space<vmem>>
    %dma_wait3A_739 = tpu.memref_squeeze %dma_wait3A_738 : memref<1x128x64xbf16, #tpu.memory_space<vmem>> -> memref<128x64xbf16, #tpu.memory_space<vmem>>
    %dma_wait3A_740 = arith.constant 0 : i32
    %dma_wait3A_741 = arith.constant 0 : i32
    %dma_wait3A_742 = tpu.memref_slice %arg2[%dma_wait3A_740, %dma_wait3A_741] : memref<10112x64xbf16, #tpu.memory_space<hbm>> -> memref<128x64xbf16, #tpu.memory_space<hbm>>
    tpu.wait_dma2 semaphore(%arg14 : memref<!tpu.dma_semaphore, #tpu.memory_space<semaphore_mem>>) src(%dma_wait3A_742 : memref<128x64xbf16, #tpu.memory_space<hbm>>) dst(%dma_wait3A_739 : memref<128x64xbf16, #tpu.memory_space<vmem>>)
    %dma_start3A_743 = arith.constant 3 : i32
    %dma_start3A_744 = arith.constant 0 : i32
    %dma_start3A_745 = arith.constant 7 : i32
    %dma_start3A_746 = arith.constant 0 : i32
    %dma_start3A_747 = arith.constant 0 : i32
    %dma_start3A_748 = tpu.memref_slice %arg8[%dma_start3A_743, %dma_start3A_746, %dma_start3A_747] : memref<4x128x64xbf16, #tpu.memory_space<vmem>> -> memref<1x128x64xbf16, #tpu.memory_space<vmem>>
    %dma_start3A_749 = tpu.memref_squeeze %dma_start3A_748 : memref<1x128x64xbf16, #tpu.memory_space<vmem>> -> memref<128x64xbf16, #tpu.memory_space<vmem>>
    %dma_start3A_750 = arith.constant 0 : i32
    %dma_start3A_751 = tpu.memref_slice %arg7[%dma_start3A_744, %dma_start3A_745, %dma_start3A_750] : memref<3x8x128xi32, #tpu.memory_space<vmem>> -> memref<1x1x128xi32, #tpu.memory_space<vmem>>
    %dma_start3A_752 = tpu.memref_squeeze %dma_start3A_751 : memref<1x1x128xi32, #tpu.memory_space<vmem>> -> memref<128xi32, #tpu.memory_space<vmem>>
    %dma_start3A_753 = arith.constant 0 : i32
    %dma_start3A_754 = arith.constant 0 : i32
    %dma_start3A_755 = tpu.memref_slice %arg10[%dma_start3A_753, %dma_start3A_754] : memref<10112x64xbf16, #tpu.memory_space<vmem_shared>> -> memref<10112x64xbf16, #tpu.memory_space<vmem_shared>>
    tpu.enqueue_indirect_dma source(%dma_start3A_749 : memref<128x64xbf16, #tpu.memory_space<vmem>>) target(%dma_start3A_755 : memref<10112x64xbf16, #tpu.memory_space<vmem_shared>>) offsets(%dma_start3A_752 : memref<128xi32, #tpu.memory_space<vmem>>) semaphore(%arg18 : memref<!tpu.dma_semaphore, #tpu.memory_space<semaphore_mem>>) {add = true}
    %dma_wait3A_756 = arith.constant 0 : i32
    %dma_wait3A_757 = arith.constant 0 : i32
    %dma_wait3A_758 = arith.constant 0 : i32
    %dma_wait3A_759 = tpu.memref_slice %arg8[%dma_wait3A_756, %dma_wait3A_757, %dma_wait3A_758] : memref<4x128x64xbf16, #tpu.memory_space<vmem>> -> memref<1x128x64xbf16, #tpu.memory_space<vmem>>
    %dma_wait3A_760 = tpu.memref_squeeze %dma_wait3A_759 : memref<1x128x64xbf16, #tpu.memory_space<vmem>> -> memref<128x64xbf16, #tpu.memory_space<vmem>>
    %dma_wait3A_761 = arith.constant 0 : i32
    %dma_wait3A_762 = arith.constant 0 : i32
    %dma_wait3A_763 = tpu.memref_slice %arg2[%dma_wait3A_761, %dma_wait3A_762] : memref<10112x64xbf16, #tpu.memory_space<hbm>> -> memref<128x64xbf16, #tpu.memory_space<hbm>>
    %dma_wait3A_764 = arith.constant 0 : i32
    %dma_wait3A_765 = arith.constant 0 : i32
    %dma_wait3A_766 = tpu.memref_slice %arg8[%dma_wait3A_756, %dma_wait3A_764, %dma_wait3A_765] : memref<4x128x64xbf16, #tpu.memory_space<vmem>> -> memref<1x128x64xbf16, #tpu.memory_space<vmem>>
    %dma_wait3A_767 = tpu.memref_squeeze %dma_wait3A_766 : memref<1x128x64xbf16, #tpu.memory_space<vmem>> -> memref<128x64xbf16, #tpu.memory_space<vmem>>
    %dma_wait3A_768 = arith.constant 0 : i32
    %dma_wait3A_769 = arith.constant 0 : i32
    %dma_wait3A_770 = tpu.memref_slice %arg2[%dma_wait3A_768, %dma_wait3A_769] : memref<10112x64xbf16, #tpu.memory_space<hbm>> -> memref<128x64xbf16, #tpu.memory_space<hbm>>
    tpu.wait_dma2 semaphore(%arg15 : memref<!tpu.dma_semaphore, #tpu.memory_space<semaphore_mem>>) src(%dma_wait3A_770 : memref<128x64xbf16, #tpu.memory_space<hbm>>) dst(%dma_wait3A_767 : memref<128x64xbf16, #tpu.memory_space<vmem>>)
    %dma_wait3A_771 = arith.constant 1 : i32
    %dma_wait3A_772 = arith.constant 0 : i32
    %dma_wait3A_773 = arith.constant 0 : i32
    %dma_wait3A_774 = tpu.memref_slice %arg8[%dma_wait3A_771, %dma_wait3A_772, %dma_wait3A_773] : memref<4x128x64xbf16, #tpu.memory_space<vmem>> -> memref<1x128x64xbf16, #tpu.memory_space<vmem>>
    %dma_wait3A_775 = tpu.memref_squeeze %dma_wait3A_774 : memref<1x128x64xbf16, #tpu.memory_space<vmem>> -> memref<128x64xbf16, #tpu.memory_space<vmem>>
    %dma_wait3A_776 = arith.constant 0 : i32
    %dma_wait3A_777 = arith.constant 0 : i32
    %dma_wait3A_778 = tpu.memref_slice %arg2[%dma_wait3A_776, %dma_wait3A_777] : memref<10112x64xbf16, #tpu.memory_space<hbm>> -> memref<128x64xbf16, #tpu.memory_space<hbm>>
    %dma_wait3A_779 = arith.constant 0 : i32
    %dma_wait3A_780 = arith.constant 0 : i32
    %dma_wait3A_781 = tpu.memref_slice %arg8[%dma_wait3A_771, %dma_wait3A_779, %dma_wait3A_780] : memref<4x128x64xbf16, #tpu.memory_space<vmem>> -> memref<1x128x64xbf16, #tpu.memory_space<vmem>>
    %dma_wait3A_782 = tpu.memref_squeeze %dma_wait3A_781 : memref<1x128x64xbf16, #tpu.memory_space<vmem>> -> memref<128x64xbf16, #tpu.memory_space<vmem>>
    %dma_wait3A_783 = arith.constant 0 : i32
    %dma_wait3A_784 = arith.constant 0 : i32
    %dma_wait3A_785 = tpu.memref_slice %arg2[%dma_wait3A_783, %dma_wait3A_784] : memref<10112x64xbf16, #tpu.memory_space<hbm>> -> memref<128x64xbf16, #tpu.memory_space<hbm>>
    tpu.wait_dma2 semaphore(%arg16 : memref<!tpu.dma_semaphore, #tpu.memory_space<semaphore_mem>>) src(%dma_wait3A_785 : memref<128x64xbf16, #tpu.memory_space<hbm>>) dst(%dma_wait3A_782 : memref<128x64xbf16, #tpu.memory_space<vmem>>)
    %dma_wait3A_786 = arith.constant 2 : i32
    %dma_wait3A_787 = arith.constant 0 : i32
    %dma_wait3A_788 = arith.constant 0 : i32
    %dma_wait3A_789 = tpu.memref_slice %arg8[%dma_wait3A_786, %dma_wait3A_787, %dma_wait3A_788] : memref<4x128x64xbf16, #tpu.memory_space<vmem>> -> memref<1x128x64xbf16, #tpu.memory_space<vmem>>
    %dma_wait3A_790 = tpu.memref_squeeze %dma_wait3A_789 : memref<1x128x64xbf16, #tpu.memory_space<vmem>> -> memref<128x64xbf16, #tpu.memory_space<vmem>>
    %dma_wait3A_791 = arith.constant 0 : i32
    %dma_wait3A_792 = arith.constant 0 : i32
    %dma_wait3A_793 = tpu.memref_slice %arg2[%dma_wait3A_791, %dma_wait3A_792] : memref<10112x64xbf16, #tpu.memory_space<hbm>> -> memref<128x64xbf16, #tpu.memory_space<hbm>>
    %dma_wait3A_794 = arith.constant 0 : i32
    %dma_wait3A_795 = arith.constant 0 : i32
    %dma_wait3A_796 = tpu.memref_slice %arg8[%dma_wait3A_786, %dma_wait3A_794, %dma_wait3A_795] : memref<4x128x64xbf16, #tpu.memory_space<vmem>> -> memref<1x128x64xbf16, #tpu.memory_space<vmem>>
    %dma_wait3A_797 = tpu.memref_squeeze %dma_wait3A_796 : memref<1x128x64xbf16, #tpu.memory_space<vmem>> -> memref<128x64xbf16, #tpu.memory_space<vmem>>
    %dma_wait3A_798 = arith.constant 0 : i32
    %dma_wait3A_799 = arith.constant 0 : i32
    %dma_wait3A_800 = tpu.memref_slice %arg2[%dma_wait3A_798, %dma_wait3A_799] : memref<10112x64xbf16, #tpu.memory_space<hbm>> -> memref<128x64xbf16, #tpu.memory_space<hbm>>
    tpu.wait_dma2 semaphore(%arg17 : memref<!tpu.dma_semaphore, #tpu.memory_space<semaphore_mem>>) src(%dma_wait3A_800 : memref<128x64xbf16, #tpu.memory_space<hbm>>) dst(%dma_wait3A_797 : memref<128x64xbf16, #tpu.memory_space<vmem>>)
    %dma_wait3A_801 = arith.constant 3 : i32
    %dma_wait3A_802 = arith.constant 0 : i32
    %dma_wait3A_803 = arith.constant 0 : i32
    %dma_wait3A_804 = tpu.memref_slice %arg8[%dma_wait3A_801, %dma_wait3A_802, %dma_wait3A_803] : memref<4x128x64xbf16, #tpu.memory_space<vmem>> -> memref<1x128x64xbf16, #tpu.memory_space<vmem>>
    %dma_wait3A_805 = tpu.memref_squeeze %dma_wait3A_804 : memref<1x128x64xbf16, #tpu.memory_space<vmem>> -> memref<128x64xbf16, #tpu.memory_space<vmem>>
    %dma_wait3A_806 = arith.constant 0 : i32
    %dma_wait3A_807 = arith.constant 0 : i32
    %dma_wait3A_808 = tpu.memref_slice %arg2[%dma_wait3A_806, %dma_wait3A_807] : memref<10112x64xbf16, #tpu.memory_space<hbm>> -> memref<128x64xbf16, #tpu.memory_space<hbm>>
    %dma_wait3A_809 = arith.constant 0 : i32
    %dma_wait3A_810 = arith.constant 0 : i32
    %dma_wait3A_811 = tpu.memref_slice %arg8[%dma_wait3A_801, %dma_wait3A_809, %dma_wait3A_810] : memref<4x128x64xbf16, #tpu.memory_space<vmem>> -> memref<1x128x64xbf16, #tpu.memory_space<vmem>>
    %dma_wait3A_812 = tpu.memref_squeeze %dma_wait3A_811 : memref<1x128x64xbf16, #tpu.memory_space<vmem>> -> memref<128x64xbf16, #tpu.memory_space<vmem>>
    %dma_wait3A_813 = arith.constant 0 : i32
    %dma_wait3A_814 = arith.constant 0 : i32
    %dma_wait3A_815 = tpu.memref_slice %arg2[%dma_wait3A_813, %dma_wait3A_814] : memref<10112x64xbf16, #tpu.memory_space<hbm>> -> memref<128x64xbf16, #tpu.memory_space<hbm>>
    tpu.wait_dma2 semaphore(%arg18 : memref<!tpu.dma_semaphore, #tpu.memory_space<semaphore_mem>>) src(%dma_wait3A_815 : memref<128x64xbf16, #tpu.memory_space<hbm>>) dst(%dma_wait3A_812 : memref<128x64xbf16, #tpu.memory_space<vmem>>)
    %barrier3A_816 = arith.constant 0 : index
    tpu.barrier barrier_id(%barrier3A_816)
    %add3A_817 = arith.constant 0 : i32
    %add3A_818 = arith.addi %mul3A_2, %add3A_817 : i32
    %dma_start3A_819 = arith.constant 0 : i32
    %dma_start3A_820 = tpu.memref_slice %arg5[%arg0, %add3A_818, %dma_start3A_819] : memref<2x10112x64xbf16, #tpu.memory_space<hbm>> -> memref<1x128x64xbf16, #tpu.memory_space<hbm>>
    %dma_start3A_821 = tpu.memref_squeeze %dma_start3A_820 : memref<1x128x64xbf16, #tpu.memory_space<hbm>> -> memref<128x64xbf16, #tpu.memory_space<hbm>>
    %dma_start3A_822 = arith.constant 0 : i32
    %dma_start3A_823 = tpu.memref_slice %arg10[%add3A_818, %dma_start3A_822] : memref<10112x64xbf16, #tpu.memory_space<vmem_shared>> -> memref<128x64xbf16, #tpu.memory_space<vmem_shared>>
    tpu.enqueue_dma source(%dma_start3A_823 : memref<128x64xbf16, #tpu.memory_space<vmem_shared>>) target(%dma_start3A_821 : memref<128x64xbf16, #tpu.memory_space<hbm>>) target_semaphore(%arg15 : memref<!tpu.dma_semaphore, #tpu.memory_space<semaphore_mem>>)
    %add3A_824 = arith.constant 128 : i32
    %add3A_825 = arith.addi %mul3A_2, %add3A_824 : i32
    %dma_start3A_826 = arith.constant 0 : i32
    %dma_start3A_827 = tpu.memref_slice %arg5[%arg0, %add3A_825, %dma_start3A_826] : memref<2x10112x64xbf16, #tpu.memory_space<hbm>> -> memref<1x128x64xbf16, #tpu.memory_space<hbm>>
    %dma_start3A_828 = tpu.memref_squeeze %dma_start3A_827 : memref<1x128x64xbf16, #tpu.memory_space<hbm>> -> memref<128x64xbf16, #tpu.memory_space<hbm>>
    %dma_start3A_829 = arith.constant 0 : i32
    %dma_start3A_830 = tpu.memref_slice %arg10[%add3A_825, %dma_start3A_829] : memref<10112x64xbf16, #tpu.memory_space<vmem_shared>> -> memref<128x64xbf16, #tpu.memory_space<vmem_shared>>
    tpu.enqueue_dma source(%dma_start3A_830 : memref<128x64xbf16, #tpu.memory_space<vmem_shared>>) target(%dma_start3A_828 : memref<128x64xbf16, #tpu.memory_space<hbm>>) target_semaphore(%arg16 : memref<!tpu.dma_semaphore, #tpu.memory_space<semaphore_mem>>)
    %add3A_831 = arith.constant 256 : i32
    %add3A_832 = arith.addi %mul3A_2, %add3A_831 : i32
    %dma_start3A_833 = arith.constant 0 : i32
    %dma_start3A_834 = tpu.memref_slice %arg5[%arg0, %add3A_832, %dma_start3A_833] : memref<2x10112x64xbf16, #tpu.memory_space<hbm>> -> memref<1x128x64xbf16, #tpu.memory_space<hbm>>
    %dma_start3A_835 = tpu.memref_squeeze %dma_start3A_834 : memref<1x128x64xbf16, #tpu.memory_space<hbm>> -> memref<128x64xbf16, #tpu.memory_space<hbm>>
    %dma_start3A_836 = arith.constant 0 : i32
    %dma_start3A_837 = tpu.memref_slice %arg10[%add3A_832, %dma_start3A_836] : memref<10112x64xbf16, #tpu.memory_space<vmem_shared>> -> memref<128x64xbf16, #tpu.memory_space<vmem_shared>>
    tpu.enqueue_dma source(%dma_start3A_837 : memref<128x64xbf16, #tpu.memory_space<vmem_shared>>) target(%dma_start3A_835 : memref<128x64xbf16, #tpu.memory_space<hbm>>) target_semaphore(%arg17 : memref<!tpu.dma_semaphore, #tpu.memory_space<semaphore_mem>>)
    %add3A_838 = arith.constant 384 : i32
    %add3A_839 = arith.addi %mul3A_2, %add3A_838 : i32
    %dma_start3A_840 = arith.constant 0 : i32
    %dma_start3A_841 = tpu.memref_slice %arg5[%arg0, %add3A_839, %dma_start3A_840] : memref<2x10112x64xbf16, #tpu.memory_space<hbm>> -> memref<1x128x64xbf16, #tpu.memory_space<hbm>>
    %dma_start3A_842 = tpu.memref_squeeze %dma_start3A_841 : memref<1x128x64xbf16, #tpu.memory_space<hbm>> -> memref<128x64xbf16, #tpu.memory_space<hbm>>
    %dma_start3A_843 = arith.constant 0 : i32
    %dma_start3A_844 = tpu.memref_slice %arg10[%add3A_839, %dma_start3A_843] : memref<10112x64xbf16, #tpu.memory_space<vmem_shared>> -> memref<128x64xbf16, #tpu.memory_space<vmem_shared>>
    tpu.enqueue_dma source(%dma_start3A_844 : memref<128x64xbf16, #tpu.memory_space<vmem_shared>>) target(%dma_start3A_842 : memref<128x64xbf16, #tpu.memory_space<hbm>>) target_semaphore(%arg18 : memref<!tpu.dma_semaphore, #tpu.memory_space<semaphore_mem>>)
    %add3A_845 = arith.constant 512 : i32
    %add3A_846 = arith.addi %mul3A_2, %add3A_845 : i32
    %dma_start3A_847 = arith.constant 0 : i32
    %dma_start3A_848 = tpu.memref_slice %arg5[%arg0, %add3A_846, %dma_start3A_847] : memref<2x10112x64xbf16, #tpu.memory_space<hbm>> -> memref<1x120x64xbf16, #tpu.memory_space<hbm>>
    %dma_start3A_849 = tpu.memref_squeeze %dma_start3A_848 : memref<1x120x64xbf16, #tpu.memory_space<hbm>> -> memref<120x64xbf16, #tpu.memory_space<hbm>>
    %dma_start3A_850 = arith.constant 0 : i32
    %dma_start3A_851 = tpu.memref_slice %arg10[%add3A_846, %dma_start3A_850] : memref<10112x64xbf16, #tpu.memory_space<vmem_shared>> -> memref<120x64xbf16, #tpu.memory_space<vmem_shared>>
    tpu.enqueue_dma source(%dma_start3A_851 : memref<120x64xbf16, #tpu.memory_space<vmem_shared>>) target(%dma_start3A_849 : memref<120x64xbf16, #tpu.memory_space<hbm>>) target_semaphore(%arg15 : memref<!tpu.dma_semaphore, #tpu.memory_space<semaphore_mem>>)
    %dma_wait3A_852 = arith.constant 0 : i32
    %dma_wait3A_853 = tpu.memref_slice %arg5[%arg0, %add3A_818, %dma_wait3A_852] : memref<2x10112x64xbf16, #tpu.memory_space<hbm>> -> memref<1x128x64xbf16, #tpu.memory_space<hbm>>
    %dma_wait3A_854 = tpu.memref_squeeze %dma_wait3A_853 : memref<1x128x64xbf16, #tpu.memory_space<hbm>> -> memref<128x64xbf16, #tpu.memory_space<hbm>>
    %dma_wait3A_855 = arith.constant 0 : i32
    %dma_wait3A_856 = tpu.memref_slice %arg10[%add3A_818, %dma_wait3A_855] : memref<10112x64xbf16, #tpu.memory_space<vmem_shared>> -> memref<128x64xbf16, #tpu.memory_space<vmem_shared>>
    tpu.wait_dma2 semaphore(%arg15 : memref<!tpu.dma_semaphore, #tpu.memory_space<semaphore_mem>>) src(%dma_wait3A_856 : memref<128x64xbf16, #tpu.memory_space<vmem_shared>>) dst(%dma_wait3A_854 : memref<128x64xbf16, #tpu.memory_space<hbm>>)
    %dma_wait3A_857 = arith.constant 0 : i32
    %dma_wait3A_858 = tpu.memref_slice %arg5[%arg0, %add3A_825, %dma_wait3A_857] : memref<2x10112x64xbf16, #tpu.memory_space<hbm>> -> memref<1x128x64xbf16, #tpu.memory_space<hbm>>
    %dma_wait3A_859 = tpu.memref_squeeze %dma_wait3A_858 : memref<1x128x64xbf16, #tpu.memory_space<hbm>> -> memref<128x64xbf16, #tpu.memory_space<hbm>>
    %dma_wait3A_860 = arith.constant 0 : i32
    %dma_wait3A_861 = tpu.memref_slice %arg10[%add3A_825, %dma_wait3A_860] : memref<10112x64xbf16, #tpu.memory_space<vmem_shared>> -> memref<128x64xbf16, #tpu.memory_space<vmem_shared>>
    tpu.wait_dma2 semaphore(%arg16 : memref<!tpu.dma_semaphore, #tpu.memory_space<semaphore_mem>>) src(%dma_wait3A_861 : memref<128x64xbf16, #tpu.memory_space<vmem_shared>>) dst(%dma_wait3A_859 : memref<128x64xbf16, #tpu.memory_space<hbm>>)
    %dma_wait3A_862 = arith.constant 0 : i32
    %dma_wait3A_863 = tpu.memref_slice %arg5[%arg0, %add3A_832, %dma_wait3A_862] : memref<2x10112x64xbf16, #tpu.memory_space<hbm>> -> memref<1x128x64xbf16, #tpu.memory_space<hbm>>
    %dma_wait3A_864 = tpu.memref_squeeze %dma_wait3A_863 : memref<1x128x64xbf16, #tpu.memory_space<hbm>> -> memref<128x64xbf16, #tpu.memory_space<hbm>>
    %dma_wait3A_865 = arith.constant 0 : i32
    %dma_wait3A_866 = tpu.memref_slice %arg10[%add3A_832, %dma_wait3A_865] : memref<10112x64xbf16, #tpu.memory_space<vmem_shared>> -> memref<128x64xbf16, #tpu.memory_space<vmem_shared>>
    tpu.wait_dma2 semaphore(%arg17 : memref<!tpu.dma_semaphore, #tpu.memory_space<semaphore_mem>>) src(%dma_wait3A_866 : memref<128x64xbf16, #tpu.memory_space<vmem_shared>>) dst(%dma_wait3A_864 : memref<128x64xbf16, #tpu.memory_space<hbm>>)
    %dma_wait3A_867 = arith.constant 0 : i32
    %dma_wait3A_868 = tpu.memref_slice %arg5[%arg0, %add3A_839, %dma_wait3A_867] : memref<2x10112x64xbf16, #tpu.memory_space<hbm>> -> memref<1x128x64xbf16, #tpu.memory_space<hbm>>
    %dma_wait3A_869 = tpu.memref_squeeze %dma_wait3A_868 : memref<1x128x64xbf16, #tpu.memory_space<hbm>> -> memref<128x64xbf16, #tpu.memory_space<hbm>>
    %dma_wait3A_870 = arith.constant 0 : i32
    %dma_wait3A_871 = tpu.memref_slice %arg10[%add3A_839, %dma_wait3A_870] : memref<10112x64xbf16, #tpu.memory_space<vmem_shared>> -> memref<128x64xbf16, #tpu.memory_space<vmem_shared>>
    tpu.wait_dma2 semaphore(%arg18 : memref<!tpu.dma_semaphore, #tpu.memory_space<semaphore_mem>>) src(%dma_wait3A_871 : memref<128x64xbf16, #tpu.memory_space<vmem_shared>>) dst(%dma_wait3A_869 : memref<128x64xbf16, #tpu.memory_space<hbm>>)
    %dma_wait3A_872 = arith.constant 0 : i32
    %dma_wait3A_873 = tpu.memref_slice %arg5[%arg0, %add3A_846, %dma_wait3A_872] : memref<2x10112x64xbf16, #tpu.memory_space<hbm>> -> memref<1x120x64xbf16, #tpu.memory_space<hbm>>
    %dma_wait3A_874 = tpu.memref_squeeze %dma_wait3A_873 : memref<1x120x64xbf16, #tpu.memory_space<hbm>> -> memref<120x64xbf16, #tpu.memory_space<hbm>>
    %dma_wait3A_875 = arith.constant 0 : i32
    %dma_wait3A_876 = tpu.memref_slice %arg10[%add3A_846, %dma_wait3A_875] : memref<10112x64xbf16, #tpu.memory_space<vmem_shared>> -> memref<120x64xbf16, #tpu.memory_space<vmem_shared>>
    tpu.wait_dma2 semaphore(%arg15 : memref<!tpu.dma_semaphore, #tpu.memory_space<semaphore_mem>>) src(%dma_wait3A_876 : memref<120x64xbf16, #tpu.memory_space<vmem_shared>>) dst(%dma_wait3A_874 : memref<120x64xbf16, #tpu.memory_space<hbm>>)
    return
  }
}

module attributes {stable_mosaic.version = 14 : i64} {
  func.func @_mlp_body(%arg0: i32, %arg1: memref<2528x128xf32, #tpu.memory_space<vmem>>, %arg2: memref<128x128xf32, #tpu.memory_space<vmem>>, %arg3: memref<1x128xf32, #tpu.memory_space<vmem>>, %arg4: memref<128x64xf32, #tpu.memory_space<vmem>>, %arg5: memref<1x64xf32, #tpu.memory_space<vmem>>, %arg6: memref<2528x64xf32, #tpu.memory_space<vmem>>) attributes {dimension_semantics = [#tpu.dimension_semantics<arbitrary>], iteration_bounds = array<i64: 4>, scalar_prefetch = 0 : i64, scratch_operands = 0 : i64, tpu.core_type = #tpu.core_type<tc>, window_params = [{transform_indices = @transform_0, window_bounds = array<i64: 2528, 128>}, {pipeline_mode = #tpu.pipeline_mode<synchronous>, transform_indices = @transform_1, window_bounds = array<i64: 128, 128>}, {pipeline_mode = #tpu.pipeline_mode<synchronous>, transform_indices = @transform_2, window_bounds = array<i64: 1, 128>}, {pipeline_mode = #tpu.pipeline_mode<synchronous>, transform_indices = @transform_3, window_bounds = array<i64: 128, 64>}, {pipeline_mode = #tpu.pipeline_mode<synchronous>, transform_indices = @transform_4, window_bounds = array<i64: 1, 64>}, {transform_indices = @transform_5, window_bounds = array<i64: 2528, 64>}]} {
    %get3A = arith.constant 0 : index
    %get3A_0 = arith.constant 0 : index
    %get3A_1 = vector.load %arg1[%get3A, %get3A_0] : memref<2528x128xf32, #tpu.memory_space<vmem>>, vector<2528x128xf32>
    %get3A_2 = arith.constant 0 : index
    %get3A_3 = arith.constant 0 : index
    %get3A_4 = vector.load %arg2[%get3A_2, %get3A_3] : memref<128x128xf32, #tpu.memory_space<vmem>>, vector<128x128xf32>
    %dot_general3A = arith.constant dense<0.000000e+00> : vector<2528x128xf32>
    %dot_general3A_5 = tpu.matmul %get3A_1, %get3A_4, %dot_general3A {dimension_numbers = #tpu.dot_dimension_numbers<[1], [0], [0], [1], [0, 0, 1, 1], [], []>, transpose_lhs_hint = false} : vector<2528x128xf32>, vector<128x128xf32>, vector<2528x128xf32> -> vector<2528x128xf32>
    %get3A_6 = arith.constant 0 : index
    %get3A_7 = arith.constant 0 : index
    %get3A_8 = vector.load %arg3[%get3A_6, %get3A_7] : memref<1x128xf32, #tpu.memory_space<vmem>>, vector<1x128xf32>
    %add3A = vector.broadcast %get3A_8 : vector<1x128xf32> to vector<2528x128xf32>
    %add3A_9 = arith.addf %dot_general3A_5, %add3A : vector<2528x128xf32>
    %max3A = arith.constant 0.000000e+00 : f32
    %max3A_10 = vector.broadcast %max3A : f32 to vector<2528x128xf32>
    %max3A_11 = arith.maximumf %add3A_9, %max3A_10 : vector<2528x128xf32>
    %get3A_12 = arith.constant 0 : index
    %get3A_13 = arith.constant 0 : index
    %get3A_14 = vector.load %arg4[%get3A_12, %get3A_13] : memref<128x64xf32, #tpu.memory_space<vmem>>, vector<128x64xf32>
    %dot_general3A_15 = arith.constant dense<0.000000e+00> : vector<2528x64xf32>
    %dot_general3A_16 = tpu.matmul %max3A_11, %get3A_14, %dot_general3A_15 {dimension_numbers = #tpu.dot_dimension_numbers<[1], [0], [0], [1], [0, 0, 1, 1], [], []>, transpose_lhs_hint = false} : vector<2528x128xf32>, vector<128x64xf32>, vector<2528x64xf32> -> vector<2528x64xf32>
    %get3A_17 = arith.constant 0 : index
    %get3A_18 = arith.constant 0 : index
    %get3A_19 = vector.load %arg5[%get3A_17, %get3A_18] : memref<1x64xf32, #tpu.memory_space<vmem>>, vector<1x64xf32>
    %add3A_20 = vector.broadcast %get3A_19 : vector<1x64xf32> to vector<2528x64xf32>
    %add3A_21 = arith.addf %dot_general3A_16, %add3A_20 : vector<2528x64xf32>
    %swap3A = arith.constant 0 : index
    %swap3A_22 = arith.constant 0 : index
    %swap3A_23 = vector.load %arg6[%swap3A, %swap3A_22] : memref<2528x64xf32, #tpu.memory_space<vmem>>, vector<2528x64xf32>
    tpu.vector_store %arg6[%swap3A, %swap3A_22], %add3A_21 {strides = array<i32>} : memref<2528x64xf32, #tpu.memory_space<vmem>>, vector<2528x64xf32>,
    return
  }
  func.func @transform_0(%arg0: i32) -> (i32, i32) {
    %c0_i32 = arith.constant 0 : i32
    %c0_i32_0 = arith.constant 0 : i32
    return %arg0, %c0_i32 : i32, i32
  }
  func.func @transform_1(%arg0: i32) -> (i32, i32) {
    %c0_i32 = arith.constant 0 : i32
    %c0_i32_0 = arith.constant 0 : i32
    %c0_i32_1 = arith.constant 0 : i32
    return %c0_i32, %c0_i32_0 : i32, i32
  }
  func.func @transform_2(%arg0: i32) -> (i32, i32) {
    %c0_i32 = arith.constant 0 : i32
    %c0_i32_0 = arith.constant 0 : i32
    %c0_i32_1 = arith.constant 0 : i32
    return %c0_i32, %c0_i32_0 : i32, i32
  }
  func.func @transform_3(%arg0: i32) -> (i32, i32) {
    %c0_i32 = arith.constant 0 : i32
    %c0_i32_0 = arith.constant 0 : i32
    %c0_i32_1 = arith.constant 0 : i32
    return %c0_i32, %c0_i32_0 : i32, i32
  }
  func.func @transform_4(%arg0: i32) -> (i32, i32) {
    %c0_i32 = arith.constant 0 : i32
    %c0_i32_0 = arith.constant 0 : i32
    %c0_i32_1 = arith.constant 0 : i32
    return %c0_i32, %c0_i32_0 : i32, i32
  }
  func.func @transform_5(%arg0: i32) -> (i32, i32) {
    %c0_i32 = arith.constant 0 : i32
    %c0_i32_0 = arith.constant 0 : i32
    return %arg0, %c0_i32 : i32, i32
  }
}

module attributes {stable_mosaic.version = 14 : i64} {
  func.func @_coef_body(%arg0: i32, %arg1: memref<2528x64xf32, #tpu.memory_space<vmem>>, %arg2: memref<2x2528x16xf32, #tpu.memory_space<vmem>>, %arg3: memref<2528x64xf32, #tpu.memory_space<vmem>>, %arg4: memref<2528x64xf32, #tpu.memory_space<vmem>>, %arg5: memref<2528x64xf32, #tpu.memory_space<vmem>>) attributes {dimension_semantics = [#tpu.dimension_semantics<arbitrary>], iteration_bounds = array<i64: 4>, scalar_prefetch = 0 : i64, scratch_operands = 0 : i64, tpu.core_type = #tpu.core_type<tc>, window_params = [{transform_indices = @transform_0, window_bounds = array<i64: 2528, 64>}, {transform_indices = @transform_1, window_bounds = array<i64: 2, 2528, 16>}, {transform_indices = @transform_2, window_bounds = array<i64: 2528, 64>}, {transform_indices = @transform_3, window_bounds = array<i64: 2528, 64>}, {transform_indices = @transform_4, window_bounds = array<i64: 2528, 64>}]} {
    %get3A = arith.constant 0 : index
    %get3A_0 = arith.constant 0 : index
    %get3A_1 = vector.load %arg1[%get3A, %get3A_0] : memref<2528x64xf32, #tpu.memory_space<vmem>>, vector<2528x64xf32>
    %get3A_2 = arith.constant 0 : index
    %get3A_3 = arith.constant 0 : index
    %get3A_4 = arith.constant 0 : index
    %get3A_5 = vector.load %arg2[%get3A_2, %get3A_3, %get3A_4] : memref<2x2528x16xf32, #tpu.memory_space<vmem>>, vector<1x2528x1xf32>
    %get3A_6 = vector.shape_cast %get3A_5 : vector<1x2528x1xf32> to vector<2528xf32>
    %get3A_7 = arith.constant 1 : index
    %get3A_8 = arith.constant 0 : index
    %get3A_9 = arith.constant 0 : index
    %get3A_10 = vector.load %arg2[%get3A_7, %get3A_8, %get3A_9] : memref<2x2528x16xf32, #tpu.memory_space<vmem>>, vector<1x2528x1xf32>
    %get3A_11 = vector.shape_cast %get3A_10 : vector<1x2528x1xf32> to vector<2528xf32>
    %add3A = arith.addf %get3A_6, %get3A_11 : vector<2528xf32>
    %max3A = arith.constant 1.000000e+00 : f32
    %max3A_12 = vector.broadcast %max3A : f32 to vector<2528xf32>
    %max3A_13 = arith.maximumf %add3A, %max3A_12 : vector<2528xf32>
    %get3A_14 = arith.constant 0 : index
    %get3A_15 = arith.constant 0 : index
    %get3A_16 = arith.constant 1 : index
    %get3A_17 = vector.load %arg2[%get3A_14, %get3A_15, %get3A_16] : memref<2x2528x16xf32, #tpu.memory_space<vmem>>, vector<1x2528x1xf32>
    %get3A_18 = vector.shape_cast %get3A_17 : vector<1x2528x1xf32> to vector<2528xf32>
    %get3A_19 = arith.constant 1 : index
    %get3A_20 = arith.constant 0 : index
    %get3A_21 = arith.constant 1 : index
    %get3A_22 = vector.load %arg2[%get3A_19, %get3A_20, %get3A_21] : memref<2x2528x16xf32, #tpu.memory_space<vmem>>, vector<1x2528x1xf32>
    %get3A_23 = vector.shape_cast %get3A_22 : vector<1x2528x1xf32> to vector<2528xf32>
    %add3A_24 = arith.addf %get3A_18, %get3A_23 : vector<2528xf32>
    %max3A_25 = arith.constant 1.000000e+00 : f32
    %max3A_26 = vector.broadcast %max3A_25 : f32 to vector<2528xf32>
    %max3A_27 = arith.maximumf %add3A_24, %max3A_26 : vector<2528xf32>
    %rsqrt3A = math.rsqrt %max3A_13 : vector<2528xf32>
    %rsqrt3A_28 = math.rsqrt %max3A_27 : vector<2528xf32>
    %broadcast_in_dim3A = vector.shape_cast %rsqrt3A : vector<2528xf32> to vector<2528x1xf32>
    %mul3A = vector.broadcast %broadcast_in_dim3A : vector<2528x1xf32> to vector<2528x64xf32>
    %mul3A_29 = arith.mulf %get3A_1, %mul3A : vector<2528x64xf32>
    %swap3A = arith.constant 0 : index
    %swap3A_30 = arith.constant 0 : index
    %swap3A_31 = vector.load %arg3[%swap3A, %swap3A_30] : memref<2528x64xf32, #tpu.memory_space<vmem>>, vector<2528x64xf32>
    tpu.vector_store %arg3[%swap3A, %swap3A_30], %mul3A_29 {strides = array<i32>} : memref<2528x64xf32, #tpu.memory_space<vmem>>, vector<2528x64xf32>,
    %mul3A_32 = arith.constant 0.899999976 : f32
    %mul3A_33 = vector.broadcast %mul3A_32 : f32 to vector<2528xf32>
    %mul3A_34 = arith.mulf %mul3A_33, %rsqrt3A : vector<2528xf32>
    %mul3A_35 = arith.mulf %mul3A_34, %rsqrt3A_28 : vector<2528xf32>
    %broadcast_in_dim3A_36 = vector.shape_cast %mul3A_35 : vector<2528xf32> to vector<2528x1xf32>
    %broadcast_in_dim3A_37 = vector.shape_cast %broadcast_in_dim3A_36 : vector<2528x1xf32> to vector<2528x1xf32>
    %broadcast_in_dim3A_38 = vector.broadcast %broadcast_in_dim3A_37 : vector<2528x1xf32> to vector<2528x64xf32>
    %swap3A_39 = arith.constant 0 : index
    %swap3A_40 = arith.constant 0 : index
    %swap3A_41 = vector.load %arg4[%swap3A_39, %swap3A_40] : memref<2528x64xf32, #tpu.memory_space<vmem>>, vector<2528x64xf32>
    tpu.vector_store %arg4[%swap3A_39, %swap3A_40], %broadcast_in_dim3A_38 {strides = array<i32>} : memref<2528x64xf32, #tpu.memory_space<vmem>>, vector<2528x64xf32>,
    %sqrt3A = math.sqrt %max3A_13 : vector<2528xf32>
    %broadcast_in_dim3A_42 = vector.shape_cast %sqrt3A : vector<2528xf32> to vector<2528x1xf32>
    %broadcast_in_dim3A_43 = vector.shape_cast %broadcast_in_dim3A_42 : vector<2528x1xf32> to vector<2528x1xf32>
    %broadcast_in_dim3A_44 = vector.broadcast %broadcast_in_dim3A_43 : vector<2528x1xf32> to vector<2528x64xf32>
    %swap3A_45 = arith.constant 0 : index
    %swap3A_46 = arith.constant 0 : index
    %swap3A_47 = vector.load %arg5[%swap3A_45, %swap3A_46] : memref<2528x64xf32, #tpu.memory_space<vmem>>, vector<2528x64xf32>
    tpu.vector_store %arg5[%swap3A_45, %swap3A_46], %broadcast_in_dim3A_44 {strides = array<i32>} : memref<2528x64xf32, #tpu.memory_space<vmem>>, vector<2528x64xf32>,
    return
  }
  func.func @transform_0(%arg0: i32) -> (i32, i32) {
    %c0_i32 = arith.constant 0 : i32
    %c0_i32_0 = arith.constant 0 : i32
    return %arg0, %c0_i32 : i32, i32
  }
  func.func @transform_1(%arg0: i32) -> (i32, i32, i32) {
    %c0_i32 = arith.constant 0 : i32
    %c0_i32_0 = arith.constant 0 : i32
    %c0_i32_1 = arith.constant 0 : i32
    return %c0_i32, %arg0, %c0_i32_0 : i32, i32, i32
  }
  func.func @transform_2(%arg0: i32) -> (i32, i32) {
    %c0_i32 = arith.constant 0 : i32
    %c0_i32_0 = arith.constant 0 : i32
    return %arg0, %c0_i32 : i32, i32
  }
  func.func @transform_3(%arg0: i32) -> (i32, i32) {
    %c0_i32 = arith.constant 0 : i32
    %c0_i32_0 = arith.constant 0 : i32
    return %arg0, %c0_i32 : i32, i32
  }
  func.func @transform_4(%arg0: i32) -> (i32, i32) {
    %c0_i32 = arith.constant 0 : i32
    %c0_i32_0 = arith.constant 0 : i32
    return %arg0, %c0_i32 : i32, i32
  }
}

module attributes {stable_mosaic.version = 14 : i64} {
  func.func @_blend_body(%arg0: i32, %arg1: memref<2x2528x64xbf16, #tpu.memory_space<vmem>>, %arg2: memref<2528x64xf32, #tpu.memory_space<vmem>>, %arg3: memref<2528x64xf32, #tpu.memory_space<vmem>>, %arg4: memref<2528x64xbf16, #tpu.memory_space<vmem>>) attributes {dimension_semantics = [#tpu.dimension_semantics<arbitrary>], iteration_bounds = array<i64: 4>, scalar_prefetch = 0 : i64, scratch_operands = 0 : i64, tpu.core_type = #tpu.core_type<tc>, window_params = [{transform_indices = @transform_0, window_bounds = array<i64: 2, 2528, 64>}, {transform_indices = @transform_1, window_bounds = array<i64: 2528, 64>}, {transform_indices = @transform_2, window_bounds = array<i64: 2528, 64>}, {transform_indices = @transform_3, window_bounds = array<i64: 2528, 64>}]} {
    %get3A = arith.constant 0 : index
    %get3A_0 = arith.constant 0 : index
    %get3A_1 = arith.constant 0 : index
    %get3A_2 = vector.load %arg1[%get3A, %get3A_0, %get3A_1] : memref<2x2528x64xbf16, #tpu.memory_space<vmem>>, vector<1x2528x64xbf16>
    %get3A_3 = vector.shape_cast %get3A_2 : vector<1x2528x64xbf16> to vector<2528x64xbf16>
    %convert_element_type3A = arith.extf %get3A_3 : vector<2528x64xbf16> to vector<2528x64xf32>
    %get3A_4 = arith.constant 1 : index
    %get3A_5 = arith.constant 0 : index
    %get3A_6 = arith.constant 0 : index
    %get3A_7 = vector.load %arg1[%get3A_4, %get3A_5, %get3A_6] : memref<2x2528x64xbf16, #tpu.memory_space<vmem>>, vector<1x2528x64xbf16>
    %get3A_8 = vector.shape_cast %get3A_7 : vector<1x2528x64xbf16> to vector<2528x64xbf16>
    %convert_element_type3A_9 = arith.extf %get3A_8 : vector<2528x64xbf16> to vector<2528x64xf32>
    %add3A = arith.addf %convert_element_type3A, %convert_element_type3A_9 : vector<2528x64xf32>
    %get3A_10 = arith.constant 0 : index
    %get3A_11 = arith.constant 0 : index
    %get3A_12 = vector.load %arg2[%get3A_10, %get3A_11] : memref<2528x64xf32, #tpu.memory_space<vmem>>, vector<2528x64xf32>
    %mul3A = arith.mulf %get3A_12, %add3A : vector<2528x64xf32>
    %get3A_13 = arith.constant 0 : index
    %get3A_14 = arith.constant 0 : index
    %get3A_15 = vector.load %arg3[%get3A_13, %get3A_14] : memref<2528x64xf32, #tpu.memory_space<vmem>>, vector<2528x64xf32>
    %mul3A_16 = arith.constant 1.000000e-01 : f32
    %mul3A_17 = vector.broadcast %mul3A_16 : f32 to vector<2528x64xf32>
    %mul3A_18 = arith.mulf %mul3A_17, %get3A_15 : vector<2528x64xf32>
    %add3A_19 = arith.addf %mul3A, %mul3A_18 : vector<2528x64xf32>
    %convert_element_type3A_20 = arith.truncf %add3A_19 : vector<2528x64xf32> to vector<2528x64xbf16>
    %swap3A = arith.constant 0 : index
    %swap3A_21 = arith.constant 0 : index
    %swap3A_22 = vector.load %arg4[%swap3A, %swap3A_21] : memref<2528x64xbf16, #tpu.memory_space<vmem>>, vector<2528x64xbf16>
    tpu.vector_store %arg4[%swap3A, %swap3A_21], %convert_element_type3A_20 {strides = array<i32>} : memref<2528x64xbf16, #tpu.memory_space<vmem>>, vector<2528x64xbf16>,
    return
  }
  func.func @transform_0(%arg0: i32) -> (i32, i32, i32) {
    %c0_i32 = arith.constant 0 : i32
    %c0_i32_0 = arith.constant 0 : i32
    %c0_i32_1 = arith.constant 0 : i32
    return %c0_i32, %arg0, %c0_i32_0 : i32, i32, i32
  }
  func.func @transform_1(%arg0: i32) -> (i32, i32) {
    %c0_i32 = arith.constant 0 : i32
    %c0_i32_0 = arith.constant 0 : i32
    return %arg0, %c0_i32 : i32, i32
  }
  func.func @transform_2(%arg0: i32) -> (i32, i32) {
    %c0_i32 = arith.constant 0 : i32
    %c0_i32_0 = arith.constant 0 : i32
    return %arg0, %c0_i32 : i32, i32
  }
  func.func @transform_3(%arg0: i32) -> (i32, i32) {
    %c0_i32 = arith.constant 0 : i32
    %c0_i32_0 = arith.constant 0 : i32
    return %arg0, %c0_i32 : i32, i32
  }
}

module attributes {stable_mosaic.version = 14 : i64} {
  func.func @_final_body(%arg0: i32, %arg1: memref<2x2528x64xbf16, #tpu.memory_space<vmem>>, %arg2: memref<2528x64xf32, #tpu.memory_space<vmem>>, %arg3: memref<2528x64xf32, #tpu.memory_space<vmem>>, %arg4: memref<2528x64xf32, #tpu.memory_space<vmem>>, %arg5: memref<2528x64xf32, #tpu.memory_space<vmem>>) attributes {dimension_semantics = [#tpu.dimension_semantics<arbitrary>], iteration_bounds = array<i64: 4>, scalar_prefetch = 0 : i64, scratch_operands = 0 : i64, tpu.core_type = #tpu.core_type<tc>, window_params = [{transform_indices = @transform_0, window_bounds = array<i64: 2, 2528, 64>}, {transform_indices = @transform_1, window_bounds = array<i64: 2528, 64>}, {transform_indices = @transform_2, window_bounds = array<i64: 2528, 64>}, {transform_indices = @transform_3, window_bounds = array<i64: 2528, 64>}, {transform_indices = @transform_4, window_bounds = array<i64: 2528, 64>}]} {
    %get3A = arith.constant 0 : index
    %get3A_0 = arith.constant 0 : index
    %get3A_1 = arith.constant 0 : index
    %get3A_2 = vector.load %arg1[%get3A, %get3A_0, %get3A_1] : memref<2x2528x64xbf16, #tpu.memory_space<vmem>>, vector<1x2528x64xbf16>
    %get3A_3 = vector.shape_cast %get3A_2 : vector<1x2528x64xbf16> to vector<2528x64xbf16>
    %convert_element_type3A = arith.extf %get3A_3 : vector<2528x64xbf16> to vector<2528x64xf32>
    %get3A_4 = arith.constant 1 : index
    %get3A_5 = arith.constant 0 : index
    %get3A_6 = arith.constant 0 : index
    %get3A_7 = vector.load %arg1[%get3A_4, %get3A_5, %get3A_6] : memref<2x2528x64xbf16, #tpu.memory_space<vmem>>, vector<1x2528x64xbf16>
    %get3A_8 = vector.shape_cast %get3A_7 : vector<1x2528x64xbf16> to vector<2528x64xbf16>
    %convert_element_type3A_9 = arith.extf %get3A_8 : vector<2528x64xbf16> to vector<2528x64xf32>
    %add3A = arith.addf %convert_element_type3A, %convert_element_type3A_9 : vector<2528x64xf32>
    %get3A_10 = arith.constant 0 : index
    %get3A_11 = arith.constant 0 : index
    %get3A_12 = vector.load %arg2[%get3A_10, %get3A_11] : memref<2528x64xf32, #tpu.memory_space<vmem>>, vector<2528x64xf32>
    %mul3A = arith.mulf %get3A_12, %add3A : vector<2528x64xf32>
    %get3A_13 = arith.constant 0 : index
    %get3A_14 = arith.constant 0 : index
    %get3A_15 = vector.load %arg3[%get3A_13, %get3A_14] : memref<2528x64xf32, #tpu.memory_space<vmem>>, vector<2528x64xf32>
    %mul3A_16 = arith.constant 1.000000e-01 : f32
    %mul3A_17 = vector.broadcast %mul3A_16 : f32 to vector<2528x64xf32>
    %mul3A_18 = arith.mulf %mul3A_17, %get3A_15 : vector<2528x64xf32>
    %add3A_19 = arith.addf %mul3A, %mul3A_18 : vector<2528x64xf32>
    %get3A_20 = arith.constant 0 : index
    %get3A_21 = arith.constant 0 : index
    %get3A_22 = vector.load %arg4[%get3A_20, %get3A_21] : memref<2528x64xf32, #tpu.memory_space<vmem>>, vector<2528x64xf32>
    %mul3A_23 = arith.mulf %add3A_19, %get3A_22 : vector<2528x64xf32>
    %swap3A = arith.constant 0 : index
    %swap3A_24 = arith.constant 0 : index
    %swap3A_25 = vector.load %arg5[%swap3A, %swap3A_24] : memref<2528x64xf32, #tpu.memory_space<vmem>>, vector<2528x64xf32>
    tpu.vector_store %arg5[%swap3A, %swap3A_24], %mul3A_23 {strides = array<i32>} : memref<2528x64xf32, #tpu.memory_space<vmem>>, vector<2528x64xf32>,
    return
  }
  func.func @transform_0(%arg0: i32) -> (i32, i32, i32) {
    %c0_i32 = arith.constant 0 : i32
    %c0_i32_0 = arith.constant 0 : i32
    %c0_i32_1 = arith.constant 0 : i32
    return %c0_i32, %arg0, %c0_i32_0 : i32, i32, i32
  }
  func.func @transform_1(%arg0: i32) -> (i32, i32) {
    %c0_i32 = arith.constant 0 : i32
    %c0_i32_0 = arith.constant 0 : i32
    return %arg0, %c0_i32 : i32, i32
  }
  func.func @transform_2(%arg0: i32) -> (i32, i32) {
    %c0_i32 = arith.constant 0 : i32
    %c0_i32_0 = arith.constant 0 : i32
    return %arg0, %c0_i32 : i32, i32
  }
  func.func @transform_3(%arg0: i32) -> (i32, i32) {
    %c0_i32 = arith.constant 0 : i32
    %c0_i32_0 = arith.constant 0 : i32
    return %arg0, %c0_i32 : i32, i32
  }
  func.func @transform_4(%arg0: i32) -> (i32, i32) {
    %c0_i32 = arith.constant 0 : i32
    %c0_i32_0 = arith.constant 0 : i32
    return %arg0, %c0_i32 : i32, i32
  }
}

</mosaic_0001>

<sc_bundles>
// kernel: closed_call.9.cloned.1.call-start
scs
__scs_entry_jumppad:
0x0: {  	(pc) =	sbr.rel $0x88, $3  }
0x1: {  	(tag) =	ssettag $0x0;
	lr =	simm.s32 $0x1  }
0x2: {  	[smem:$0x3F9B] =	sst lr;
	_ =	strace $0xD0000000  }
0x3: {  	_ = 	snop  }
0x4: {  	_ = 	snop  }
0x5: {  	_ = 	snop  }
0x6: {  	_ = 	snop  }
0x7: {  	_ = 	snop  }
__scs_overlays_trampoline_lowered:
0x8: {  	[smem:$0x3FAA] =	sst s0  }
0x9: {  	[smem:$0x3FAB] =	sst s1  }
0xa: {  	[smem:$0x3FAC] =	sst s2  }
0xb: {  	[smem:$0x3FAD] =	sst s3  }
0xc: {  	[smem:$0x3FAE] =	sst s4  }
0xd: {  	[smem:$0x3FAF] =	sst s5  }
0xe: {  	[smem:$0x3FB0] =	sst s6  }
0xf: {  	[smem:$0x3FB1] =	sst s7  }
0x10: {  	[smem:$0x3FB2] =	sst s8  }
0x11: {  	[smem:$0x3FB3] =	sst s9;
	s0 =	simm.s32 @!p0 $0x0  }
0x12: {  	s1 =	sld [smem:$0x3F99];
	s0 =	simm.s32 @p0 $0x1  }
0x13: {  	[smem:$0x3FB4] =	sst s0;
	s0 =	simm.s32 @!p1 $0x0  }
0x14: {  	s2 =	sld [smem:$0x3F98];
	s0 =	simm.s32 @p1 $0x1  }
0x15: {  	[smem:$0x3FB5] =	sst s0;
	s0 =	simm.s32 @!p2 $0x0  }
0x16: {  	s3 =	sld [smem:$0x3FDB];
	s0 =	simm.s32 @p2 $0x1  }
0x17: {  	s4 =	simm.s32 $0x1BF5;
	[smem:$0x3FB7] =	sst s0  }
0x18: {  	s0 =	sld [smem:$0x3F9A];
	_ =	swait.ge [sflag:s4], $0x0  }
0x19: {  	s7 =	sld [smem:$0x3F9B]  }
0x1a: {  	s8 =	sadd.s32 $0xFFFFE003, lr  }
0x1b: {  	s9 =	sadd.s32 $0xFFFFFEF7, lr;
	s5 =	simm.s32 $0xFFFFFFFF;
	p2 =	slt.u32 s8, $0xFFFFF086  }
0x1c: {  	p1 =	slt.u32 s9, $0xF7A;
	s5 =	simm.s32 @!p2 $0x0  }
0x1d: {  	s5 =	simm.s32 @p1 $0x1;
	p0 =	seq.s32 s7, s2  }
0x1e: {  	s7 =	smul.u32 @!p0 $0xF7A, s2;
	p2 =	seq.s32 @!p0 s5, $0x0  }
0x1f: {  	s9 =	smul.u32 $0xF7A, s1;
	s8 =	simm.s32 @!p0 $0x1BF5;
	p2 =	por !p2, p0  }
0x20: {  	[sflag:s8] =	ssyncset.s32 @!p0 $0xFFFFF086;
	s6 =	sadd.s32 @!p0 s3, s7;
	s7 =	simm.s32 @!p0 $0x108  }
0x21: {  	s3 =	sadd.s32 s3, s9;
	s6 =	sadd.s32 @!p0 $0x88, s6;
	s7 =	simm.s32 @p2 $0x1082  }
0x22: {  	[simem:s7], [sflag:s8] =	dma.local @!p0 [hbm:s6], $0xF7A  }
0x23: {  	s9 =	sor.u32 $0xD0000000, s2;
	s6 =	simm.s32 $0x108;
	_ =	swait.ge @!p0 [sflag:s8], $0x0  }
0x24: {  	s3 =	sadd.s32 $0x88, s3;
	s6 =	simm.s32 @!p1 $0x1082;
	[sflag:s4] =	ssyncset.s32 $0xFFFFF086  }
0x25: {  	[simem:s6], [sflag:s4] =	dma.local [hbm:s3], $0xF7A  }
0x26: {  	[smem:$0x3F9B] =	sst s1;
	(tag) =	ssettag s2;
	_ =	strace s9  }
0x27: {  	s1 =	sld [smem:$0x3FAB]  }
0x28: {  	s2 =	sld [smem:$0x3FAC]  }
0x29: {  	s4 =	sld [smem:$0x3FAE]  }
0x2a: {  	p0 =	seq.s32 s5, $0x0;
	s5 =	sld [smem:$0x3FAF]  }
0x2b: {  	s6 =	sld [smem:$0x3FB0]  }
0x2c: {  	s7 =	sld [smem:$0x3FB1]  }
0x2d: {  	s3 =	simm.s32 $0x108;
	s8 =	sld [smem:$0x3FB2]  }
0x2e: {  	s3 =	simm.s32 @!p0 $0x1082;
	s9 =	sld [smem:$0x3FB3]  }
0x2f: {  	lr =	sadd.s32 s0, s3;
	s0 =	sld [smem:$0x3FAA]  }
0x30: {  	s3 =	sld [smem:$0x3FAD]  }
0x31: {  	[smem:$0x3FB6] =	sst s10  }
0x32: {  	s10 =	sld [smem:$0x3FB4];
	_ =	sdelay $0x3  }
0x33: {  	p0 =	seq.s32 s10, $0x1;
	s10 =	sld [smem:$0x3FB6];
	_ =	sdelay $0x3  }
0x34: {  	[smem:$0x3FB6] =	sst s10  }
0x35: {  	s10 =	sld [smem:$0x3FB5];
	_ =	sdelay $0x3  }
0x36: {  	p1 =	seq.s32 s10, $0x1;
	s10 =	sld [smem:$0x3FB6];
	_ =	sdelay $0x3  }
0x37: {  	[smem:$0x3FB6] =	sst s10  }
0x38: {  	s10 =	sld [smem:$0x3FB7]  }
0x39: {  	_ = 	snop;
	(pc) =	sbr.ind lr, $3  }
0x3a: {  	_ = 	snop  }
0x3b: {  	_ = 	snop  }
0x3c: {  	p2 =	seq.s32 s10, $0x1;
	s10 =	sld [smem:$0x3FB6]  }
0x3d: {  	_ =	shalt  }
0x3e: {  	_ =	shalt  }
0x3f: {  	_ =	shalt  }
0x40: {  	_ =	shalt  }
0x41: {  	_ =	shalt  }
0x42: {  	_ =	shalt  }
0x43: {  	_ =	shalt  }
0x44: {  	_ =	shalt  }
0x45: {  	_ =	shalt  }
0x46: {  	_ =	shalt  }
0x47: {  	_ =	shalt  }
0x48: {  	_ =	shalt  }
0x49: {  	_ =	shalt  }
0x4a: {  	_ =	shalt  }
0x4b: {  	_ =	shalt  }
0x4c: {  	_ =	shalt  }
0x4d: {  	_ =	shalt  }
0x4e: {  	_ =	shalt  }
0x4f: {  	_ =	shalt  }
0x50: {  	_ =	shalt  }
0x51: {  	_ =	shalt  }
0x52: {  	_ =	shalt  }
0x53: {  	_ =	shalt  }
0x54: {  	_ =	shalt  }
0x55: {  	_ =	shalt  }
0x56: {  	_ =	shalt  }
0x57: {  	_ =	shalt  }
0x58: {  	_ =	shalt  }
0x59: {  	_ =	shalt  }
0x5a: {  	_ =	shalt  }
0x5b: {  	_ =	shalt  }
0x5c: {  	_ =	shalt  }
0x5d: {  	_ =	shalt  }
0x5e: {  	_ =	shalt  }
0x5f: {  	_ =	shalt  }
0x60: {  	_ =	shalt  }
0x61: {  	_ =	shalt  }
0x62: {  	_ =	shalt  }
0x63: {  	_ =	shalt  }
0x64: {  	_ =	shalt  }
0x65: {  	_ =	shalt  }
0x66: {  	_ =	shalt  }
0x67: {  	_ =	shalt  }
0x68: {  	_ =	shalt  }
0x69: {  	_ =	shalt  }
0x6a: {  	_ =	shalt  }
0x6b: {  	_ =	shalt  }
0x6c: {  	_ =	shalt  }
0x6d: {  	_ =	shalt  }
0x6e: {  	_ =	shalt  }
0x6f: {  	_ =	shalt  }
0x70: {  	_ =	shalt  }
0x71: {  	_ =	shalt  }
0x72: {  	_ =	shalt  }
0x73: {  	_ =	shalt  }
0x74: {  	_ =	shalt  }
0x75: {  	_ =	shalt  }
0x76: {  	_ =	shalt  }
0x77: {  	_ =	shalt  }
0x78: {  	_ =	shalt  }
0x79: {  	_ =	shalt  }
0x7a: {  	_ =	shalt  }
0x7b: {  	_ =	shalt  }
0x7c: {  	_ =	shalt  }
0x7d: {  	_ =	shalt  }
0x7e: {  	_ =	shalt  }
0x7f: {  	_ =	shalt  }
0x80: {  	_ =	shalt  }
0x81: {  	_ =	shalt  }
0x82: {  	_ =	shalt  }
0x83: {  	_ =	shalt  }
0x84: {  	_ =	shalt  }
0x85: {  	_ =	shalt  }
0x86: {  	_ =	shalt  }
0x87: {  	_ =	shalt  }
.Lfunc_end0:
.L_simem_size_0:
called_computation_lowered:
.L_overlay_start_0:
0x88: {  	s2 =	sld [smem:$0x3FD9]  }
0x89: {  	s3 =	sld [smem:$0x3FFE];
	_ =	sdelay $0x1  }
0x8a: {  	s1 =	srdreg.scid  }
0x8b: {  	s0 =	sand.u32 $0x1, s1  }
0x8c: {  	s17 =	sshll.u32 s0, $0xA;
	s2 =	sadd.s32 s3, s2  }
0x8d: {  	s2 =	sadd.s32 s2, s17  }
0x8e: {  	[smem:$0x3FC2] =	sst s2  }
0x8f: {  	_ = 	snop  }
0x90: {  	s2 =	sld [smem:$0x3FD0];
	(tm) =	ssettm $0x1  }
0x91: {  	s18 =	sld [smem:$0x3FFB];
	_ =	sdelay $0x3  }
0x92: {  	_ =	strace s18  }
0x93: {  	s3 =	sld [smem:$0x3FFC];
	_ =	sdelay $0x3  }
0x94: {  	_ =	strace s3  }
0x95: {  	s3 =	sld [smem:$0x3FFD];
	_ =	sdelay $0x3  }
0x96: {  	_ =	strace s3  }
0x97: {  	_ =	strace $0x8FFFFFFF  }
0x98: {  	s19 =	sld [smem:$0x3FDB];
	_ =	sdelay $0x1  }
0x99: {  	s4 =	simm.s32 $_scs_section_size  }
0x9a: {  	s5 =	simm.s32 $_size__tile_overlayer_lowered;
	s6 =	simm.s32 $_tile_overlayer_lowered  }
0x9b: {  	s22 =	simm.s32 $0x1BFF;
	s21 =	sshll.u32 s6, $0x1;
	s3 =	sadd.s32 s4, s19  }
0x9c: {  	s7 =	simm.s32 $0x0;
	s20 =	sshll.u32 s5, $0x1;
	s5 =	sadd.s32 s21, s3  }
0x9d: {  	[timem:s7], [sflag:s22] =	dma.local [hbm:s5], s20  }
0x9e: {  	_ =	swait.ge [sflag:s22], s20  }
0x9f: {  	s4 =	ssub.s32 $0x0, s20;
	[sflag:s22] =	ssyncset.done $0x0  }
0xa0: {  	[sflag:s22] =	ssyncadd.s32 s4;
	_ =	sdelay $0x1  }
0xa1: {  	s23 =	simm.s32 $0x1B8B  }
0xa2: {  	_ =	swait.ge [sflag:s23], $0x1  }
0xa3: {  	[sflag:s23] =	ssyncset.done $0x0  }
0xa4: {  	s25 =	simm.s32 $0x1B8E;
	s24 =	sld [smem:$0x3FFE];
	[sflag:s23] =	ssyncadd.s32 $0xFFFFFFFF  }
0xa5: {  	s26 =	simm.s32 $execute0_lowered;
	[smem:$0x3FD2] =	sst s25  }
0xa6: {  	s5 =	sshll.u32 s26, $0x1;
	_ =	strace $0x8000004C;
	[dreg:$0x1] =	wrdreg $0xFFFFFFFF  }
0xa7: {  	s28 =	simm.s32 $_size_execute0_lowered;
	s3 =	sadd.s32 s3, s5;
	[dreg:$0x0] =	wrdreg $0x0  }
0xa8: {  	s5 =	sshll.u32 s28, $0x1;
	[dreg:$0x2] =	wrdreg s3  }
0xa9: {  	[dreg:$0x3] =	wrdreg s5  }
0xaa: {  	[dreg:$0x4] =	wrdreg $0xC0  }
0xab: {  	_ =	task [dreg:s7], $0x5FFFF  }
0xac: {  	[dreg:$0x1] =	wrdreg $0xFFFFFFFF  }
0xad: {  	[dreg:$0x0] =	wrdreg $0x60  }
0xae: {  	[dreg:$0x2] =	wrdreg s24  }
0xaf: {  	[dreg:$0x3] =	wrdreg s2  }
0xb0: {  	[dreg:$0x4] =	wrdreg $0xA7000  }
0xb1: {  	[dreg:$0x5] =	wrdreg $0x58000  }
0xb2: {  	[dreg:$0x6] =	wrdreg $0x9  }
0xb3: {  	_ =	task.clear_ibuf [dreg:s7], $0x7FFFF;
	_ =	strace $0x9000004C  }
0xb4: {  	s29 =	simm.s32 $0x9;
	_ =	strace $0x8000004E  }
0xb5: {  	_ =	swait.ge [sflag:s29], $0x1  }
0xb6: {  	[sflag:s29] =	ssyncadd.s32 $0xFFFFFFFF  }
0xb7: {  	_ =	strace $0x9000004E  }
0xb8: {  	_ =	sfence  }
0xb9: {  	s30 =	sld [smem:$0x0];
	_ =	sdelay $0x2  }
0xba: {  	s31 =	sshll.u32 s1, $0xD;
	s1 =	sshrl.u32 s1, $0x2  }
0xbb: {  	s3 =	sand.u32 $0x4000, s31;
	s1 =	sadd.s32 s1, s30  }
0xbc: {  	s0 =	sor.u32 s3, s0;
	s1 =	sshll.u32 s1, $0x11  }
0xbd: {  	s0 =	sor.u32 s1, s0  }
0xbe: {  	s0 =	sadd.s32 $0x8F2B, s0  }
0xbf: {  	[sflag:s0] =	ssyncadd.remote.s32 $0x1  }
0xc0: {  	_ =	sfence.sel $0xFFFF  }
0xc1: {  	[dreg:$0x0] =	wrdreg $0xFFFFFFFF;
	(pc) =	sbr.abs _section_cstart, $3  }
0xc2: {  	[dreg:$0x1] =	wrdreg $0xFFFFFFFF  }
0xc3: {  	_ =	task.clear_ibuf [dreg:s7], $0x2FFFF;
	_ =	strace $0x9FFFFFFF  }
0xc4: {  	(tm) =	ssettm $0x7FFFFFFF  }
0xc5: {  	_ =	shalt  }
tec
execute0_lowered:
.L_overlay_start_1:
0x0: {  	(tag) =	ssettag $0x1  }
0x1: {  	s0 =	rddreg [dreg:$0x0]  }
0x2: {  	s3 =	rddreg [dreg:$0x1]  }
0x3: {  	s1 =	rddreg [dreg:$0x2]  }
0x4: {  	s2 =	rddreg [dreg:$0x3];
	s5 =	srdreg.scid;
	s4 =	simm.s32 $0x0  }
0x5: {  	s19 =	stileid.u32;
	s28 =	simm.s32 $0x8;
	s29 =	simm.s32 $0x9  }
0x6: {  	s30 =	simm.s32 $0xA;
	s31 =	simm.s32 $0x0;
	s8 =	sand.u32 $0x1, s5  }
0x7: {  	[smem:$0x7FF] =	sst s4;
	s9 =	sadd.s32 $0x16000, s0;
	s6 =	sadd.s32 $0xBA00, s0  }
0x8: {  	s12 =	smul.u32 $0x9E00, s19;
	s7 =	sadd.s32 $0x1A00, s0;
	s5 =	sshll.u32 s8, $0x4  }
0x9: {  	_ =	strace $0x8000004D;
	s10 =	ssub.s32 $0x2, s8;
	s8 =	smul.u32 $0x9E000, s8  }
0xa: {  	s5 =	sor.u32 s19, s5;
	s11 =	sshrl.u32 s10, $0x1;
	s13 =	sadd.s32 $0x4000, s12  }
0xb: {  	s14 =	sshrl.u32 s12, $0x4;
	s15 =	sadd.s32 $0x6000, s12;
	s16 =	sadd.s32 $0x8000, s12  }
0xc: {  	s5 =	smul.u32 $0x2800, s5;
	s0 =	ssub.s32 s10, s11;
	s11 =	sadd.s32 $0x2000, s12  }
0xd: {  	s14 =	sadd.s32 s9, s14;
	s17 =	sshrl.u32 s13, $0x4;
	s25 =	sshrl.u32 s15, $0x4  }
0xe: {  	s26 =	sadd.s32 s12, s8;
	s18 =	sshrl.u32 s16, $0x4;
	s21 =	sadd.s32 s8, s13  }
0xf: {  	s22 =	sadd.s32 s8, s15;
	[dreg:$0x5] =	wrdreg s14;
	s24 =	sadd.s32 s9, s17  }
0x10: {  	s23 =	sshrl.u32 s11, $0x4;
	s0 =	smax.u32 s0, $0x1;
	[dreg:$0x7] =	wrdreg s24  }
0x11: {  	s4 =	sadd.s32 s8, s11;
	s14 =	sadd.s32 s9, s23;
	[dreg:$0x16] =	wrdreg s0  }
0x12: {  	s8 =	sadd.s32 s8, s16;
	[dreg:$0x6] =	wrdreg s14;
	s14 =	sadd.s32 s9, s25  }
0x13: {  	s17 =	sshrl.u32 s4, $0x4;
	s9 =	sadd.s32 s9, s18;
	[dreg:$0x8] =	wrdreg s14  }
0x14: {  	s10 =	sshrl.u32 s5, $0x3;
	s20 =	sadd.s32 s3, s17;
	[dreg:$0x9] =	wrdreg s9  }
0x15: {  	s8 =	sshrl.u32 s8, $0x4;
	s24 =	sadd.s32 s6, s10;
	[dreg:$0xb] =	wrdreg s20  }
0x16: {  	s25 =	sadd.s32 s7, s10;
	s14 =	sshrl.u32 s26, $0x4;
	[dreg:$0xf] =	wrdreg s24  }
0x17: {  	s9 =	sshrl.u32 s21, $0x4;
	[dreg:$0x10] =	wrdreg s25;
	s26 =	sor.u32 $0x80, s10  }
0x18: {  	s10 =	sshrl.u32 s11, $0x1;
	s11 =	sshrl.u32 s13, $0x1;
	s13 =	sshrl.u32 s15, $0x1  }
0x19: {  	s18 =	sadd.s32 s3, s14;
	s14 =	sshrl.u32 s22, $0x4;
	s9 =	sadd.s32 s3, s9  }
0x1a: {  	s4 =	sadd.s32 s6, s26;
	s25 =	sadd.s32 s10, s1;
	[dreg:$0xa] =	wrdreg s18  }
0x1b: {  	s15 =	sadd.s32 s11, s1;
	[dreg:$0xc] =	wrdreg s9;
	s23 =	sadd.s32 s3, s14  }
0x1c: {  	s3 =	sadd.s32 s3, s8;
	[dreg:$0x11] =	wrdreg s4;
	s9 =	sshrl.u32 s12, $0x1  }
0x1d: {  	s14 =	sshrl.u32 s16, $0x1;
	s8 =	sadd.s32 s10, s2;
	[dreg:$0x13] =	wrdreg s15  }
0x1e: {  	s16 =	sadd.s32 s13, s1;
	s10 =	sadd.s32 s13, s2;
	s4 =	simm.s32 $0xC00  }
0x1f: {  	s12 =	simm.s32 $0x2;
	s13 =	simm.s32 $0x3;
	[dreg:$0xd] =	wrdreg s23  }
0x20: {  	s15 =	simm.s32 $0x5;
	[dreg:$0xe] =	wrdreg s3;
	s3 =	sadd.s32 s7, s26  }
0x21: {  	s24 =	sadd.s32 s9, s1;
	[dreg:$0x14] =	wrdreg s16;
	s23 =	sadd.s32 s14, s1  }
0x22: {  	s18 =	sshrl.u32 s8, $0x3;
	s21 =	sshrl.u32 s10, $0x3;
	s8 =	sshll.u32 s19, $0x6  }
0x23: {  	s16 =	simm.s32 $0x80;
	s19 =	simm.s32 $0x4800;
	[dreg:$0x12] =	wrdreg s3  }
0x24: {  	s10 =	simm.s32 $0x1;
	s3 =	sadd.s32 s9, s2;
	[dreg:$0x18] =	wrdreg s18  }
0x25: {  	s9 =	sadd.s32 s11, s2;
	s11 =	sadd.s32 s14, s2;
	[dreg:$0x1a] =	wrdreg s21  }
0x26: {  	s26 =	sor.u32 $0x1C02, s8;
	s14 =	simm.s32 $0x4;
	[dreg:$0x15] =	wrdreg s23  }
0x27: {  	s18 =	simm.s32 $0x3800;
	s17 =	sshrl.u32 s3, $0x3;
	[dreg:$0x1c] =	wrdreg s26  }
0x28: {  	s21 =	simm.s32 $0x7;
	s20 =	sshrl.u32 s9, $0x3;
	[dreg:$0x17] =	wrdreg s17  }
0x29: {  	s22 =	sshrl.u32 s11, $0x3;
	s11 =	simm.s32 $0x1800;
	[dreg:$0x19] =	wrdreg s20  }
0x2a: {  	v0 =	vimm.bf16 $0.0e+00;
	[dreg:$0x1b] =	wrdreg s22;
	s17 =	simm.s32 $0x2800;
	s20 =	simm.s32 $0x6  }
.LBB2_1:
0x2b: {  	s0 =	rddreg [dreg:$0xf];
	s3 =	simm.s32 $0x0  }
0x2c: {  	[tilespmem:s3], [sflag:$0x1] =	stream.linear.gather [hbm4b:s0+s3], $0x400, $0x38;
	[tilespmem:$0xF600] =	vst v63  }
0x2d: {  	s26 =	rddreg [dreg:$0x10]  }
0x2e: {  	[tilespmem:s4], [sflag:$0x1] =	stream.linear.gather [hbm4b:s26+s3], $0x400, $0x38;
	[tilespmem:$0xF600] =	vst v63  }
0x2f: {  	s9 =	rddreg [dreg:$0x11];
	s22 =	simm.s32 $0x400  }
0x30: {  	[tilespmem:s22], [sflag:$0x9] =	stream.linear.gather [hbm4b:s9+s3], $0x400, $0x38;
	[tilespmem:$0xF600] =	vst v63  }
0x31: {  	s26 =	rddreg [dreg:$0x12];
	s9 =	simm.s32 $0x1000  }
0x32: {  	[tilespmem:s9], [sflag:$0xA] =	stream.linear.gather [hbm4b:s26+s3], $0x400, $0x38;
	[tilespmem:$0xF600] =	vst v63  }
0x33: {  	s0 =	simm.s32 $0x80;
	s4 =	simm.s32 $0x0;
	s3 =	simm.s32 $0x0  }
.LBB2_2:
0x34: {  	p0 =	sne.s32 s0, $0x3F80;
	[tilespmem:s3+$0x1800] =	vst v0;
	s22 =	smov.u32 s0;
	s0 =	sadd.s32 $0x80, s0  }
.Ltmp0:
0x35: {  	[tilespmem:s3+$0x1810] =	vst v0;
	(pc) =	sbr.rel @p0 .LBB2_2-.Ltmp0, $2  }
0x36: {  	_ =	sdelay $0x2  }
0x37: {  	s3 =	sshra.s32 s22, $0x2  }
0x38: {  	[tilespmem:s3+$0x1800] =	vst v0  }
0x39: {  	[tilespmem:s3+$0x1810] =	vst v0;
	s0 =	rddreg [dreg:$0x13]  }
0x3a: {  	[spmem:s24] =	stream.linear.scatter [tilespmem:s11], [sflag:$0x5], $0x1000, $0x38;
	[tilespmem:$0xF600] =	vst v63  }
0x3b: {  	s3 =	rddreg [dreg:$0x5]  }
0x3c: {  	[spmem:s25] =	stream.linear.scatter [tilespmem:s11], [sflag:$0x5], $0x1000, $0x38;
	[tilespmem:$0xF600] =	vst v63  }
0x3d: {  	s22 =	rddreg [dreg:$0x17]  }
0x3e: {  	[spmem:s0] =	stream.linear.scatter [tilespmem:s11], [sflag:$0x5], $0x1000, $0x38;
	[tilespmem:$0xF600] =	vst v63  }
0x3f: {  	s9 =	smov.u32 s25;
	s25 =	rddreg [dreg:$0x14]  }
0x40: {  	[spmem:s25] =	stream.linear.scatter [tilespmem:s11], [sflag:$0x5], $0x1000, $0x38;
	[tilespmem:$0xF600] =	vst v63  }
0x41: {  	s26 =	smov.u32 s24;
	s24 =	rddreg [dreg:$0x1c]  }
0x42: {  	[spmem:s23] =	stream.linear.scatter [tilespmem:s11], [sflag:$0x5], $0xF00, $0x38;
	[tilespmem:$0xF600] =	vst v63  }
0x43: {  	[spmem:s22], [sflag:s24] =	dma.local [hbm:s3], $0x200  }
0x44: {  	s3 =	rddreg [dreg:$0x6]  }
0x45: {  	s0 =	sor.u32 $0x1C03, s8;
	s22 =	rddreg [dreg:$0x18]  }
0x46: {  	[spmem:s22], [sflag:s0] =	dma.local [hbm:s3], $0x200  }
0x47: {  	s22 =	rddreg [dreg:$0x7]  }
0x48: {  	s23 =	sor.u32 $0x1C04, s8;
	s25 =	rddreg [dreg:$0x19]  }
0x49: {  	[spmem:s25], [sflag:s23] =	dma.local [hbm:s22], $0x200  }
0x4a: {  	s3 =	rddreg [dreg:$0x8]  }
0x4b: {  	s22 =	rddreg [dreg:$0x1a]  }
0x4c: {  	[spmem:s22], [sflag:s24] =	dma.local [hbm:s3], $0x200  }
0x4d: {  	s3 =	rddreg [dreg:$0x9]  }
0x4e: {  	s22 =	rddreg [dreg:$0x1b]  }
0x4f: {  	[spmem:s22], [sflag:s0] =	dma.local [hbm:s3], $0x1E0  }
0x50: {  	_ =	swait.ge [sflag:s12], $0x200  }
0x51: {  	[sflag:s12] =	ssyncset.done $0x0  }
0x52: {  	[sflag:s12] =	ssyncadd.s32 $0xFFFFFE00  }
0x53: {  	_ =	swait.ge [sflag:s13], $0x200  }
0x54: {  	[sflag:s13] =	ssyncset.done $0x0  }
0x55: {  	[sflag:s13] =	ssyncadd.s32 $0xFFFFFE00  }
0x56: {  	_ =	swait.ge [sflag:s14], $0x200  }
0x57: {  	[sflag:s14] =	ssyncset.done $0x0  }
0x58: {  	[sflag:s14] =	ssyncadd.s32 $0xFFFFFE00  }
0x59: {  	_ =	swait.ge [sflag:s12], $0x200  }
0x5a: {  	[sflag:s12] =	ssyncset.done $0x0  }
0x5b: {  	[sflag:s12] =	ssyncadd.s32 $0xFFFFFE00  }
0x5c: {  	_ =	swait.ge [sflag:s13], $0x1E0  }
0x5d: {  	[sflag:s13] =	ssyncset.done $0x0  }
0x5e: {  	[sflag:s13] =	ssyncadd.s32 $0xFFFFFE20  }
0x5f: {  	_ =	swait.ge [sflag:s15], $0x1000  }
0x60: {  	[sflag:s15] =	ssyncset.done $0x0  }
0x61: {  	[sflag:s15] =	ssyncadd.s32 $0xFFFFF000  }
0x62: {  	_ =	swait.ge [sflag:s15], $0x1000  }
0x63: {  	[sflag:s15] =	ssyncset.done $0x0  }
0x64: {  	[sflag:s15] =	ssyncadd.s32 $0xFFFFF000  }
0x65: {  	_ =	swait.ge [sflag:s15], $0x1000  }
0x66: {  	[sflag:s15] =	ssyncset.done $0x0  }
0x67: {  	[sflag:s15] =	ssyncadd.s32 $0xFFFFF000  }
0x68: {  	_ =	swait.ge [sflag:s15], $0x1000  }
0x69: {  	[sflag:s15] =	ssyncset.done $0x0  }
0x6a: {  	[sflag:s15] =	ssyncadd.s32 $0xFFFFF000  }
0x6b: {  	_ =	swait.ge [sflag:s15], $0xF00  }
0x6c: {  	[sflag:s15] =	ssyncset.done $0x0  }
0x6d: {  	s0 =	simm.s32 $0x1;
	[sflag:s15] =	ssyncadd.s32 $0xFFFFF100  }
0x6e: {  	_ =	swait.ge [sflag:s0], $0x400  }
0x6f: {  	[sflag:s0] =	ssyncset.done $0x0  }
0x70: {  	[sflag:s0] =	ssyncadd.s32 $0xFFFFFC00  }
0x71: {  	_ =	swait.ge [sflag:s0], $0x400  }
0x72: {  	[sflag:s0] =	ssyncset.done $0x0  }
0x73: {  	[sflag:s0] =	ssyncadd.s32 $0xFFFFFC00  }
0x74: {  	[bflag:$0x0] =	sbarrier.arrive $0xFFFF  }
0x75: {  	[tilespmem:s11], [sflag:$0x1] =	stream.indirect.gather [spmem:s2], $0x20, s4, s16, $0xb8;
	[tilespmem:$0xF600] =	vst v63  }
0x76: {  	_ = 	snop  }
0x77: {  	[tilespmem:s17], [sflag:$0x2] =	stream.indirect.gather [spmem:s2], $0x20, s16, s16, $0xb8;
	[tilespmem:$0xF600] =	vst v63  }
0x78: {  	s23 =	simm.s32 $0x100  }
0x79: {  	[tilespmem:s18], [sflag:$0x3] =	stream.indirect.gather [spmem:s2], $0x20, s23, s16, $0xb8;
	[tilespmem:$0xF600] =	vst v63  }
0x7a: {  	_ =	swait.ge [sflag:s0], $0x1000  }
0x7b: {  	[sflag:s0] =	ssyncset.done $0x0  }
0x7c: {  	s4 =	simm.s32 $0xC00;
	[sflag:s0] =	ssyncadd.s32 $0xFFFFF000  }
0x7d: {  	[spmem:s1] =	stream.indirect.scatter.add.bf16 [tilespmem:s11], [sflag:$0x5], $0x20, s4, s16, $0xb8;
	[tilespmem:$0xF600] =	vst v63  }
0x7e: {  	s24 =	simm.s32 $0x180  }
0x7f: {  	[tilespmem:s19], [sflag:$0x4] =	stream.indirect.gather [spmem:s2], $0x20, s24, s16, $0xb8;
	[tilespmem:$0xF600] =	vst v63  }
0x80: {  	_ =	swait.ge [sflag:s12], $0x1000  }
0x81: {  	[sflag:s12] =	ssyncset.done $0x0  }
0x82: {  	s25 =	simm.s32 $0xC80;
	[sflag:s12] =	ssyncadd.s32 $0xFFFFF000  }
0x83: {  	[spmem:s1] =	stream.indirect.scatter.add.bf16 [tilespmem:s17], [sflag:$0x6], $0x20, s25, s16, $0xb8;
	[tilespmem:$0xF600] =	vst v63  }
0x84: {  	_ =	swait.ge [sflag:s15], $0x1000  }
0x85: {  	[sflag:s15] =	ssyncset.done $0x0  }
0x86: {  	s22 =	simm.s32 $0x200;
	[sflag:s15] =	ssyncadd.s32 $0xFFFFF000  }
0x87: {  	[tilespmem:s11], [sflag:$0x1] =	stream.indirect.gather [spmem:s2], $0x20, s22, s16, $0xb8;
	[tilespmem:$0xF600] =	vst v63  }
0x88: {  	_ =	swait.ge [sflag:s13], $0x1000  }
0x89: {  	[sflag:s13] =	ssyncset.done $0x0  }
0x8a: {  	s23 =	simm.s32 $0xD00;
	[sflag:s13] =	ssyncadd.s32 $0xFFFFF000  }
0x8b: {  	[spmem:s1] =	stream.indirect.scatter.add.bf16 [tilespmem:s18], [sflag:$0x7], $0x20, s23, s16, $0xb8;
	[tilespmem:$0xF600] =	vst v63  }
0x8c: {  	_ =	swait.ge [sflag:s20], $0x1000  }
0x8d: {  	[sflag:s20] =	ssyncset.done $0x0  }
0x8e: {  	s24 =	simm.s32 $0x280;
	[sflag:s20] =	ssyncadd.s32 $0xFFFFF000  }
0x8f: {  	[tilespmem:s17], [sflag:$0x2] =	stream.indirect.gather [spmem:s2], $0x20, s24, s16, $0xb8;
	[tilespmem:$0xF600] =	vst v63  }
0x90: {  	_ =	swait.ge [sflag:s14], $0x1000  }
0x91: {  	[sflag:s14] =	ssyncset.done $0x0  }
0x92: {  	s25 =	simm.s32 $0xD80;
	[sflag:s14] =	ssyncadd.s32 $0xFFFFF000  }
0x93: {  	[spmem:s1] =	stream.indirect.scatter.add.bf16 [tilespmem:s19], [sflag:$0x8], $0x20, s25, s16, $0xb8;
	[tilespmem:$0xF600] =	vst v63  }
0x94: {  	_ =	swait.ge [sflag:s21], $0x1000  }
0x95: {  	[sflag:s21] =	ssyncset.done $0x0  }
0x96: {  	s22 =	simm.s32 $0x300;
	[sflag:s21] =	ssyncadd.s32 $0xFFFFF000  }
0x97: {  	[tilespmem:s18], [sflag:$0x3] =	stream.indirect.gather [spmem:s2], $0x20, s22, s16, $0xb8;
	[tilespmem:$0xF600] =	vst v63  }
0x98: {  	_ =	swait.ge [sflag:s0], $0x1000  }
0x99: {  	[sflag:s0] =	ssyncset.done $0x0  }
0x9a: {  	s23 =	simm.s32 $0xE00;
	[sflag:s0] =	ssyncadd.s32 $0xFFFFF000  }
0x9b: {  	[spmem:s1] =	stream.indirect.scatter.add.bf16 [tilespmem:s11], [sflag:$0x5], $0x20, s23, s16, $0xb8;
	[tilespmem:$0xF600] =	vst v63  }
0x9c: {  	_ =	swait.ge [sflag:s28], $0x1000  }
0x9d: {  	[sflag:s28] =	ssyncset.done $0x0  }
0x9e: {  	s24 =	simm.s32 $0x380;
	[sflag:s28] =	ssyncadd.s32 $0xFFFFF000  }
0x9f: {  	[tilespmem:s19], [sflag:$0x4] =	stream.indirect.gather [spmem:s2], $0x20, s24, s16, $0xb8;
	[tilespmem:$0xF600] =	vst v63  }
0xa0: {  	_ =	swait.ge [sflag:s12], $0x1000  }
0xa1: {  	[sflag:s12] =	ssyncset.done $0x0  }
0xa2: {  	s25 =	simm.s32 $0xE80;
	[sflag:s12] =	ssyncadd.s32 $0xFFFFF000  }
0xa3: {  	[spmem:s1] =	stream.indirect.scatter.add.bf16 [tilespmem:s17], [sflag:$0x6], $0x20, s25, s16, $0xb8;
	[tilespmem:$0xF600] =	vst v63  }
.LBB2_4:
0xa4: {  	s3 =	sadd.s32 $0xFFFFFFFF, s0  }
0xa5: {  	s22 =	sshll.u32 s3, $0x18  }
0xa6: {  	s22 =	sshra.s32 s22, $0x18  }
0xa7: {  	s22 =	smul.u32 $0x56, s22;
	_ =	sdelay $0x1  }
0xa8: {  	s23 =	sshrl.u32 s22, $0x1F;
	s22 =	sshrl.u32 s22, $0x8  }
0xa9: {  	s22 =	sadd.s32 s23, s22  }
0xaa: {  	s22 =	smul.u32 $0x3, s22;
	_ =	sdelay $0x1  }
0xab: {  	s24 =	smul.u32 $0xAB, s0;
	s3 =	ssub.s32 s3, s22  }
0xac: {  	s3 =	sshll.u32 s3, $0x18  }
0xad: {  	_ =	swait.ge [sflag:s13], $0x1000;
	s22 =	sshrl.u32 s24, $0x9;
	s3 =	sshra.s32 s3, $0x18  }
0xae: {  	[sflag:s13] =	ssyncset.done $0x0;
	s22 =	sand.u32 $0x7F, s22;
	s23 =	sshll.u32 s3, $0xA  }
0xaf: {  	s25 =	smul.u32 $0x3, s22;
	p0 =	slt.s32 s3, $0x0;
	s3 =	sadd.s32 $0xC00, s23  }
0xb0: {  	[sflag:s13] =	ssyncadd.s32 $0xFFFFF000;
	s23 =	smov.u32 @p0 s3;
	p0 =	seq.s32 s0, $0x9  }
0xb1: {  	s3 =	ssub.s32 s0, s25;
	s24 =	sadd.s32 $0xF00, s23;
	s0 =	sadd.s32 @!p0 $0x1, s0  }
0xb2: {  	[spmem:s1] =	stream.indirect.scatter.add.bf16 [tilespmem:s18], [sflag:$0x7], $0x20, s24, s16, $0xb8;
	[tilespmem:$0xF600] =	vst v63  }
0xb3: {  	s25 =	sadd.s32 $0xF80, s23;
	s23 =	smul.u32 @!p0 $0xAB, s0;
	_ =	swait.ge [sflag:s14], $0x1000  }
0xb4: {  	[sflag:s14] =	ssyncset.done $0x0  }
0xb5: {  	s22 =	sshrl.u32 @!p0 s23, $0x9;
	[sflag:s14] =	ssyncadd.s32 $0xFFFFF000  }
0xb6: {  	[spmem:s1] =	stream.indirect.scatter.add.bf16 [tilespmem:s19], [sflag:$0x8], $0x20, s25, s16, $0xb8;
	[tilespmem:$0xF600] =	vst v63  }
0xb7: {  	s22 =	sand.u32 @!p0 $0x7F, s22;
	_ =	swait.ge [sflag:s29], $0x400  }
0xb8: {  	s23 =	sshll.u32 @!p0 s0, $0xA;
	s22 =	smul.u32 @!p0 $0x3, s22;
	[sflag:s29] =	ssyncset.done $0x0  }
0xb9: {  	s23 =	sadd.s32 @!p0 s5, s23;
	[sflag:s29] =	ssyncadd.s32 $0xFFFFFC00  }
0xba: {  	s23 =	sshrl.u32 @!p0 s23, $0x3;
	s22 =	ssub.s32 @!p0 s0, s22;
	_ =	swait.ge [sflag:s30], $0x400  }
0xbb: {  	s25 =	simm.s32 @!p0 $0x0;
	s22 =	sand.u32 @!p0 $0xFF, s22;
	[sflag:s30] =	ssyncset.done $0x0  }
0xbc: {  	s24 =	sadd.s32 @!p0 s6, s23;
	s22 =	sshll.u32 @!p0 s22, $0xA;
	[sflag:s30] =	ssyncadd.s32 $0xFFFFFC00  }
0xbd: {  	[tilespmem:s22], [sflag:$0x9] =	stream.linear.gather @!p0 [hbm4b:s24+s25], $0x400, $0x38;
	[tilespmem:$0xF600] =	vst v63  }
0xbe: {  	s23 =	sadd.s32 @!p0 s7, s23;
	s22 =	sadd.s32 @!p0 $0xC00, s22  }
0xbf: {  	[tilespmem:s22], [sflag:$0xA] =	stream.linear.gather @!p0 [hbm4b:s23+s25], $0x400, $0x38;
	[tilespmem:$0xF600] =	vst v63  }
0xc0: {  	_ =	swait.ge [sflag:s15], $0x1000  }
0xc1: {  	s3 =	sand.u32 $0xFF, s3;
	[sflag:s15] =	ssyncset.done $0x0  }
0xc2: {  	s3 =	sshll.u32 s3, $0xA;
	[sflag:s15] =	ssyncadd.s32 $0xFFFFF000  }
0xc3: {  	[tilespmem:s11], [sflag:$0x1] =	stream.indirect.gather [spmem:s2], $0x20, s3, s16, $0xb8;
	[tilespmem:$0xF600] =	vst v63  }
0xc4: {  	_ =	swait.ge [sflag:s20], $0x1000  }
0xc5: {  	[sflag:s20] =	ssyncset.done $0x0  }
0xc6: {  	s23 =	sor.u32 $0x80, s3;
	[sflag:s20] =	ssyncadd.s32 $0xFFFFF000  }
0xc7: {  	[tilespmem:s17], [sflag:$0x2] =	stream.indirect.gather [spmem:s2], $0x20, s23, s16, $0xb8;
	[tilespmem:$0xF600] =	vst v63  }
0xc8: {  	_ =	swait.ge [sflag:s21], $0x1000  }
0xc9: {  	[sflag:s21] =	ssyncset.done $0x0  }
0xca: {  	s24 =	sor.u32 $0x100, s3;
	[sflag:s21] =	ssyncadd.s32 $0xFFFFF000  }
0xcb: {  	[tilespmem:s18], [sflag:$0x3] =	stream.indirect.gather [spmem:s2], $0x20, s24, s16, $0xb8;
	[tilespmem:$0xF600] =	vst v63  }
0xcc: {  	_ =	swait.ge [sflag:s10], $0x1000  }
0xcd: {  	[sflag:s10] =	ssyncset.done $0x0  }
0xce: {  	s25 =	sadd.s32 $0xC00, s3;
	[sflag:s10] =	ssyncadd.s32 $0xFFFFF000  }
0xcf: {  	[spmem:s1] =	stream.indirect.scatter.add.bf16 [tilespmem:s11], [sflag:$0x5], $0x20, s25, s16, $0xb8;
	[tilespmem:$0xF600] =	vst v63  }
0xd0: {  	_ =	swait.ge [sflag:s28], $0x1000  }
0xd1: {  	[sflag:s28] =	ssyncset.done $0x0  }
0xd2: {  	s23 =	sor.u32 $0x180, s3;
	[sflag:s28] =	ssyncadd.s32 $0xFFFFF000  }
0xd3: {  	[tilespmem:s19], [sflag:$0x4] =	stream.indirect.gather [spmem:s2], $0x20, s23, s16, $0xb8;
	[tilespmem:$0xF600] =	vst v63  }
0xd4: {  	_ =	swait.ge [sflag:s12], $0x1000  }
0xd5: {  	[sflag:s12] =	ssyncset.done $0x0  }
0xd6: {  	s24 =	sadd.s32 $0xC80, s3;
	[sflag:s12] =	ssyncadd.s32 $0xFFFFF000  }
0xd7: {  	[spmem:s1] =	stream.indirect.scatter.add.bf16 [tilespmem:s17], [sflag:$0x6], $0x20, s24, s16, $0xb8;
	[tilespmem:$0xF600] =	vst v63  }
0xd8: {  	_ =	swait.ge [sflag:s15], $0x1000  }
0xd9: {  	[sflag:s15] =	ssyncset.done $0x0  }
0xda: {  	s25 =	sor.u32 $0x200, s3;
	[sflag:s15] =	ssyncadd.s32 $0xFFFFF000  }
0xdb: {  	[tilespmem:s11], [sflag:$0x1] =	stream.indirect.gather [spmem:s2], $0x20, s25, s16, $0xb8;
	[tilespmem:$0xF600] =	vst v63  }
0xdc: {  	_ =	swait.ge [sflag:s13], $0x1000  }
0xdd: {  	[sflag:s13] =	ssyncset.done $0x0  }
0xde: {  	s23 =	sadd.s32 $0xD00, s3;
	[sflag:s13] =	ssyncadd.s32 $0xFFFFF000  }
0xdf: {  	[spmem:s1] =	stream.indirect.scatter.add.bf16 [tilespmem:s18], [sflag:$0x7], $0x20, s23, s16, $0xb8;
	[tilespmem:$0xF600] =	vst v63  }
0xe0: {  	_ =	swait.ge [sflag:s20], $0x1000  }
0xe1: {  	[sflag:s20] =	ssyncset.done $0x0  }
0xe2: {  	s24 =	sor.u32 $0x280, s3;
	[sflag:s20] =	ssyncadd.s32 $0xFFFFF000  }
0xe3: {  	[tilespmem:s17], [sflag:$0x2] =	stream.indirect.gather [spmem:s2], $0x20, s24, s16, $0xb8;
	[tilespmem:$0xF600] =	vst v63  }
0xe4: {  	_ =	swait.ge [sflag:s14], $0x1000  }
0xe5: {  	[sflag:s14] =	ssyncset.done $0x0  }
0xe6: {  	s25 =	sadd.s32 $0xD80, s3;
	[sflag:s14] =	ssyncadd.s32 $0xFFFFF000  }
0xe7: {  	[spmem:s1] =	stream.indirect.scatter.add.bf16 [tilespmem:s19], [sflag:$0x8], $0x20, s25, s16, $0xb8;
	[tilespmem:$0xF600] =	vst v63  }
0xe8: {  	_ =	swait.ge [sflag:s21], $0x1000  }
0xe9: {  	[sflag:s21] =	ssyncset.done $0x0  }
0xea: {  	s23 =	sor.u32 $0x300, s3;
	[sflag:s21] =	ssyncadd.s32 $0xFFFFF000  }
0xeb: {  	[tilespmem:s18], [sflag:$0x3] =	stream.indirect.gather [spmem:s2], $0x20, s23, s16, $0xb8;
	[tilespmem:$0xF600] =	vst v63  }
0xec: {  	_ =	swait.ge [sflag:s10], $0x1000  }
0xed: {  	[sflag:s10] =	ssyncset.done $0x0  }
0xee: {  	s24 =	sadd.s32 $0xE00, s3;
	[sflag:s10] =	ssyncadd.s32 $0xFFFFF000  }
0xef: {  	[spmem:s1] =	stream.indirect.scatter.add.bf16 [tilespmem:s11], [sflag:$0x5], $0x20, s24, s16, $0xb8;
	[tilespmem:$0xF600] =	vst v63  }
0xf0: {  	_ =	swait.ge [sflag:s28], $0x1000  }
0xf1: {  	s0 =	simm.s32 @p0 $0xA;
	[sflag:s28] =	ssyncset.done $0x0  }
0xf2: {  	p0 =	sne.s32 s0, $0xA;
	s25 =	sor.u32 $0x380, s3;
	[sflag:s28] =	ssyncadd.s32 $0xFFFFF000  }
0xf3: {  	[tilespmem:s19], [sflag:$0x4] =	stream.indirect.gather [spmem:s2], $0x20, s25, s16, $0xb8;
	[tilespmem:$0xF600] =	vst v63  }
.Ltmp1:
0xf4: {  	_ = 	snop;
	(pc) =	sbr.rel @p0 .LBB2_4-.Ltmp1, $4  }
0xf5: {  	_ =	swait.ge [sflag:s12], $0x1000  }
0xf6: {  	[sflag:s12] =	ssyncset.done $0x0  }
0xf7: {  	s3 =	sadd.s32 $0xE80, s3;
	[sflag:s12] =	ssyncadd.s32 $0xFFFFF000  }
0xf8: {  	[spmem:s1] =	stream.indirect.scatter.add.bf16 [tilespmem:s17], [sflag:$0x6], $0x20, s3, s16, $0xb8;
	[tilespmem:$0xF600] =	vst v63  }
0xf9: {  	_ =	swait.ge [sflag:s13], $0x1000  }
0xfa: {  	[sflag:s13] =	ssyncset.done $0x0  }
0xfb: {  	s0 =	simm.s32 $0xF00;
	[sflag:s13] =	ssyncadd.s32 $0xFFFFF000  }
0xfc: {  	[spmem:s1] =	stream.indirect.scatter.add.bf16 [tilespmem:s18], [sflag:$0x7], $0x20, s0, s16, $0xb8;
	[tilespmem:$0xF600] =	vst v63  }
0xfd: {  	_ =	swait.ge [sflag:s14], $0x1000  }
0xfe: {  	[sflag:s14] =	ssyncset.done $0x0  }
0xff: {  	s25 =	simm.s32 $0xF80;
	[sflag:s14] =	ssyncadd.s32 $0xFFFFF000  }
0x100: {  	[spmem:s1] =	stream.indirect.scatter.add.bf16 [tilespmem:s19], [sflag:$0x8], $0x20, s25, s16, $0xb8;
	[tilespmem:$0xF600] =	vst v63  }
0x101: {  	_ =	swait.ge [sflag:s15], $0x1000  }
0x102: {  	[sflag:s15] =	ssyncset.done $0x0  }
0x103: {  	[sflag:s15] =	ssyncadd.s32 $0xFFFFF000  }
0x104: {  	_ =	swait.ge [sflag:s20], $0x1000  }
0x105: {  	[sflag:s20] =	ssyncset.done $0x0  }
0x106: {  	[sflag:s20] =	ssyncadd.s32 $0xFFFFF000  }
0x107: {  	_ =	swait.ge [sflag:s21], $0x1000  }
0x108: {  	[sflag:s21] =	ssyncset.done $0x0  }
0x109: {  	[sflag:s21] =	ssyncadd.s32 $0xFFFFF000  }
0x10a: {  	_ =	swait.ge [sflag:s28], $0x1000  }
0x10b: {  	[sflag:s28] =	ssyncset.done $0x0  }
0x10c: {  	[sflag:s28] =	ssyncadd.s32 $0xFFFFF000  }
0x10d: {  	s24 =	smov.u32 s26;
	s3 =	sshrl.u32 s26, $0x3;
	[bflag:$0x0] =	sbarrier.arrive $0xFFFF  }
0x10e: {  	s26 =	sor.u32 $0x1C06, s8;
	s0 =	sor.u32 $0x1C05, s8;
	s22 =	rddreg [dreg:$0xa]  }
0x10f: {  	[hbm:s22], [sflag:s0] =	dma.local [spmem:s3], $0x200  }
0x110: {  	s25 =	smov.u32 s9;
	s9 =	sshrl.u32 s9, $0x3;
	s23 =	rddreg [dreg:$0xb]  }
0x111: {  	[hbm:s23], [sflag:s26] =	dma.local [spmem:s9], $0x200  }
0x112: {  	s26 =	rddreg [dreg:$0x13]  }
0x113: {  	s22 =	sor.u32 $0x1C07, s8;
	s23 =	rddreg [dreg:$0xc];
	s9 =	sshrl.u32 s26, $0x3  }
0x114: {  	[hbm:s23], [sflag:s22] =	dma.local [spmem:s9], $0x200  }
0x115: {  	s23 =	rddreg [dreg:$0x14]  }
0x116: {  	s22 =	sor.u32 $0x1C08, s8;
	s26 =	sshrl.u32 s23, $0x3;
	s23 =	rddreg [dreg:$0xd]  }
0x117: {  	[hbm:s23], [sflag:s22] =	dma.local [spmem:s26], $0x200  }
0x118: {  	s23 =	rddreg [dreg:$0x15]  }
0x119: {  	s22 =	rddreg [dreg:$0xe];
	s9 =	sshrl.u32 s23, $0x3  }
0x11a: {  	[hbm:s22], [sflag:s0] =	dma.local [spmem:s9], $0x1E0  }
0x11b: {  	_ =	swait.ge [sflag:s15], $0x200  }
0x11c: {  	[sflag:s15] =	ssyncset.done $0x0  }
0x11d: {  	[sflag:s15] =	ssyncadd.s32 $0xFFFFFE00  }
0x11e: {  	_ =	swait.ge [sflag:s20], $0x200  }
0x11f: {  	[sflag:s20] =	ssyncset.done $0x0  }
0x120: {  	[sflag:s20] =	ssyncadd.s32 $0xFFFFFE00  }
0x121: {  	_ =	swait.ge [sflag:s21], $0x200  }
0x122: {  	[sflag:s21] =	ssyncset.done $0x0  }
0x123: {  	[sflag:s21] =	ssyncadd.s32 $0xFFFFFE00  }
0x124: {  	_ =	swait.ge [sflag:s28], $0x200  }
0x125: {  	[sflag:s28] =	ssyncset.done $0x0  }
0x126: {  	[sflag:s28] =	ssyncadd.s32 $0xFFFFFE00  }
0x127: {  	_ =	swait.ge [sflag:s15], $0x1E0  }
0x128: {  	s31 =	sadd.s32 $0x1, s31;
	s26 =	rddreg [dreg:$0x16]  }
0x129: {  	p0 =	sne.s32 s31, s26  }
.Ltmp2:
0x12a: {  	_ = 	snop;
	(pc) =	sbr.rel @p0 .LBB2_1-.Ltmp2, $3  }
0x12b: {  	_ =	sdelay $0x1  }
0x12c: {  	[sflag:s15] =	ssyncset.done $0x0  }
0x12d: {  	[sflag:s15] =	ssyncadd.s32 $0xFFFFFE20  }
0x12e: {  	_ =	sfence.sel $0x180000  }
0x12f: {  	[bflag:$0x0] =	sbarrier.arrive $0xFFFF  }
0x130: {  	_ =	strace $0x9000004D  }
0x131: {  	s0 =	stileid.u32;
	[bflag:$0x2] =	sbarrier.arrive $0xFFFF  }
0x132: {  	p0 =	sne.s32 s0, $0x0;
	s0 =	rddreg [dreg:$0x4]  }
0x133: {  	s0 =	sadd.s32 @!p0 $0x100000, s0  }
0x134: {  	[sflag:s0] =	ssyncadd.tile.s32 @!p0 $0x1;
	_ =	shalt  }
.Lfunc_end2:
_tile_overlayer_lowered:
.L_overlay_start_2:
0x135: {  	(tag) =	ssettag $0x2  }
0x136: {  	s0 =	rddreg [dreg:$0x0];
	s2 =	stileid.u32  }
0x137: {  	s1 =	rddreg [dreg:$0x1];
	p0 =	sne.s32 s2, $0x0  }
0x138: {  	s3 =	rddreg [dreg:$0x2];
	[bflag:$0x3] =	sbarrier.arrive $0xFFFF;
	s2 =	simm.s32 @!p0 $0x1C0B  }
0x139: {  	[timem:s3], [sflag:s2] =	dma.local @!p0 [hbm:s0], s1  }
0x13a: {  	s0 =	simm.s32 @!p0 $0xB  }
0x13b: {  	_ =	swait.ge @!p0 [sflag:s0], s1  }
0x13c: {  	s1 =	ssub.s32 @!p0 $0x0, s1;
	[sflag:s0] =	ssyncset.done @!p0 $0x0  }
0x13d: {  	[sflag:s0] =	ssyncadd.s32 @!p0 s1  }
0x13e: {  	[bflag:$0x3] =	sbarrier.arrive $0xFFFF  }
0x13f: {  	_ =	shalt  }

// kernel: kernel.10.cloned.1.call-start
scs
__scs_entry_jumppad:
0x0: {  	(pc) =	sbr.rel $0x88, $3  }
0x1: {  	(tag) =	ssettag $0x0;
	lr =	simm.s32 $0x1  }
0x2: {  	[smem:$0x3F9B] =	sst lr;
	_ =	strace $0xD0000000  }
0x3: {  	_ = 	snop  }
0x4: {  	_ = 	snop  }
0x5: {  	_ = 	snop  }
0x6: {  	_ = 	snop  }
0x7: {  	_ = 	snop  }
__scs_overlays_trampoline_lowered:
0x8: {  	[smem:$0x3FAA] =	sst s0  }
0x9: {  	[smem:$0x3FAB] =	sst s1  }
0xa: {  	[smem:$0x3FAC] =	sst s2  }
0xb: {  	[smem:$0x3FAD] =	sst s3  }
0xc: {  	[smem:$0x3FAE] =	sst s4  }
0xd: {  	[smem:$0x3FAF] =	sst s5  }
0xe: {  	[smem:$0x3FB0] =	sst s6  }
0xf: {  	[smem:$0x3FB1] =	sst s7  }
0x10: {  	[smem:$0x3FB2] =	sst s8  }
0x11: {  	[smem:$0x3FB3] =	sst s9;
	s0 =	simm.s32 @!p0 $0x0  }
0x12: {  	s1 =	sld [smem:$0x3F99];
	s0 =	simm.s32 @p0 $0x1  }
0x13: {  	[smem:$0x3FB4] =	sst s0;
	s0 =	simm.s32 @!p1 $0x0  }
0x14: {  	s2 =	sld [smem:$0x3F98];
	s0 =	simm.s32 @p1 $0x1  }
0x15: {  	[smem:$0x3FB5] =	sst s0;
	s0 =	simm.s32 @!p2 $0x0  }
0x16: {  	s3 =	sld [smem:$0x3FDB];
	s0 =	simm.s32 @p2 $0x1  }
0x17: {  	s4 =	simm.s32 $0x1BF5;
	[smem:$0x3FB7] =	sst s0  }
0x18: {  	s0 =	sld [smem:$0x3F9A];
	_ =	swait.ge [sflag:s4], $0x0  }
0x19: {  	s7 =	sld [smem:$0x3F9B]  }
0x1a: {  	s8 =	sadd.s32 $0xFFFFE003, lr  }
0x1b: {  	s9 =	sadd.s32 $0xFFFFFEF7, lr;
	s5 =	simm.s32 $0xFFFFFFFF;
	p2 =	slt.u32 s8, $0xFFFFF086  }
0x1c: {  	p1 =	slt.u32 s9, $0xF7A;
	s5 =	simm.s32 @!p2 $0x0  }
0x1d: {  	s5 =	simm.s32 @p1 $0x1;
	p0 =	seq.s32 s7, s2  }
0x1e: {  	s7 =	smul.u32 @!p0 $0xF7A, s2;
	p2 =	seq.s32 @!p0 s5, $0x0  }
0x1f: {  	s9 =	smul.u32 $0xF7A, s1;
	s8 =	simm.s32 @!p0 $0x1BF5;
	p2 =	por !p2, p0  }
0x20: {  	[sflag:s8] =	ssyncset.s32 @!p0 $0xFFFFF086;
	s6 =	sadd.s32 @!p0 s3, s7;
	s7 =	simm.s32 @!p0 $0x108  }
0x21: {  	s3 =	sadd.s32 s3, s9;
	s6 =	sadd.s32 @!p0 $0x88, s6;
	s7 =	simm.s32 @p2 $0x1082  }
0x22: {  	[simem:s7], [sflag:s8] =	dma.local @!p0 [hbm:s6], $0xF7A  }
0x23: {  	s9 =	sor.u32 $0xD0000000, s2;
	s6 =	simm.s32 $0x108;
	_ =	swait.ge @!p0 [sflag:s8], $0x0  }
0x24: {  	s3 =	sadd.s32 $0x88, s3;
	s6 =	simm.s32 @!p1 $0x1082;
	[sflag:s4] =	ssyncset.s32 $0xFFFFF086  }
0x25: {  	[simem:s6], [sflag:s4] =	dma.local [hbm:s3], $0xF7A  }
0x26: {  	[smem:$0x3F9B] =	sst s1;
	(tag) =	ssettag s2;
	_ =	strace s9  }
0x27: {  	s1 =	sld [smem:$0x3FAB]  }
0x28: {  	s2 =	sld [smem:$0x3FAC]  }
0x29: {  	s4 =	sld [smem:$0x3FAE]  }
0x2a: {  	p0 =	seq.s32 s5, $0x0;
	s5 =	sld [smem:$0x3FAF]  }
0x2b: {  	s6 =	sld [smem:$0x3FB0]  }
0x2c: {  	s7 =	sld [smem:$0x3FB1]  }
0x2d: {  	s3 =	simm.s32 $0x108;
	s8 =	sld [smem:$0x3FB2]  }
0x2e: {  	s3 =	simm.s32 @!p0 $0x1082;
	s9 =	sld [smem:$0x3FB3]  }
0x2f: {  	lr =	sadd.s32 s0, s3;
	s0 =	sld [smem:$0x3FAA]  }
0x30: {  	s3 =	sld [smem:$0x3FAD]  }
0x31: {  	[smem:$0x3FB6] =	sst s10  }
0x32: {  	s10 =	sld [smem:$0x3FB4];
	_ =	sdelay $0x3  }
0x33: {  	p0 =	seq.s32 s10, $0x1;
	s10 =	sld [smem:$0x3FB6];
	_ =	sdelay $0x3  }
0x34: {  	[smem:$0x3FB6] =	sst s10  }
0x35: {  	s10 =	sld [smem:$0x3FB5];
	_ =	sdelay $0x3  }
0x36: {  	p1 =	seq.s32 s10, $0x1;
	s10 =	sld [smem:$0x3FB6];
	_ =	sdelay $0x3  }
0x37: {  	[smem:$0x3FB6] =	sst s10  }
0x38: {  	s10 =	sld [smem:$0x3FB7]  }
0x39: {  	_ = 	snop;
	(pc) =	sbr.ind lr, $3  }
0x3a: {  	_ = 	snop  }
0x3b: {  	_ = 	snop  }
0x3c: {  	p2 =	seq.s32 s10, $0x1;
	s10 =	sld [smem:$0x3FB6]  }
0x3d: {  	_ =	shalt  }
0x3e: {  	_ =	shalt  }
0x3f: {  	_ =	shalt  }
0x40: {  	_ =	shalt  }
0x41: {  	_ =	shalt  }
0x42: {  	_ =	shalt  }
0x43: {  	_ =	shalt  }
0x44: {  	_ =	shalt  }
0x45: {  	_ =	shalt  }
0x46: {  	_ =	shalt  }
0x47: {  	_ =	shalt  }
0x48: {  	_ =	shalt  }
0x49: {  	_ =	shalt  }
0x4a: {  	_ =	shalt  }
0x4b: {  	_ =	shalt  }
0x4c: {  	_ =	shalt  }
0x4d: {  	_ =	shalt  }
0x4e: {  	_ =	shalt  }
0x4f: {  	_ =	shalt  }
0x50: {  	_ =	shalt  }
0x51: {  	_ =	shalt  }
0x52: {  	_ =	shalt  }
0x53: {  	_ =	shalt  }
0x54: {  	_ =	shalt  }
0x55: {  	_ =	shalt  }
0x56: {  	_ =	shalt  }
0x57: {  	_ =	shalt  }
0x58: {  	_ =	shalt  }
0x59: {  	_ =	shalt  }
0x5a: {  	_ =	shalt  }
0x5b: {  	_ =	shalt  }
0x5c: {  	_ =	shalt  }
0x5d: {  	_ =	shalt  }
0x5e: {  	_ =	shalt  }
0x5f: {  	_ =	shalt  }
0x60: {  	_ =	shalt  }
0x61: {  	_ =	shalt  }
0x62: {  	_ =	shalt  }
0x63: {  	_ =	shalt  }
0x64: {  	_ =	shalt  }
0x65: {  	_ =	shalt  }
0x66: {  	_ =	shalt  }
0x67: {  	_ =	shalt  }
0x68: {  	_ =	shalt  }
0x69: {  	_ =	shalt  }
0x6a: {  	_ =	shalt  }
0x6b: {  	_ =	shalt  }
0x6c: {  	_ =	shalt  }
0x6d: {  	_ =	shalt  }
0x6e: {  	_ =	shalt  }
0x6f: {  	_ =	shalt  }
0x70: {  	_ =	shalt  }
0x71: {  	_ =	shalt  }
0x72: {  	_ =	shalt  }
0x73: {  	_ =	shalt  }
0x74: {  	_ =	shalt  }
0x75: {  	_ =	shalt  }
0x76: {  	_ =	shalt  }
0x77: {  	_ =	shalt  }
0x78: {  	_ =	shalt  }
0x79: {  	_ =	shalt  }
0x7a: {  	_ =	shalt  }
0x7b: {  	_ =	shalt  }
0x7c: {  	_ =	shalt  }
0x7d: {  	_ =	shalt  }
0x7e: {  	_ =	shalt  }
0x7f: {  	_ =	shalt  }
0x80: {  	_ =	shalt  }
0x81: {  	_ =	shalt  }
0x82: {  	_ =	shalt  }
0x83: {  	_ =	shalt  }
0x84: {  	_ =	shalt  }
0x85: {  	_ =	shalt  }
0x86: {  	_ =	shalt  }
0x87: {  	_ =	shalt  }
.Lfunc_end0:
.L_simem_size_0:
called_computation.2_lowered:
.L_overlay_start_0:
0x88: {  	s2 =	sld [smem:$0x3FD9]  }
0x89: {  	s3 =	sld [smem:$0x3FFE];
	_ =	sdelay $0x1  }
0x8a: {  	s1 =	srdreg.scid  }
0x8b: {  	s0 =	sand.u32 $0x1, s1  }
0x8c: {  	s17 =	sshll.u32 s0, $0xA;
	s2 =	sadd.s32 s3, s2  }
0x8d: {  	s2 =	sadd.s32 s2, s17  }
0x8e: {  	[smem:$0x3FC2] =	sst s2  }
0x8f: {  	_ = 	snop  }
0x90: {  	s2 =	sld [smem:$0x3FD0];
	(tm) =	ssettm $0x1  }
0x91: {  	s18 =	sld [smem:$0x3FFB];
	_ =	sdelay $0x3  }
0x92: {  	_ =	strace s18  }
0x93: {  	s3 =	sld [smem:$0x3FFC];
	_ =	sdelay $0x3  }
0x94: {  	_ =	strace s3  }
0x95: {  	s3 =	sld [smem:$0x3FFD];
	_ =	sdelay $0x3  }
0x96: {  	_ =	strace s3  }
0x97: {  	_ =	strace $0x8FFFFFFF  }
0x98: {  	s19 =	sld [smem:$0x3FDB];
	_ =	sdelay $0x1  }
0x99: {  	s4 =	simm.s32 $_scs_section_size  }
0x9a: {  	s5 =	simm.s32 $_size__tile_overlayer_lowered;
	s6 =	simm.s32 $_tile_overlayer_lowered  }
0x9b: {  	s22 =	simm.s32 $0x1BFF;
	s21 =	sshll.u32 s6, $0x1;
	s3 =	sadd.s32 s4, s19  }
0x9c: {  	s7 =	simm.s32 $0x0;
	s20 =	sshll.u32 s5, $0x1;
	s5 =	sadd.s32 s21, s3  }
0x9d: {  	[timem:s7], [sflag:s22] =	dma.local [hbm:s5], s20  }
0x9e: {  	_ =	swait.ge [sflag:s22], s20  }
0x9f: {  	s4 =	ssub.s32 $0x0, s20;
	[sflag:s22] =	ssyncset.done $0x0  }
0xa0: {  	[sflag:s22] =	ssyncadd.s32 s4;
	_ =	sdelay $0x1  }
0xa1: {  	s23 =	simm.s32 $0x1B8B  }
0xa2: {  	_ =	swait.ge [sflag:s23], $0x1  }
0xa3: {  	[sflag:s23] =	ssyncset.done $0x0  }
0xa4: {  	s25 =	simm.s32 $0x1B8E;
	s24 =	sld [smem:$0x3FFE];
	[sflag:s23] =	ssyncadd.s32 $0xFFFFFFFF  }
0xa5: {  	s26 =	simm.s32 $execute0_lowered;
	[smem:$0x3FD2] =	sst s25  }
0xa6: {  	s5 =	sshll.u32 s26, $0x1;
	_ =	strace $0x80000049;
	[dreg:$0x1] =	wrdreg $0xFFFFFFFF  }
0xa7: {  	s28 =	simm.s32 $_size_execute0_lowered;
	s3 =	sadd.s32 s3, s5;
	[dreg:$0x0] =	wrdreg $0x0  }
0xa8: {  	s5 =	sshll.u32 s28, $0x1;
	[dreg:$0x2] =	wrdreg s3  }
0xa9: {  	[dreg:$0x3] =	wrdreg s5  }
0xaa: {  	[dreg:$0x4] =	wrdreg $0xC0  }
0xab: {  	_ =	task [dreg:s7], $0x5FFFF  }
0xac: {  	[dreg:$0x1] =	wrdreg $0xFFFFFFFF  }
0xad: {  	[dreg:$0x0] =	wrdreg $0x60  }
0xae: {  	[dreg:$0x2] =	wrdreg s24  }
0xaf: {  	[dreg:$0x3] =	wrdreg s2  }
0xb0: {  	[dreg:$0x4] =	wrdreg $0xA7000  }
0xb1: {  	[dreg:$0x5] =	wrdreg $0x58000  }
0xb2: {  	[dreg:$0x6] =	wrdreg $0x9  }
0xb3: {  	_ =	task.clear_ibuf [dreg:s7], $0x7FFFF;
	_ =	strace $0x90000049  }
0xb4: {  	s29 =	simm.s32 $0x9;
	_ =	strace $0x8000004B  }
0xb5: {  	_ =	swait.ge [sflag:s29], $0x1  }
0xb6: {  	[sflag:s29] =	ssyncadd.s32 $0xFFFFFFFF  }
0xb7: {  	_ =	strace $0x9000004B  }
0xb8: {  	_ =	sfence  }
0xb9: {  	s30 =	sld [smem:$0x0];
	_ =	sdelay $0x2  }
0xba: {  	s31 =	sshll.u32 s1, $0xD;
	s1 =	sshrl.u32 s1, $0x2  }
0xbb: {  	s3 =	sand.u32 $0x4000, s31;
	s1 =	sadd.s32 s1, s30  }
0xbc: {  	s0 =	sor.u32 s3, s0;
	s1 =	sshll.u32 s1, $0x11  }
0xbd: {  	s0 =	sor.u32 s1, s0  }
0xbe: {  	s0 =	sadd.s32 $0x8F2B, s0  }
0xbf: {  	[sflag:s0] =	ssyncadd.remote.s32 $0x1  }
0xc0: {  	_ =	sfence.sel $0xFFFF  }
0xc1: {  	[dreg:$0x0] =	wrdreg $0xFFFFFFFF;
	(pc) =	sbr.abs _section_cstart, $3  }
0xc2: {  	[dreg:$0x1] =	wrdreg $0xFFFFFFFF  }
0xc3: {  	_ =	task.clear_ibuf [dreg:s7], $0x2FFFF;
	_ =	strace $0x9FFFFFFF  }
0xc4: {  	(tm) =	ssettm $0x7FFFFFFF  }
0xc5: {  	_ =	shalt  }
tec
execute0_lowered:
.L_overlay_start_1:
0x0: {  	(tag) =	ssettag $0x1  }
0x1: {  	s0 =	rddreg [dreg:$0x0]  }
0x2: {  	s3 =	rddreg [dreg:$0x1]  }
0x3: {  	s1 =	rddreg [dreg:$0x2]  }
0x4: {  	s2 =	rddreg [dreg:$0x3];
	s5 =	srdreg.scid;
	s4 =	simm.s32 $0x0  }
0x5: {  	s19 =	stileid.u32;
	s28 =	simm.s32 $0x8;
	s29 =	simm.s32 $0x9  }
0x6: {  	s30 =	simm.s32 $0xA;
	s31 =	simm.s32 $0x0;
	s8 =	sand.u32 $0x1, s5  }
0x7: {  	[smem:$0x7FF] =	sst s4;
	s9 =	sadd.s32 $0x15A00, s0;
	s6 =	sadd.s32 $0xBA00, s0  }
0x8: {  	s12 =	smul.u32 $0x9E00, s19;
	s7 =	sadd.s32 $0x1A00, s0;
	s5 =	sshll.u32 s8, $0x4  }
0x9: {  	_ =	strace $0x8000004A;
	s10 =	ssub.s32 $0x2, s8;
	s8 =	smul.u32 $0x9E000, s8  }
0xa: {  	s5 =	sor.u32 s19, s5;
	s11 =	sshrl.u32 s10, $0x1;
	s13 =	sadd.s32 $0x4000, s12  }
0xb: {  	s14 =	sshrl.u32 s12, $0x4;
	s15 =	sadd.s32 $0x6000, s12;
	s16 =	sadd.s32 $0x8000, s12  }
0xc: {  	s5 =	smul.u32 $0x2800, s5;
	s0 =	ssub.s32 s10, s11;
	s11 =	sadd.s32 $0x2000, s12  }
0xd: {  	s14 =	sadd.s32 s9, s14;
	s17 =	sshrl.u32 s13, $0x4;
	s25 =	sshrl.u32 s15, $0x4  }
0xe: {  	s26 =	sadd.s32 s12, s8;
	s18 =	sshrl.u32 s16, $0x4;
	s21 =	sadd.s32 s8, s13  }
0xf: {  	s22 =	sadd.s32 s8, s15;
	[dreg:$0x5] =	wrdreg s14;
	s24 =	sadd.s32 s9, s17  }
0x10: {  	s23 =	sshrl.u32 s11, $0x4;
	s0 =	smax.u32 s0, $0x1;
	[dreg:$0x7] =	wrdreg s24  }
0x11: {  	s4 =	sadd.s32 s8, s11;
	s14 =	sadd.s32 s9, s23;
	[dreg:$0x16] =	wrdreg s0  }
0x12: {  	s8 =	sadd.s32 s8, s16;
	[dreg:$0x6] =	wrdreg s14;
	s14 =	sadd.s32 s9, s25  }
0x13: {  	s17 =	sshrl.u32 s4, $0x4;
	s9 =	sadd.s32 s9, s18;
	[dreg:$0x8] =	wrdreg s14  }
0x14: {  	s10 =	sshrl.u32 s5, $0x3;
	s20 =	sadd.s32 s3, s17;
	[dreg:$0x9] =	wrdreg s9  }
0x15: {  	s8 =	sshrl.u32 s8, $0x4;
	s24 =	sadd.s32 s6, s10;
	[dreg:$0xb] =	wrdreg s20  }
0x16: {  	s25 =	sadd.s32 s7, s10;
	s14 =	sshrl.u32 s26, $0x4;
	[dreg:$0xf] =	wrdreg s24  }
0x17: {  	s9 =	sshrl.u32 s21, $0x4;
	[dreg:$0x10] =	wrdreg s25;
	s26 =	sor.u32 $0x80, s10  }
0x18: {  	s10 =	sshrl.u32 s11, $0x1;
	s11 =	sshrl.u32 s13, $0x1;
	s13 =	sshrl.u32 s15, $0x1  }
0x19: {  	s18 =	sadd.s32 s3, s14;
	s14 =	sshrl.u32 s22, $0x4;
	s9 =	sadd.s32 s3, s9  }
0x1a: {  	s4 =	sadd.s32 s6, s26;
	s25 =	sadd.s32 s10, s1;
	[dreg:$0xa] =	wrdreg s18  }
0x1b: {  	s15 =	sadd.s32 s11, s1;
	[dreg:$0xc] =	wrdreg s9;
	s23 =	sadd.s32 s3, s14  }
0x1c: {  	s3 =	sadd.s32 s3, s8;
	[dreg:$0x11] =	wrdreg s4;
	s9 =	sshrl.u32 s12, $0x1  }
0x1d: {  	s14 =	sshrl.u32 s16, $0x1;
	s8 =	sadd.s32 s10, s2;
	[dreg:$0x13] =	wrdreg s15  }
0x1e: {  	s16 =	sadd.s32 s13, s1;
	s10 =	sadd.s32 s13, s2;
	s4 =	simm.s32 $0xC00  }
0x1f: {  	s12 =	simm.s32 $0x2;
	s13 =	simm.s32 $0x3;
	[dreg:$0xd] =	wrdreg s23  }
0x20: {  	s15 =	simm.s32 $0x5;
	[dreg:$0xe] =	wrdreg s3;
	s3 =	sadd.s32 s7, s26  }
0x21: {  	s24 =	sadd.s32 s9, s1;
	[dreg:$0x14] =	wrdreg s16;
	s23 =	sadd.s32 s14, s1  }
0x22: {  	s18 =	sshrl.u32 s8, $0x3;
	s21 =	sshrl.u32 s10, $0x3;
	s8 =	sshll.u32 s19, $0x6  }
0x23: {  	s16 =	simm.s32 $0x80;
	s19 =	simm.s32 $0x4800;
	[dreg:$0x12] =	wrdreg s3  }
0x24: {  	s10 =	simm.s32 $0x1;
	s3 =	sadd.s32 s9, s2;
	[dreg:$0x18] =	wrdreg s18  }
0x25: {  	s9 =	sadd.s32 s11, s2;
	s11 =	sadd.s32 s14, s2;
	[dreg:$0x1a] =	wrdreg s21  }
0x26: {  	s26 =	sor.u32 $0x1C02, s8;
	s14 =	simm.s32 $0x4;
	[dreg:$0x15] =	wrdreg s23  }
0x27: {  	s18 =	simm.s32 $0x3800;
	s17 =	sshrl.u32 s3, $0x3;
	[dreg:$0x1c] =	wrdreg s26  }
0x28: {  	s21 =	simm.s32 $0x7;
	s20 =	sshrl.u32 s9, $0x3;
	[dreg:$0x17] =	wrdreg s17  }
0x29: {  	s22 =	sshrl.u32 s11, $0x3;
	s11 =	simm.s32 $0x1800;
	[dreg:$0x19] =	wrdreg s20  }
0x2a: {  	v0 =	vimm.bf16 $0.0e+00;
	[dreg:$0x1b] =	wrdreg s22;
	s17 =	simm.s32 $0x2800;
	s20 =	simm.s32 $0x6  }
.LBB2_1:
0x2b: {  	s0 =	rddreg [dreg:$0xf];
	s3 =	simm.s32 $0x0  }
0x2c: {  	[tilespmem:s3], [sflag:$0x1] =	stream.linear.gather [hbm4b:s0+s3], $0x400, $0x38;
	[tilespmem:$0xF600] =	vst v63  }
0x2d: {  	s26 =	rddreg [dreg:$0x10]  }
0x2e: {  	[tilespmem:s4], [sflag:$0x1] =	stream.linear.gather [hbm4b:s26+s3], $0x400, $0x38;
	[tilespmem:$0xF600] =	vst v63  }
0x2f: {  	s9 =	rddreg [dreg:$0x11];
	s22 =	simm.s32 $0x400  }
0x30: {  	[tilespmem:s22], [sflag:$0x9] =	stream.linear.gather [hbm4b:s9+s3], $0x400, $0x38;
	[tilespmem:$0xF600] =	vst v63  }
0x31: {  	s26 =	rddreg [dreg:$0x12];
	s9 =	simm.s32 $0x1000  }
0x32: {  	[tilespmem:s9], [sflag:$0xA] =	stream.linear.gather [hbm4b:s26+s3], $0x400, $0x38;
	[tilespmem:$0xF600] =	vst v63  }
0x33: {  	s0 =	simm.s32 $0x80;
	s4 =	simm.s32 $0x0;
	s3 =	simm.s32 $0x0  }
.LBB2_2:
0x34: {  	p0 =	sne.s32 s0, $0x3F80;
	[tilespmem:s3+$0x1800] =	vst v0;
	s22 =	smov.u32 s0;
	s0 =	sadd.s32 $0x80, s0  }
.Ltmp0:
0x35: {  	[tilespmem:s3+$0x1810] =	vst v0;
	(pc) =	sbr.rel @p0 .LBB2_2-.Ltmp0, $2  }
0x36: {  	_ =	sdelay $0x2  }
0x37: {  	s3 =	sshra.s32 s22, $0x2  }
0x38: {  	[tilespmem:s3+$0x1800] =	vst v0  }
0x39: {  	[tilespmem:s3+$0x1810] =	vst v0;
	s0 =	rddreg [dreg:$0x13]  }
0x3a: {  	[spmem:s24] =	stream.linear.scatter [tilespmem:s11], [sflag:$0x5], $0x1000, $0x38;
	[tilespmem:$0xF600] =	vst v63  }
0x3b: {  	s3 =	rddreg [dreg:$0x5]  }
0x3c: {  	[spmem:s25] =	stream.linear.scatter [tilespmem:s11], [sflag:$0x5], $0x1000, $0x38;
	[tilespmem:$0xF600] =	vst v63  }
0x3d: {  	s22 =	rddreg [dreg:$0x17]  }
0x3e: {  	[spmem:s0] =	stream.linear.scatter [tilespmem:s11], [sflag:$0x5], $0x1000, $0x38;
	[tilespmem:$0xF600] =	vst v63  }
0x3f: {  	s9 =	smov.u32 s25;
	s25 =	rddreg [dreg:$0x14]  }
0x40: {  	[spmem:s25] =	stream.linear.scatter [tilespmem:s11], [sflag:$0x5], $0x1000, $0x38;
	[tilespmem:$0xF600] =	vst v63  }
0x41: {  	s26 =	smov.u32 s24;
	s24 =	rddreg [dreg:$0x1c]  }
0x42: {  	[spmem:s23] =	stream.linear.scatter [tilespmem:s11], [sflag:$0x5], $0xF00, $0x38;
	[tilespmem:$0xF600] =	vst v63  }
0x43: {  	[spmem:s22], [sflag:s24] =	dma.local [hbm:s3], $0x200  }
0x44: {  	s3 =	rddreg [dreg:$0x6]  }
0x45: {  	s0 =	sor.u32 $0x1C03, s8;
	s22 =	rddreg [dreg:$0x18]  }
0x46: {  	[spmem:s22], [sflag:s0] =	dma.local [hbm:s3], $0x200  }
0x47: {  	s22 =	rddreg [dreg:$0x7]  }
0x48: {  	s23 =	sor.u32 $0x1C04, s8;
	s25 =	rddreg [dreg:$0x19]  }
0x49: {  	[spmem:s25], [sflag:s23] =	dma.local [hbm:s22], $0x200  }
0x4a: {  	s3 =	rddreg [dreg:$0x8]  }
0x4b: {  	s22 =	rddreg [dreg:$0x1a]  }
0x4c: {  	[spmem:s22], [sflag:s24] =	dma.local [hbm:s3], $0x200  }
0x4d: {  	s3 =	rddreg [dreg:$0x9]  }
0x4e: {  	s22 =	rddreg [dreg:$0x1b]  }
0x4f: {  	[spmem:s22], [sflag:s0] =	dma.local [hbm:s3], $0x1E0  }
0x50: {  	_ =	swait.ge [sflag:s12], $0x200  }
0x51: {  	[sflag:s12] =	ssyncset.done $0x0  }
0x52: {  	[sflag:s12] =	ssyncadd.s32 $0xFFFFFE00  }
0x53: {  	_ =	swait.ge [sflag:s13], $0x200  }
0x54: {  	[sflag:s13] =	ssyncset.done $0x0  }
0x55: {  	[sflag:s13] =	ssyncadd.s32 $0xFFFFFE00  }
0x56: {  	_ =	swait.ge [sflag:s14], $0x200  }
0x57: {  	[sflag:s14] =	ssyncset.done $0x0  }
0x58: {  	[sflag:s14] =	ssyncadd.s32 $0xFFFFFE00  }
0x59: {  	_ =	swait.ge [sflag:s12], $0x200  }
0x5a: {  	[sflag:s12] =	ssyncset.done $0x0  }
0x5b: {  	[sflag:s12] =	ssyncadd.s32 $0xFFFFFE00  }
0x5c: {  	_ =	swait.ge [sflag:s13], $0x1E0  }
0x5d: {  	[sflag:s13] =	ssyncset.done $0x0  }
0x5e: {  	[sflag:s13] =	ssyncadd.s32 $0xFFFFFE20  }
0x5f: {  	_ =	swait.ge [sflag:s15], $0x1000  }
0x60: {  	[sflag:s15] =	ssyncset.done $0x0  }
0x61: {  	[sflag:s15] =	ssyncadd.s32 $0xFFFFF000  }
0x62: {  	_ =	swait.ge [sflag:s15], $0x1000  }
0x63: {  	[sflag:s15] =	ssyncset.done $0x0  }
0x64: {  	[sflag:s15] =	ssyncadd.s32 $0xFFFFF000  }
0x65: {  	_ =	swait.ge [sflag:s15], $0x1000  }
0x66: {  	[sflag:s15] =	ssyncset.done $0x0  }
0x67: {  	[sflag:s15] =	ssyncadd.s32 $0xFFFFF000  }
0x68: {  	_ =	swait.ge [sflag:s15], $0x1000  }
0x69: {  	[sflag:s15] =	ssyncset.done $0x0  }
0x6a: {  	[sflag:s15] =	ssyncadd.s32 $0xFFFFF000  }
0x6b: {  	_ =	swait.ge [sflag:s15], $0xF00  }
0x6c: {  	[sflag:s15] =	ssyncset.done $0x0  }
0x6d: {  	s0 =	simm.s32 $0x1;
	[sflag:s15] =	ssyncadd.s32 $0xFFFFF100  }
0x6e: {  	_ =	swait.ge [sflag:s0], $0x400  }
0x6f: {  	[sflag:s0] =	ssyncset.done $0x0  }
0x70: {  	[sflag:s0] =	ssyncadd.s32 $0xFFFFFC00  }
0x71: {  	_ =	swait.ge [sflag:s0], $0x400  }
0x72: {  	[sflag:s0] =	ssyncset.done $0x0  }
0x73: {  	[sflag:s0] =	ssyncadd.s32 $0xFFFFFC00  }
0x74: {  	[bflag:$0x0] =	sbarrier.arrive $0xFFFF  }
0x75: {  	[tilespmem:s11], [sflag:$0x1] =	stream.indirect.gather [spmem:s2], $0x20, s4, s16, $0xb8;
	[tilespmem:$0xF600] =	vst v63  }
0x76: {  	_ = 	snop  }
0x77: {  	[tilespmem:s17], [sflag:$0x2] =	stream.indirect.gather [spmem:s2], $0x20, s16, s16, $0xb8;
	[tilespmem:$0xF600] =	vst v63  }
0x78: {  	s23 =	simm.s32 $0x100  }
0x79: {  	[tilespmem:s18], [sflag:$0x3] =	stream.indirect.gather [spmem:s2], $0x20, s23, s16, $0xb8;
	[tilespmem:$0xF600] =	vst v63  }
0x7a: {  	_ =	swait.ge [sflag:s0], $0x1000  }
0x7b: {  	[sflag:s0] =	ssyncset.done $0x0  }
0x7c: {  	s4 =	simm.s32 $0xC00;
	[sflag:s0] =	ssyncadd.s32 $0xFFFFF000  }
0x7d: {  	[spmem:s1] =	stream.indirect.scatter.add.bf16 [tilespmem:s11], [sflag:$0x5], $0x20, s4, s16, $0xb8;
	[tilespmem:$0xF600] =	vst v63  }
0x7e: {  	s24 =	simm.s32 $0x180  }
0x7f: {  	[tilespmem:s19], [sflag:$0x4] =	stream.indirect.gather [spmem:s2], $0x20, s24, s16, $0xb8;
	[tilespmem:$0xF600] =	vst v63  }
0x80: {  	_ =	swait.ge [sflag:s12], $0x1000  }
0x81: {  	[sflag:s12] =	ssyncset.done $0x0  }
0x82: {  	s25 =	simm.s32 $0xC80;
	[sflag:s12] =	ssyncadd.s32 $0xFFFFF000  }
0x83: {  	[spmem:s1] =	stream.indirect.scatter.add.bf16 [tilespmem:s17], [sflag:$0x6], $0x20, s25, s16, $0xb8;
	[tilespmem:$0xF600] =	vst v63  }
0x84: {  	_ =	swait.ge [sflag:s15], $0x1000  }
0x85: {  	[sflag:s15] =	ssyncset.done $0x0  }
0x86: {  	s22 =	simm.s32 $0x200;
	[sflag:s15] =	ssyncadd.s32 $0xFFFFF000  }
0x87: {  	[tilespmem:s11], [sflag:$0x1] =	stream.indirect.gather [spmem:s2], $0x20, s22, s16, $0xb8;
	[tilespmem:$0xF600] =	vst v63  }
0x88: {  	_ =	swait.ge [sflag:s13], $0x1000  }
0x89: {  	[sflag:s13] =	ssyncset.done $0x0  }
0x8a: {  	s23 =	simm.s32 $0xD00;
	[sflag:s13] =	ssyncadd.s32 $0xFFFFF000  }
0x8b: {  	[spmem:s1] =	stream.indirect.scatter.add.bf16 [tilespmem:s18], [sflag:$0x7], $0x20, s23, s16, $0xb8;
	[tilespmem:$0xF600] =	vst v63  }
0x8c: {  	_ =	swait.ge [sflag:s20], $0x1000  }
0x8d: {  	[sflag:s20] =	ssyncset.done $0x0  }
0x8e: {  	s24 =	simm.s32 $0x280;
	[sflag:s20] =	ssyncadd.s32 $0xFFFFF000  }
0x8f: {  	[tilespmem:s17], [sflag:$0x2] =	stream.indirect.gather [spmem:s2], $0x20, s24, s16, $0xb8;
	[tilespmem:$0xF600] =	vst v63  }
0x90: {  	_ =	swait.ge [sflag:s14], $0x1000  }
0x91: {  	[sflag:s14] =	ssyncset.done $0x0  }
0x92: {  	s25 =	simm.s32 $0xD80;
	[sflag:s14] =	ssyncadd.s32 $0xFFFFF000  }
0x93: {  	[spmem:s1] =	stream.indirect.scatter.add.bf16 [tilespmem:s19], [sflag:$0x8], $0x20, s25, s16, $0xb8;
	[tilespmem:$0xF600] =	vst v63  }
0x94: {  	_ =	swait.ge [sflag:s21], $0x1000  }
0x95: {  	[sflag:s21] =	ssyncset.done $0x0  }
0x96: {  	s22 =	simm.s32 $0x300;
	[sflag:s21] =	ssyncadd.s32 $0xFFFFF000  }
0x97: {  	[tilespmem:s18], [sflag:$0x3] =	stream.indirect.gather [spmem:s2], $0x20, s22, s16, $0xb8;
	[tilespmem:$0xF600] =	vst v63  }
0x98: {  	_ =	swait.ge [sflag:s0], $0x1000  }
0x99: {  	[sflag:s0] =	ssyncset.done $0x0  }
0x9a: {  	s23 =	simm.s32 $0xE00;
	[sflag:s0] =	ssyncadd.s32 $0xFFFFF000  }
0x9b: {  	[spmem:s1] =	stream.indirect.scatter.add.bf16 [tilespmem:s11], [sflag:$0x5], $0x20, s23, s16, $0xb8;
	[tilespmem:$0xF600] =	vst v63  }
0x9c: {  	_ =	swait.ge [sflag:s28], $0x1000  }
0x9d: {  	[sflag:s28] =	ssyncset.done $0x0  }
0x9e: {  	s24 =	simm.s32 $0x380;
	[sflag:s28] =	ssyncadd.s32 $0xFFFFF000  }
0x9f: {  	[tilespmem:s19], [sflag:$0x4] =	stream.indirect.gather [spmem:s2], $0x20, s24, s16, $0xb8;
	[tilespmem:$0xF600] =	vst v63  }
0xa0: {  	_ =	swait.ge [sflag:s12], $0x1000  }
0xa1: {  	[sflag:s12] =	ssyncset.done $0x0  }
0xa2: {  	s25 =	simm.s32 $0xE80;
	[sflag:s12] =	ssyncadd.s32 $0xFFFFF000  }
0xa3: {  	[spmem:s1] =	stream.indirect.scatter.add.bf16 [tilespmem:s17], [sflag:$0x6], $0x20, s25, s16, $0xb8;
	[tilespmem:$0xF600] =	vst v63  }
.LBB2_4:
0xa4: {  	s3 =	sadd.s32 $0xFFFFFFFF, s0  }
0xa5: {  	s22 =	sshll.u32 s3, $0x18  }
0xa6: {  	s22 =	sshra.s32 s22, $0x18  }
0xa7: {  	s22 =	smul.u32 $0x56, s22;
	_ =	sdelay $0x1  }
0xa8: {  	s23 =	sshrl.u32 s22, $0x1F;
	s22 =	sshrl.u32 s22, $0x8  }
0xa9: {  	s22 =	sadd.s32 s23, s22  }
0xaa: {  	s22 =	smul.u32 $0x3, s22;
	_ =	sdelay $0x1  }
0xab: {  	s24 =	smul.u32 $0xAB, s0;
	s3 =	ssub.s32 s3, s22  }
0xac: {  	s3 =	sshll.u32 s3, $0x18  }
0xad: {  	_ =	swait.ge [sflag:s13], $0x1000;
	s22 =	sshrl.u32 s24, $0x9;
	s3 =	sshra.s32 s3, $0x18  }
0xae: {  	[sflag:s13] =	ssyncset.done $0x0;
	s22 =	sand.u32 $0x7F, s22;
	s23 =	sshll.u32 s3, $0xA  }
0xaf: {  	s25 =	smul.u32 $0x3, s22;
	p0 =	slt.s32 s3, $0x0;
	s3 =	sadd.s32 $0xC00, s23  }
0xb0: {  	[sflag:s13] =	ssyncadd.s32 $0xFFFFF000;
	s23 =	smov.u32 @p0 s3;
	p0 =	seq.s32 s0, $0x9  }
0xb1: {  	s3 =	ssub.s32 s0, s25;
	s24 =	sadd.s32 $0xF00, s23;
	s0 =	sadd.s32 @!p0 $0x1, s0  }
0xb2: {  	[spmem:s1] =	stream.indirect.scatter.add.bf16 [tilespmem:s18], [sflag:$0x7], $0x20, s24, s16, $0xb8;
	[tilespmem:$0xF600] =	vst v63  }
0xb3: {  	s25 =	sadd.s32 $0xF80, s23;
	s23 =	smul.u32 @!p0 $0xAB, s0;
	_ =	swait.ge [sflag:s14], $0x1000  }
0xb4: {  	[sflag:s14] =	ssyncset.done $0x0  }
0xb5: {  	s22 =	sshrl.u32 @!p0 s23, $0x9;
	[sflag:s14] =	ssyncadd.s32 $0xFFFFF000  }
0xb6: {  	[spmem:s1] =	stream.indirect.scatter.add.bf16 [tilespmem:s19], [sflag:$0x8], $0x20, s25, s16, $0xb8;
	[tilespmem:$0xF600] =	vst v63  }
0xb7: {  	s22 =	sand.u32 @!p0 $0x7F, s22;
	_ =	swait.ge [sflag:s29], $0x400  }
0xb8: {  	s23 =	sshll.u32 @!p0 s0, $0xA;
	s22 =	smul.u32 @!p0 $0x3, s22;
	[sflag:s29] =	ssyncset.done $0x0  }
0xb9: {  	s23 =	sadd.s32 @!p0 s5, s23;
	[sflag:s29] =	ssyncadd.s32 $0xFFFFFC00  }
0xba: {  	s23 =	sshrl.u32 @!p0 s23, $0x3;
	s22 =	ssub.s32 @!p0 s0, s22;
	_ =	swait.ge [sflag:s30], $0x400  }
0xbb: {  	s25 =	simm.s32 @!p0 $0x0;
	s22 =	sand.u32 @!p0 $0xFF, s22;
	[sflag:s30] =	ssyncset.done $0x0  }
0xbc: {  	s24 =	sadd.s32 @!p0 s6, s23;
	s22 =	sshll.u32 @!p0 s22, $0xA;
	[sflag:s30] =	ssyncadd.s32 $0xFFFFFC00  }
0xbd: {  	[tilespmem:s22], [sflag:$0x9] =	stream.linear.gather @!p0 [hbm4b:s24+s25], $0x400, $0x38;
	[tilespmem:$0xF600] =	vst v63  }
0xbe: {  	s23 =	sadd.s32 @!p0 s7, s23;
	s22 =	sadd.s32 @!p0 $0xC00, s22  }
0xbf: {  	[tilespmem:s22], [sflag:$0xA] =	stream.linear.gather @!p0 [hbm4b:s23+s25], $0x400, $0x38;
	[tilespmem:$0xF600] =	vst v63  }
0xc0: {  	_ =	swait.ge [sflag:s15], $0x1000  }
0xc1: {  	s3 =	sand.u32 $0xFF, s3;
	[sflag:s15] =	ssyncset.done $0x0  }
0xc2: {  	s3 =	sshll.u32 s3, $0xA;
	[sflag:s15] =	ssyncadd.s32 $0xFFFFF000  }
0xc3: {  	[tilespmem:s11], [sflag:$0x1] =	stream.indirect.gather [spmem:s2], $0x20, s3, s16, $0xb8;
	[tilespmem:$0xF600] =	vst v63  }
0xc4: {  	_ =	swait.ge [sflag:s20], $0x1000  }
0xc5: {  	[sflag:s20] =	ssyncset.done $0x0  }
0xc6: {  	s23 =	sor.u32 $0x80, s3;
	[sflag:s20] =	ssyncadd.s32 $0xFFFFF000  }
0xc7: {  	[tilespmem:s17], [sflag:$0x2] =	stream.indirect.gather [spmem:s2], $0x20, s23, s16, $0xb8;
	[tilespmem:$0xF600] =	vst v63  }
0xc8: {  	_ =	swait.ge [sflag:s21], $0x1000  }
0xc9: {  	[sflag:s21] =	ssyncset.done $0x0  }
0xca: {  	s24 =	sor.u32 $0x100, s3;
	[sflag:s21] =	ssyncadd.s32 $0xFFFFF000  }
0xcb: {  	[tilespmem:s18], [sflag:$0x3] =	stream.indirect.gather [spmem:s2], $0x20, s24, s16, $0xb8;
	[tilespmem:$0xF600] =	vst v63  }
0xcc: {  	_ =	swait.ge [sflag:s10], $0x1000  }
0xcd: {  	[sflag:s10] =	ssyncset.done $0x0  }
0xce: {  	s25 =	sadd.s32 $0xC00, s3;
	[sflag:s10] =	ssyncadd.s32 $0xFFFFF000  }
0xcf: {  	[spmem:s1] =	stream.indirect.scatter.add.bf16 [tilespmem:s11], [sflag:$0x5], $0x20, s25, s16, $0xb8;
	[tilespmem:$0xF600] =	vst v63  }
0xd0: {  	_ =	swait.ge [sflag:s28], $0x1000  }
0xd1: {  	[sflag:s28] =	ssyncset.done $0x0  }
0xd2: {  	s23 =	sor.u32 $0x180, s3;
	[sflag:s28] =	ssyncadd.s32 $0xFFFFF000  }
0xd3: {  	[tilespmem:s19], [sflag:$0x4] =	stream.indirect.gather [spmem:s2], $0x20, s23, s16, $0xb8;
	[tilespmem:$0xF600] =	vst v63  }
0xd4: {  	_ =	swait.ge [sflag:s12], $0x1000  }
0xd5: {  	[sflag:s12] =	ssyncset.done $0x0  }
0xd6: {  	s24 =	sadd.s32 $0xC80, s3;
	[sflag:s12] =	ssyncadd.s32 $0xFFFFF000  }
0xd7: {  	[spmem:s1] =	stream.indirect.scatter.add.bf16 [tilespmem:s17], [sflag:$0x6], $0x20, s24, s16, $0xb8;
	[tilespmem:$0xF600] =	vst v63  }
0xd8: {  	_ =	swait.ge [sflag:s15], $0x1000  }
0xd9: {  	[sflag:s15] =	ssyncset.done $0x0  }
0xda: {  	s25 =	sor.u32 $0x200, s3;
	[sflag:s15] =	ssyncadd.s32 $0xFFFFF000  }
0xdb: {  	[tilespmem:s11], [sflag:$0x1] =	stream.indirect.gather [spmem:s2], $0x20, s25, s16, $0xb8;
	[tilespmem:$0xF600] =	vst v63  }
0xdc: {  	_ =	swait.ge [sflag:s13], $0x1000  }
0xdd: {  	[sflag:s13] =	ssyncset.done $0x0  }
0xde: {  	s23 =	sadd.s32 $0xD00, s3;
	[sflag:s13] =	ssyncadd.s32 $0xFFFFF000  }
0xdf: {  	[spmem:s1] =	stream.indirect.scatter.add.bf16 [tilespmem:s18], [sflag:$0x7], $0x20, s23, s16, $0xb8;
	[tilespmem:$0xF600] =	vst v63  }
0xe0: {  	_ =	swait.ge [sflag:s20], $0x1000  }
0xe1: {  	[sflag:s20] =	ssyncset.done $0x0  }
0xe2: {  	s24 =	sor.u32 $0x280, s3;
	[sflag:s20] =	ssyncadd.s32 $0xFFFFF000  }
0xe3: {  	[tilespmem:s17], [sflag:$0x2] =	stream.indirect.gather [spmem:s2], $0x20, s24, s16, $0xb8;
	[tilespmem:$0xF600] =	vst v63  }
0xe4: {  	_ =	swait.ge [sflag:s14], $0x1000  }
0xe5: {  	[sflag:s14] =	ssyncset.done $0x0  }
0xe6: {  	s25 =	sadd.s32 $0xD80, s3;
	[sflag:s14] =	ssyncadd.s32 $0xFFFFF000  }
0xe7: {  	[spmem:s1] =	stream.indirect.scatter.add.bf16 [tilespmem:s19], [sflag:$0x8], $0x20, s25, s16, $0xb8;
	[tilespmem:$0xF600] =	vst v63  }
0xe8: {  	_ =	swait.ge [sflag:s21], $0x1000  }
0xe9: {  	[sflag:s21] =	ssyncset.done $0x0  }
0xea: {  	s23 =	sor.u32 $0x300, s3;
	[sflag:s21] =	ssyncadd.s32 $0xFFFFF000  }
0xeb: {  	[tilespmem:s18], [sflag:$0x3] =	stream.indirect.gather [spmem:s2], $0x20, s23, s16, $0xb8;
	[tilespmem:$0xF600] =	vst v63  }
0xec: {  	_ =	swait.ge [sflag:s10], $0x1000  }
0xed: {  	[sflag:s10] =	ssyncset.done $0x0  }
0xee: {  	s24 =	sadd.s32 $0xE00, s3;
	[sflag:s10] =	ssyncadd.s32 $0xFFFFF000  }
0xef: {  	[spmem:s1] =	stream.indirect.scatter.add.bf16 [tilespmem:s11], [sflag:$0x5], $0x20, s24, s16, $0xb8;
	[tilespmem:$0xF600] =	vst v63  }
0xf0: {  	_ =	swait.ge [sflag:s28], $0x1000  }
0xf1: {  	s0 =	simm.s32 @p0 $0xA;
	[sflag:s28] =	ssyncset.done $0x0  }
0xf2: {  	p0 =	sne.s32 s0, $0xA;
	s25 =	sor.u32 $0x380, s3;
	[sflag:s28] =	ssyncadd.s32 $0xFFFFF000  }
0xf3: {  	[tilespmem:s19], [sflag:$0x4] =	stream.indirect.gather [spmem:s2], $0x20, s25, s16, $0xb8;
	[tilespmem:$0xF600] =	vst v63  }
.Ltmp1:
0xf4: {  	_ = 	snop;
	(pc) =	sbr.rel @p0 .LBB2_4-.Ltmp1, $4  }
0xf5: {  	_ =	swait.ge [sflag:s12], $0x1000  }
0xf6: {  	[sflag:s12] =	ssyncset.done $0x0  }
0xf7: {  	s3 =	sadd.s32 $0xE80, s3;
	[sflag:s12] =	ssyncadd.s32 $0xFFFFF000  }
0xf8: {  	[spmem:s1] =	stream.indirect.scatter.add.bf16 [tilespmem:s17], [sflag:$0x6], $0x20, s3, s16, $0xb8;
	[tilespmem:$0xF600] =	vst v63  }
0xf9: {  	_ =	swait.ge [sflag:s13], $0x1000  }
0xfa: {  	[sflag:s13] =	ssyncset.done $0x0  }
0xfb: {  	s0 =	simm.s32 $0xF00;
	[sflag:s13] =	ssyncadd.s32 $0xFFFFF000  }
0xfc: {  	[spmem:s1] =	stream.indirect.scatter.add.bf16 [tilespmem:s18], [sflag:$0x7], $0x20, s0, s16, $0xb8;
	[tilespmem:$0xF600] =	vst v63  }
0xfd: {  	_ =	swait.ge [sflag:s14], $0x1000  }
0xfe: {  	[sflag:s14] =	ssyncset.done $0x0  }
0xff: {  	s25 =	simm.s32 $0xF80;
	[sflag:s14] =	ssyncadd.s32 $0xFFFFF000  }
0x100: {  	[spmem:s1] =	stream.indirect.scatter.add.bf16 [tilespmem:s19], [sflag:$0x8], $0x20, s25, s16, $0xb8;
	[tilespmem:$0xF600] =	vst v63  }
0x101: {  	_ =	swait.ge [sflag:s15], $0x1000  }
0x102: {  	[sflag:s15] =	ssyncset.done $0x0  }
0x103: {  	[sflag:s15] =	ssyncadd.s32 $0xFFFFF000  }
0x104: {  	_ =	swait.ge [sflag:s20], $0x1000  }
0x105: {  	[sflag:s20] =	ssyncset.done $0x0  }
0x106: {  	[sflag:s20] =	ssyncadd.s32 $0xFFFFF000  }
0x107: {  	_ =	swait.ge [sflag:s21], $0x1000  }
0x108: {  	[sflag:s21] =	ssyncset.done $0x0  }
0x109: {  	[sflag:s21] =	ssyncadd.s32 $0xFFFFF000  }
0x10a: {  	_ =	swait.ge [sflag:s28], $0x1000  }
0x10b: {  	[sflag:s28] =	ssyncset.done $0x0  }
0x10c: {  	[sflag:s28] =	ssyncadd.s32 $0xFFFFF000  }
0x10d: {  	s24 =	smov.u32 s26;
	s3 =	sshrl.u32 s26, $0x3;
	[bflag:$0x0] =	sbarrier.arrive $0xFFFF  }
0x10e: {  	s26 =	sor.u32 $0x1C06, s8;
	s0 =	sor.u32 $0x1C05, s8;
	s22 =	rddreg [dreg:$0xa]  }
0x10f: {  	[hbm:s22], [sflag:s0] =	dma.local [spmem:s3], $0x200  }
0x110: {  	s25 =	smov.u32 s9;
	s9 =	sshrl.u32 s9, $0x3;
	s23 =	rddreg [dreg:$0xb]  }
0x111: {  	[hbm:s23], [sflag:s26] =	dma.local [spmem:s9], $0x200  }
0x112: {  	s26 =	rddreg [dreg:$0x13]  }
0x113: {  	s22 =	sor.u32 $0x1C07, s8;
	s23 =	rddreg [dreg:$0xc];
	s9 =	sshrl.u32 s26, $0x3  }
0x114: {  	[hbm:s23], [sflag:s22] =	dma.local [spmem:s9], $0x200  }
0x115: {  	s23 =	rddreg [dreg:$0x14]  }
0x116: {  	s22 =	sor.u32 $0x1C08, s8;
	s26 =	sshrl.u32 s23, $0x3;
	s23 =	rddreg [dreg:$0xd]  }
0x117: {  	[hbm:s23], [sflag:s22] =	dma.local [spmem:s26], $0x200  }
0x118: {  	s23 =	rddreg [dreg:$0x15]  }
0x119: {  	s22 =	rddreg [dreg:$0xe];
	s9 =	sshrl.u32 s23, $0x3  }
0x11a: {  	[hbm:s22], [sflag:s0] =	dma.local [spmem:s9], $0x1E0  }
0x11b: {  	_ =	swait.ge [sflag:s15], $0x200  }
0x11c: {  	[sflag:s15] =	ssyncset.done $0x0  }
0x11d: {  	[sflag:s15] =	ssyncadd.s32 $0xFFFFFE00  }
0x11e: {  	_ =	swait.ge [sflag:s20], $0x200  }
0x11f: {  	[sflag:s20] =	ssyncset.done $0x0  }
0x120: {  	[sflag:s20] =	ssyncadd.s32 $0xFFFFFE00  }
0x121: {  	_ =	swait.ge [sflag:s21], $0x200  }
0x122: {  	[sflag:s21] =	ssyncset.done $0x0  }
0x123: {  	[sflag:s21] =	ssyncadd.s32 $0xFFFFFE00  }
0x124: {  	_ =	swait.ge [sflag:s28], $0x200  }
0x125: {  	[sflag:s28] =	ssyncset.done $0x0  }
0x126: {  	[sflag:s28] =	ssyncadd.s32 $0xFFFFFE00  }
0x127: {  	_ =	swait.ge [sflag:s15], $0x1E0  }
0x128: {  	s31 =	sadd.s32 $0x1, s31;
	s26 =	rddreg [dreg:$0x16]  }
0x129: {  	p0 =	sne.s32 s31, s26  }
.Ltmp2:
0x12a: {  	_ = 	snop;
	(pc) =	sbr.rel @p0 .LBB2_1-.Ltmp2, $3  }
0x12b: {  	_ =	sdelay $0x1  }
0x12c: {  	[sflag:s15] =	ssyncset.done $0x0  }
0x12d: {  	[sflag:s15] =	ssyncadd.s32 $0xFFFFFE20  }
0x12e: {  	_ =	sfence.sel $0x180000  }
0x12f: {  	[bflag:$0x0] =	sbarrier.arrive $0xFFFF  }
0x130: {  	_ =	strace $0x9000004A  }
0x131: {  	s0 =	stileid.u32;
	[bflag:$0x2] =	sbarrier.arrive $0xFFFF  }
0x132: {  	p0 =	sne.s32 s0, $0x0;
	s0 =	rddreg [dreg:$0x4]  }
0x133: {  	s0 =	sadd.s32 @!p0 $0x100000, s0  }
0x134: {  	[sflag:s0] =	ssyncadd.tile.s32 @!p0 $0x1;
	_ =	shalt  }
.Lfunc_end2:
_tile_overlayer_lowered:
.L_overlay_start_2:
0x135: {  	(tag) =	ssettag $0x2  }
0x136: {  	s0 =	rddreg [dreg:$0x0];
	s2 =	stileid.u32  }
0x137: {  	s1 =	rddreg [dreg:$0x1];
	p0 =	sne.s32 s2, $0x0  }
0x138: {  	s3 =	rddreg [dreg:$0x2];
	[bflag:$0x3] =	sbarrier.arrive $0xFFFF;
	s2 =	simm.s32 @!p0 $0x1C0B  }
0x139: {  	[timem:s3], [sflag:s2] =	dma.local @!p0 [hbm:s0], s1  }
0x13a: {  	s0 =	simm.s32 @!p0 $0xB  }
0x13b: {  	_ =	swait.ge @!p0 [sflag:s0], s1  }
0x13c: {  	s1 =	ssub.s32 @!p0 $0x0, s1;
	[sflag:s0] =	ssyncset.done @!p0 $0x0  }
0x13d: {  	[sflag:s0] =	ssyncadd.s32 @!p0 s1  }
0x13e: {  	[bflag:$0x3] =	sbarrier.arrive $0xFFFF  }
0x13f: {  	_ =	shalt  }

// kernel: kernel.7.cloned.1.call-start
scs
__scs_entry_jumppad:
0x0: {  	(pc) =	sbr.rel $0x88, $3  }
0x1: {  	(tag) =	ssettag $0x0;
	lr =	simm.s32 $0x1  }
0x2: {  	[smem:$0x3F9B] =	sst lr;
	_ =	strace $0xD0000000  }
0x3: {  	_ = 	snop  }
0x4: {  	_ = 	snop  }
0x5: {  	_ = 	snop  }
0x6: {  	_ = 	snop  }
0x7: {  	_ = 	snop  }
__scs_overlays_trampoline_lowered:
0x8: {  	[smem:$0x3FAA] =	sst s0  }
0x9: {  	[smem:$0x3FAB] =	sst s1  }
0xa: {  	[smem:$0x3FAC] =	sst s2  }
0xb: {  	[smem:$0x3FAD] =	sst s3  }
0xc: {  	[smem:$0x3FAE] =	sst s4  }
0xd: {  	[smem:$0x3FAF] =	sst s5  }
0xe: {  	[smem:$0x3FB0] =	sst s6  }
0xf: {  	[smem:$0x3FB1] =	sst s7  }
0x10: {  	[smem:$0x3FB2] =	sst s8  }
0x11: {  	[smem:$0x3FB3] =	sst s9;
	s0 =	simm.s32 @!p0 $0x0  }
0x12: {  	s1 =	sld [smem:$0x3F99];
	s0 =	simm.s32 @p0 $0x1  }
0x13: {  	[smem:$0x3FB4] =	sst s0;
	s0 =	simm.s32 @!p1 $0x0  }
0x14: {  	s2 =	sld [smem:$0x3F98];
	s0 =	simm.s32 @p1 $0x1  }
0x15: {  	[smem:$0x3FB5] =	sst s0;
	s0 =	simm.s32 @!p2 $0x0  }
0x16: {  	s3 =	sld [smem:$0x3FDB];
	s0 =	simm.s32 @p2 $0x1  }
0x17: {  	s4 =	simm.s32 $0x1BF5;
	[smem:$0x3FB7] =	sst s0  }
0x18: {  	s0 =	sld [smem:$0x3F9A];
	_ =	swait.ge [sflag:s4], $0x0  }
0x19: {  	s7 =	sld [smem:$0x3F9B]  }
0x1a: {  	s8 =	sadd.s32 $0xFFFFE003, lr  }
0x1b: {  	s9 =	sadd.s32 $0xFFFFFEF7, lr;
	s5 =	simm.s32 $0xFFFFFFFF;
	p2 =	slt.u32 s8, $0xFFFFF086  }
0x1c: {  	p1 =	slt.u32 s9, $0xF7A;
	s5 =	simm.s32 @!p2 $0x0  }
0x1d: {  	s5 =	simm.s32 @p1 $0x1;
	p0 =	seq.s32 s7, s2  }
0x1e: {  	s7 =	smul.u32 @!p0 $0xF7A, s2;
	p2 =	seq.s32 @!p0 s5, $0x0  }
0x1f: {  	s9 =	smul.u32 $0xF7A, s1;
	s8 =	simm.s32 @!p0 $0x1BF5;
	p2 =	por !p2, p0  }
0x20: {  	[sflag:s8] =	ssyncset.s32 @!p0 $0xFFFFF086;
	s6 =	sadd.s32 @!p0 s3, s7;
	s7 =	simm.s32 @!p0 $0x108  }
0x21: {  	s3 =	sadd.s32 s3, s9;
	s6 =	sadd.s32 @!p0 $0x88, s6;
	s7 =	simm.s32 @p2 $0x1082  }
0x22: {  	[simem:s7], [sflag:s8] =	dma.local @!p0 [hbm:s6], $0xF7A  }
0x23: {  	s9 =	sor.u32 $0xD0000000, s2;
	s6 =	simm.s32 $0x108;
	_ =	swait.ge @!p0 [sflag:s8], $0x0  }
0x24: {  	s3 =	sadd.s32 $0x88, s3;
	s6 =	simm.s32 @!p1 $0x1082;
	[sflag:s4] =	ssyncset.s32 $0xFFFFF086  }
0x25: {  	[simem:s6], [sflag:s4] =	dma.local [hbm:s3], $0xF7A  }
0x26: {  	[smem:$0x3F9B] =	sst s1;
	(tag) =	ssettag s2;
	_ =	strace s9  }
0x27: {  	s1 =	sld [smem:$0x3FAB]  }
0x28: {  	s2 =	sld [smem:$0x3FAC]  }
0x29: {  	s4 =	sld [smem:$0x3FAE]  }
0x2a: {  	p0 =	seq.s32 s5, $0x0;
	s5 =	sld [smem:$0x3FAF]  }
0x2b: {  	s6 =	sld [smem:$0x3FB0]  }
0x2c: {  	s7 =	sld [smem:$0x3FB1]  }
0x2d: {  	s3 =	simm.s32 $0x108;
	s8 =	sld [smem:$0x3FB2]  }
0x2e: {  	s3 =	simm.s32 @!p0 $0x1082;
	s9 =	sld [smem:$0x3FB3]  }
0x2f: {  	lr =	sadd.s32 s0, s3;
	s0 =	sld [smem:$0x3FAA]  }
0x30: {  	s3 =	sld [smem:$0x3FAD]  }
0x31: {  	[smem:$0x3FB6] =	sst s10  }
0x32: {  	s10 =	sld [smem:$0x3FB4];
	_ =	sdelay $0x3  }
0x33: {  	p0 =	seq.s32 s10, $0x1;
	s10 =	sld [smem:$0x3FB6];
	_ =	sdelay $0x3  }
0x34: {  	[smem:$0x3FB6] =	sst s10  }
0x35: {  	s10 =	sld [smem:$0x3FB5];
	_ =	sdelay $0x3  }
0x36: {  	p1 =	seq.s32 s10, $0x1;
	s10 =	sld [smem:$0x3FB6];
	_ =	sdelay $0x3  }
0x37: {  	[smem:$0x3FB6] =	sst s10  }
0x38: {  	s10 =	sld [smem:$0x3FB7]  }
0x39: {  	_ = 	snop;
	(pc) =	sbr.ind lr, $3  }
0x3a: {  	_ = 	snop  }
0x3b: {  	_ = 	snop  }
0x3c: {  	p2 =	seq.s32 s10, $0x1;
	s10 =	sld [smem:$0x3FB6]  }
0x3d: {  	_ =	shalt  }
0x3e: {  	_ =	shalt  }
0x3f: {  	_ =	shalt  }
0x40: {  	_ =	shalt  }
0x41: {  	_ =	shalt  }
0x42: {  	_ =	shalt  }
0x43: {  	_ =	shalt  }
0x44: {  	_ =	shalt  }
0x45: {  	_ =	shalt  }
0x46: {  	_ =	shalt  }
0x47: {  	_ =	shalt  }
0x48: {  	_ =	shalt  }
0x49: {  	_ =	shalt  }
0x4a: {  	_ =	shalt  }
0x4b: {  	_ =	shalt  }
0x4c: {  	_ =	shalt  }
0x4d: {  	_ =	shalt  }
0x4e: {  	_ =	shalt  }
0x4f: {  	_ =	shalt  }
0x50: {  	_ =	shalt  }
0x51: {  	_ =	shalt  }
0x52: {  	_ =	shalt  }
0x53: {  	_ =	shalt  }
0x54: {  	_ =	shalt  }
0x55: {  	_ =	shalt  }
0x56: {  	_ =	shalt  }
0x57: {  	_ =	shalt  }
0x58: {  	_ =	shalt  }
0x59: {  	_ =	shalt  }
0x5a: {  	_ =	shalt  }
0x5b: {  	_ =	shalt  }
0x5c: {  	_ =	shalt  }
0x5d: {  	_ =	shalt  }
0x5e: {  	_ =	shalt  }
0x5f: {  	_ =	shalt  }
0x60: {  	_ =	shalt  }
0x61: {  	_ =	shalt  }
0x62: {  	_ =	shalt  }
0x63: {  	_ =	shalt  }
0x64: {  	_ =	shalt  }
0x65: {  	_ =	shalt  }
0x66: {  	_ =	shalt  }
0x67: {  	_ =	shalt  }
0x68: {  	_ =	shalt  }
0x69: {  	_ =	shalt  }
0x6a: {  	_ =	shalt  }
0x6b: {  	_ =	shalt  }
0x6c: {  	_ =	shalt  }
0x6d: {  	_ =	shalt  }
0x6e: {  	_ =	shalt  }
0x6f: {  	_ =	shalt  }
0x70: {  	_ =	shalt  }
0x71: {  	_ =	shalt  }
0x72: {  	_ =	shalt  }
0x73: {  	_ =	shalt  }
0x74: {  	_ =	shalt  }
0x75: {  	_ =	shalt  }
0x76: {  	_ =	shalt  }
0x77: {  	_ =	shalt  }
0x78: {  	_ =	shalt  }
0x79: {  	_ =	shalt  }
0x7a: {  	_ =	shalt  }
0x7b: {  	_ =	shalt  }
0x7c: {  	_ =	shalt  }
0x7d: {  	_ =	shalt  }
0x7e: {  	_ =	shalt  }
0x7f: {  	_ =	shalt  }
0x80: {  	_ =	shalt  }
0x81: {  	_ =	shalt  }
0x82: {  	_ =	shalt  }
0x83: {  	_ =	shalt  }
0x84: {  	_ =	shalt  }
0x85: {  	_ =	shalt  }
0x86: {  	_ =	shalt  }
0x87: {  	_ =	shalt  }
.Lfunc_end0:
.L_simem_size_0:
called_computation.1_lowered:
.L_overlay_start_0:
0x88: {  	s2 =	sld [smem:$0x3FD9]  }
0x89: {  	s3 =	sld [smem:$0x3FFE];
	_ =	sdelay $0x1  }
0x8a: {  	s1 =	srdreg.scid  }
0x8b: {  	s0 =	sand.u32 $0x1, s1  }
0x8c: {  	s17 =	sshll.u32 s0, $0xA;
	s2 =	sadd.s32 s3, s2  }
0x8d: {  	s2 =	sadd.s32 s2, s17  }
0x8e: {  	[smem:$0x3FC2] =	sst s2  }
0x8f: {  	_ = 	snop  }
0x90: {  	s2 =	sld [smem:$0x3FD0];
	(tm) =	ssettm $0x1  }
0x91: {  	s18 =	sld [smem:$0x3FFB];
	_ =	sdelay $0x3  }
0x92: {  	_ =	strace s18  }
0x93: {  	s3 =	sld [smem:$0x3FFC];
	_ =	sdelay $0x3  }
0x94: {  	_ =	strace s3  }
0x95: {  	s3 =	sld [smem:$0x3FFD];
	_ =	sdelay $0x3  }
0x96: {  	_ =	strace s3  }
0x97: {  	_ =	strace $0x8FFFFFFF  }
0x98: {  	s19 =	sld [smem:$0x3FDB];
	_ =	sdelay $0x1  }
0x99: {  	s4 =	simm.s32 $_scs_section_size  }
0x9a: {  	s5 =	simm.s32 $_size__tile_overlayer_lowered;
	s6 =	simm.s32 $_tile_overlayer_lowered  }
0x9b: {  	s22 =	simm.s32 $0x1BFF;
	s21 =	sshll.u32 s6, $0x1;
	s3 =	sadd.s32 s4, s19  }
0x9c: {  	s7 =	simm.s32 $0x0;
	s20 =	sshll.u32 s5, $0x1;
	s5 =	sadd.s32 s21, s3  }
0x9d: {  	[timem:s7], [sflag:s22] =	dma.local [hbm:s5], s20  }
0x9e: {  	_ =	swait.ge [sflag:s22], s20  }
0x9f: {  	s4 =	ssub.s32 $0x0, s20;
	[sflag:s22] =	ssyncset.done $0x0  }
0xa0: {  	[sflag:s22] =	ssyncadd.s32 s4;
	_ =	sdelay $0x1  }
0xa1: {  	s23 =	simm.s32 $0x1B8B  }
0xa2: {  	_ =	swait.ge [sflag:s23], $0x1  }
0xa3: {  	[sflag:s23] =	ssyncset.done $0x0  }
0xa4: {  	s25 =	simm.s32 $0x1B8E;
	s24 =	sld [smem:$0x3FFE];
	[sflag:s23] =	ssyncadd.s32 $0xFFFFFFFF  }
0xa5: {  	s26 =	simm.s32 $execute0_lowered;
	[smem:$0x3FD2] =	sst s25  }
0xa6: {  	s5 =	sshll.u32 s26, $0x1;
	_ =	strace $0x80000046;
	[dreg:$0x1] =	wrdreg $0xFFFFFFFF  }
0xa7: {  	s28 =	simm.s32 $_size_execute0_lowered;
	s3 =	sadd.s32 s3, s5;
	[dreg:$0x0] =	wrdreg $0x0  }
0xa8: {  	s5 =	sshll.u32 s28, $0x1;
	[dreg:$0x2] =	wrdreg s3  }
0xa9: {  	[dreg:$0x3] =	wrdreg s5  }
0xaa: {  	[dreg:$0x4] =	wrdreg $0xC0  }
0xab: {  	_ =	task [dreg:s7], $0x5FFFF  }
0xac: {  	[dreg:$0x1] =	wrdreg $0xFFFFFFFF  }
0xad: {  	[dreg:$0x0] =	wrdreg $0x60  }
0xae: {  	[dreg:$0x2] =	wrdreg s24  }
0xaf: {  	[dreg:$0x3] =	wrdreg s2  }
0xb0: {  	[dreg:$0x4] =	wrdreg $0x74000  }
0xb1: {  	[dreg:$0x5] =	wrdreg $0x9  }
0xb2: {  	_ =	task.clear_ibuf [dreg:s7], $0x6FFFF;
	_ =	strace $0x90000046  }
0xb3: {  	s29 =	simm.s32 $0x9;
	_ =	strace $0x80000048  }
0xb4: {  	_ =	swait.ge [sflag:s29], $0x1  }
0xb5: {  	[sflag:s29] =	ssyncadd.s32 $0xFFFFFFFF  }
0xb6: {  	_ =	strace $0x90000048  }
0xb7: {  	_ =	sfence  }
0xb8: {  	s30 =	sld [smem:$0x0];
	_ =	sdelay $0x2  }
0xb9: {  	s31 =	sshll.u32 s1, $0xD;
	s1 =	sshrl.u32 s1, $0x2  }
0xba: {  	s3 =	sand.u32 $0x4000, s31;
	s1 =	sadd.s32 s1, s30  }
0xbb: {  	s0 =	sor.u32 s3, s0;
	s1 =	sshll.u32 s1, $0x11  }
0xbc: {  	s0 =	sor.u32 s1, s0  }
0xbd: {  	s0 =	sadd.s32 $0x8F2B, s0  }
0xbe: {  	[sflag:s0] =	ssyncadd.remote.s32 $0x1  }
0xbf: {  	_ =	sfence.sel $0xFFFF  }
0xc0: {  	[dreg:$0x0] =	wrdreg $0xFFFFFFFF;
	(pc) =	sbr.abs _section_cstart, $3  }
0xc1: {  	[dreg:$0x1] =	wrdreg $0xFFFFFFFF  }
0xc2: {  	_ =	task.clear_ibuf [dreg:s7], $0x2FFFF;
	_ =	strace $0x9FFFFFFF  }
0xc3: {  	(tm) =	ssettm $0x7FFFFFFF  }
tec
execute0_lowered:
.L_overlay_start_1:
0x0: {  	(tag) =	ssettag $0x1  }
0x1: {  	s5 =	rddreg [dreg:$0x0]  }
0x2: {  	s11 =	rddreg [dreg:$0x1]  }
0x3: {  	s0 =	srdreg.scid;
	s2 =	rddreg [dreg:$0x2]  }
0x4: {  	s1 =	stileid.u32;
	s3 =	simm.s32 $0x0;
	s15 =	simm.s32 $0x5000  }
0x5: {  	s16 =	simm.s32 $0x5800;
	s17 =	simm.s32 $0x6000;
	s18 =	simm.s32 $0x80  }
0x6: {  	s19 =	simm.s32 $0x0;
	s6 =	sand.u32 $0x1, s0;
	s0 =	rddreg [dreg:$0x3]  }
0x7: {  	[smem:$0x7FF] =	sst s3;
	s9 =	smul.u32 $0x2780, s1;
	s4 =	sshll.u32 s6, $0x4  }
0x8: {  	_ =	strace $0x80000047;
	s8 =	ssub.s32 $0x2, s6;
	s12 =	smul.u32 $0x27800, s6  }
0x9: {  	s4 =	sor.u32 s1, s4;
	s10 =	sshrl.u32 s8, $0x1;
	s31 =	sadd.s32 $0x1400, s9  }
0xa: {  	s4 =	smul.u32 $0x500, s4;
	s13 =	ssub.s32 s8, s10;
	s14 =	sadd.s32 s9, s12  }
0xb: {  	s8 =	sadd.s32 s9, s2;
	s12 =	sadd.s32 s12, s31;
	s9 =	sadd.s32 s31, s2  }
0xc: {  	s14 =	sshrl.u32 s14, $0x3;
	s12 =	sshrl.u32 s12, $0x3;
	s7 =	sadd.s32 s4, s5  }
0xd: {  	s4 =	sadd.s32 $0x15C00, s5;
	s5 =	sadd.s32 $0x15A00, s5;
	s10 =	sadd.s32 s11, s14  }
0xe: {  	s11 =	sadd.s32 s11, s12;
	s12 =	smax.u32 s13, $0x1;
	s13 =	simm.s32 $0x1  }
0xf: {  	v0 =	vimm.f32 $0.0e+00;
	s14 =	simm.s32 $0x2800;
	s6 =	sadd.s32 $0xBA00, s7;
	s7 =	sadd.s32 $0x1A00, s7  }
.LBB2_1:
0x10: {  	[tilespmem:s3], [sflag:$0x1] =	stream.linear.gather [hbm4b:s6+s3], $0x2800, $0x38;
	[tilespmem:$0x9B80] =	vst v63  }
0x11: {  	_ =	swait.ge [sflag:s13], $0x2800  }
0x12: {  	[sflag:s13] =	ssyncset.done $0x0  }
0x13: {  	[sflag:s13] =	ssyncadd.s32 $0xFFFFD800  }
0x14: {  	[tilespmem:s14], [sflag:$0x1] =	stream.linear.gather [hbm4b:s7+s3], $0x2800, $0x38;
	[tilespmem:$0x9B80] =	vst v63  }
0x15: {  	_ =	swait.ge [sflag:s13], $0x2800  }
0x16: {  	[sflag:s13] =	ssyncset.done $0x0  }
0x17: {  	[sflag:s13] =	ssyncadd.s32 $0xFFFFD800  }
0x18: {  	[tilespmem:s15], [sflag:$0x1] =	stream.linear.gather [hbm4b:s4+s3], $0x800, $0x38;
	[tilespmem:$0x9B80] =	vst v63  }
0x19: {  	_ =	swait.ge [sflag:s13], $0x800  }
0x1a: {  	[sflag:s13] =	ssyncset.done $0x0  }
0x1b: {  	[sflag:s13] =	ssyncadd.s32 $0xFFFFF800  }
0x1c: {  	[tilespmem:s16], [sflag:$0x1] =	stream.linear.gather [hbm4b:s5+s3], $0x800, $0x38;
	[tilespmem:$0x9B80] =	vst v63  }
0x1d: {  	_ =	swait.ge [sflag:s13], $0x800  }
0x1e: {  	[sflag:s13] =	ssyncset.done $0x0  }
0x1f: {  	s20 =	simm.s32 $0x40;
	s21 =	simm.s32 $0x0;
	[sflag:s13] =	ssyncadd.s32 $0xFFFFF800  }
.LBB2_2:
0x20: {  	p0 =	sne.s32 s20, $0x4FC0;
	[tilespmem:s21+$0x6000] =	vst v0;
	s21 =	smov.u32 s20;
	s20 =	sadd.s32 $0x40, s20  }
.Ltmp0:
0x21: {  	(pc) =	sbr.rel @p0 .LBB2_2-.Ltmp0, $2  }
0x22: {  	_ =	sdelay $0x2  }
0x23: {  	s21 =	sshra.s32 s21, $0x2  }
0x24: {  	[tilespmem:s21+$0x6000] =	vst v0  }
0x25: {  	[spmem:s8] =	stream.linear.scatter [tilespmem:s17], [sflag:$0x1], $0x1400, $0x38;
	[tilespmem:$0x9B80] =	vst v63  }
0x26: {  	_ =	swait.ge [sflag:s13], $0x1400  }
0x27: {  	[sflag:s13] =	ssyncset.done $0x0  }
0x28: {  	[sflag:s13] =	ssyncadd.s32 $0xFFFFEC00  }
0x29: {  	[spmem:s9] =	stream.linear.scatter [tilespmem:s17], [sflag:$0x1], $0x1380, $0x38;
	[tilespmem:$0x9B80] =	vst v63  }
0x2a: {  	_ =	swait.ge [sflag:s13], $0x1380  }
0x2b: {  	[sflag:s13] =	ssyncset.done $0x0  }
0x2c: {  	[sflag:s13] =	ssyncadd.s32 $0xFFFFEC80  }
0x2d: {  	s20 =	simm.s32 $0x0;
	[bflag:$0x0] =	sbarrier.arrive $0xFFFF  }
0x2e: {  	[spmem:s2] =	stream.indirect.scatter.add.f32 [tilespmem:s15], [sflag:$0x1], $0x10, s20, s18, $0xb8;
	[tilespmem:$0x9B80] =	vst v63  }
0x2f: {  	_ =	swait.ge [sflag:s13], $0x800  }
0x30: {  	[sflag:s13] =	ssyncset.done $0x0  }
0x31: {  	s31 =	simm.s32 $0x2800;
	[sflag:s13] =	ssyncadd.s32 $0xFFFFF800  }
0x32: {  	[spmem:s2] =	stream.indirect.scatter.add.f32 [tilespmem:s16], [sflag:$0x1], $0x10, s31, s18, $0xb8;
	[tilespmem:$0x9B80] =	vst v63  }
0x33: {  	_ =	swait.ge [sflag:s13], $0x800  }
0x34: {  	s21 =	simm.s32 $0x400;
	s20 =	simm.s32 $0x200;
	[sflag:s13] =	ssyncset.done $0x0  }
.LBB2_4:
0x35: {  	s22 =	sshra.s32 s20, $0x2  }
0x36: {  	[sflag:s13] =	ssyncadd.s32 $0xFFFFF800;
	s20 =	smov.u32 s21;
	s23 =	sadd.s32 $0x200, s21  }
0x37: {  	[spmem:s2] =	stream.indirect.scatter.add.f32 [tilespmem:s15], [sflag:$0x1], $0x10, s22, s18, $0xb8;
	[tilespmem:$0x9B80] =	vst v63  }
0x38: {  	p0 =	sne.s32 s21, $0x9E00;
	_ =	swait.ge [sflag:s13], $0x800  }
.Ltmp1:
0x39: {  	[sflag:s13] =	ssyncset.done $0x0;
	(pc) =	sbr.rel @p0 .LBB2_4-.Ltmp1, $4  }
0x3a: {  	s21 =	sadd.s32 $0x2800, s22;
	[sflag:s13] =	ssyncadd.s32 $0xFFFFF800  }
0x3b: {  	[spmem:s2] =	stream.indirect.scatter.add.f32 [tilespmem:s16], [sflag:$0x1], $0x10, s21, s18, $0xb8;
	[tilespmem:$0x9B80] =	vst v63  }
0x3c: {  	_ =	swait.ge [sflag:s13], $0x800  }
0x3d: {  	s21 =	smov.u32 s23;
	[sflag:s13] =	ssyncset.done $0x0  }
0x3e: {  	s20 =	sshra.s32 s20, $0x2;
	[sflag:s13] =	ssyncadd.s32 $0xFFFFF800  }
0x3f: {  	[spmem:s2] =	stream.indirect.scatter.add.f32 [tilespmem:s15], [sflag:$0x1], $0x10, s20, s18, $0xb8;
	[tilespmem:$0x9B80] =	vst v63  }
0x40: {  	_ =	swait.ge [sflag:s13], $0x800  }
0x41: {  	[sflag:s13] =	ssyncset.done $0x0  }
0x42: {  	s20 =	sadd.s32 $0x2800, s20;
	[sflag:s13] =	ssyncadd.s32 $0xFFFFF800  }
0x43: {  	[spmem:s2] =	stream.indirect.scatter.add.f32 [tilespmem:s16], [sflag:$0x1], $0x10, s20, s18, $0xb8;
	[tilespmem:$0x9B80] =	vst v63  }
0x44: {  	_ =	swait.ge [sflag:s13], $0x800  }
0x45: {  	[sflag:s13] =	ssyncset.done $0x0  }
0x46: {  	[sflag:s13] =	ssyncadd.s32 $0xFFFFF800  }
0x47: {  	[bflag:$0x0] =	sbarrier.arrive $0xFFFF  }
0x48: {  	[tilespmem:s17], [sflag:$0x1] =	stream.linear.gather [spmem:s8], $0x1400, $0x38;
	[tilespmem:$0x9B80] =	vst v63  }
0x49: {  	_ =	swait.ge [sflag:s13], $0x1400  }
0x4a: {  	[sflag:s13] =	ssyncset.done $0x0  }
0x4b: {  	[sflag:s13] =	ssyncadd.s32 $0xFFFFEC00  }
0x4c: {  	[hbm4b:s10+s3] =	stream.linear.scatter [tilespmem:s17], [sflag:$0x1], $0x1400, $0x38;
	[tilespmem:$0x9B80] =	vst v63  }
0x4d: {  	_ =	swait.ge [sflag:s13], $0x1400  }
0x4e: {  	[sflag:s13] =	ssyncset.done $0x0  }
0x4f: {  	[sflag:s13] =	ssyncadd.s32 $0xFFFFEC00  }
0x50: {  	[tilespmem:s17], [sflag:$0x1] =	stream.linear.gather [spmem:s9], $0x1380, $0x38;
	[tilespmem:$0x9B80] =	vst v63  }
0x51: {  	s19 =	sadd.s32 $0x1, s19;
	_ =	swait.ge [sflag:s13], $0x1380  }
0x52: {  	p0 =	sne.s32 s19, s12;
	[sflag:s13] =	ssyncset.done $0x0  }
.Ltmp2:
0x53: {  	[sflag:s13] =	ssyncadd.s32 $0xFFFFEC80;
	(pc) =	sbr.rel @p0 .LBB2_1-.Ltmp2, $4  }
0x54: {  	[hbm4b:s11+s3] =	stream.linear.scatter [tilespmem:s17], [sflag:$0x1], $0x1380, $0x38;
	[tilespmem:$0x9B80] =	vst v63  }
0x55: {  	_ =	swait.ge [sflag:s13], $0x1380  }
0x56: {  	[sflag:s13] =	ssyncset.done $0x0  }
0x57: {  	[sflag:s13] =	ssyncadd.s32 $0xFFFFEC80  }
0x58: {  	_ =	sfence.sel $0x180000  }
0x59: {  	[bflag:$0x0] =	sbarrier.arrive $0xFFFF  }
0x5a: {  	p0 =	sne.s32 s1, $0x0;
	_ =	strace $0x90000047  }
0x5b: {  	s0 =	sadd.s32 @!p0 $0x100000, s0;
	[bflag:$0x2] =	sbarrier.arrive $0xFFFF  }
0x5c: {  	[sflag:s0] =	ssyncadd.tile.s32 @!p0 $0x1;
	_ =	shalt  }
.Lfunc_end2:
_tile_overlayer_lowered:
.L_overlay_start_2:
0x5d: {  	(tag) =	ssettag $0x2  }
0x5e: {  	s0 =	rddreg [dreg:$0x0];
	s2 =	stileid.u32  }
0x5f: {  	s1 =	rddreg [dreg:$0x1];
	p0 =	sne.s32 s2, $0x0  }
0x60: {  	s3 =	rddreg [dreg:$0x2];
	[bflag:$0x3] =	sbarrier.arrive $0xFFFF;
	s2 =	simm.s32 @!p0 $0x1C01  }
0x61: {  	[timem:s3], [sflag:s2] =	dma.local @!p0 [hbm:s0], s1  }
0x62: {  	s0 =	simm.s32 @!p0 $0x1  }
0x63: {  	_ =	swait.ge @!p0 [sflag:s0], s1  }
0x64: {  	s1 =	ssub.s32 @!p0 $0x0, s1;
	[sflag:s0] =	ssyncset.done @!p0 $0x0  }
0x65: {  	[sflag:s0] =	ssyncadd.s32 @!p0 s1  }
0x66: {  	[bflag:$0x3] =	sbarrier.arrive $0xFFFF  }
0x67: {  	_ =	shalt  }

</sc_bundles>
